<compile_context>
chip_gen: v7x
topology: tpu7x:2x2x1
jax: 0.10.2.dev20260603
libtpu: 0.0.44.dev20260713+nightly
codegen_flags: <defaults>
</compile_context>

<pallas_src>
import functools

import jax
import jax.numpy as jnp
from jax import lax
from jax.experimental import pallas as pl
from jax.experimental.pallas import tpu as pltpu
from jax.experimental.pallas import tpu_sc as plsc

NU = 8000
NP = 2000
N = NU + NP
E = 320000
F = 128
H = 128

NC = 2
NS = 16
NW = NC * NS
K = 128
JA = 80
JH = JA // 2
EPADA = NW * K * JA
JC = -(-E // (NW * K))
EPADC = NW * K * JC
RPT = 624
TAILR = N - NS * RPT
NTRASH = 16
CROWS = N + NTRASH
ZR = 48

_f32 = jnp.float32
_sds = jax.ShapeDtypeStruct


@functools.partial(
    pl.kernel,
    out_type=[
        _sds((NC, N, H), _f32),
    ],
    mesh=plsc.VectorSubcoreMesh(core_axis_name="c", subcore_axis_name="s"),
    scratch_types=[
        pltpu.VMEM((JH, K), jnp.int32),
        pltpu.VMEM((JH, K), jnp.int32),
        pltpu.VMEM((K, H), _f32),
        pltpu.VMEM((K, H), _f32),
        pltpu.VMEM((ZR, H), _f32),
        pltpu.VMEM_SHARED((N, H), _f32),
        pltpu.SemaphoreType.DMA,
        pltpu.SemaphoreType.DMA,
    ],
)
def _sc_agg(y_hbm, src_hbm, dsts_hbm, out_s,
            src_v, dsts_v, rows0_v, rows1_v, z128_v, sh_s, sem0, sem1):
    c = lax.axis_index("c")
    s = lax.axis_index("s")
    wid = s * NC + c

    zv = jnp.zeros((16,), _f32)

    def _fill_z128(i, _):
        z128_v[i // 8, pl.ds((i % 8) * 16, 16)] = zv
        return 0
    lax.fori_loop(0, ZR * (H // 16), _fill_z128, 0)

    for kk in range(RPT // ZR):
        pltpu.sync_copy(z128_v, sh_s.at[pl.ds(s * RPT + kk * ZR, ZR)])

    @pl.when(s == 0)
    def _zero_tail():
        pltpu.sync_copy(z128_v.at[pl.ds(0, TAILR)], sh_s.at[pl.ds(NS * RPT, TAILR)])

    pltpu.sync_copy(src_hbm.at[wid], src_v)
    pltpu.sync_copy(dsts_hbm.at[wid], dsts_v)

    plsc.subcore_barrier()

    for ph in range(2):
        pltpu.sync_copy(src_hbm.at[wid * 2 + ph], src_v)
        pltpu.sync_copy(dsts_hbm.at[wid * 2 + ph], dsts_v)
        pltpu.async_copy(y_hbm.at[src_v.at[0]], rows0_v, sem0)
        pltpu.async_copy(y_hbm.at[src_v.at[1]], rows1_v, sem1)

        def _edge_pair(p, _):
            j0 = 2 * p
            pltpu.make_async_copy(y_hbm.at[src_v.at[j0]], rows0_v, sem0).wait()
            pltpu.sync_copy(rows0_v, sh_s.at[dsts_v.at[j0]], add=True)
            pltpu.async_copy(y_hbm.at[src_v.at[j0 + 2]], rows0_v, sem0)
            pltpu.make_async_copy(y_hbm.at[src_v.at[j0 + 1]], rows1_v, sem1).wait()
            pltpu.sync_copy(rows1_v, sh_s.at[dsts_v.at[j0 + 1]], add=True)
            pltpu.async_copy(y_hbm.at[src_v.at[j0 + 3]], rows1_v, sem1)
            return 0
        lax.fori_loop(0, JH // 2 - 1, _edge_pair, 0)

        pltpu.make_async_copy(y_hbm.at[src_v.at[JH - 2]], rows0_v, sem0).wait()
        pltpu.sync_copy(rows0_v, sh_s.at[dsts_v.at[JH - 2]], add=True)
        pltpu.make_async_copy(y_hbm.at[src_v.at[JH - 1]], rows1_v, sem1).wait()
        pltpu.sync_copy(rows1_v, sh_s.at[dsts_v.at[JH - 1]], add=True)

    plsc.subcore_barrier()

    pltpu.sync_copy(sh_s.at[pl.ds(s * RPT, RPT)], out_s.at[c, pl.ds(s * RPT, RPT)])

    @pl.when(s == 0)
    def _copy_tail():
        pltpu.sync_copy(sh_s.at[pl.ds(NS * RPT, TAILR)],
                        out_s.at[c, pl.ds(NS * RPT, TAILR)])


@functools.partial(
    pl.kernel,
    out_type=[
        _sds((NC, N, 128), _f32),
    ],
    mesh=plsc.VectorSubcoreMesh(core_axis_name="c", subcore_axis_name="s"),
    scratch_types=[
        pltpu.VMEM((JC, K), jnp.int32),
        pltpu.VMEM((K, 128), _f32),
        pltpu.VMEM((ZR, 128), _f32),
        pltpu.VMEM_SHARED((CROWS, 128), _f32),
    ],
)
def _sc_count(dstc_hbm, out_c, dstc_v, ones_v, z16_v, sh_c):
    c = lax.axis_index("c")
    s = lax.axis_index("s")
    wid = s * NC + c

    zv = jnp.zeros((16,), _f32)
    ov = jnp.ones((16,), _f32)

    def _fill_z16(i, _):
        z16_v[i // 8, pl.ds((i % 8) * 16, 16)] = zv
        return 0
    lax.fori_loop(0, ZR * 8, _fill_z16, 0)

    def _fill_ones(i, _):
        ones_v[i // 8, pl.ds((i % 8) * 16, 16)] = ov
        return 0
    lax.fori_loop(0, K * 8, _fill_ones, 0)

    for kk in range(RPT // ZR):
        pltpu.sync_copy(z16_v, sh_c.at[pl.ds(s * RPT + kk * ZR, ZR)])

    @pl.when(s == 0)
    def _zero_tail():
        pltpu.sync_copy(z16_v.at[pl.ds(0, CROWS - NS * RPT)],
                        sh_c.at[pl.ds(NS * RPT, CROWS - NS * RPT)])

    pltpu.sync_copy(dstc_hbm.at[wid], dstc_v)

    plsc.subcore_barrier()

    def _edge_chunk(j, _):
        pltpu.sync_copy(ones_v, sh_c.at[dstc_v.at[j]], add=True)
        return 0
    lax.fori_loop(0, JC, _edge_chunk, 0)

    plsc.subcore_barrier()

    pltpu.sync_copy(sh_c.at[pl.ds(s * RPT, RPT)], out_c.at[c, pl.ds(s * RPT, RPT)])

    @pl.when(s == 0)
    def _copy_tail():
        pltpu.sync_copy(sh_c.at[pl.ds(NS * RPT, TAILR)],
                        out_c.at[c, pl.ds(NS * RPT, TAILR)])


_BR0 = 2000
_BR2 = 2000

_full = lambda shape: pl.BlockSpec(shape, lambda i: tuple(0 for _ in shape))


def _row_spec(w):
    return pl.BlockSpec((_BR0, w), lambda i: (i, 0))


def _tc_stage0(xall, Wu, bu, Wi, bi, Wl0, Wr0, bl0):
    def body(x_ref, wu_ref, bu_ref, wi_ref, bi_ref, wl_ref, wr_ref, bl_ref,
             emb_ref, y_ref, z_ref):
        i = pl.program_id(0)
        W = jnp.where(i < NU // _BR0, wu_ref[...], wi_ref[...])
        b = jnp.where(i < NU // _BR0, bu_ref[...], bi_ref[...])
        h = jnp.dot(x_ref[...], W, preferred_element_type=_f32) + b
        emb_ref[...] = h
        y_ref[...] = jnp.dot(h, wl_ref[...], preferred_element_type=_f32)
        z_ref[...] = jnp.dot(h, wr_ref[...], preferred_element_type=_f32) + bl_ref[...]

    return pl.pallas_call(
        body,
        grid=(N // _BR0,),
        in_specs=[_row_spec(F), _full((F, H)), _full((1, H)), _full((F, H)),
                  _full((1, H)), _full((H, H)), _full((H, H)), _full((1, H))],
        out_specs=[_row_spec(H)] * 3,
        out_shape=[_sds((N, H), _f32)] * 3,
    )(xall, Wu, bu, Wi, bi, Wl0, Wr0, bl0)


def _mean_from_partials(s_ref, c_ref, z_ref):
    sv = s_ref[...]
    cv = c_ref[...]
    ssum = sv[0] + sv[1]
    cnt = cv[0, :, 0:1] + cv[1, :, 0:1]
    invc = 1.0 / jnp.maximum(cnt, 1.0)
    return jnp.maximum(ssum * invc + z_ref[...], 0.0)


def _tc_stage1(S0, C0, Z0, Wl1, Wr1, bl1):
    def body(s_ref, c_ref, z_ref, wl_ref, wr_ref, bl_ref,
             emb1_ref, y_ref, zo_ref):
        e1 = _mean_from_partials(s_ref, c_ref, z_ref)
        emb1_ref[...] = e1
        y_ref[...] = jnp.dot(e1, wl_ref[...], preferred_element_type=_f32)
        zo_ref[...] = jnp.dot(e1, wr_ref[...], preferred_element_type=_f32) + bl_ref[...]

    pspec = pl.BlockSpec((NC, _BR0, H), lambda i: (0, i, 0))
    cspec = pl.BlockSpec((NC, _BR0, 128), lambda i: (0, i, 0))
    return pl.pallas_call(
        body,
        grid=(N // _BR0,),
        in_specs=[pspec, cspec, _row_spec(H), _full((H, H)), _full((H, H)),
                  _full((1, H))],
        out_specs=[_row_spec(H)] * 3,
        out_shape=[_sds((N, H), _f32)] * 3,
    )(S0, C0, Z0, Wl1, Wr1, bl1)


def _tc_stage2(S1, C0, Z1, emb, emb1, Wc1a, Wc1b, Wc1c, bc1, Wc2, bc2,
               Wct, bct, Wtr, btr, Woc, boc, Wot, bot):
    def body(s_ref, c_ref, z_ref, e0_ref, e1_ref, wa_ref, wb_ref, wc_ref,
             b1_ref, w2_ref, b2_ref, wct_ref, bct_ref, wtr_ref, btr_ref,
             woc_ref, boc_ref, wot_ref, bot_ref,
             o1_ref, o0_ref, h1_ref, h0_ref):
        e2 = _mean_from_partials(s_ref, c_ref, z_ref)
        dot = lambda a, b: jnp.dot(a, b, preferred_element_type=_f32)
        hid = jnp.maximum(
            dot(e0_ref[...], wa_ref[...]) + dot(e1_ref[...], wb_ref[...])
            + dot(e2, wc_ref[...]) + b1_ref[...], 0.0)
        hid = jnp.maximum(dot(hid, w2_ref[...]) + b2_ref[...], 0.0)
        h0 = jnp.maximum(dot(hid, wct_ref[...]) + bct_ref[...], 0.0)
        h1 = jnp.maximum(dot(hid, wtr_ref[...]) + btr_ref[...], 0.0)
        h0_ref[...] = h0
        h1_ref[...] = h1
        o0_ref[...] = jnp.maximum(dot(h0, woc_ref[...]) + boc_ref[...], 0.0)
        o1_ref[...] = jnp.maximum(dot(h1, wot_ref[...]) + bot_ref[...], 0.0)

    rs = lambda w: pl.BlockSpec((_BR2, w), lambda i: (i, 0))
    pspec = pl.BlockSpec((NC, _BR2, H), lambda i: (0, i, 0))
    cspec = pl.BlockSpec((NC, _BR2, 128), lambda i: (0, i, 0))
    return pl.pallas_call(
        body,
        grid=(NU // _BR2,),
        in_specs=[pspec, cspec, rs(H), rs(H), rs(H),
                  _full((H, H)), _full((H, H)), _full((H, H)), _full((1, H)),
                  _full((H, H)), _full((1, H)),
                  _full((H, H // 2)), _full((1, H // 2)),
                  _full((H, H // 2)), _full((1, H // 2)),
                  _full((H // 2, 1)), _full((1, 1)),
                  _full((H // 2, 1)), _full((1, 1))],
        out_specs=[rs(1), rs(1), rs(H // 2), rs(H // 2)],
        out_shape=[_sds((NU, 1), _f32), _sds((NU, 1), _f32),
                   _sds((NU, H // 2), _f32), _sds((NU, H // 2), _f32)],
    )(S1, C0, Z1, emb, emb1, Wc1a, Wc1b, Wc1c, bc1, Wc2, bc2,
      Wct, bct, Wtr, btr, Woc, boc, Wot, bot)


def kernel(xu, xp, edge_index, Wu, bu, Wi, bi, Wl0, bl0, Wr0, Wl1, bl1, Wr1,
           Wc1, bc1, Wc2, bc2, Wct, bct, Wtr, btr, Woc, boc, Wot, bot):
    src = edge_index[0].astype(jnp.int32)
    dst = edge_index[1].astype(jnp.int32)

    pada = EPADA - E
    padc = EPADC - E
    src3 = jnp.concatenate([src, jnp.full((pada,), N, jnp.int32)]).reshape(NW * 2, JH, K)
    dsts3 = jnp.concatenate([dst, jnp.zeros((pada,), jnp.int32)]).reshape(NW * 2, JH, K)
    dstc3 = jnp.concatenate([dst, jnp.full((padc,), N + 1, jnp.int32)]).reshape(NW, JC, K)

    r1 = lambda v: v.reshape(1, -1)
    xall = jnp.concatenate([xu, xp], axis=0)
    zrows = jnp.zeros((8, H), _f32)

    emb, Y0, Z0 = _tc_stage0(xall, Wu, r1(bu), Wi, r1(bi), Wl0, Wr0, r1(bl0))
    [C0] = _sc_count(dstc3)
    [S0] = _sc_agg(jnp.concatenate([Y0, zrows], axis=0), src3, dsts3)
    emb1, Y1, Z1 = _tc_stage1(S0, C0, Z0, Wl1, Wr1, r1(bl1))
    [S1] = _sc_agg(jnp.concatenate([Y1, zrows], axis=0), src3, dsts3)
    o1, o0, h1, h0 = _tc_stage2(
        S1, C0, Z1, emb, emb1,
        Wc1[:H], Wc1[H:2 * H], Wc1[2 * H:], r1(bc1), Wc2, r1(bc2),
        Wct, r1(bct), Wtr, r1(btr), Woc, r1(boc), Wot, r1(bot))
    return (o1, o0, h1, h0)

# --- scband reference (transcript-rebuilt; emitter-appended) ---
"""Pipeline reference for scband-bipartite-sage2mod-78159814852630 (READ-ONLY COPY).

The authoritative reference and input builder live on the scoring server;
editing this copy changes nothing except your own understanding.
"""

import jax, jax.numpy as jnp
import numpy as np

NU = 8000
NP = 2000
N = NU + NP
E = 320000
F = 128
H = 128
OC = 1


def setup_inputs(seed: int = 0) -> dict:
    key = jax.random.key(seed)
    ks = jax.random.split(key, 32)

    def w(k, shape):
        return (jax.random.normal(k, shape, dtype=jnp.float32) * 0.05)

    inp = {
        "xu": jax.random.normal(ks[0], (NU, F), dtype=jnp.float32),
        "xp": jax.random.normal(ks[1], (NP, F), dtype=jnp.float32),
        "edge_index": jax.random.randint(ks[2], (2, E), 0, N),
        # user_embed / item_embed linear layers
        "Wu": w(ks[3], (F, H)), "bu": w(ks[4], (H,)),
        "Wi": w(ks[5], (F, H)), "bi": w(ks[6], (H,)),
        # SAGEConv layer 0: lin_l (aggregated, with bias), lin_r (root, no bias)
        "Wl0": w(ks[7], (H, H)), "bl0": w(ks[8], (H,)), "Wr0": w(ks[9], (H, H)),
        # SAGEConv layer 1
        "Wl1": w(ks[10], (H, H)), "bl1": w(ks[11], (H,)), "Wr1": w(ks[12], (H, H)),
        # MLP head
        "Wc1": w(ks[13], (H + 2 * H, H)), "bc1": w(ks[14], (H,)),
        "Wc2": w(ks[15], (H, H)), "bc2": w(ks[16], (H,)),
        "Wct": w(ks[17], (H, H // 2)), "bct": w(ks[18], (H // 2,)),
        "Wtr": w(ks[19], (H, H // 2)), "btr": w(ks[20], (H // 2,)),
        "Woc": w(ks[21], (H // 2, OC)), "boc": w(ks[22], (OC,)),
        "Wot": w(ks[23], (H // 2, OC)), "bot": w(ks[24], (OC,)),
    }
    return inp


def _sage_conv(x, edge_index, Wl, bl, Wr):
    # PyG SAGEConv (mean aggr): out = lin_l(mean_{j in N(i)} x_j) + lin_r(x_i)
    src = edge_index[0]
    dst = edge_index[1]
    msg = jnp.take(x, src, axis=0)
    agg = jax.ops.segment_sum(msg, dst, num_segments=N)
    cnt = jax.ops.segment_sum(jnp.ones((edge_index.shape[1], 1), dtype=x.dtype), dst, num_segments=N)
    mean = agg / jnp.maximum(cnt, 1.0)
    return mean @ Wl + bl + x @ Wr


def reference(xu, xp, edge_index, Wu, bu, Wi, bi, Wl0, bl0, Wr0, Wl1, bl1, Wr1,
              Wc1, bc1, Wc2, bc2, Wct, bct, Wtr, btr, Woc, boc, Wot, bot):
    relu = jax.nn.relu
    hu = xu @ Wu + bu
    hp = xp @ Wi + bi
    outs = [hu]
    emb = jnp.concatenate([hu, hp], axis=0)
    emb = relu(_sage_conv(emb, edge_index, Wl0, bl0, Wr0))
    outs.append(emb[:NU])
    emb = relu(_sage_conv(emb, edge_index, Wl1, bl1, Wr1))
    outs.append(emb[:NU])
    out = jnp.concatenate(outs, axis=1)
    hidden = relu(out @ Wc1 + bc1)  # dropout_rate=0 -> identity
    hidden = relu(hidden @ Wc2 + bc2)
    hidden_1t0 = relu(hidden @ Wct + bct)
    hidden_1t1 = relu(hidden @ Wtr + btr)
    out_2t0 = relu(hidden_1t0 @ Woc + boc)
    out_2t1 = relu(hidden_1t1 @ Wot + bot)
    return (out_2t1, out_2t0, hidden_1t1, hidden_1t0)

if __name__ == "__main__":
    import jax
    _d = setup_inputs()
    print(jax.jit(kernel)(*tuple(_d.values())))

</pallas_src>

<mosaic_0001>
#map = affine_map<(d0, d1) -> (0, 0)>
#map1 = affine_map<(d0, d1) -> (0, 0, 0)>
module attributes {stable_mosaic.version = 14 : i64} {
  func.func @_sc_agg(%arg0: i32, %arg1: i32, %arg2: memref<10008x128xf32, #tpu.memory_space<hbm>>, %arg3: memref<64x40x128xi32, #tpu.memory_space<hbm>>, %arg4: memref<64x40x128xi32, #tpu.memory_space<hbm>>, %arg5: memref<2x10000x128xf32, #tpu.memory_space<hbm>>, %arg6: memref<40x128xi32, #tpu.memory_space<vmem>>, %arg7: memref<40x128xi32, #tpu.memory_space<vmem>>, %arg8: memref<128x128xf32, #tpu.memory_space<vmem>>, %arg9: memref<128x128xf32, #tpu.memory_space<vmem>>, %arg10: memref<48x128xf32, #tpu.memory_space<vmem>>, %arg11: memref<10000x128xf32, #tpu.memory_space<vmem_shared>>, %arg12: memref<!tpu.dma_semaphore, #tpu.memory_space<semaphore_mem>>, %arg13: memref<!tpu.dma_semaphore, #tpu.memory_space<semaphore_mem>>) attributes {dimension_semantics = [#tpu.dimension_semantics<core_parallel>, #tpu.dimension_semantics<subcore_parallel>], iteration_bounds = array<i64: 2, 16>, scalar_prefetch = 0 : i64, scratch_operands = 8 : i64, tpu.core_type = #tpu.core_type<sc_vector_subcore>, window_params = [{transform_indices = #map}, {transform_indices = #map1}, {transform_indices = #map1}, {transform_indices = #map1}]} {
    %mul3A = arith.constant 2 : i32
    %mul3A_0 = arith.muli %arg1, %mul3A : i32
    %add3A = arith.addi %mul3A_0, %arg0 : i32
    %broadcast_in_dim3A = arith.constant 0.000000e+00 : f32
    %broadcast_in_dim3A_1 = vector.broadcast %broadcast_in_dim3A : f32 to vector<16xf32>
    %scan3A = arith.constant 0 : i32
    %scan3A_2 = arith.constant 0 : i32
    %scan3A_3 = arith.constant 384 : i32
    %scan3A_4 = arith.addi %scan3A_2, %scan3A_3 : i32
    %scan3A_5 = arith.constant 1 : i32
    %scan3A_6 = scf.for %scan3A_159 = %scan3A_2 to %scan3A_4 step %scan3A_5 iter_args(%scan3A_160 = %scan3A) -> (i32)  : i32 {
      %jit3A = arith.constant 8 : i32
      %div3A = arith.divsi %scan3A_159, %jit3A : i32
      %sign3A = arith.constant 0 : i32
      %sign3A_161 = arith.cmpi sgt, %scan3A_159, %sign3A : i32
      %sign3A_162 = arith.extui %sign3A_161 : i1 to i32
      %sign3A_163 = arith.constant 0 : i32
      %sign3A_164 = arith.cmpi slt, %scan3A_159, %sign3A_163 : i32
      %sign3A_165 = arith.extui %sign3A_164 : i1 to i32
      %sign3A_166 = arith.subi %sign3A_162, %sign3A_165 : i32
      %sign3A_167 = arith.constant 0 : i32
      %sign3A_168 = arith.cmpi sgt, %jit3A, %sign3A_167 : i32
      %sign3A_169 = arith.extui %sign3A_168 : i1 to i32
      %sign3A_170 = arith.constant 0 : i32
      %sign3A_171 = arith.cmpi slt, %jit3A, %sign3A_170 : i32
      %sign3A_172 = arith.extui %sign3A_171 : i1 to i32
      %sign3A_173 = arith.subi %sign3A_169, %sign3A_172 : i32
      %ne3A = arith.cmpi ne, %sign3A_166, %sign3A_173 : i32
      %rem3A = arith.remsi %scan3A_159, %jit3A : i32
      %ne3A_174 = arith.constant 0 : i32
      %ne3A_175 = arith.cmpi ne, %rem3A, %ne3A_174 : i32
      %and3A = arith.andi %ne3A, %ne3A_175 : i1
      %sub3A = arith.constant 1 : i32
      %sub3A_176 = arith.subi %div3A, %sub3A : i32
      %select_n3A = arith.select %and3A, %sub3A_176, %div3A : i32
      %jit3A_177 = arith.constant 8 : i32
      %eq3A_178 = arith.constant 0 : i32
      %eq3A_179 = arith.cmpi eq, %jit3A_177, %eq3A_178 : i32
      %jit3A_180 = arith.constant 1 : i32
      %select_n3A_181 = arith.select %eq3A_179, %jit3A_180, %jit3A_177 : i32
      %rem3A_182 = arith.remsi %scan3A_159, %select_n3A_181 : i32
      %ne3A_183 = arith.constant 0 : i32
      %ne3A_184 = arith.cmpi ne, %rem3A_182, %ne3A_183 : i32
      %lt3A = arith.constant 0 : i32
      %lt3A_185 = arith.cmpi slt, %rem3A_182, %lt3A : i32
      %lt3A_186 = arith.constant 0 : i32
      %lt3A_187 = arith.cmpi slt, %select_n3A_181, %lt3A_186 : i32
      %ne3A_188 = arith.xori %lt3A_185, %lt3A_187 : i1
      %and3A_189 = arith.andi %ne3A_188, %ne3A_184 : i1
      %add3A_190 = arith.addi %rem3A_182, %select_n3A_181 : i32
      %select_n3A_191 = arith.select %and3A_189, %add3A_190, %rem3A_182 : i32
      %mul3A_192 = arith.constant 16 : i32
      %mul3A_193 = arith.muli %select_n3A_191, %mul3A_192 : i32
      %swap3A = arith.index_cast %select_n3A : i32 to index
      %swap3A_194 = arith.index_cast %mul3A_193 : i32 to index
      %swap3A_195 = tpu.vector_load %arg10[%swap3A, %swap3A_194] {strides = array<i32>} : memref<48x128xf32, #tpu.memory_space<vmem>>, vector<1x16xf32>,
      %swap3A_196 = vector.shape_cast %swap3A_195 : vector<1x16xf32> to vector<16xf32>
      %swap3A_197 = vector.shape_cast %broadcast_in_dim3A_1 : vector<16xf32> to vector<1x16xf32>
      tpu.vector_store %arg10[%swap3A, %swap3A_194], %swap3A_197 {strides = array<i32>} : memref<48x128xf32, #tpu.memory_space<vmem>>, vector<1x16xf32>,
      %scan3A_198 = arith.constant 0 : i32
      scf.yield %scan3A_198 : i32
    }
    %scan3A_7 = arith.constant 384 : i32
    %mul3A_8 = arith.constant 624 : i32
    %mul3A_9 = arith.muli %arg1, %mul3A_8 : i32
    %add3A_10 = arith.constant 0 : i32
    %add3A_11 = arith.addi %mul3A_9, %add3A_10 : i32
    "tpu.region"() ({
      %run_scoped3A_159 = tpu.sem_alloc : memref<!tpu.dma_semaphore, #tpu.memory_space<semaphore_mem>>
      %dma_start3A_160 = arith.constant 0 : i32
      %dma_start3A_161 = tpu.memref_slice %arg11[%add3A_11, %dma_start3A_160] : memref<10000x128xf32, #tpu.memory_space<vmem_shared>> -> memref<48x128xf32, #tpu.memory_space<vmem_shared>>
      %dma_start3A_162 = arith.constant 0 : i32
      %dma_start3A_163 = tpu.memref_slice %arg11[%add3A_11, %dma_start3A_162] : memref<10000x128xf32, #tpu.memory_space<vmem_shared>> -> memref<48x128xf32, #tpu.memory_space<vmem_shared>>
      tpu.enqueue_dma source(%arg10 : memref<48x128xf32, #tpu.memory_space<vmem>>) target(%dma_start3A_163 : memref<48x128xf32, #tpu.memory_space<vmem_shared>>) target_semaphore(%run_scoped3A_159 : memref<!tpu.dma_semaphore, #tpu.memory_space<semaphore_mem>>)
      %dma_wait3A_164 = arith.constant 0 : i32
      %dma_wait3A_165 = tpu.memref_slice %arg11[%add3A_11, %dma_wait3A_164] : memref<10000x128xf32, #tpu.memory_space<vmem_shared>> -> memref<48x128xf32, #tpu.memory_space<vmem_shared>>
      %dma_wait3A_166 = arith.constant 0 : i32
      %dma_wait3A_167 = tpu.memref_slice %arg11[%add3A_11, %dma_wait3A_166] : memref<10000x128xf32, #tpu.memory_space<vmem_shared>> -> memref<48x128xf32, #tpu.memory_space<vmem_shared>>
      tpu.wait_dma2 semaphore(%run_scoped3A_159 : memref<!tpu.dma_semaphore, #tpu.memory_space<semaphore_mem>>) src(%arg10 : memref<48x128xf32, #tpu.memory_space<vmem>>) dst(%dma_wait3A_167 : memref<48x128xf32, #tpu.memory_space<vmem_shared>>)
      tpu.yield
    }) : () -> ()
    %mul3A_12 = arith.constant 624 : i32
    %mul3A_13 = arith.muli %arg1, %mul3A_12 : i32
    %add3A_14 = arith.constant 48 : i32
    %add3A_15 = arith.addi %mul3A_13, %add3A_14 : i32
    "tpu.region"() ({
      %run_scoped3A_159 = tpu.sem_alloc : memref<!tpu.dma_semaphore, #tpu.memory_space<semaphore_mem>>
      %dma_start3A_160 = arith.constant 0 : i32
      %dma_start3A_161 = tpu.memref_slice %arg11[%add3A_15, %dma_start3A_160] : memref<10000x128xf32, #tpu.memory_space<vmem_shared>> -> memref<48x128xf32, #tpu.memory_space<vmem_shared>>
      %dma_start3A_162 = arith.constant 0 : i32
      %dma_start3A_163 = tpu.memref_slice %arg11[%add3A_15, %dma_start3A_162] : memref<10000x128xf32, #tpu.memory_space<vmem_shared>> -> memref<48x128xf32, #tpu.memory_space<vmem_shared>>
      tpu.enqueue_dma source(%arg10 : memref<48x128xf32, #tpu.memory_space<vmem>>) target(%dma_start3A_163 : memref<48x128xf32, #tpu.memory_space<vmem_shared>>) target_semaphore(%run_scoped3A_159 : memref<!tpu.dma_semaphore, #tpu.memory_space<semaphore_mem>>)
      %dma_wait3A_164 = arith.constant 0 : i32
      %dma_wait3A_165 = tpu.memref_slice %arg11[%add3A_15, %dma_wait3A_164] : memref<10000x128xf32, #tpu.memory_space<vmem_shared>> -> memref<48x128xf32, #tpu.memory_space<vmem_shared>>
      %dma_wait3A_166 = arith.constant 0 : i32
      %dma_wait3A_167 = tpu.memref_slice %arg11[%add3A_15, %dma_wait3A_166] : memref<10000x128xf32, #tpu.memory_space<vmem_shared>> -> memref<48x128xf32, #tpu.memory_space<vmem_shared>>
      tpu.wait_dma2 semaphore(%run_scoped3A_159 : memref<!tpu.dma_semaphore, #tpu.memory_space<semaphore_mem>>) src(%arg10 : memref<48x128xf32, #tpu.memory_space<vmem>>) dst(%dma_wait3A_167 : memref<48x128xf32, #tpu.memory_space<vmem_shared>>)
      tpu.yield
    }) : () -> ()
    %mul3A_16 = arith.constant 624 : i32
    %mul3A_17 = arith.muli %arg1, %mul3A_16 : i32
    %add3A_18 = arith.constant 96 : i32
    %add3A_19 = arith.addi %mul3A_17, %add3A_18 : i32
    "tpu.region"() ({
      %run_scoped3A_159 = tpu.sem_alloc : memref<!tpu.dma_semaphore, #tpu.memory_space<semaphore_mem>>
      %dma_start3A_160 = arith.constant 0 : i32
      %dma_start3A_161 = tpu.memref_slice %arg11[%add3A_19, %dma_start3A_160] : memref<10000x128xf32, #tpu.memory_space<vmem_shared>> -> memref<48x128xf32, #tpu.memory_space<vmem_shared>>
      %dma_start3A_162 = arith.constant 0 : i32
      %dma_start3A_163 = tpu.memref_slice %arg11[%add3A_19, %dma_start3A_162] : memref<10000x128xf32, #tpu.memory_space<vmem_shared>> -> memref<48x128xf32, #tpu.memory_space<vmem_shared>>
      tpu.enqueue_dma source(%arg10 : memref<48x128xf32, #tpu.memory_space<vmem>>) target(%dma_start3A_163 : memref<48x128xf32, #tpu.memory_space<vmem_shared>>) target_semaphore(%run_scoped3A_159 : memref<!tpu.dma_semaphore, #tpu.memory_space<semaphore_mem>>)
      %dma_wait3A_164 = arith.constant 0 : i32
      %dma_wait3A_165 = tpu.memref_slice %arg11[%add3A_19, %dma_wait3A_164] : memref<10000x128xf32, #tpu.memory_space<vmem_shared>> -> memref<48x128xf32, #tpu.memory_space<vmem_shared>>
      %dma_wait3A_166 = arith.constant 0 : i32
      %dma_wait3A_167 = tpu.memref_slice %arg11[%add3A_19, %dma_wait3A_166] : memref<10000x128xf32, #tpu.memory_space<vmem_shared>> -> memref<48x128xf32, #tpu.memory_space<vmem_shared>>
      tpu.wait_dma2 semaphore(%run_scoped3A_159 : memref<!tpu.dma_semaphore, #tpu.memory_space<semaphore_mem>>) src(%arg10 : memref<48x128xf32, #tpu.memory_space<vmem>>) dst(%dma_wait3A_167 : memref<48x128xf32, #tpu.memory_space<vmem_shared>>)
      tpu.yield
    }) : () -> ()
    %mul3A_20 = arith.constant 624 : i32
    %mul3A_21 = arith.muli %arg1, %mul3A_20 : i32
    %add3A_22 = arith.constant 144 : i32
    %add3A_23 = arith.addi %mul3A_21, %add3A_22 : i32
    "tpu.region"() ({
      %run_scoped3A_159 = tpu.sem_alloc : memref<!tpu.dma_semaphore, #tpu.memory_space<semaphore_mem>>
      %dma_start3A_160 = arith.constant 0 : i32
      %dma_start3A_161 = tpu.memref_slice %arg11[%add3A_23, %dma_start3A_160] : memref<10000x128xf32, #tpu.memory_space<vmem_shared>> -> memref<48x128xf32, #tpu.memory_space<vmem_shared>>
      %dma_start3A_162 = arith.constant 0 : i32
      %dma_start3A_163 = tpu.memref_slice %arg11[%add3A_23, %dma_start3A_162] : memref<10000x128xf32, #tpu.memory_space<vmem_shared>> -> memref<48x128xf32, #tpu.memory_space<vmem_shared>>
      tpu.enqueue_dma source(%arg10 : memref<48x128xf32, #tpu.memory_space<vmem>>) target(%dma_start3A_163 : memref<48x128xf32, #tpu.memory_space<vmem_shared>>) target_semaphore(%run_scoped3A_159 : memref<!tpu.dma_semaphore, #tpu.memory_space<semaphore_mem>>)
      %dma_wait3A_164 = arith.constant 0 : i32
      %dma_wait3A_165 = tpu.memref_slice %arg11[%add3A_23, %dma_wait3A_164] : memref<10000x128xf32, #tpu.memory_space<vmem_shared>> -> memref<48x128xf32, #tpu.memory_space<vmem_shared>>
      %dma_wait3A_166 = arith.constant 0 : i32
      %dma_wait3A_167 = tpu.memref_slice %arg11[%add3A_23, %dma_wait3A_166] : memref<10000x128xf32, #tpu.memory_space<vmem_shared>> -> memref<48x128xf32, #tpu.memory_space<vmem_shared>>
      tpu.wait_dma2 semaphore(%run_scoped3A_159 : memref<!tpu.dma_semaphore, #tpu.memory_space<semaphore_mem>>) src(%arg10 : memref<48x128xf32, #tpu.memory_space<vmem>>) dst(%dma_wait3A_167 : memref<48x128xf32, #tpu.memory_space<vmem_shared>>)
      tpu.yield
    }) : () -> ()
    %mul3A_24 = arith.constant 624 : i32
    %mul3A_25 = arith.muli %arg1, %mul3A_24 : i32
    %add3A_26 = arith.constant 192 : i32
    %add3A_27 = arith.addi %mul3A_25, %add3A_26 : i32
    "tpu.region"() ({
      %run_scoped3A_159 = tpu.sem_alloc : memref<!tpu.dma_semaphore, #tpu.memory_space<semaphore_mem>>
      %dma_start3A_160 = arith.constant 0 : i32
      %dma_start3A_161 = tpu.memref_slice %arg11[%add3A_27, %dma_start3A_160] : memref<10000x128xf32, #tpu.memory_space<vmem_shared>> -> memref<48x128xf32, #tpu.memory_space<vmem_shared>>
      %dma_start3A_162 = arith.constant 0 : i32
      %dma_start3A_163 = tpu.memref_slice %arg11[%add3A_27, %dma_start3A_162] : memref<10000x128xf32, #tpu.memory_space<vmem_shared>> -> memref<48x128xf32, #tpu.memory_space<vmem_shared>>
      tpu.enqueue_dma source(%arg10 : memref<48x128xf32, #tpu.memory_space<vmem>>) target(%dma_start3A_163 : memref<48x128xf32, #tpu.memory_space<vmem_shared>>) target_semaphore(%run_scoped3A_159 : memref<!tpu.dma_semaphore, #tpu.memory_space<semaphore_mem>>)
      %dma_wait3A_164 = arith.constant 0 : i32
      %dma_wait3A_165 = tpu.memref_slice %arg11[%add3A_27, %dma_wait3A_164] : memref<10000x128xf32, #tpu.memory_space<vmem_shared>> -> memref<48x128xf32, #tpu.memory_space<vmem_shared>>
      %dma_wait3A_166 = arith.constant 0 : i32
      %dma_wait3A_167 = tpu.memref_slice %arg11[%add3A_27, %dma_wait3A_166] : memref<10000x128xf32, #tpu.memory_space<vmem_shared>> -> memref<48x128xf32, #tpu.memory_space<vmem_shared>>
      tpu.wait_dma2 semaphore(%run_scoped3A_159 : memref<!tpu.dma_semaphore, #tpu.memory_space<semaphore_mem>>) src(%arg10 : memref<48x128xf32, #tpu.memory_space<vmem>>) dst(%dma_wait3A_167 : memref<48x128xf32, #tpu.memory_space<vmem_shared>>)
      tpu.yield
    }) : () -> ()
    %mul3A_28 = arith.constant 624 : i32
    %mul3A_29 = arith.muli %arg1, %mul3A_28 : i32
    %add3A_30 = arith.constant 240 : i32
    %add3A_31 = arith.addi %mul3A_29, %add3A_30 : i32
    "tpu.region"() ({
      %run_scoped3A_159 = tpu.sem_alloc : memref<!tpu.dma_semaphore, #tpu.memory_space<semaphore_mem>>
      %dma_start3A_160 = arith.constant 0 : i32
      %dma_start3A_161 = tpu.memref_slice %arg11[%add3A_31, %dma_start3A_160] : memref<10000x128xf32, #tpu.memory_space<vmem_shared>> -> memref<48x128xf32, #tpu.memory_space<vmem_shared>>
      %dma_start3A_162 = arith.constant 0 : i32
      %dma_start3A_163 = tpu.memref_slice %arg11[%add3A_31, %dma_start3A_162] : memref<10000x128xf32, #tpu.memory_space<vmem_shared>> -> memref<48x128xf32, #tpu.memory_space<vmem_shared>>
      tpu.enqueue_dma source(%arg10 : memref<48x128xf32, #tpu.memory_space<vmem>>) target(%dma_start3A_163 : memref<48x128xf32, #tpu.memory_space<vmem_shared>>) target_semaphore(%run_scoped3A_159 : memref<!tpu.dma_semaphore, #tpu.memory_space<semaphore_mem>>)
      %dma_wait3A_164 = arith.constant 0 : i32
      %dma_wait3A_165 = tpu.memref_slice %arg11[%add3A_31, %dma_wait3A_164] : memref<10000x128xf32, #tpu.memory_space<vmem_shared>> -> memref<48x128xf32, #tpu.memory_space<vmem_shared>>
      %dma_wait3A_166 = arith.constant 0 : i32
      %dma_wait3A_167 = tpu.memref_slice %arg11[%add3A_31, %dma_wait3A_166] : memref<10000x128xf32, #tpu.memory_space<vmem_shared>> -> memref<48x128xf32, #tpu.memory_space<vmem_shared>>
      tpu.wait_dma2 semaphore(%run_scoped3A_159 : memref<!tpu.dma_semaphore, #tpu.memory_space<semaphore_mem>>) src(%arg10 : memref<48x128xf32, #tpu.memory_space<vmem>>) dst(%dma_wait3A_167 : memref<48x128xf32, #tpu.memory_space<vmem_shared>>)
      tpu.yield
    }) : () -> ()
    %mul3A_32 = arith.constant 624 : i32
    %mul3A_33 = arith.muli %arg1, %mul3A_32 : i32
    %add3A_34 = arith.constant 288 : i32
    %add3A_35 = arith.addi %mul3A_33, %add3A_34 : i32
    "tpu.region"() ({
      %run_scoped3A_159 = tpu.sem_alloc : memref<!tpu.dma_semaphore, #tpu.memory_space<semaphore_mem>>
      %dma_start3A_160 = arith.constant 0 : i32
      %dma_start3A_161 = tpu.memref_slice %arg11[%add3A_35, %dma_start3A_160] : memref<10000x128xf32, #tpu.memory_space<vmem_shared>> -> memref<48x128xf32, #tpu.memory_space<vmem_shared>>
      %dma_start3A_162 = arith.constant 0 : i32
      %dma_start3A_163 = tpu.memref_slice %arg11[%add3A_35, %dma_start3A_162] : memref<10000x128xf32, #tpu.memory_space<vmem_shared>> -> memref<48x128xf32, #tpu.memory_space<vmem_shared>>
      tpu.enqueue_dma source(%arg10 : memref<48x128xf32, #tpu.memory_space<vmem>>) target(%dma_start3A_163 : memref<48x128xf32, #tpu.memory_space<vmem_shared>>) target_semaphore(%run_scoped3A_159 : memref<!tpu.dma_semaphore, #tpu.memory_space<semaphore_mem>>)
      %dma_wait3A_164 = arith.constant 0 : i32
      %dma_wait3A_165 = tpu.memref_slice %arg11[%add3A_35, %dma_wait3A_164] : memref<10000x128xf32, #tpu.memory_space<vmem_shared>> -> memref<48x128xf32, #tpu.memory_space<vmem_shared>>
      %dma_wait3A_166 = arith.constant 0 : i32
      %dma_wait3A_167 = tpu.memref_slice %arg11[%add3A_35, %dma_wait3A_166] : memref<10000x128xf32, #tpu.memory_space<vmem_shared>> -> memref<48x128xf32, #tpu.memory_space<vmem_shared>>
      tpu.wait_dma2 semaphore(%run_scoped3A_159 : memref<!tpu.dma_semaphore, #tpu.memory_space<semaphore_mem>>) src(%arg10 : memref<48x128xf32, #tpu.memory_space<vmem>>) dst(%dma_wait3A_167 : memref<48x128xf32, #tpu.memory_space<vmem_shared>>)
      tpu.yield
    }) : () -> ()
    %mul3A_36 = arith.constant 624 : i32
    %mul3A_37 = arith.muli %arg1, %mul3A_36 : i32
    %add3A_38 = arith.constant 336 : i32
    %add3A_39 = arith.addi %mul3A_37, %add3A_38 : i32
    "tpu.region"() ({
      %run_scoped3A_159 = tpu.sem_alloc : memref<!tpu.dma_semaphore, #tpu.memory_space<semaphore_mem>>
      %dma_start3A_160 = arith.constant 0 : i32
      %dma_start3A_161 = tpu.memref_slice %arg11[%add3A_39, %dma_start3A_160] : memref<10000x128xf32, #tpu.memory_space<vmem_shared>> -> memref<48x128xf32, #tpu.memory_space<vmem_shared>>
      %dma_start3A_162 = arith.constant 0 : i32
      %dma_start3A_163 = tpu.memref_slice %arg11[%add3A_39, %dma_start3A_162] : memref<10000x128xf32, #tpu.memory_space<vmem_shared>> -> memref<48x128xf32, #tpu.memory_space<vmem_shared>>
      tpu.enqueue_dma source(%arg10 : memref<48x128xf32, #tpu.memory_space<vmem>>) target(%dma_start3A_163 : memref<48x128xf32, #tpu.memory_space<vmem_shared>>) target_semaphore(%run_scoped3A_159 : memref<!tpu.dma_semaphore, #tpu.memory_space<semaphore_mem>>)
      %dma_wait3A_164 = arith.constant 0 : i32
      %dma_wait3A_165 = tpu.memref_slice %arg11[%add3A_39, %dma_wait3A_164] : memref<10000x128xf32, #tpu.memory_space<vmem_shared>> -> memref<48x128xf32, #tpu.memory_space<vmem_shared>>
      %dma_wait3A_166 = arith.constant 0 : i32
      %dma_wait3A_167 = tpu.memref_slice %arg11[%add3A_39, %dma_wait3A_166] : memref<10000x128xf32, #tpu.memory_space<vmem_shared>> -> memref<48x128xf32, #tpu.memory_space<vmem_shared>>
      tpu.wait_dma2 semaphore(%run_scoped3A_159 : memref<!tpu.dma_semaphore, #tpu.memory_space<semaphore_mem>>) src(%arg10 : memref<48x128xf32, #tpu.memory_space<vmem>>) dst(%dma_wait3A_167 : memref<48x128xf32, #tpu.memory_space<vmem_shared>>)
      tpu.yield
    }) : () -> ()
    %mul3A_40 = arith.constant 624 : i32
    %mul3A_41 = arith.muli %arg1, %mul3A_40 : i32
    %add3A_42 = arith.constant 384 : i32
    %add3A_43 = arith.addi %mul3A_41, %add3A_42 : i32
    "tpu.region"() ({
      %run_scoped3A_159 = tpu.sem_alloc : memref<!tpu.dma_semaphore, #tpu.memory_space<semaphore_mem>>
      %dma_start3A_160 = arith.constant 0 : i32
      %dma_start3A_161 = tpu.memref_slice %arg11[%add3A_43, %dma_start3A_160] : memref<10000x128xf32, #tpu.memory_space<vmem_shared>> -> memref<48x128xf32, #tpu.memory_space<vmem_shared>>
      %dma_start3A_162 = arith.constant 0 : i32
      %dma_start3A_163 = tpu.memref_slice %arg11[%add3A_43, %dma_start3A_162] : memref<10000x128xf32, #tpu.memory_space<vmem_shared>> -> memref<48x128xf32, #tpu.memory_space<vmem_shared>>
      tpu.enqueue_dma source(%arg10 : memref<48x128xf32, #tpu.memory_space<vmem>>) target(%dma_start3A_163 : memref<48x128xf32, #tpu.memory_space<vmem_shared>>) target_semaphore(%run_scoped3A_159 : memref<!tpu.dma_semaphore, #tpu.memory_space<semaphore_mem>>)
      %dma_wait3A_164 = arith.constant 0 : i32
      %dma_wait3A_165 = tpu.memref_slice %arg11[%add3A_43, %dma_wait3A_164] : memref<10000x128xf32, #tpu.memory_space<vmem_shared>> -> memref<48x128xf32, #tpu.memory_space<vmem_shared>>
      %dma_wait3A_166 = arith.constant 0 : i32
      %dma_wait3A_167 = tpu.memref_slice %arg11[%add3A_43, %dma_wait3A_166] : memref<10000x128xf32, #tpu.memory_space<vmem_shared>> -> memref<48x128xf32, #tpu.memory_space<vmem_shared>>
      tpu.wait_dma2 semaphore(%run_scoped3A_159 : memref<!tpu.dma_semaphore, #tpu.memory_space<semaphore_mem>>) src(%arg10 : memref<48x128xf32, #tpu.memory_space<vmem>>) dst(%dma_wait3A_167 : memref<48x128xf32, #tpu.memory_space<vmem_shared>>)
      tpu.yield
    }) : () -> ()
    %mul3A_44 = arith.constant 624 : i32
    %mul3A_45 = arith.muli %arg1, %mul3A_44 : i32
    %add3A_46 = arith.constant 432 : i32
    %add3A_47 = arith.addi %mul3A_45, %add3A_46 : i32
    "tpu.region"() ({
      %run_scoped3A_159 = tpu.sem_alloc : memref<!tpu.dma_semaphore, #tpu.memory_space<semaphore_mem>>
      %dma_start3A_160 = arith.constant 0 : i32
      %dma_start3A_161 = tpu.memref_slice %arg11[%add3A_47, %dma_start3A_160] : memref<10000x128xf32, #tpu.memory_space<vmem_shared>> -> memref<48x128xf32, #tpu.memory_space<vmem_shared>>
      %dma_start3A_162 = arith.constant 0 : i32
      %dma_start3A_163 = tpu.memref_slice %arg11[%add3A_47, %dma_start3A_162] : memref<10000x128xf32, #tpu.memory_space<vmem_shared>> -> memref<48x128xf32, #tpu.memory_space<vmem_shared>>
      tpu.enqueue_dma source(%arg10 : memref<48x128xf32, #tpu.memory_space<vmem>>) target(%dma_start3A_163 : memref<48x128xf32, #tpu.memory_space<vmem_shared>>) target_semaphore(%run_scoped3A_159 : memref<!tpu.dma_semaphore, #tpu.memory_space<semaphore_mem>>)
      %dma_wait3A_164 = arith.constant 0 : i32
      %dma_wait3A_165 = tpu.memref_slice %arg11[%add3A_47, %dma_wait3A_164] : memref<10000x128xf32, #tpu.memory_space<vmem_shared>> -> memref<48x128xf32, #tpu.memory_space<vmem_shared>>
      %dma_wait3A_166 = arith.constant 0 : i32
      %dma_wait3A_167 = tpu.memref_slice %arg11[%add3A_47, %dma_wait3A_166] : memref<10000x128xf32, #tpu.memory_space<vmem_shared>> -> memref<48x128xf32, #tpu.memory_space<vmem_shared>>
      tpu.wait_dma2 semaphore(%run_scoped3A_159 : memref<!tpu.dma_semaphore, #tpu.memory_space<semaphore_mem>>) src(%arg10 : memref<48x128xf32, #tpu.memory_space<vmem>>) dst(%dma_wait3A_167 : memref<48x128xf32, #tpu.memory_space<vmem_shared>>)
      tpu.yield
    }) : () -> ()
    %mul3A_48 = arith.constant 624 : i32
    %mul3A_49 = arith.muli %arg1, %mul3A_48 : i32
    %add3A_50 = arith.constant 480 : i32
    %add3A_51 = arith.addi %mul3A_49, %add3A_50 : i32
    "tpu.region"() ({
      %run_scoped3A_159 = tpu.sem_alloc : memref<!tpu.dma_semaphore, #tpu.memory_space<semaphore_mem>>
      %dma_start3A_160 = arith.constant 0 : i32
      %dma_start3A_161 = tpu.memref_slice %arg11[%add3A_51, %dma_start3A_160] : memref<10000x128xf32, #tpu.memory_space<vmem_shared>> -> memref<48x128xf32, #tpu.memory_space<vmem_shared>>
      %dma_start3A_162 = arith.constant 0 : i32
      %dma_start3A_163 = tpu.memref_slice %arg11[%add3A_51, %dma_start3A_162] : memref<10000x128xf32, #tpu.memory_space<vmem_shared>> -> memref<48x128xf32, #tpu.memory_space<vmem_shared>>
      tpu.enqueue_dma source(%arg10 : memref<48x128xf32, #tpu.memory_space<vmem>>) target(%dma_start3A_163 : memref<48x128xf32, #tpu.memory_space<vmem_shared>>) target_semaphore(%run_scoped3A_159 : memref<!tpu.dma_semaphore, #tpu.memory_space<semaphore_mem>>)
      %dma_wait3A_164 = arith.constant 0 : i32
      %dma_wait3A_165 = tpu.memref_slice %arg11[%add3A_51, %dma_wait3A_164] : memref<10000x128xf32, #tpu.memory_space<vmem_shared>> -> memref<48x128xf32, #tpu.memory_space<vmem_shared>>
      %dma_wait3A_166 = arith.constant 0 : i32
      %dma_wait3A_167 = tpu.memref_slice %arg11[%add3A_51, %dma_wait3A_166] : memref<10000x128xf32, #tpu.memory_space<vmem_shared>> -> memref<48x128xf32, #tpu.memory_space<vmem_shared>>
      tpu.wait_dma2 semaphore(%run_scoped3A_159 : memref<!tpu.dma_semaphore, #tpu.memory_space<semaphore_mem>>) src(%arg10 : memref<48x128xf32, #tpu.memory_space<vmem>>) dst(%dma_wait3A_167 : memref<48x128xf32, #tpu.memory_space<vmem_shared>>)
      tpu.yield
    }) : () -> ()
    %mul3A_52 = arith.constant 624 : i32
    %mul3A_53 = arith.muli %arg1, %mul3A_52 : i32
    %add3A_54 = arith.constant 528 : i32
    %add3A_55 = arith.addi %mul3A_53, %add3A_54 : i32
    "tpu.region"() ({
      %run_scoped3A_159 = tpu.sem_alloc : memref<!tpu.dma_semaphore, #tpu.memory_space<semaphore_mem>>
      %dma_start3A_160 = arith.constant 0 : i32
      %dma_start3A_161 = tpu.memref_slice %arg11[%add3A_55, %dma_start3A_160] : memref<10000x128xf32, #tpu.memory_space<vmem_shared>> -> memref<48x128xf32, #tpu.memory_space<vmem_shared>>
      %dma_start3A_162 = arith.constant 0 : i32
      %dma_start3A_163 = tpu.memref_slice %arg11[%add3A_55, %dma_start3A_162] : memref<10000x128xf32, #tpu.memory_space<vmem_shared>> -> memref<48x128xf32, #tpu.memory_space<vmem_shared>>
      tpu.enqueue_dma source(%arg10 : memref<48x128xf32, #tpu.memory_space<vmem>>) target(%dma_start3A_163 : memref<48x128xf32, #tpu.memory_space<vmem_shared>>) target_semaphore(%run_scoped3A_159 : memref<!tpu.dma_semaphore, #tpu.memory_space<semaphore_mem>>)
      %dma_wait3A_164 = arith.constant 0 : i32
      %dma_wait3A_165 = tpu.memref_slice %arg11[%add3A_55, %dma_wait3A_164] : memref<10000x128xf32, #tpu.memory_space<vmem_shared>> -> memref<48x128xf32, #tpu.memory_space<vmem_shared>>
      %dma_wait3A_166 = arith.constant 0 : i32
      %dma_wait3A_167 = tpu.memref_slice %arg11[%add3A_55, %dma_wait3A_166] : memref<10000x128xf32, #tpu.memory_space<vmem_shared>> -> memref<48x128xf32, #tpu.memory_space<vmem_shared>>
      tpu.wait_dma2 semaphore(%run_scoped3A_159 : memref<!tpu.dma_semaphore, #tpu.memory_space<semaphore_mem>>) src(%arg10 : memref<48x128xf32, #tpu.memory_space<vmem>>) dst(%dma_wait3A_167 : memref<48x128xf32, #tpu.memory_space<vmem_shared>>)
      tpu.yield
    }) : () -> ()
    %mul3A_56 = arith.constant 624 : i32
    %mul3A_57 = arith.muli %arg1, %mul3A_56 : i32
    %add3A_58 = arith.constant 576 : i32
    %add3A_59 = arith.addi %mul3A_57, %add3A_58 : i32
    "tpu.region"() ({
      %run_scoped3A_159 = tpu.sem_alloc : memref<!tpu.dma_semaphore, #tpu.memory_space<semaphore_mem>>
      %dma_start3A_160 = arith.constant 0 : i32
      %dma_start3A_161 = tpu.memref_slice %arg11[%add3A_59, %dma_start3A_160] : memref<10000x128xf32, #tpu.memory_space<vmem_shared>> -> memref<48x128xf32, #tpu.memory_space<vmem_shared>>
      %dma_start3A_162 = arith.constant 0 : i32
      %dma_start3A_163 = tpu.memref_slice %arg11[%add3A_59, %dma_start3A_162] : memref<10000x128xf32, #tpu.memory_space<vmem_shared>> -> memref<48x128xf32, #tpu.memory_space<vmem_shared>>
      tpu.enqueue_dma source(%arg10 : memref<48x128xf32, #tpu.memory_space<vmem>>) target(%dma_start3A_163 : memref<48x128xf32, #tpu.memory_space<vmem_shared>>) target_semaphore(%run_scoped3A_159 : memref<!tpu.dma_semaphore, #tpu.memory_space<semaphore_mem>>)
      %dma_wait3A_164 = arith.constant 0 : i32
      %dma_wait3A_165 = tpu.memref_slice %arg11[%add3A_59, %dma_wait3A_164] : memref<10000x128xf32, #tpu.memory_space<vmem_shared>> -> memref<48x128xf32, #tpu.memory_space<vmem_shared>>
      %dma_wait3A_166 = arith.constant 0 : i32
      %dma_wait3A_167 = tpu.memref_slice %arg11[%add3A_59, %dma_wait3A_166] : memref<10000x128xf32, #tpu.memory_space<vmem_shared>> -> memref<48x128xf32, #tpu.memory_space<vmem_shared>>
      tpu.wait_dma2 semaphore(%run_scoped3A_159 : memref<!tpu.dma_semaphore, #tpu.memory_space<semaphore_mem>>) src(%arg10 : memref<48x128xf32, #tpu.memory_space<vmem>>) dst(%dma_wait3A_167 : memref<48x128xf32, #tpu.memory_space<vmem_shared>>)
      tpu.yield
    }) : () -> ()
    %eq3A = arith.constant 0 : i32
    %eq3A_60 = arith.cmpi eq, %arg1, %eq3A : i32
    %convert_element_type3A = arith.extui %eq3A_60 : i1 to i32
    %cond3A = arith.constant 0 : i32
    %cond3A_61 = arith.cmpi ne, %convert_element_type3A, %cond3A : i32
    scf.if %cond3A_61 {
      "tpu.region"() ({
        %run_scoped3A_159 = tpu.sem_alloc : memref<!tpu.dma_semaphore, #tpu.memory_space<semaphore_mem>>
        %dma_start3A_160 = arith.constant 0 : i32
        %dma_start3A_161 = arith.constant 0 : i32
        %dma_start3A_162 = tpu.memref_slice %arg10[%dma_start3A_160, %dma_start3A_161] : memref<48x128xf32, #tpu.memory_space<vmem>> -> memref<16x128xf32, #tpu.memory_space<vmem>>
        %dma_start3A_163 = arith.constant 9984 : i32
        %dma_start3A_164 = arith.constant 0 : i32
        %dma_start3A_165 = tpu.memref_slice %arg11[%dma_start3A_163, %dma_start3A_164] : memref<10000x128xf32, #tpu.memory_space<vmem_shared>> -> memref<16x128xf32, #tpu.memory_space<vmem_shared>>
        %dma_start3A_166 = arith.constant 9984 : i32
        %dma_start3A_167 = arith.constant 0 : i32
        %dma_start3A_168 = tpu.memref_slice %arg11[%dma_start3A_166, %dma_start3A_167] : memref<10000x128xf32, #tpu.memory_space<vmem_shared>> -> memref<16x128xf32, #tpu.memory_space<vmem_shared>>
        %dma_start3A_169 = arith.constant 0 : i32
        %dma_start3A_170 = arith.constant 0 : i32
        %dma_start3A_171 = tpu.memref_slice %arg10[%dma_start3A_169, %dma_start3A_170] : memref<48x128xf32, #tpu.memory_space<vmem>> -> memref<16x128xf32, #tpu.memory_space<vmem>>
        tpu.enqueue_dma source(%dma_start3A_171 : memref<16x128xf32, #tpu.memory_space<vmem>>) target(%dma_start3A_168 : memref<16x128xf32, #tpu.memory_space<vmem_shared>>) target_semaphore(%run_scoped3A_159 : memref<!tpu.dma_semaphore, #tpu.memory_space<semaphore_mem>>)
        %dma_wait3A_172 = arith.constant 0 : i32
        %dma_wait3A_173 = arith.constant 0 : i32
        %dma_wait3A_174 = tpu.memref_slice %arg10[%dma_wait3A_172, %dma_wait3A_173] : memref<48x128xf32, #tpu.memory_space<vmem>> -> memref<16x128xf32, #tpu.memory_space<vmem>>
        %dma_wait3A_175 = arith.constant 9984 : i32
        %dma_wait3A_176 = arith.constant 0 : i32
        %dma_wait3A_177 = tpu.memref_slice %arg11[%dma_wait3A_175, %dma_wait3A_176] : memref<10000x128xf32, #tpu.memory_space<vmem_shared>> -> memref<16x128xf32, #tpu.memory_space<vmem_shared>>
        %dma_wait3A_178 = arith.constant 9984 : i32
        %dma_wait3A_179 = arith.constant 0 : i32
        %dma_wait3A_180 = tpu.memref_slice %arg11[%dma_wait3A_178, %dma_wait3A_179] : memref<10000x128xf32, #tpu.memory_space<vmem_shared>> -> memref<16x128xf32, #tpu.memory_space<vmem_shared>>
        %dma_wait3A_181 = arith.constant 0 : i32
        %dma_wait3A_182 = arith.constant 0 : i32
        %dma_wait3A_183 = tpu.memref_slice %arg10[%dma_wait3A_181, %dma_wait3A_182] : memref<48x128xf32, #tpu.memory_space<vmem>> -> memref<16x128xf32, #tpu.memory_space<vmem>>
        tpu.wait_dma2 semaphore(%run_scoped3A_159 : memref<!tpu.dma_semaphore, #tpu.memory_space<semaphore_mem>>) src(%dma_wait3A_183 : memref<16x128xf32, #tpu.memory_space<vmem>>) dst(%dma_wait3A_180 : memref<16x128xf32, #tpu.memory_space<vmem_shared>>)
        tpu.yield
      }) : () -> ()
    } else {
    }
    "tpu.region"() ({
      %run_scoped3A_159 = tpu.sem_alloc : memref<!tpu.dma_semaphore, #tpu.memory_space<semaphore_mem>>
      %dma_start3A_160 = arith.constant 0 : i32
      %dma_start3A_161 = arith.constant 0 : i32
      %dma_start3A_162 = tpu.memref_slice %arg3[%add3A, %dma_start3A_160, %dma_start3A_161] : memref<64x40x128xi32, #tpu.memory_space<hbm>> -> memref<1x40x128xi32, #tpu.memory_space<hbm>>
      %dma_start3A_163 = tpu.memref_squeeze %dma_start3A_162 : memref<1x40x128xi32, #tpu.memory_space<hbm>> -> memref<40x128xi32, #tpu.memory_space<hbm>>
      %dma_start3A_164 = arith.constant 0 : i32
      %dma_start3A_165 = arith.constant 0 : i32
      %dma_start3A_166 = tpu.memref_slice %arg3[%add3A, %dma_start3A_164, %dma_start3A_165] : memref<64x40x128xi32, #tpu.memory_space<hbm>> -> memref<1x40x128xi32, #tpu.memory_space<hbm>>
      %dma_start3A_167 = tpu.memref_squeeze %dma_start3A_166 : memref<1x40x128xi32, #tpu.memory_space<hbm>> -> memref<40x128xi32, #tpu.memory_space<hbm>>
      tpu.enqueue_dma source(%dma_start3A_167 : memref<40x128xi32, #tpu.memory_space<hbm>>) target(%arg6 : memref<40x128xi32, #tpu.memory_space<vmem>>) target_semaphore(%run_scoped3A_159 : memref<!tpu.dma_semaphore, #tpu.memory_space<semaphore_mem>>)
      %dma_wait3A_168 = arith.constant 0 : i32
      %dma_wait3A_169 = arith.constant 0 : i32
      %dma_wait3A_170 = tpu.memref_slice %arg3[%add3A, %dma_wait3A_168, %dma_wait3A_169] : memref<64x40x128xi32, #tpu.memory_space<hbm>> -> memref<1x40x128xi32, #tpu.memory_space<hbm>>
      %dma_wait3A_171 = tpu.memref_squeeze %dma_wait3A_170 : memref<1x40x128xi32, #tpu.memory_space<hbm>> -> memref<40x128xi32, #tpu.memory_space<hbm>>
      %dma_wait3A_172 = arith.constant 0 : i32
      %dma_wait3A_173 = arith.constant 0 : i32
      %dma_wait3A_174 = tpu.memref_slice %arg3[%add3A, %dma_wait3A_172, %dma_wait3A_173] : memref<64x40x128xi32, #tpu.memory_space<hbm>> -> memref<1x40x128xi32, #tpu.memory_space<hbm>>
      %dma_wait3A_175 = tpu.memref_squeeze %dma_wait3A_174 : memref<1x40x128xi32, #tpu.memory_space<hbm>> -> memref<40x128xi32, #tpu.memory_space<hbm>>
      tpu.wait_dma2 semaphore(%run_scoped3A_159 : memref<!tpu.dma_semaphore, #tpu.memory_space<semaphore_mem>>) src(%dma_wait3A_175 : memref<40x128xi32, #tpu.memory_space<hbm>>) dst(%arg6 : memref<40x128xi32, #tpu.memory_space<vmem>>)
      tpu.yield
    }) : () -> ()
    "tpu.region"() ({
      %run_scoped3A_159 = tpu.sem_alloc : memref<!tpu.dma_semaphore, #tpu.memory_space<semaphore_mem>>
      %dma_start3A_160 = arith.constant 0 : i32
      %dma_start3A_161 = arith.constant 0 : i32
      %dma_start3A_162 = tpu.memref_slice %arg4[%add3A, %dma_start3A_160, %dma_start3A_161] : memref<64x40x128xi32, #tpu.memory_space<hbm>> -> memref<1x40x128xi32, #tpu.memory_space<hbm>>
      %dma_start3A_163 = tpu.memref_squeeze %dma_start3A_162 : memref<1x40x128xi32, #tpu.memory_space<hbm>> -> memref<40x128xi32, #tpu.memory_space<hbm>>
      %dma_start3A_164 = arith.constant 0 : i32
      %dma_start3A_165 = arith.constant 0 : i32
      %dma_start3A_166 = tpu.memref_slice %arg4[%add3A, %dma_start3A_164, %dma_start3A_165] : memref<64x40x128xi32, #tpu.memory_space<hbm>> -> memref<1x40x128xi32, #tpu.memory_space<hbm>>
      %dma_start3A_167 = tpu.memref_squeeze %dma_start3A_166 : memref<1x40x128xi32, #tpu.memory_space<hbm>> -> memref<40x128xi32, #tpu.memory_space<hbm>>
      tpu.enqueue_dma source(%dma_start3A_167 : memref<40x128xi32, #tpu.memory_space<hbm>>) target(%arg7 : memref<40x128xi32, #tpu.memory_space<vmem>>) target_semaphore(%run_scoped3A_159 : memref<!tpu.dma_semaphore, #tpu.memory_space<semaphore_mem>>)
      %dma_wait3A_168 = arith.constant 0 : i32
      %dma_wait3A_169 = arith.constant 0 : i32
      %dma_wait3A_170 = tpu.memref_slice %arg4[%add3A, %dma_wait3A_168, %dma_wait3A_169] : memref<64x40x128xi32, #tpu.memory_space<hbm>> -> memref<1x40x128xi32, #tpu.memory_space<hbm>>
      %dma_wait3A_171 = tpu.memref_squeeze %dma_wait3A_170 : memref<1x40x128xi32, #tpu.memory_space<hbm>> -> memref<40x128xi32, #tpu.memory_space<hbm>>
      %dma_wait3A_172 = arith.constant 0 : i32
      %dma_wait3A_173 = arith.constant 0 : i32
      %dma_wait3A_174 = tpu.memref_slice %arg4[%add3A, %dma_wait3A_172, %dma_wait3A_173] : memref<64x40x128xi32, #tpu.memory_space<hbm>> -> memref<1x40x128xi32, #tpu.memory_space<hbm>>
      %dma_wait3A_175 = tpu.memref_squeeze %dma_wait3A_174 : memref<1x40x128xi32, #tpu.memory_space<hbm>> -> memref<40x128xi32, #tpu.memory_space<hbm>>
      tpu.wait_dma2 semaphore(%run_scoped3A_159 : memref<!tpu.dma_semaphore, #tpu.memory_space<semaphore_mem>>) src(%dma_wait3A_175 : memref<40x128xi32, #tpu.memory_space<hbm>>) dst(%arg7 : memref<40x128xi32, #tpu.memory_space<vmem>>)
      tpu.yield
    }) : () -> ()
    %barrier3A = arith.constant 0 : index
    tpu.barrier barrier_id(%barrier3A)
    %mul3A_62 = arith.constant 2 : i32
    %mul3A_63 = arith.muli %add3A, %mul3A_62 : i32
    %add3A_64 = arith.constant 0 : i32
    %add3A_65 = arith.addi %mul3A_63, %add3A_64 : i32
    "tpu.region"() ({
      %run_scoped3A_159 = tpu.sem_alloc : memref<!tpu.dma_semaphore, #tpu.memory_space<semaphore_mem>>
      %dma_start3A_160 = arith.constant 0 : i32
      %dma_start3A_161 = arith.constant 0 : i32
      %dma_start3A_162 = tpu.memref_slice %arg3[%add3A_65, %dma_start3A_160, %dma_start3A_161] : memref<64x40x128xi32, #tpu.memory_space<hbm>> -> memref<1x40x128xi32, #tpu.memory_space<hbm>>
      %dma_start3A_163 = tpu.memref_squeeze %dma_start3A_162 : memref<1x40x128xi32, #tpu.memory_space<hbm>> -> memref<40x128xi32, #tpu.memory_space<hbm>>
      %dma_start3A_164 = arith.constant 0 : i32
      %dma_start3A_165 = arith.constant 0 : i32
      %dma_start3A_166 = tpu.memref_slice %arg3[%add3A_65, %dma_start3A_164, %dma_start3A_165] : memref<64x40x128xi32, #tpu.memory_space<hbm>> -> memref<1x40x128xi32, #tpu.memory_space<hbm>>
      %dma_start3A_167 = tpu.memref_squeeze %dma_start3A_166 : memref<1x40x128xi32, #tpu.memory_space<hbm>> -> memref<40x128xi32, #tpu.memory_space<hbm>>
      tpu.enqueue_dma source(%dma_start3A_167 : memref<40x128xi32, #tpu.memory_space<hbm>>) target(%arg6 : memref<40x128xi32, #tpu.memory_space<vmem>>) target_semaphore(%run_scoped3A_159 : memref<!tpu.dma_semaphore, #tpu.memory_space<semaphore_mem>>)
      %dma_wait3A_168 = arith.constant 0 : i32
      %dma_wait3A_169 = arith.constant 0 : i32
      %dma_wait3A_170 = tpu.memref_slice %arg3[%add3A_65, %dma_wait3A_168, %dma_wait3A_169] : memref<64x40x128xi32, #tpu.memory_space<hbm>> -> memref<1x40x128xi32, #tpu.memory_space<hbm>>
      %dma_wait3A_171 = tpu.memref_squeeze %dma_wait3A_170 : memref<1x40x128xi32, #tpu.memory_space<hbm>> -> memref<40x128xi32, #tpu.memory_space<hbm>>
      %dma_wait3A_172 = arith.constant 0 : i32
      %dma_wait3A_173 = arith.constant 0 : i32
      %dma_wait3A_174 = tpu.memref_slice %arg3[%add3A_65, %dma_wait3A_172, %dma_wait3A_173] : memref<64x40x128xi32, #tpu.memory_space<hbm>> -> memref<1x40x128xi32, #tpu.memory_space<hbm>>
      %dma_wait3A_175 = tpu.memref_squeeze %dma_wait3A_174 : memref<1x40x128xi32, #tpu.memory_space<hbm>> -> memref<40x128xi32, #tpu.memory_space<hbm>>
      tpu.wait_dma2 semaphore(%run_scoped3A_159 : memref<!tpu.dma_semaphore, #tpu.memory_space<semaphore_mem>>) src(%dma_wait3A_175 : memref<40x128xi32, #tpu.memory_space<hbm>>) dst(%arg6 : memref<40x128xi32, #tpu.memory_space<vmem>>)
      tpu.yield
    }) : () -> ()
    %mul3A_66 = arith.constant 2 : i32
    %mul3A_67 = arith.muli %add3A, %mul3A_66 : i32
    %add3A_68 = arith.constant 0 : i32
    %add3A_69 = arith.addi %mul3A_67, %add3A_68 : i32
    "tpu.region"() ({
      %run_scoped3A_159 = tpu.sem_alloc : memref<!tpu.dma_semaphore, #tpu.memory_space<semaphore_mem>>
      %dma_start3A_160 = arith.constant 0 : i32
      %dma_start3A_161 = arith.constant 0 : i32
      %dma_start3A_162 = tpu.memref_slice %arg4[%add3A_69, %dma_start3A_160, %dma_start3A_161] : memref<64x40x128xi32, #tpu.memory_space<hbm>> -> memref<1x40x128xi32, #tpu.memory_space<hbm>>
      %dma_start3A_163 = tpu.memref_squeeze %dma_start3A_162 : memref<1x40x128xi32, #tpu.memory_space<hbm>> -> memref<40x128xi32, #tpu.memory_space<hbm>>
      %dma_start3A_164 = arith.constant 0 : i32
      %dma_start3A_165 = arith.constant 0 : i32
      %dma_start3A_166 = tpu.memref_slice %arg4[%add3A_69, %dma_start3A_164, %dma_start3A_165] : memref<64x40x128xi32, #tpu.memory_space<hbm>> -> memref<1x40x128xi32, #tpu.memory_space<hbm>>
      %dma_start3A_167 = tpu.memref_squeeze %dma_start3A_166 : memref<1x40x128xi32, #tpu.memory_space<hbm>> -> memref<40x128xi32, #tpu.memory_space<hbm>>
      tpu.enqueue_dma source(%dma_start3A_167 : memref<40x128xi32, #tpu.memory_space<hbm>>) target(%arg7 : memref<40x128xi32, #tpu.memory_space<vmem>>) target_semaphore(%run_scoped3A_159 : memref<!tpu.dma_semaphore, #tpu.memory_space<semaphore_mem>>)
      %dma_wait3A_168 = arith.constant 0 : i32
      %dma_wait3A_169 = arith.constant 0 : i32
      %dma_wait3A_170 = tpu.memref_slice %arg4[%add3A_69, %dma_wait3A_168, %dma_wait3A_169] : memref<64x40x128xi32, #tpu.memory_space<hbm>> -> memref<1x40x128xi32, #tpu.memory_space<hbm>>
      %dma_wait3A_171 = tpu.memref_squeeze %dma_wait3A_170 : memref<1x40x128xi32, #tpu.memory_space<hbm>> -> memref<40x128xi32, #tpu.memory_space<hbm>>
      %dma_wait3A_172 = arith.constant 0 : i32
      %dma_wait3A_173 = arith.constant 0 : i32
      %dma_wait3A_174 = tpu.memref_slice %arg4[%add3A_69, %dma_wait3A_172, %dma_wait3A_173] : memref<64x40x128xi32, #tpu.memory_space<hbm>> -> memref<1x40x128xi32, #tpu.memory_space<hbm>>
      %dma_wait3A_175 = tpu.memref_squeeze %dma_wait3A_174 : memref<1x40x128xi32, #tpu.memory_space<hbm>> -> memref<40x128xi32, #tpu.memory_space<hbm>>
      tpu.wait_dma2 semaphore(%run_scoped3A_159 : memref<!tpu.dma_semaphore, #tpu.memory_space<semaphore_mem>>) src(%dma_wait3A_175 : memref<40x128xi32, #tpu.memory_space<hbm>>) dst(%arg7 : memref<40x128xi32, #tpu.memory_space<vmem>>)
      tpu.yield
    }) : () -> ()
    %dma_start3A = arith.constant 0 : i32
    %dma_start3A_70 = arith.constant 0 : i32
    %dma_start3A_71 = tpu.memref_slice %arg6[%dma_start3A, %dma_start3A_70] : memref<40x128xi32, #tpu.memory_space<vmem>> -> memref<1x128xi32, #tpu.memory_space<vmem>>
    %dma_start3A_72 = tpu.memref_squeeze %dma_start3A_71 : memref<1x128xi32, #tpu.memory_space<vmem>> -> memref<128xi32, #tpu.memory_space<vmem>>
    %dma_start3A_73 = arith.constant 0 : i32
    %dma_start3A_74 = arith.constant 0 : i32
    %dma_start3A_75 = tpu.memref_slice %arg2[%dma_start3A_73, %dma_start3A_74] : memref<10008x128xf32, #tpu.memory_space<hbm>> -> memref<10008x128xf32, #tpu.memory_space<hbm>>
    tpu.enqueue_indirect_dma source(%dma_start3A_75 : memref<10008x128xf32, #tpu.memory_space<hbm>>) target(%arg8 : memref<128x128xf32, #tpu.memory_space<vmem>>) offsets(%dma_start3A_72 : memref<128xi32, #tpu.memory_space<vmem>>) semaphore(%arg12 : memref<!tpu.dma_semaphore, #tpu.memory_space<semaphore_mem>>)
    %dma_start3A_76 = arith.constant 1 : i32
    %dma_start3A_77 = arith.constant 0 : i32
    %dma_start3A_78 = tpu.memref_slice %arg6[%dma_start3A_76, %dma_start3A_77] : memref<40x128xi32, #tpu.memory_space<vmem>> -> memref<1x128xi32, #tpu.memory_space<vmem>>
    %dma_start3A_79 = tpu.memref_squeeze %dma_start3A_78 : memref<1x128xi32, #tpu.memory_space<vmem>> -> memref<128xi32, #tpu.memory_space<vmem>>
    %dma_start3A_80 = arith.constant 0 : i32
    %dma_start3A_81 = arith.constant 0 : i32
    %dma_start3A_82 = tpu.memref_slice %arg2[%dma_start3A_80, %dma_start3A_81] : memref<10008x128xf32, #tpu.memory_space<hbm>> -> memref<10008x128xf32, #tpu.memory_space<hbm>>
    tpu.enqueue_indirect_dma source(%dma_start3A_82 : memref<10008x128xf32, #tpu.memory_space<hbm>>) target(%arg9 : memref<128x128xf32, #tpu.memory_space<vmem>>) offsets(%dma_start3A_79 : memref<128xi32, #tpu.memory_space<vmem>>) semaphore(%arg13 : memref<!tpu.dma_semaphore, #tpu.memory_space<semaphore_mem>>)
    %scan3A_83 = arith.constant 0 : i32
    %scan3A_84 = arith.constant 0 : i32
    %scan3A_85 = arith.constant 19 : i32
    %scan3A_86 = arith.addi %scan3A_84, %scan3A_85 : i32
    %scan3A_87 = arith.constant 1 : i32
    %scan3A_88 = scf.for %scan3A_159 = %scan3A_84 to %scan3A_86 step %scan3A_87 iter_args(%scan3A_160 = %scan3A_83) -> (i32)  : i32 {
      %mul3A_161 = arith.constant 2 : i32
      %mul3A_162 = arith.muli %mul3A_161, %scan3A_159 : i32
      %dma_wait3A_163 = arith.constant 0 : i32
      %dma_wait3A_164 = tpu.memref_slice %arg6[%mul3A_162, %dma_wait3A_163] : memref<40x128xi32, #tpu.memory_space<vmem>> -> memref<1x128xi32, #tpu.memory_space<vmem>>
      %dma_wait3A_165 = tpu.memref_squeeze %dma_wait3A_164 : memref<1x128xi32, #tpu.memory_space<vmem>> -> memref<128xi32, #tpu.memory_space<vmem>>
      %dma_wait3A_166 = arith.constant 0 : i32
      %dma_wait3A_167 = arith.constant 0 : i32
      %dma_wait3A_168 = tpu.memref_slice %arg2[%dma_wait3A_166, %dma_wait3A_167] : memref<10008x128xf32, #tpu.memory_space<hbm>> -> memref<10008x128xf32, #tpu.memory_space<hbm>>
      tpu.wait_indirect_dma semaphore(%arg12 : memref<!tpu.dma_semaphore, #tpu.memory_space<semaphore_mem>>) src(%dma_wait3A_168 : memref<10008x128xf32, #tpu.memory_space<hbm>>) dst(%arg8 : memref<128x128xf32, #tpu.memory_space<vmem>>)
      "tpu.region"() ({
        %run_scoped3A_196 = tpu.sem_alloc : memref<!tpu.dma_semaphore, #tpu.memory_space<semaphore_mem>>
        %dma_start3A_197 = arith.constant 0 : i32
        %dma_start3A_198 = tpu.memref_slice %arg7[%mul3A_162, %dma_start3A_197] : memref<40x128xi32, #tpu.memory_space<vmem>> -> memref<1x128xi32, #tpu.memory_space<vmem>>
        %dma_start3A_199 = tpu.memref_squeeze %dma_start3A_198 : memref<1x128xi32, #tpu.memory_space<vmem>> -> memref<128xi32, #tpu.memory_space<vmem>>
        %dma_start3A_200 = arith.constant 0 : i32
        %dma_start3A_201 = arith.constant 0 : i32
        %dma_start3A_202 = tpu.memref_slice %arg11[%dma_start3A_200, %dma_start3A_201] : memref<10000x128xf32, #tpu.memory_space<vmem_shared>> -> memref<10000x128xf32, #tpu.memory_space<vmem_shared>>
        tpu.enqueue_indirect_dma source(%arg8 : memref<128x128xf32, #tpu.memory_space<vmem>>) target(%dma_start3A_202 : memref<10000x128xf32, #tpu.memory_space<vmem_shared>>) offsets(%dma_start3A_199 : memref<128xi32, #tpu.memory_space<vmem>>) semaphore(%run_scoped3A_196 : memref<!tpu.dma_semaphore, #tpu.memory_space<semaphore_mem>>) {add = true}
        %dma_wait3A_203 = arith.constant 0 : i32
        %dma_wait3A_204 = tpu.memref_slice %arg7[%mul3A_162, %dma_wait3A_203] : memref<40x128xi32, #tpu.memory_space<vmem>> -> memref<1x128xi32, #tpu.memory_space<vmem>>
        %dma_wait3A_205 = tpu.memref_squeeze %dma_wait3A_204 : memref<1x128xi32, #tpu.memory_space<vmem>> -> memref<128xi32, #tpu.memory_space<vmem>>
        %dma_wait3A_206 = arith.constant 0 : i32
        %dma_wait3A_207 = arith.constant 0 : i32
        %dma_wait3A_208 = tpu.memref_slice %arg11[%dma_wait3A_206, %dma_wait3A_207] : memref<10000x128xf32, #tpu.memory_space<vmem_shared>> -> memref<10000x128xf32, #tpu.memory_space<vmem_shared>>
        tpu.wait_indirect_dma semaphore(%run_scoped3A_196 : memref<!tpu.dma_semaphore, #tpu.memory_space<semaphore_mem>>) src(%arg8 : memref<128x128xf32, #tpu.memory_space<vmem>>) dst(%dma_wait3A_208 : memref<10000x128xf32, #tpu.memory_space<vmem_shared>>)
        tpu.yield
      }) : () -> ()
      %add3A_169 = arith.constant 2 : i32
      %add3A_170 = arith.addi %mul3A_162, %add3A_169 : i32
      %dma_start3A_171 = arith.constant 0 : i32
      %dma_start3A_172 = tpu.memref_slice %arg6[%add3A_170, %dma_start3A_171] : memref<40x128xi32, #tpu.memory_space<vmem>> -> memref<1x128xi32, #tpu.memory_space<vmem>>
      %dma_start3A_173 = tpu.memref_squeeze %dma_start3A_172 : memref<1x128xi32, #tpu.memory_space<vmem>> -> memref<128xi32, #tpu.memory_space<vmem>>
      %dma_start3A_174 = arith.constant 0 : i32
      %dma_start3A_175 = arith.constant 0 : i32
      %dma_start3A_176 = tpu.memref_slice %arg2[%dma_start3A_174, %dma_start3A_175] : memref<10008x128xf32, #tpu.memory_space<hbm>> -> memref<10008x128xf32, #tpu.memory_space<hbm>>
      tpu.enqueue_indirect_dma source(%dma_start3A_176 : memref<10008x128xf32, #tpu.memory_space<hbm>>) target(%arg8 : memref<128x128xf32, #tpu.memory_space<vmem>>) offsets(%dma_start3A_173 : memref<128xi32, #tpu.memory_space<vmem>>) semaphore(%arg12 : memref<!tpu.dma_semaphore, #tpu.memory_space<semaphore_mem>>)
      %add3A_177 = arith.constant 1 : i32
      %add3A_178 = arith.addi %mul3A_162, %add3A_177 : i32
      %dma_wait3A_179 = arith.constant 0 : i32
      %dma_wait3A_180 = tpu.memref_slice %arg6[%add3A_178, %dma_wait3A_179] : memref<40x128xi32, #tpu.memory_space<vmem>> -> memref<1x128xi32, #tpu.memory_space<vmem>>
      %dma_wait3A_181 = tpu.memref_squeeze %dma_wait3A_180 : memref<1x128xi32, #tpu.memory_space<vmem>> -> memref<128xi32, #tpu.memory_space<vmem>>
      %dma_wait3A_182 = arith.constant 0 : i32
      %dma_wait3A_183 = arith.constant 0 : i32
      %dma_wait3A_184 = tpu.memref_slice %arg2[%dma_wait3A_182, %dma_wait3A_183] : memref<10008x128xf32, #tpu.memory_space<hbm>> -> memref<10008x128xf32, #tpu.memory_space<hbm>>
      tpu.wait_indirect_dma semaphore(%arg13 : memref<!tpu.dma_semaphore, #tpu.memory_space<semaphore_mem>>) src(%dma_wait3A_184 : memref<10008x128xf32, #tpu.memory_space<hbm>>) dst(%arg9 : memref<128x128xf32, #tpu.memory_space<vmem>>)
      %add3A_185 = arith.constant 1 : i32
      %add3A_186 = arith.addi %mul3A_162, %add3A_185 : i32
      "tpu.region"() ({
        %run_scoped3A_196 = tpu.sem_alloc : memref<!tpu.dma_semaphore, #tpu.memory_space<semaphore_mem>>
        %dma_start3A_197 = arith.constant 0 : i32
        %dma_start3A_198 = tpu.memref_slice %arg7[%add3A_186, %dma_start3A_197] : memref<40x128xi32, #tpu.memory_space<vmem>> -> memref<1x128xi32, #tpu.memory_space<vmem>>
        %dma_start3A_199 = tpu.memref_squeeze %dma_start3A_198 : memref<1x128xi32, #tpu.memory_space<vmem>> -> memref<128xi32, #tpu.memory_space<vmem>>
        %dma_start3A_200 = arith.constant 0 : i32
        %dma_start3A_201 = arith.constant 0 : i32
        %dma_start3A_202 = tpu.memref_slice %arg11[%dma_start3A_200, %dma_start3A_201] : memref<10000x128xf32, #tpu.memory_space<vmem_shared>> -> memref<10000x128xf32, #tpu.memory_space<vmem_shared>>
        tpu.enqueue_indirect_dma source(%arg9 : memref<128x128xf32, #tpu.memory_space<vmem>>) target(%dma_start3A_202 : memref<10000x128xf32, #tpu.memory_space<vmem_shared>>) offsets(%dma_start3A_199 : memref<128xi32, #tpu.memory_space<vmem>>) semaphore(%run_scoped3A_196 : memref<!tpu.dma_semaphore, #tpu.memory_space<semaphore_mem>>) {add = true}
        %dma_wait3A_203 = arith.constant 0 : i32
        %dma_wait3A_204 = tpu.memref_slice %arg7[%add3A_186, %dma_wait3A_203] : memref<40x128xi32, #tpu.memory_space<vmem>> -> memref<1x128xi32, #tpu.memory_space<vmem>>
        %dma_wait3A_205 = tpu.memref_squeeze %dma_wait3A_204 : memref<1x128xi32, #tpu.memory_space<vmem>> -> memref<128xi32, #tpu.memory_space<vmem>>
        %dma_wait3A_206 = arith.constant 0 : i32
        %dma_wait3A_207 = arith.constant 0 : i32
        %dma_wait3A_208 = tpu.memref_slice %arg11[%dma_wait3A_206, %dma_wait3A_207] : memref<10000x128xf32, #tpu.memory_space<vmem_shared>> -> memref<10000x128xf32, #tpu.memory_space<vmem_shared>>
        tpu.wait_indirect_dma semaphore(%run_scoped3A_196 : memref<!tpu.dma_semaphore, #tpu.memory_space<semaphore_mem>>) src(%arg9 : memref<128x128xf32, #tpu.memory_space<vmem>>) dst(%dma_wait3A_208 : memref<10000x128xf32, #tpu.memory_space<vmem_shared>>)
        tpu.yield
      }) : () -> ()
      %add3A_187 = arith.constant 3 : i32
      %add3A_188 = arith.addi %mul3A_162, %add3A_187 : i32
      %dma_start3A_189 = arith.constant 0 : i32
      %dma_start3A_190 = tpu.memref_slice %arg6[%add3A_188, %dma_start3A_189] : memref<40x128xi32, #tpu.memory_space<vmem>> -> memref<1x128xi32, #tpu.memory_space<vmem>>
      %dma_start3A_191 = tpu.memref_squeeze %dma_start3A_190 : memref<1x128xi32, #tpu.memory_space<vmem>> -> memref<128xi32, #tpu.memory_space<vmem>>
      %dma_start3A_192 = arith.constant 0 : i32
      %dma_start3A_193 = arith.constant 0 : i32
      %dma_start3A_194 = tpu.memref_slice %arg2[%dma_start3A_192, %dma_start3A_193] : memref<10008x128xf32, #tpu.memory_space<hbm>> -> memref<10008x128xf32, #tpu.memory_space<hbm>>
      tpu.enqueue_indirect_dma source(%dma_start3A_194 : memref<10008x128xf32, #tpu.memory_space<hbm>>) target(%arg9 : memref<128x128xf32, #tpu.memory_space<vmem>>) offsets(%dma_start3A_191 : memref<128xi32, #tpu.memory_space<vmem>>) semaphore(%arg13 : memref<!tpu.dma_semaphore, #tpu.memory_space<semaphore_mem>>)
      %scan3A_195 = arith.constant 0 : i32
      scf.yield %scan3A_195 : i32
    }
    %scan3A_89 = arith.constant 19 : i32
    %dma_wait3A = arith.constant 38 : i32
    %dma_wait3A_90 = arith.constant 0 : i32
    %dma_wait3A_91 = tpu.memref_slice %arg6[%dma_wait3A, %dma_wait3A_90] : memref<40x128xi32, #tpu.memory_space<vmem>> -> memref<1x128xi32, #tpu.memory_space<vmem>>
    %dma_wait3A_92 = tpu.memref_squeeze %dma_wait3A_91 : memref<1x128xi32, #tpu.memory_space<vmem>> -> memref<128xi32, #tpu.memory_space<vmem>>
    %dma_wait3A_93 = arith.constant 0 : i32
    %dma_wait3A_94 = arith.constant 0 : i32
    %dma_wait3A_95 = tpu.memref_slice %arg2[%dma_wait3A_93, %dma_wait3A_94] : memref<10008x128xf32, #tpu.memory_space<hbm>> -> memref<10008x128xf32, #tpu.memory_space<hbm>>
    tpu.wait_indirect_dma semaphore(%arg12 : memref<!tpu.dma_semaphore, #tpu.memory_space<semaphore_mem>>) src(%dma_wait3A_95 : memref<10008x128xf32, #tpu.memory_space<hbm>>) dst(%arg8 : memref<128x128xf32, #tpu.memory_space<vmem>>)
    %run_scoped3A = arith.constant 38 : i32
    "tpu.region"() ({
      %run_scoped3A_159 = tpu.sem_alloc : memref<!tpu.dma_semaphore, #tpu.memory_space<semaphore_mem>>
      %dma_start3A_160 = arith.constant 0 : i32
      %dma_start3A_161 = tpu.memref_slice %arg7[%run_scoped3A, %dma_start3A_160] : memref<40x128xi32, #tpu.memory_space<vmem>> -> memref<1x128xi32, #tpu.memory_space<vmem>>
      %dma_start3A_162 = tpu.memref_squeeze %dma_start3A_161 : memref<1x128xi32, #tpu.memory_space<vmem>> -> memref<128xi32, #tpu.memory_space<vmem>>
      %dma_start3A_163 = arith.constant 0 : i32
      %dma_start3A_164 = arith.constant 0 : i32
      %dma_start3A_165 = tpu.memref_slice %arg11[%dma_start3A_163, %dma_start3A_164] : memref<10000x128xf32, #tpu.memory_space<vmem_shared>> -> memref<10000x128xf32, #tpu.memory_space<vmem_shared>>
      tpu.enqueue_indirect_dma source(%arg8 : memref<128x128xf32, #tpu.memory_space<vmem>>) target(%dma_start3A_165 : memref<10000x128xf32, #tpu.memory_space<vmem_shared>>) offsets(%dma_start3A_162 : memref<128xi32, #tpu.memory_space<vmem>>) semaphore(%run_scoped3A_159 : memref<!tpu.dma_semaphore, #tpu.memory_space<semaphore_mem>>) {add = true}
      %dma_wait3A_166 = arith.constant 0 : i32
      %dma_wait3A_167 = tpu.memref_slice %arg7[%run_scoped3A, %dma_wait3A_166] : memref<40x128xi32, #tpu.memory_space<vmem>> -> memref<1x128xi32, #tpu.memory_space<vmem>>
      %dma_wait3A_168 = tpu.memref_squeeze %dma_wait3A_167 : memref<1x128xi32, #tpu.memory_space<vmem>> -> memref<128xi32, #tpu.memory_space<vmem>>
      %dma_wait3A_169 = arith.constant 0 : i32
      %dma_wait3A_170 = arith.constant 0 : i32
      %dma_wait3A_171 = tpu.memref_slice %arg11[%dma_wait3A_169, %dma_wait3A_170] : memref<10000x128xf32, #tpu.memory_space<vmem_shared>> -> memref<10000x128xf32, #tpu.memory_space<vmem_shared>>
      tpu.wait_indirect_dma semaphore(%run_scoped3A_159 : memref<!tpu.dma_semaphore, #tpu.memory_space<semaphore_mem>>) src(%arg8 : memref<128x128xf32, #tpu.memory_space<vmem>>) dst(%dma_wait3A_171 : memref<10000x128xf32, #tpu.memory_space<vmem_shared>>)
      tpu.yield
    }) : () -> ()
    %dma_wait3A_96 = arith.constant 39 : i32
    %dma_wait3A_97 = arith.constant 0 : i32
    %dma_wait3A_98 = tpu.memref_slice %arg6[%dma_wait3A_96, %dma_wait3A_97] : memref<40x128xi32, #tpu.memory_space<vmem>> -> memref<1x128xi32, #tpu.memory_space<vmem>>
    %dma_wait3A_99 = tpu.memref_squeeze %dma_wait3A_98 : memref<1x128xi32, #tpu.memory_space<vmem>> -> memref<128xi32, #tpu.memory_space<vmem>>
    %dma_wait3A_100 = arith.constant 0 : i32
    %dma_wait3A_101 = arith.constant 0 : i32
    %dma_wait3A_102 = tpu.memref_slice %arg2[%dma_wait3A_100, %dma_wait3A_101] : memref<10008x128xf32, #tpu.memory_space<hbm>> -> memref<10008x128xf32, #tpu.memory_space<hbm>>
    tpu.wait_indirect_dma semaphore(%arg13 : memref<!tpu.dma_semaphore, #tpu.memory_space<semaphore_mem>>) src(%dma_wait3A_102 : memref<10008x128xf32, #tpu.memory_space<hbm>>) dst(%arg9 : memref<128x128xf32, #tpu.memory_space<vmem>>)
    %run_scoped3A_103 = arith.constant 39 : i32
    "tpu.region"() ({
      %run_scoped3A_159 = tpu.sem_alloc : memref<!tpu.dma_semaphore, #tpu.memory_space<semaphore_mem>>
      %dma_start3A_160 = arith.constant 0 : i32
      %dma_start3A_161 = tpu.memref_slice %arg7[%run_scoped3A_103, %dma_start3A_160] : memref<40x128xi32, #tpu.memory_space<vmem>> -> memref<1x128xi32, #tpu.memory_space<vmem>>
      %dma_start3A_162 = tpu.memref_squeeze %dma_start3A_161 : memref<1x128xi32, #tpu.memory_space<vmem>> -> memref<128xi32, #tpu.memory_space<vmem>>
      %dma_start3A_163 = arith.constant 0 : i32
      %dma_start3A_164 = arith.constant 0 : i32
      %dma_start3A_165 = tpu.memref_slice %arg11[%dma_start3A_163, %dma_start3A_164] : memref<10000x128xf32, #tpu.memory_space<vmem_shared>> -> memref<10000x128xf32, #tpu.memory_space<vmem_shared>>
      tpu.enqueue_indirect_dma source(%arg9 : memref<128x128xf32, #tpu.memory_space<vmem>>) target(%dma_start3A_165 : memref<10000x128xf32, #tpu.memory_space<vmem_shared>>) offsets(%dma_start3A_162 : memref<128xi32, #tpu.memory_space<vmem>>) semaphore(%run_scoped3A_159 : memref<!tpu.dma_semaphore, #tpu.memory_space<semaphore_mem>>) {add = true}
      %dma_wait3A_166 = arith.constant 0 : i32
      %dma_wait3A_167 = tpu.memref_slice %arg7[%run_scoped3A_103, %dma_wait3A_166] : memref<40x128xi32, #tpu.memory_space<vmem>> -> memref<1x128xi32, #tpu.memory_space<vmem>>
      %dma_wait3A_168 = tpu.memref_squeeze %dma_wait3A_167 : memref<1x128xi32, #tpu.memory_space<vmem>> -> memref<128xi32, #tpu.memory_space<vmem>>
      %dma_wait3A_169 = arith.constant 0 : i32
      %dma_wait3A_170 = arith.constant 0 : i32
      %dma_wait3A_171 = tpu.memref_slice %arg11[%dma_wait3A_169, %dma_wait3A_170] : memref<10000x128xf32, #tpu.memory_space<vmem_shared>> -> memref<10000x128xf32, #tpu.memory_space<vmem_shared>>
      tpu.wait_indirect_dma semaphore(%run_scoped3A_159 : memref<!tpu.dma_semaphore, #tpu.memory_space<semaphore_mem>>) src(%arg9 : memref<128x128xf32, #tpu.memory_space<vmem>>) dst(%dma_wait3A_171 : memref<10000x128xf32, #tpu.memory_space<vmem_shared>>)
      tpu.yield
    }) : () -> ()
    %mul3A_104 = arith.constant 2 : i32
    %mul3A_105 = arith.muli %add3A, %mul3A_104 : i32
    %add3A_106 = arith.constant 1 : i32
    %add3A_107 = arith.addi %mul3A_105, %add3A_106 : i32
    "tpu.region"() ({
      %run_scoped3A_159 = tpu.sem_alloc : memref<!tpu.dma_semaphore, #tpu.memory_space<semaphore_mem>>
      %dma_start3A_160 = arith.constant 0 : i32
      %dma_start3A_161 = arith.constant 0 : i32
      %dma_start3A_162 = tpu.memref_slice %arg3[%add3A_107, %dma_start3A_160, %dma_start3A_161] : memref<64x40x128xi32, #tpu.memory_space<hbm>> -> memref<1x40x128xi32, #tpu.memory_space<hbm>>
      %dma_start3A_163 = tpu.memref_squeeze %dma_start3A_162 : memref<1x40x128xi32, #tpu.memory_space<hbm>> -> memref<40x128xi32, #tpu.memory_space<hbm>>
      %dma_start3A_164 = arith.constant 0 : i32
      %dma_start3A_165 = arith.constant 0 : i32
      %dma_start3A_166 = tpu.memref_slice %arg3[%add3A_107, %dma_start3A_164, %dma_start3A_165] : memref<64x40x128xi32, #tpu.memory_space<hbm>> -> memref<1x40x128xi32, #tpu.memory_space<hbm>>
      %dma_start3A_167 = tpu.memref_squeeze %dma_start3A_166 : memref<1x40x128xi32, #tpu.memory_space<hbm>> -> memref<40x128xi32, #tpu.memory_space<hbm>>
      tpu.enqueue_dma source(%dma_start3A_167 : memref<40x128xi32, #tpu.memory_space<hbm>>) target(%arg6 : memref<40x128xi32, #tpu.memory_space<vmem>>) target_semaphore(%run_scoped3A_159 : memref<!tpu.dma_semaphore, #tpu.memory_space<semaphore_mem>>)
      %dma_wait3A_168 = arith.constant 0 : i32
      %dma_wait3A_169 = arith.constant 0 : i32
      %dma_wait3A_170 = tpu.memref_slice %arg3[%add3A_107, %dma_wait3A_168, %dma_wait3A_169] : memref<64x40x128xi32, #tpu.memory_space<hbm>> -> memref<1x40x128xi32, #tpu.memory_space<hbm>>
      %dma_wait3A_171 = tpu.memref_squeeze %dma_wait3A_170 : memref<1x40x128xi32, #tpu.memory_space<hbm>> -> memref<40x128xi32, #tpu.memory_space<hbm>>
      %dma_wait3A_172 = arith.constant 0 : i32
      %dma_wait3A_173 = arith.constant 0 : i32
      %dma_wait3A_174 = tpu.memref_slice %arg3[%add3A_107, %dma_wait3A_172, %dma_wait3A_173] : memref<64x40x128xi32, #tpu.memory_space<hbm>> -> memref<1x40x128xi32, #tpu.memory_space<hbm>>
      %dma_wait3A_175 = tpu.memref_squeeze %dma_wait3A_174 : memref<1x40x128xi32, #tpu.memory_space<hbm>> -> memref<40x128xi32, #tpu.memory_space<hbm>>
      tpu.wait_dma2 semaphore(%run_scoped3A_159 : memref<!tpu.dma_semaphore, #tpu.memory_space<semaphore_mem>>) src(%dma_wait3A_175 : memref<40x128xi32, #tpu.memory_space<hbm>>) dst(%arg6 : memref<40x128xi32, #tpu.memory_space<vmem>>)
      tpu.yield
    }) : () -> ()
    %mul3A_108 = arith.constant 2 : i32
    %mul3A_109 = arith.muli %add3A, %mul3A_108 : i32
    %add3A_110 = arith.constant 1 : i32
    %add3A_111 = arith.addi %mul3A_109, %add3A_110 : i32
    "tpu.region"() ({
      %run_scoped3A_159 = tpu.sem_alloc : memref<!tpu.dma_semaphore, #tpu.memory_space<semaphore_mem>>
      %dma_start3A_160 = arith.constant 0 : i32
      %dma_start3A_161 = arith.constant 0 : i32
      %dma_start3A_162 = tpu.memref_slice %arg4[%add3A_111, %dma_start3A_160, %dma_start3A_161] : memref<64x40x128xi32, #tpu.memory_space<hbm>> -> memref<1x40x128xi32, #tpu.memory_space<hbm>>
      %dma_start3A_163 = tpu.memref_squeeze %dma_start3A_162 : memref<1x40x128xi32, #tpu.memory_space<hbm>> -> memref<40x128xi32, #tpu.memory_space<hbm>>
      %dma_start3A_164 = arith.constant 0 : i32
      %dma_start3A_165 = arith.constant 0 : i32
      %dma_start3A_166 = tpu.memref_slice %arg4[%add3A_111, %dma_start3A_164, %dma_start3A_165] : memref<64x40x128xi32, #tpu.memory_space<hbm>> -> memref<1x40x128xi32, #tpu.memory_space<hbm>>
      %dma_start3A_167 = tpu.memref_squeeze %dma_start3A_166 : memref<1x40x128xi32, #tpu.memory_space<hbm>> -> memref<40x128xi32, #tpu.memory_space<hbm>>
      tpu.enqueue_dma source(%dma_start3A_167 : memref<40x128xi32, #tpu.memory_space<hbm>>) target(%arg7 : memref<40x128xi32, #tpu.memory_space<vmem>>) target_semaphore(%run_scoped3A_159 : memref<!tpu.dma_semaphore, #tpu.memory_space<semaphore_mem>>)
      %dma_wait3A_168 = arith.constant 0 : i32
      %dma_wait3A_169 = arith.constant 0 : i32
      %dma_wait3A_170 = tpu.memref_slice %arg4[%add3A_111, %dma_wait3A_168, %dma_wait3A_169] : memref<64x40x128xi32, #tpu.memory_space<hbm>> -> memref<1x40x128xi32, #tpu.memory_space<hbm>>
      %dma_wait3A_171 = tpu.memref_squeeze %dma_wait3A_170 : memref<1x40x128xi32, #tpu.memory_space<hbm>> -> memref<40x128xi32, #tpu.memory_space<hbm>>
      %dma_wait3A_172 = arith.constant 0 : i32
      %dma_wait3A_173 = arith.constant 0 : i32
      %dma_wait3A_174 = tpu.memref_slice %arg4[%add3A_111, %dma_wait3A_172, %dma_wait3A_173] : memref<64x40x128xi32, #tpu.memory_space<hbm>> -> memref<1x40x128xi32, #tpu.memory_space<hbm>>
      %dma_wait3A_175 = tpu.memref_squeeze %dma_wait3A_174 : memref<1x40x128xi32, #tpu.memory_space<hbm>> -> memref<40x128xi32, #tpu.memory_space<hbm>>
      tpu.wait_dma2 semaphore(%run_scoped3A_159 : memref<!tpu.dma_semaphore, #tpu.memory_space<semaphore_mem>>) src(%dma_wait3A_175 : memref<40x128xi32, #tpu.memory_space<hbm>>) dst(%arg7 : memref<40x128xi32, #tpu.memory_space<vmem>>)
      tpu.yield
    }) : () -> ()
    %dma_start3A_112 = arith.constant 0 : i32
    %dma_start3A_113 = arith.constant 0 : i32
    %dma_start3A_114 = tpu.memref_slice %arg6[%dma_start3A_112, %dma_start3A_113] : memref<40x128xi32, #tpu.memory_space<vmem>> -> memref<1x128xi32, #tpu.memory_space<vmem>>
    %dma_start3A_115 = tpu.memref_squeeze %dma_start3A_114 : memref<1x128xi32, #tpu.memory_space<vmem>> -> memref<128xi32, #tpu.memory_space<vmem>>
    %dma_start3A_116 = arith.constant 0 : i32
    %dma_start3A_117 = arith.constant 0 : i32
    %dma_start3A_118 = tpu.memref_slice %arg2[%dma_start3A_116, %dma_start3A_117] : memref<10008x128xf32, #tpu.memory_space<hbm>> -> memref<10008x128xf32, #tpu.memory_space<hbm>>
    tpu.enqueue_indirect_dma source(%dma_start3A_118 : memref<10008x128xf32, #tpu.memory_space<hbm>>) target(%arg8 : memref<128x128xf32, #tpu.memory_space<vmem>>) offsets(%dma_start3A_115 : memref<128xi32, #tpu.memory_space<vmem>>) semaphore(%arg12 : memref<!tpu.dma_semaphore, #tpu.memory_space<semaphore_mem>>)
    %dma_start3A_119 = arith.constant 1 : i32
    %dma_start3A_120 = arith.constant 0 : i32
    %dma_start3A_121 = tpu.memref_slice %arg6[%dma_start3A_119, %dma_start3A_120] : memref<40x128xi32, #tpu.memory_space<vmem>> -> memref<1x128xi32, #tpu.memory_space<vmem>>
    %dma_start3A_122 = tpu.memref_squeeze %dma_start3A_121 : memref<1x128xi32, #tpu.memory_space<vmem>> -> memref<128xi32, #tpu.memory_space<vmem>>
    %dma_start3A_123 = arith.constant 0 : i32
    %dma_start3A_124 = arith.constant 0 : i32
    %dma_start3A_125 = tpu.memref_slice %arg2[%dma_start3A_123, %dma_start3A_124] : memref<10008x128xf32, #tpu.memory_space<hbm>> -> memref<10008x128xf32, #tpu.memory_space<hbm>>
    tpu.enqueue_indirect_dma source(%dma_start3A_125 : memref<10008x128xf32, #tpu.memory_space<hbm>>) target(%arg9 : memref<128x128xf32, #tpu.memory_space<vmem>>) offsets(%dma_start3A_122 : memref<128xi32, #tpu.memory_space<vmem>>) semaphore(%arg13 : memref<!tpu.dma_semaphore, #tpu.memory_space<semaphore_mem>>)
    %scan3A_126 = arith.constant 0 : i32
    %scan3A_127 = arith.constant 0 : i32
    %scan3A_128 = arith.constant 19 : i32
    %scan3A_129 = arith.addi %scan3A_127, %scan3A_128 : i32
    %scan3A_130 = arith.constant 1 : i32
    %scan3A_131 = scf.for %scan3A_159 = %scan3A_127 to %scan3A_129 step %scan3A_130 iter_args(%scan3A_160 = %scan3A_126) -> (i32)  : i32 {
      %mul3A_161 = arith.constant 2 : i32
      %mul3A_162 = arith.muli %mul3A_161, %scan3A_159 : i32
      %dma_wait3A_163 = arith.constant 0 : i32
      %dma_wait3A_164 = tpu.memref_slice %arg6[%mul3A_162, %dma_wait3A_163] : memref<40x128xi32, #tpu.memory_space<vmem>> -> memref<1x128xi32, #tpu.memory_space<vmem>>
      %dma_wait3A_165 = tpu.memref_squeeze %dma_wait3A_164 : memref<1x128xi32, #tpu.memory_space<vmem>> -> memref<128xi32, #tpu.memory_space<vmem>>
      %dma_wait3A_166 = arith.constant 0 : i32
      %dma_wait3A_167 = arith.constant 0 : i32
      %dma_wait3A_168 = tpu.memref_slice %arg2[%dma_wait3A_166, %dma_wait3A_167] : memref<10008x128xf32, #tpu.memory_space<hbm>> -> memref<10008x128xf32, #tpu.memory_space<hbm>>
      tpu.wait_indirect_dma semaphore(%arg12 : memref<!tpu.dma_semaphore, #tpu.memory_space<semaphore_mem>>) src(%dma_wait3A_168 : memref<10008x128xf32, #tpu.memory_space<hbm>>) dst(%arg8 : memref<128x128xf32, #tpu.memory_space<vmem>>)
      "tpu.region"() ({
        %run_scoped3A_196 = tpu.sem_alloc : memref<!tpu.dma_semaphore, #tpu.memory_space<semaphore_mem>>
        %dma_start3A_197 = arith.constant 0 : i32
        %dma_start3A_198 = tpu.memref_slice %arg7[%mul3A_162, %dma_start3A_197] : memref<40x128xi32, #tpu.memory_space<vmem>> -> memref<1x128xi32, #tpu.memory_space<vmem>>
        %dma_start3A_199 = tpu.memref_squeeze %dma_start3A_198 : memref<1x128xi32, #tpu.memory_space<vmem>> -> memref<128xi32, #tpu.memory_space<vmem>>
        %dma_start3A_200 = arith.constant 0 : i32
        %dma_start3A_201 = arith.constant 0 : i32
        %dma_start3A_202 = tpu.memref_slice %arg11[%dma_start3A_200, %dma_start3A_201] : memref<10000x128xf32, #tpu.memory_space<vmem_shared>> -> memref<10000x128xf32, #tpu.memory_space<vmem_shared>>
        tpu.enqueue_indirect_dma source(%arg8 : memref<128x128xf32, #tpu.memory_space<vmem>>) target(%dma_start3A_202 : memref<10000x128xf32, #tpu.memory_space<vmem_shared>>) offsets(%dma_start3A_199 : memref<128xi32, #tpu.memory_space<vmem>>) semaphore(%run_scoped3A_196 : memref<!tpu.dma_semaphore, #tpu.memory_space<semaphore_mem>>) {add = true}
        %dma_wait3A_203 = arith.constant 0 : i32
        %dma_wait3A_204 = tpu.memref_slice %arg7[%mul3A_162, %dma_wait3A_203] : memref<40x128xi32, #tpu.memory_space<vmem>> -> memref<1x128xi32, #tpu.memory_space<vmem>>
        %dma_wait3A_205 = tpu.memref_squeeze %dma_wait3A_204 : memref<1x128xi32, #tpu.memory_space<vmem>> -> memref<128xi32, #tpu.memory_space<vmem>>
        %dma_wait3A_206 = arith.constant 0 : i32
        %dma_wait3A_207 = arith.constant 0 : i32
        %dma_wait3A_208 = tpu.memref_slice %arg11[%dma_wait3A_206, %dma_wait3A_207] : memref<10000x128xf32, #tpu.memory_space<vmem_shared>> -> memref<10000x128xf32, #tpu.memory_space<vmem_shared>>
        tpu.wait_indirect_dma semaphore(%run_scoped3A_196 : memref<!tpu.dma_semaphore, #tpu.memory_space<semaphore_mem>>) src(%arg8 : memref<128x128xf32, #tpu.memory_space<vmem>>) dst(%dma_wait3A_208 : memref<10000x128xf32, #tpu.memory_space<vmem_shared>>)
        tpu.yield
      }) : () -> ()
      %add3A_169 = arith.constant 2 : i32
      %add3A_170 = arith.addi %mul3A_162, %add3A_169 : i32
      %dma_start3A_171 = arith.constant 0 : i32
      %dma_start3A_172 = tpu.memref_slice %arg6[%add3A_170, %dma_start3A_171] : memref<40x128xi32, #tpu.memory_space<vmem>> -> memref<1x128xi32, #tpu.memory_space<vmem>>
      %dma_start3A_173 = tpu.memref_squeeze %dma_start3A_172 : memref<1x128xi32, #tpu.memory_space<vmem>> -> memref<128xi32, #tpu.memory_space<vmem>>
      %dma_start3A_174 = arith.constant 0 : i32
      %dma_start3A_175 = arith.constant 0 : i32
      %dma_start3A_176 = tpu.memref_slice %arg2[%dma_start3A_174, %dma_start3A_175] : memref<10008x128xf32, #tpu.memory_space<hbm>> -> memref<10008x128xf32, #tpu.memory_space<hbm>>
      tpu.enqueue_indirect_dma source(%dma_start3A_176 : memref<10008x128xf32, #tpu.memory_space<hbm>>) target(%arg8 : memref<128x128xf32, #tpu.memory_space<vmem>>) offsets(%dma_start3A_173 : memref<128xi32, #tpu.memory_space<vmem>>) semaphore(%arg12 : memref<!tpu.dma_semaphore, #tpu.memory_space<semaphore_mem>>)
      %add3A_177 = arith.constant 1 : i32
      %add3A_178 = arith.addi %mul3A_162, %add3A_177 : i32
      %dma_wait3A_179 = arith.constant 0 : i32
      %dma_wait3A_180 = tpu.memref_slice %arg6[%add3A_178, %dma_wait3A_179] : memref<40x128xi32, #tpu.memory_space<vmem>> -> memref<1x128xi32, #tpu.memory_space<vmem>>
      %dma_wait3A_181 = tpu.memref_squeeze %dma_wait3A_180 : memref<1x128xi32, #tpu.memory_space<vmem>> -> memref<128xi32, #tpu.memory_space<vmem>>
      %dma_wait3A_182 = arith.constant 0 : i32
      %dma_wait3A_183 = arith.constant 0 : i32
      %dma_wait3A_184 = tpu.memref_slice %arg2[%dma_wait3A_182, %dma_wait3A_183] : memref<10008x128xf32, #tpu.memory_space<hbm>> -> memref<10008x128xf32, #tpu.memory_space<hbm>>
      tpu.wait_indirect_dma semaphore(%arg13 : memref<!tpu.dma_semaphore, #tpu.memory_space<semaphore_mem>>) src(%dma_wait3A_184 : memref<10008x128xf32, #tpu.memory_space<hbm>>) dst(%arg9 : memref<128x128xf32, #tpu.memory_space<vmem>>)
      %add3A_185 = arith.constant 1 : i32
      %add3A_186 = arith.addi %mul3A_162, %add3A_185 : i32
      "tpu.region"() ({
        %run_scoped3A_196 = tpu.sem_alloc : memref<!tpu.dma_semaphore, #tpu.memory_space<semaphore_mem>>
        %dma_start3A_197 = arith.constant 0 : i32
        %dma_start3A_198 = tpu.memref_slice %arg7[%add3A_186, %dma_start3A_197] : memref<40x128xi32, #tpu.memory_space<vmem>> -> memref<1x128xi32, #tpu.memory_space<vmem>>
        %dma_start3A_199 = tpu.memref_squeeze %dma_start3A_198 : memref<1x128xi32, #tpu.memory_space<vmem>> -> memref<128xi32, #tpu.memory_space<vmem>>
        %dma_start3A_200 = arith.constant 0 : i32
        %dma_start3A_201 = arith.constant 0 : i32
        %dma_start3A_202 = tpu.memref_slice %arg11[%dma_start3A_200, %dma_start3A_201] : memref<10000x128xf32, #tpu.memory_space<vmem_shared>> -> memref<10000x128xf32, #tpu.memory_space<vmem_shared>>
        tpu.enqueue_indirect_dma source(%arg9 : memref<128x128xf32, #tpu.memory_space<vmem>>) target(%dma_start3A_202 : memref<10000x128xf32, #tpu.memory_space<vmem_shared>>) offsets(%dma_start3A_199 : memref<128xi32, #tpu.memory_space<vmem>>) semaphore(%run_scoped3A_196 : memref<!tpu.dma_semaphore, #tpu.memory_space<semaphore_mem>>) {add = true}
        %dma_wait3A_203 = arith.constant 0 : i32
        %dma_wait3A_204 = tpu.memref_slice %arg7[%add3A_186, %dma_wait3A_203] : memref<40x128xi32, #tpu.memory_space<vmem>> -> memref<1x128xi32, #tpu.memory_space<vmem>>
        %dma_wait3A_205 = tpu.memref_squeeze %dma_wait3A_204 : memref<1x128xi32, #tpu.memory_space<vmem>> -> memref<128xi32, #tpu.memory_space<vmem>>
        %dma_wait3A_206 = arith.constant 0 : i32
        %dma_wait3A_207 = arith.constant 0 : i32
        %dma_wait3A_208 = tpu.memref_slice %arg11[%dma_wait3A_206, %dma_wait3A_207] : memref<10000x128xf32, #tpu.memory_space<vmem_shared>> -> memref<10000x128xf32, #tpu.memory_space<vmem_shared>>
        tpu.wait_indirect_dma semaphore(%run_scoped3A_196 : memref<!tpu.dma_semaphore, #tpu.memory_space<semaphore_mem>>) src(%arg9 : memref<128x128xf32, #tpu.memory_space<vmem>>) dst(%dma_wait3A_208 : memref<10000x128xf32, #tpu.memory_space<vmem_shared>>)
        tpu.yield
      }) : () -> ()
      %add3A_187 = arith.constant 3 : i32
      %add3A_188 = arith.addi %mul3A_162, %add3A_187 : i32
      %dma_start3A_189 = arith.constant 0 : i32
      %dma_start3A_190 = tpu.memref_slice %arg6[%add3A_188, %dma_start3A_189] : memref<40x128xi32, #tpu.memory_space<vmem>> -> memref<1x128xi32, #tpu.memory_space<vmem>>
      %dma_start3A_191 = tpu.memref_squeeze %dma_start3A_190 : memref<1x128xi32, #tpu.memory_space<vmem>> -> memref<128xi32, #tpu.memory_space<vmem>>
      %dma_start3A_192 = arith.constant 0 : i32
      %dma_start3A_193 = arith.constant 0 : i32
      %dma_start3A_194 = tpu.memref_slice %arg2[%dma_start3A_192, %dma_start3A_193] : memref<10008x128xf32, #tpu.memory_space<hbm>> -> memref<10008x128xf32, #tpu.memory_space<hbm>>
      tpu.enqueue_indirect_dma source(%dma_start3A_194 : memref<10008x128xf32, #tpu.memory_space<hbm>>) target(%arg9 : memref<128x128xf32, #tpu.memory_space<vmem>>) offsets(%dma_start3A_191 : memref<128xi32, #tpu.memory_space<vmem>>) semaphore(%arg13 : memref<!tpu.dma_semaphore, #tpu.memory_space<semaphore_mem>>)
      %scan3A_195 = arith.constant 0 : i32
      scf.yield %scan3A_195 : i32
    }
    %scan3A_132 = arith.constant 19 : i32
    %dma_wait3A_133 = arith.constant 38 : i32
    %dma_wait3A_134 = arith.constant 0 : i32
    %dma_wait3A_135 = tpu.memref_slice %arg6[%dma_wait3A_133, %dma_wait3A_134] : memref<40x128xi32, #tpu.memory_space<vmem>> -> memref<1x128xi32, #tpu.memory_space<vmem>>
    %dma_wait3A_136 = tpu.memref_squeeze %dma_wait3A_135 : memref<1x128xi32, #tpu.memory_space<vmem>> -> memref<128xi32, #tpu.memory_space<vmem>>
    %dma_wait3A_137 = arith.constant 0 : i32
    %dma_wait3A_138 = arith.constant 0 : i32
    %dma_wait3A_139 = tpu.memref_slice %arg2[%dma_wait3A_137, %dma_wait3A_138] : memref<10008x128xf32, #tpu.memory_space<hbm>> -> memref<10008x128xf32, #tpu.memory_space<hbm>>
    tpu.wait_indirect_dma semaphore(%arg12 : memref<!tpu.dma_semaphore, #tpu.memory_space<semaphore_mem>>) src(%dma_wait3A_139 : memref<10008x128xf32, #tpu.memory_space<hbm>>) dst(%arg8 : memref<128x128xf32, #tpu.memory_space<vmem>>)
    %run_scoped3A_140 = arith.constant 38 : i32
    "tpu.region"() ({
      %run_scoped3A_159 = tpu.sem_alloc : memref<!tpu.dma_semaphore, #tpu.memory_space<semaphore_mem>>
      %dma_start3A_160 = arith.constant 0 : i32
      %dma_start3A_161 = tpu.memref_slice %arg7[%run_scoped3A_140, %dma_start3A_160] : memref<40x128xi32, #tpu.memory_space<vmem>> -> memref<1x128xi32, #tpu.memory_space<vmem>>
      %dma_start3A_162 = tpu.memref_squeeze %dma_start3A_161 : memref<1x128xi32, #tpu.memory_space<vmem>> -> memref<128xi32, #tpu.memory_space<vmem>>
      %dma_start3A_163 = arith.constant 0 : i32
      %dma_start3A_164 = arith.constant 0 : i32
      %dma_start3A_165 = tpu.memref_slice %arg11[%dma_start3A_163, %dma_start3A_164] : memref<10000x128xf32, #tpu.memory_space<vmem_shared>> -> memref<10000x128xf32, #tpu.memory_space<vmem_shared>>
      tpu.enqueue_indirect_dma source(%arg8 : memref<128x128xf32, #tpu.memory_space<vmem>>) target(%dma_start3A_165 : memref<10000x128xf32, #tpu.memory_space<vmem_shared>>) offsets(%dma_start3A_162 : memref<128xi32, #tpu.memory_space<vmem>>) semaphore(%run_scoped3A_159 : memref<!tpu.dma_semaphore, #tpu.memory_space<semaphore_mem>>) {add = true}
      %dma_wait3A_166 = arith.constant 0 : i32
      %dma_wait3A_167 = tpu.memref_slice %arg7[%run_scoped3A_140, %dma_wait3A_166] : memref<40x128xi32, #tpu.memory_space<vmem>> -> memref<1x128xi32, #tpu.memory_space<vmem>>
      %dma_wait3A_168 = tpu.memref_squeeze %dma_wait3A_167 : memref<1x128xi32, #tpu.memory_space<vmem>> -> memref<128xi32, #tpu.memory_space<vmem>>
      %dma_wait3A_169 = arith.constant 0 : i32
      %dma_wait3A_170 = arith.constant 0 : i32
      %dma_wait3A_171 = tpu.memref_slice %arg11[%dma_wait3A_169, %dma_wait3A_170] : memref<10000x128xf32, #tpu.memory_space<vmem_shared>> -> memref<10000x128xf32, #tpu.memory_space<vmem_shared>>
      tpu.wait_indirect_dma semaphore(%run_scoped3A_159 : memref<!tpu.dma_semaphore, #tpu.memory_space<semaphore_mem>>) src(%arg8 : memref<128x128xf32, #tpu.memory_space<vmem>>) dst(%dma_wait3A_171 : memref<10000x128xf32, #tpu.memory_space<vmem_shared>>)
      tpu.yield
    }) : () -> ()
    %dma_wait3A_141 = arith.constant 39 : i32
    %dma_wait3A_142 = arith.constant 0 : i32
    %dma_wait3A_143 = tpu.memref_slice %arg6[%dma_wait3A_141, %dma_wait3A_142] : memref<40x128xi32, #tpu.memory_space<vmem>> -> memref<1x128xi32, #tpu.memory_space<vmem>>
    %dma_wait3A_144 = tpu.memref_squeeze %dma_wait3A_143 : memref<1x128xi32, #tpu.memory_space<vmem>> -> memref<128xi32, #tpu.memory_space<vmem>>
    %dma_wait3A_145 = arith.constant 0 : i32
    %dma_wait3A_146 = arith.constant 0 : i32
    %dma_wait3A_147 = tpu.memref_slice %arg2[%dma_wait3A_145, %dma_wait3A_146] : memref<10008x128xf32, #tpu.memory_space<hbm>> -> memref<10008x128xf32, #tpu.memory_space<hbm>>
    tpu.wait_indirect_dma semaphore(%arg13 : memref<!tpu.dma_semaphore, #tpu.memory_space<semaphore_mem>>) src(%dma_wait3A_147 : memref<10008x128xf32, #tpu.memory_space<hbm>>) dst(%arg9 : memref<128x128xf32, #tpu.memory_space<vmem>>)
    %run_scoped3A_148 = arith.constant 39 : i32
    "tpu.region"() ({
      %run_scoped3A_159 = tpu.sem_alloc : memref<!tpu.dma_semaphore, #tpu.memory_space<semaphore_mem>>
      %dma_start3A_160 = arith.constant 0 : i32
      %dma_start3A_161 = tpu.memref_slice %arg7[%run_scoped3A_148, %dma_start3A_160] : memref<40x128xi32, #tpu.memory_space<vmem>> -> memref<1x128xi32, #tpu.memory_space<vmem>>
      %dma_start3A_162 = tpu.memref_squeeze %dma_start3A_161 : memref<1x128xi32, #tpu.memory_space<vmem>> -> memref<128xi32, #tpu.memory_space<vmem>>
      %dma_start3A_163 = arith.constant 0 : i32
      %dma_start3A_164 = arith.constant 0 : i32
      %dma_start3A_165 = tpu.memref_slice %arg11[%dma_start3A_163, %dma_start3A_164] : memref<10000x128xf32, #tpu.memory_space<vmem_shared>> -> memref<10000x128xf32, #tpu.memory_space<vmem_shared>>
      tpu.enqueue_indirect_dma source(%arg9 : memref<128x128xf32, #tpu.memory_space<vmem>>) target(%dma_start3A_165 : memref<10000x128xf32, #tpu.memory_space<vmem_shared>>) offsets(%dma_start3A_162 : memref<128xi32, #tpu.memory_space<vmem>>) semaphore(%run_scoped3A_159 : memref<!tpu.dma_semaphore, #tpu.memory_space<semaphore_mem>>) {add = true}
      %dma_wait3A_166 = arith.constant 0 : i32
      %dma_wait3A_167 = tpu.memref_slice %arg7[%run_scoped3A_148, %dma_wait3A_166] : memref<40x128xi32, #tpu.memory_space<vmem>> -> memref<1x128xi32, #tpu.memory_space<vmem>>
      %dma_wait3A_168 = tpu.memref_squeeze %dma_wait3A_167 : memref<1x128xi32, #tpu.memory_space<vmem>> -> memref<128xi32, #tpu.memory_space<vmem>>
      %dma_wait3A_169 = arith.constant 0 : i32
      %dma_wait3A_170 = arith.constant 0 : i32
      %dma_wait3A_171 = tpu.memref_slice %arg11[%dma_wait3A_169, %dma_wait3A_170] : memref<10000x128xf32, #tpu.memory_space<vmem_shared>> -> memref<10000x128xf32, #tpu.memory_space<vmem_shared>>
      tpu.wait_indirect_dma semaphore(%run_scoped3A_159 : memref<!tpu.dma_semaphore, #tpu.memory_space<semaphore_mem>>) src(%arg9 : memref<128x128xf32, #tpu.memory_space<vmem>>) dst(%dma_wait3A_171 : memref<10000x128xf32, #tpu.memory_space<vmem_shared>>)
      tpu.yield
    }) : () -> ()
    %barrier3A_149 = arith.constant 0 : index
    tpu.barrier barrier_id(%barrier3A_149)
    %mul3A_150 = arith.constant 624 : i32
    %mul3A_151 = arith.muli %arg1, %mul3A_150 : i32
    %mul3A_152 = arith.constant 624 : i32
    %mul3A_153 = arith.muli %arg1, %mul3A_152 : i32
    "tpu.region"() ({
      %run_scoped3A_159 = tpu.sem_alloc : memref<!tpu.dma_semaphore, #tpu.memory_space<semaphore_mem>>
      %dma_start3A_160 = arith.constant 0 : i32
      %dma_start3A_161 = tpu.memref_slice %arg5[%arg0, %mul3A_153, %dma_start3A_160] : memref<2x10000x128xf32, #tpu.memory_space<hbm>> -> memref<1x624x128xf32, #tpu.memory_space<hbm>>
      %dma_start3A_162 = tpu.memref_squeeze %dma_start3A_161 : memref<1x624x128xf32, #tpu.memory_space<hbm>> -> memref<624x128xf32, #tpu.memory_space<hbm>>
      %dma_start3A_163 = arith.constant 0 : i32
      %dma_start3A_164 = tpu.memref_slice %arg11[%mul3A_151, %dma_start3A_163] : memref<10000x128xf32, #tpu.memory_space<vmem_shared>> -> memref<624x128xf32, #tpu.memory_space<vmem_shared>>
      tpu.enqueue_dma source(%dma_start3A_164 : memref<624x128xf32, #tpu.memory_space<vmem_shared>>) target(%dma_start3A_162 : memref<624x128xf32, #tpu.memory_space<hbm>>) target_semaphore(%run_scoped3A_159 : memref<!tpu.dma_semaphore, #tpu.memory_space<semaphore_mem>>)
      %dma_wait3A_165 = arith.constant 0 : i32
      %dma_wait3A_166 = tpu.memref_slice %arg5[%arg0, %mul3A_153, %dma_wait3A_165] : memref<2x10000x128xf32, #tpu.memory_space<hbm>> -> memref<1x624x128xf32, #tpu.memory_space<hbm>>
      %dma_wait3A_167 = tpu.memref_squeeze %dma_wait3A_166 : memref<1x624x128xf32, #tpu.memory_space<hbm>> -> memref<624x128xf32, #tpu.memory_space<hbm>>
      %dma_wait3A_168 = arith.constant 0 : i32
      %dma_wait3A_169 = tpu.memref_slice %arg11[%mul3A_151, %dma_wait3A_168] : memref<10000x128xf32, #tpu.memory_space<vmem_shared>> -> memref<624x128xf32, #tpu.memory_space<vmem_shared>>
      tpu.wait_dma2 semaphore(%run_scoped3A_159 : memref<!tpu.dma_semaphore, #tpu.memory_space<semaphore_mem>>) src(%dma_wait3A_169 : memref<624x128xf32, #tpu.memory_space<vmem_shared>>) dst(%dma_wait3A_167 : memref<624x128xf32, #tpu.memory_space<hbm>>)
      tpu.yield
    }) : () -> ()
    %eq3A_154 = arith.constant 0 : i32
    %eq3A_155 = arith.cmpi eq, %arg1, %eq3A_154 : i32
    %convert_element_type3A_156 = arith.extui %eq3A_155 : i1 to i32
    %cond3A_157 = arith.constant 0 : i32
    %cond3A_158 = arith.cmpi ne, %convert_element_type3A_156, %cond3A_157 : i32
    scf.if %cond3A_158 {
      "tpu.region"() ({
        %run_scoped3A_159 = tpu.sem_alloc : memref<!tpu.dma_semaphore, #tpu.memory_space<semaphore_mem>>
        %dma_start3A_160 = arith.constant 9984 : i32
        %dma_start3A_161 = arith.constant 0 : i32
        %dma_start3A_162 = tpu.memref_slice %arg5[%arg0, %dma_start3A_160, %dma_start3A_161] : memref<2x10000x128xf32, #tpu.memory_space<hbm>> -> memref<1x16x128xf32, #tpu.memory_space<hbm>>
        %dma_start3A_163 = tpu.memref_squeeze %dma_start3A_162 : memref<1x16x128xf32, #tpu.memory_space<hbm>> -> memref<16x128xf32, #tpu.memory_space<hbm>>
        %dma_start3A_164 = arith.constant 9984 : i32
        %dma_start3A_165 = arith.constant 0 : i32
        %dma_start3A_166 = tpu.memref_slice %arg11[%dma_start3A_164, %dma_start3A_165] : memref<10000x128xf32, #tpu.memory_space<vmem_shared>> -> memref<16x128xf32, #tpu.memory_space<vmem_shared>>
        tpu.enqueue_dma source(%dma_start3A_166 : memref<16x128xf32, #tpu.memory_space<vmem_shared>>) target(%dma_start3A_163 : memref<16x128xf32, #tpu.memory_space<hbm>>) target_semaphore(%run_scoped3A_159 : memref<!tpu.dma_semaphore, #tpu.memory_space<semaphore_mem>>)
        %dma_wait3A_167 = arith.constant 9984 : i32
        %dma_wait3A_168 = arith.constant 0 : i32
        %dma_wait3A_169 = tpu.memref_slice %arg5[%arg0, %dma_wait3A_167, %dma_wait3A_168] : memref<2x10000x128xf32, #tpu.memory_space<hbm>> -> memref<1x16x128xf32, #tpu.memory_space<hbm>>
        %dma_wait3A_170 = tpu.memref_squeeze %dma_wait3A_169 : memref<1x16x128xf32, #tpu.memory_space<hbm>> -> memref<16x128xf32, #tpu.memory_space<hbm>>
        %dma_wait3A_171 = arith.constant 9984 : i32
        %dma_wait3A_172 = arith.constant 0 : i32
        %dma_wait3A_173 = tpu.memref_slice %arg11[%dma_wait3A_171, %dma_wait3A_172] : memref<10000x128xf32, #tpu.memory_space<vmem_shared>> -> memref<16x128xf32, #tpu.memory_space<vmem_shared>>
        tpu.wait_dma2 semaphore(%run_scoped3A_159 : memref<!tpu.dma_semaphore, #tpu.memory_space<semaphore_mem>>) src(%dma_wait3A_173 : memref<16x128xf32, #tpu.memory_space<vmem_shared>>) dst(%dma_wait3A_170 : memref<16x128xf32, #tpu.memory_space<hbm>>)
        tpu.yield
      }) : () -> ()
    } else {
    }
    return
  }
}

#map = affine_map<(d0, d1) -> (0, 0, 0)>
module attributes {stable_mosaic.version = 14 : i64} {
  func.func @_sc_count(%arg0: i32, %arg1: i32, %arg2: memref<32x79x128xi32, #tpu.memory_space<hbm>>, %arg3: memref<2x10000x128xf32, #tpu.memory_space<hbm>>, %arg4: memref<79x128xi32, #tpu.memory_space<vmem>>, %arg5: memref<128x128xf32, #tpu.memory_space<vmem>>, %arg6: memref<48x128xf32, #tpu.memory_space<vmem>>, %arg7: memref<10016x128xf32, #tpu.memory_space<vmem_shared>>) attributes {dimension_semantics = [#tpu.dimension_semantics<core_parallel>, #tpu.dimension_semantics<subcore_parallel>], iteration_bounds = array<i64: 2, 16>, scalar_prefetch = 0 : i64, scratch_operands = 4 : i64, tpu.core_type = #tpu.core_type<sc_vector_subcore>, window_params = [{transform_indices = #map}, {transform_indices = #map}]} {
    %mul3A = arith.constant 2 : i32
    %mul3A_0 = arith.muli %arg1, %mul3A : i32
    %add3A = arith.addi %mul3A_0, %arg0 : i32
    %broadcast_in_dim3A = arith.constant 0.000000e+00 : f32
    %broadcast_in_dim3A_1 = vector.broadcast %broadcast_in_dim3A : f32 to vector<16xf32>
    %broadcast_in_dim3A_2 = arith.constant 1.000000e+00 : f32
    %broadcast_in_dim3A_3 = vector.broadcast %broadcast_in_dim3A_2 : f32 to vector<16xf32>
    %scan3A = arith.constant 0 : i32
    %scan3A_4 = arith.constant 0 : i32
    %scan3A_5 = arith.constant 384 : i32
    %scan3A_6 = arith.addi %scan3A_4, %scan3A_5 : i32
    %scan3A_7 = arith.constant 1 : i32
    %scan3A_8 = scf.for %scan3A_88 = %scan3A_4 to %scan3A_6 step %scan3A_7 iter_args(%scan3A_89 = %scan3A) -> (i32)  : i32 {
      %jit3A = arith.constant 8 : i32
      %div3A = arith.divsi %scan3A_88, %jit3A : i32
      %sign3A = arith.constant 0 : i32
      %sign3A_90 = arith.cmpi sgt, %scan3A_88, %sign3A : i32
      %sign3A_91 = arith.extui %sign3A_90 : i1 to i32
      %sign3A_92 = arith.constant 0 : i32
      %sign3A_93 = arith.cmpi slt, %scan3A_88, %sign3A_92 : i32
      %sign3A_94 = arith.extui %sign3A_93 : i1 to i32
      %sign3A_95 = arith.subi %sign3A_91, %sign3A_94 : i32
      %sign3A_96 = arith.constant 0 : i32
      %sign3A_97 = arith.cmpi sgt, %jit3A, %sign3A_96 : i32
      %sign3A_98 = arith.extui %sign3A_97 : i1 to i32
      %sign3A_99 = arith.constant 0 : i32
      %sign3A_100 = arith.cmpi slt, %jit3A, %sign3A_99 : i32
      %sign3A_101 = arith.extui %sign3A_100 : i1 to i32
      %sign3A_102 = arith.subi %sign3A_98, %sign3A_101 : i32
      %ne3A = arith.cmpi ne, %sign3A_95, %sign3A_102 : i32
      %rem3A = arith.remsi %scan3A_88, %jit3A : i32
      %ne3A_103 = arith.constant 0 : i32
      %ne3A_104 = arith.cmpi ne, %rem3A, %ne3A_103 : i32
      %and3A = arith.andi %ne3A, %ne3A_104 : i1
      %sub3A = arith.constant 1 : i32
      %sub3A_105 = arith.subi %div3A, %sub3A : i32
      %select_n3A = arith.select %and3A, %sub3A_105, %div3A : i32
      %jit3A_106 = arith.constant 8 : i32
      %eq3A_107 = arith.constant 0 : i32
      %eq3A_108 = arith.cmpi eq, %jit3A_106, %eq3A_107 : i32
      %jit3A_109 = arith.constant 1 : i32
      %select_n3A_110 = arith.select %eq3A_108, %jit3A_109, %jit3A_106 : i32
      %rem3A_111 = arith.remsi %scan3A_88, %select_n3A_110 : i32
      %ne3A_112 = arith.constant 0 : i32
      %ne3A_113 = arith.cmpi ne, %rem3A_111, %ne3A_112 : i32
      %lt3A = arith.constant 0 : i32
      %lt3A_114 = arith.cmpi slt, %rem3A_111, %lt3A : i32
      %lt3A_115 = arith.constant 0 : i32
      %lt3A_116 = arith.cmpi slt, %select_n3A_110, %lt3A_115 : i32
      %ne3A_117 = arith.xori %lt3A_114, %lt3A_116 : i1
      %and3A_118 = arith.andi %ne3A_117, %ne3A_113 : i1
      %add3A_119 = arith.addi %rem3A_111, %select_n3A_110 : i32
      %select_n3A_120 = arith.select %and3A_118, %add3A_119, %rem3A_111 : i32
      %mul3A_121 = arith.constant 16 : i32
      %mul3A_122 = arith.muli %select_n3A_120, %mul3A_121 : i32
      %swap3A = arith.index_cast %select_n3A : i32 to index
      %swap3A_123 = arith.index_cast %mul3A_122 : i32 to index
      %swap3A_124 = tpu.vector_load %arg6[%swap3A, %swap3A_123] {strides = array<i32>} : memref<48x128xf32, #tpu.memory_space<vmem>>, vector<1x16xf32>,
      %swap3A_125 = vector.shape_cast %swap3A_124 : vector<1x16xf32> to vector<16xf32>
      %swap3A_126 = vector.shape_cast %broadcast_in_dim3A_1 : vector<16xf32> to vector<1x16xf32>
      tpu.vector_store %arg6[%swap3A, %swap3A_123], %swap3A_126 {strides = array<i32>} : memref<48x128xf32, #tpu.memory_space<vmem>>, vector<1x16xf32>,
      %scan3A_127 = arith.constant 0 : i32
      scf.yield %scan3A_127 : i32
    }
    %scan3A_9 = arith.constant 384 : i32
    %scan3A_10 = arith.constant 0 : i32
    %scan3A_11 = arith.constant 0 : i32
    %scan3A_12 = arith.constant 1024 : i32
    %scan3A_13 = arith.addi %scan3A_11, %scan3A_12 : i32
    %scan3A_14 = arith.constant 1 : i32
    %scan3A_15 = scf.for %scan3A_88 = %scan3A_11 to %scan3A_13 step %scan3A_14 iter_args(%scan3A_89 = %scan3A_10) -> (i32)  : i32 {
      %jit3A = arith.constant 8 : i32
      %div3A = arith.divsi %scan3A_88, %jit3A : i32
      %sign3A = arith.constant 0 : i32
      %sign3A_90 = arith.cmpi sgt, %scan3A_88, %sign3A : i32
      %sign3A_91 = arith.extui %sign3A_90 : i1 to i32
      %sign3A_92 = arith.constant 0 : i32
      %sign3A_93 = arith.cmpi slt, %scan3A_88, %sign3A_92 : i32
      %sign3A_94 = arith.extui %sign3A_93 : i1 to i32
      %sign3A_95 = arith.subi %sign3A_91, %sign3A_94 : i32
      %sign3A_96 = arith.constant 0 : i32
      %sign3A_97 = arith.cmpi sgt, %jit3A, %sign3A_96 : i32
      %sign3A_98 = arith.extui %sign3A_97 : i1 to i32
      %sign3A_99 = arith.constant 0 : i32
      %sign3A_100 = arith.cmpi slt, %jit3A, %sign3A_99 : i32
      %sign3A_101 = arith.extui %sign3A_100 : i1 to i32
      %sign3A_102 = arith.subi %sign3A_98, %sign3A_101 : i32
      %ne3A = arith.cmpi ne, %sign3A_95, %sign3A_102 : i32
      %rem3A = arith.remsi %scan3A_88, %jit3A : i32
      %ne3A_103 = arith.constant 0 : i32
      %ne3A_104 = arith.cmpi ne, %rem3A, %ne3A_103 : i32
      %and3A = arith.andi %ne3A, %ne3A_104 : i1
      %sub3A = arith.constant 1 : i32
      %sub3A_105 = arith.subi %div3A, %sub3A : i32
      %select_n3A = arith.select %and3A, %sub3A_105, %div3A : i32
      %jit3A_106 = arith.constant 8 : i32
      %eq3A_107 = arith.constant 0 : i32
      %eq3A_108 = arith.cmpi eq, %jit3A_106, %eq3A_107 : i32
      %jit3A_109 = arith.constant 1 : i32
      %select_n3A_110 = arith.select %eq3A_108, %jit3A_109, %jit3A_106 : i32
      %rem3A_111 = arith.remsi %scan3A_88, %select_n3A_110 : i32
      %ne3A_112 = arith.constant 0 : i32
      %ne3A_113 = arith.cmpi ne, %rem3A_111, %ne3A_112 : i32
      %lt3A = arith.constant 0 : i32
      %lt3A_114 = arith.cmpi slt, %rem3A_111, %lt3A : i32
      %lt3A_115 = arith.constant 0 : i32
      %lt3A_116 = arith.cmpi slt, %select_n3A_110, %lt3A_115 : i32
      %ne3A_117 = arith.xori %lt3A_114, %lt3A_116 : i1
      %and3A_118 = arith.andi %ne3A_117, %ne3A_113 : i1
      %add3A_119 = arith.addi %rem3A_111, %select_n3A_110 : i32
      %select_n3A_120 = arith.select %and3A_118, %add3A_119, %rem3A_111 : i32
      %mul3A_121 = arith.constant 16 : i32
      %mul3A_122 = arith.muli %select_n3A_120, %mul3A_121 : i32
      %swap3A = arith.index_cast %select_n3A : i32 to index
      %swap3A_123 = arith.index_cast %mul3A_122 : i32 to index
      %swap3A_124 = tpu.vector_load %arg5[%swap3A, %swap3A_123] {strides = array<i32>} : memref<128x128xf32, #tpu.memory_space<vmem>>, vector<1x16xf32>,
      %swap3A_125 = vector.shape_cast %swap3A_124 : vector<1x16xf32> to vector<16xf32>
      %swap3A_126 = vector.shape_cast %broadcast_in_dim3A_3 : vector<16xf32> to vector<1x16xf32>
      tpu.vector_store %arg5[%swap3A, %swap3A_123], %swap3A_126 {strides = array<i32>} : memref<128x128xf32, #tpu.memory_space<vmem>>, vector<1x16xf32>,
      %scan3A_127 = arith.constant 0 : i32
      scf.yield %scan3A_127 : i32
    }
    %scan3A_16 = arith.constant 1024 : i32
    %mul3A_17 = arith.constant 624 : i32
    %mul3A_18 = arith.muli %arg1, %mul3A_17 : i32
    %add3A_19 = arith.constant 0 : i32
    %add3A_20 = arith.addi %mul3A_18, %add3A_19 : i32
    "tpu.region"() ({
      %run_scoped3A = tpu.sem_alloc : memref<!tpu.dma_semaphore, #tpu.memory_space<semaphore_mem>>
      %dma_start3A = arith.constant 0 : i32
      %dma_start3A_88 = tpu.memref_slice %arg7[%add3A_20, %dma_start3A] : memref<10016x128xf32, #tpu.memory_space<vmem_shared>> -> memref<48x128xf32, #tpu.memory_space<vmem_shared>>
      %dma_start3A_89 = arith.constant 0 : i32
      %dma_start3A_90 = tpu.memref_slice %arg7[%add3A_20, %dma_start3A_89] : memref<10016x128xf32, #tpu.memory_space<vmem_shared>> -> memref<48x128xf32, #tpu.memory_space<vmem_shared>>
      tpu.enqueue_dma source(%arg6 : memref<48x128xf32, #tpu.memory_space<vmem>>) target(%dma_start3A_90 : memref<48x128xf32, #tpu.memory_space<vmem_shared>>) target_semaphore(%run_scoped3A : memref<!tpu.dma_semaphore, #tpu.memory_space<semaphore_mem>>)
      %dma_wait3A = arith.constant 0 : i32
      %dma_wait3A_91 = tpu.memref_slice %arg7[%add3A_20, %dma_wait3A] : memref<10016x128xf32, #tpu.memory_space<vmem_shared>> -> memref<48x128xf32, #tpu.memory_space<vmem_shared>>
      %dma_wait3A_92 = arith.constant 0 : i32
      %dma_wait3A_93 = tpu.memref_slice %arg7[%add3A_20, %dma_wait3A_92] : memref<10016x128xf32, #tpu.memory_space<vmem_shared>> -> memref<48x128xf32, #tpu.memory_space<vmem_shared>>
      tpu.wait_dma2 semaphore(%run_scoped3A : memref<!tpu.dma_semaphore, #tpu.memory_space<semaphore_mem>>) src(%arg6 : memref<48x128xf32, #tpu.memory_space<vmem>>) dst(%dma_wait3A_93 : memref<48x128xf32, #tpu.memory_space<vmem_shared>>)
      tpu.yield
    }) : () -> ()
    %mul3A_21 = arith.constant 624 : i32
    %mul3A_22 = arith.muli %arg1, %mul3A_21 : i32
    %add3A_23 = arith.constant 48 : i32
    %add3A_24 = arith.addi %mul3A_22, %add3A_23 : i32
    "tpu.region"() ({
      %run_scoped3A = tpu.sem_alloc : memref<!tpu.dma_semaphore, #tpu.memory_space<semaphore_mem>>
      %dma_start3A = arith.constant 0 : i32
      %dma_start3A_88 = tpu.memref_slice %arg7[%add3A_24, %dma_start3A] : memref<10016x128xf32, #tpu.memory_space<vmem_shared>> -> memref<48x128xf32, #tpu.memory_space<vmem_shared>>
      %dma_start3A_89 = arith.constant 0 : i32
      %dma_start3A_90 = tpu.memref_slice %arg7[%add3A_24, %dma_start3A_89] : memref<10016x128xf32, #tpu.memory_space<vmem_shared>> -> memref<48x128xf32, #tpu.memory_space<vmem_shared>>
      tpu.enqueue_dma source(%arg6 : memref<48x128xf32, #tpu.memory_space<vmem>>) target(%dma_start3A_90 : memref<48x128xf32, #tpu.memory_space<vmem_shared>>) target_semaphore(%run_scoped3A : memref<!tpu.dma_semaphore, #tpu.memory_space<semaphore_mem>>)
      %dma_wait3A = arith.constant 0 : i32
      %dma_wait3A_91 = tpu.memref_slice %arg7[%add3A_24, %dma_wait3A] : memref<10016x128xf32, #tpu.memory_space<vmem_shared>> -> memref<48x128xf32, #tpu.memory_space<vmem_shared>>
      %dma_wait3A_92 = arith.constant 0 : i32
      %dma_wait3A_93 = tpu.memref_slice %arg7[%add3A_24, %dma_wait3A_92] : memref<10016x128xf32, #tpu.memory_space<vmem_shared>> -> memref<48x128xf32, #tpu.memory_space<vmem_shared>>
      tpu.wait_dma2 semaphore(%run_scoped3A : memref<!tpu.dma_semaphore, #tpu.memory_space<semaphore_mem>>) src(%arg6 : memref<48x128xf32, #tpu.memory_space<vmem>>) dst(%dma_wait3A_93 : memref<48x128xf32, #tpu.memory_space<vmem_shared>>)
      tpu.yield
    }) : () -> ()
    %mul3A_25 = arith.constant 624 : i32
    %mul3A_26 = arith.muli %arg1, %mul3A_25 : i32
    %add3A_27 = arith.constant 96 : i32
    %add3A_28 = arith.addi %mul3A_26, %add3A_27 : i32
    "tpu.region"() ({
      %run_scoped3A = tpu.sem_alloc : memref<!tpu.dma_semaphore, #tpu.memory_space<semaphore_mem>>
      %dma_start3A = arith.constant 0 : i32
      %dma_start3A_88 = tpu.memref_slice %arg7[%add3A_28, %dma_start3A] : memref<10016x128xf32, #tpu.memory_space<vmem_shared>> -> memref<48x128xf32, #tpu.memory_space<vmem_shared>>
      %dma_start3A_89 = arith.constant 0 : i32
      %dma_start3A_90 = tpu.memref_slice %arg7[%add3A_28, %dma_start3A_89] : memref<10016x128xf32, #tpu.memory_space<vmem_shared>> -> memref<48x128xf32, #tpu.memory_space<vmem_shared>>
      tpu.enqueue_dma source(%arg6 : memref<48x128xf32, #tpu.memory_space<vmem>>) target(%dma_start3A_90 : memref<48x128xf32, #tpu.memory_space<vmem_shared>>) target_semaphore(%run_scoped3A : memref<!tpu.dma_semaphore, #tpu.memory_space<semaphore_mem>>)
      %dma_wait3A = arith.constant 0 : i32
      %dma_wait3A_91 = tpu.memref_slice %arg7[%add3A_28, %dma_wait3A] : memref<10016x128xf32, #tpu.memory_space<vmem_shared>> -> memref<48x128xf32, #tpu.memory_space<vmem_shared>>
      %dma_wait3A_92 = arith.constant 0 : i32
      %dma_wait3A_93 = tpu.memref_slice %arg7[%add3A_28, %dma_wait3A_92] : memref<10016x128xf32, #tpu.memory_space<vmem_shared>> -> memref<48x128xf32, #tpu.memory_space<vmem_shared>>
      tpu.wait_dma2 semaphore(%run_scoped3A : memref<!tpu.dma_semaphore, #tpu.memory_space<semaphore_mem>>) src(%arg6 : memref<48x128xf32, #tpu.memory_space<vmem>>) dst(%dma_wait3A_93 : memref<48x128xf32, #tpu.memory_space<vmem_shared>>)
      tpu.yield
    }) : () -> ()
    %mul3A_29 = arith.constant 624 : i32
    %mul3A_30 = arith.muli %arg1, %mul3A_29 : i32
    %add3A_31 = arith.constant 144 : i32
    %add3A_32 = arith.addi %mul3A_30, %add3A_31 : i32
    "tpu.region"() ({
      %run_scoped3A = tpu.sem_alloc : memref<!tpu.dma_semaphore, #tpu.memory_space<semaphore_mem>>
      %dma_start3A = arith.constant 0 : i32
      %dma_start3A_88 = tpu.memref_slice %arg7[%add3A_32, %dma_start3A] : memref<10016x128xf32, #tpu.memory_space<vmem_shared>> -> memref<48x128xf32, #tpu.memory_space<vmem_shared>>
      %dma_start3A_89 = arith.constant 0 : i32
      %dma_start3A_90 = tpu.memref_slice %arg7[%add3A_32, %dma_start3A_89] : memref<10016x128xf32, #tpu.memory_space<vmem_shared>> -> memref<48x128xf32, #tpu.memory_space<vmem_shared>>
      tpu.enqueue_dma source(%arg6 : memref<48x128xf32, #tpu.memory_space<vmem>>) target(%dma_start3A_90 : memref<48x128xf32, #tpu.memory_space<vmem_shared>>) target_semaphore(%run_scoped3A : memref<!tpu.dma_semaphore, #tpu.memory_space<semaphore_mem>>)
      %dma_wait3A = arith.constant 0 : i32
      %dma_wait3A_91 = tpu.memref_slice %arg7[%add3A_32, %dma_wait3A] : memref<10016x128xf32, #tpu.memory_space<vmem_shared>> -> memref<48x128xf32, #tpu.memory_space<vmem_shared>>
      %dma_wait3A_92 = arith.constant 0 : i32
      %dma_wait3A_93 = tpu.memref_slice %arg7[%add3A_32, %dma_wait3A_92] : memref<10016x128xf32, #tpu.memory_space<vmem_shared>> -> memref<48x128xf32, #tpu.memory_space<vmem_shared>>
      tpu.wait_dma2 semaphore(%run_scoped3A : memref<!tpu.dma_semaphore, #tpu.memory_space<semaphore_mem>>) src(%arg6 : memref<48x128xf32, #tpu.memory_space<vmem>>) dst(%dma_wait3A_93 : memref<48x128xf32, #tpu.memory_space<vmem_shared>>)
      tpu.yield
    }) : () -> ()
    %mul3A_33 = arith.constant 624 : i32
    %mul3A_34 = arith.muli %arg1, %mul3A_33 : i32
    %add3A_35 = arith.constant 192 : i32
    %add3A_36 = arith.addi %mul3A_34, %add3A_35 : i32
    "tpu.region"() ({
      %run_scoped3A = tpu.sem_alloc : memref<!tpu.dma_semaphore, #tpu.memory_space<semaphore_mem>>
      %dma_start3A = arith.constant 0 : i32
      %dma_start3A_88 = tpu.memref_slice %arg7[%add3A_36, %dma_start3A] : memref<10016x128xf32, #tpu.memory_space<vmem_shared>> -> memref<48x128xf32, #tpu.memory_space<vmem_shared>>
      %dma_start3A_89 = arith.constant 0 : i32
      %dma_start3A_90 = tpu.memref_slice %arg7[%add3A_36, %dma_start3A_89] : memref<10016x128xf32, #tpu.memory_space<vmem_shared>> -> memref<48x128xf32, #tpu.memory_space<vmem_shared>>
      tpu.enqueue_dma source(%arg6 : memref<48x128xf32, #tpu.memory_space<vmem>>) target(%dma_start3A_90 : memref<48x128xf32, #tpu.memory_space<vmem_shared>>) target_semaphore(%run_scoped3A : memref<!tpu.dma_semaphore, #tpu.memory_space<semaphore_mem>>)
      %dma_wait3A = arith.constant 0 : i32
      %dma_wait3A_91 = tpu.memref_slice %arg7[%add3A_36, %dma_wait3A] : memref<10016x128xf32, #tpu.memory_space<vmem_shared>> -> memref<48x128xf32, #tpu.memory_space<vmem_shared>>
      %dma_wait3A_92 = arith.constant 0 : i32
      %dma_wait3A_93 = tpu.memref_slice %arg7[%add3A_36, %dma_wait3A_92] : memref<10016x128xf32, #tpu.memory_space<vmem_shared>> -> memref<48x128xf32, #tpu.memory_space<vmem_shared>>
      tpu.wait_dma2 semaphore(%run_scoped3A : memref<!tpu.dma_semaphore, #tpu.memory_space<semaphore_mem>>) src(%arg6 : memref<48x128xf32, #tpu.memory_space<vmem>>) dst(%dma_wait3A_93 : memref<48x128xf32, #tpu.memory_space<vmem_shared>>)
      tpu.yield
    }) : () -> ()
    %mul3A_37 = arith.constant 624 : i32
    %mul3A_38 = arith.muli %arg1, %mul3A_37 : i32
    %add3A_39 = arith.constant 240 : i32
    %add3A_40 = arith.addi %mul3A_38, %add3A_39 : i32
    "tpu.region"() ({
      %run_scoped3A = tpu.sem_alloc : memref<!tpu.dma_semaphore, #tpu.memory_space<semaphore_mem>>
      %dma_start3A = arith.constant 0 : i32
      %dma_start3A_88 = tpu.memref_slice %arg7[%add3A_40, %dma_start3A] : memref<10016x128xf32, #tpu.memory_space<vmem_shared>> -> memref<48x128xf32, #tpu.memory_space<vmem_shared>>
      %dma_start3A_89 = arith.constant 0 : i32
      %dma_start3A_90 = tpu.memref_slice %arg7[%add3A_40, %dma_start3A_89] : memref<10016x128xf32, #tpu.memory_space<vmem_shared>> -> memref<48x128xf32, #tpu.memory_space<vmem_shared>>
      tpu.enqueue_dma source(%arg6 : memref<48x128xf32, #tpu.memory_space<vmem>>) target(%dma_start3A_90 : memref<48x128xf32, #tpu.memory_space<vmem_shared>>) target_semaphore(%run_scoped3A : memref<!tpu.dma_semaphore, #tpu.memory_space<semaphore_mem>>)
      %dma_wait3A = arith.constant 0 : i32
      %dma_wait3A_91 = tpu.memref_slice %arg7[%add3A_40, %dma_wait3A] : memref<10016x128xf32, #tpu.memory_space<vmem_shared>> -> memref<48x128xf32, #tpu.memory_space<vmem_shared>>
      %dma_wait3A_92 = arith.constant 0 : i32
      %dma_wait3A_93 = tpu.memref_slice %arg7[%add3A_40, %dma_wait3A_92] : memref<10016x128xf32, #tpu.memory_space<vmem_shared>> -> memref<48x128xf32, #tpu.memory_space<vmem_shared>>
      tpu.wait_dma2 semaphore(%run_scoped3A : memref<!tpu.dma_semaphore, #tpu.memory_space<semaphore_mem>>) src(%arg6 : memref<48x128xf32, #tpu.memory_space<vmem>>) dst(%dma_wait3A_93 : memref<48x128xf32, #tpu.memory_space<vmem_shared>>)
      tpu.yield
    }) : () -> ()
    %mul3A_41 = arith.constant 624 : i32
    %mul3A_42 = arith.muli %arg1, %mul3A_41 : i32
    %add3A_43 = arith.constant 288 : i32
    %add3A_44 = arith.addi %mul3A_42, %add3A_43 : i32
    "tpu.region"() ({
      %run_scoped3A = tpu.sem_alloc : memref<!tpu.dma_semaphore, #tpu.memory_space<semaphore_mem>>
      %dma_start3A = arith.constant 0 : i32
      %dma_start3A_88 = tpu.memref_slice %arg7[%add3A_44, %dma_start3A] : memref<10016x128xf32, #tpu.memory_space<vmem_shared>> -> memref<48x128xf32, #tpu.memory_space<vmem_shared>>
      %dma_start3A_89 = arith.constant 0 : i32
      %dma_start3A_90 = tpu.memref_slice %arg7[%add3A_44, %dma_start3A_89] : memref<10016x128xf32, #tpu.memory_space<vmem_shared>> -> memref<48x128xf32, #tpu.memory_space<vmem_shared>>
      tpu.enqueue_dma source(%arg6 : memref<48x128xf32, #tpu.memory_space<vmem>>) target(%dma_start3A_90 : memref<48x128xf32, #tpu.memory_space<vmem_shared>>) target_semaphore(%run_scoped3A : memref<!tpu.dma_semaphore, #tpu.memory_space<semaphore_mem>>)
      %dma_wait3A = arith.constant 0 : i32
      %dma_wait3A_91 = tpu.memref_slice %arg7[%add3A_44, %dma_wait3A] : memref<10016x128xf32, #tpu.memory_space<vmem_shared>> -> memref<48x128xf32, #tpu.memory_space<vmem_shared>>
      %dma_wait3A_92 = arith.constant 0 : i32
      %dma_wait3A_93 = tpu.memref_slice %arg7[%add3A_44, %dma_wait3A_92] : memref<10016x128xf32, #tpu.memory_space<vmem_shared>> -> memref<48x128xf32, #tpu.memory_space<vmem_shared>>
      tpu.wait_dma2 semaphore(%run_scoped3A : memref<!tpu.dma_semaphore, #tpu.memory_space<semaphore_mem>>) src(%arg6 : memref<48x128xf32, #tpu.memory_space<vmem>>) dst(%dma_wait3A_93 : memref<48x128xf32, #tpu.memory_space<vmem_shared>>)
      tpu.yield
    }) : () -> ()
    %mul3A_45 = arith.constant 624 : i32
    %mul3A_46 = arith.muli %arg1, %mul3A_45 : i32
    %add3A_47 = arith.constant 336 : i32
    %add3A_48 = arith.addi %mul3A_46, %add3A_47 : i32
    "tpu.region"() ({
      %run_scoped3A = tpu.sem_alloc : memref<!tpu.dma_semaphore, #tpu.memory_space<semaphore_mem>>
      %dma_start3A = arith.constant 0 : i32
      %dma_start3A_88 = tpu.memref_slice %arg7[%add3A_48, %dma_start3A] : memref<10016x128xf32, #tpu.memory_space<vmem_shared>> -> memref<48x128xf32, #tpu.memory_space<vmem_shared>>
      %dma_start3A_89 = arith.constant 0 : i32
      %dma_start3A_90 = tpu.memref_slice %arg7[%add3A_48, %dma_start3A_89] : memref<10016x128xf32, #tpu.memory_space<vmem_shared>> -> memref<48x128xf32, #tpu.memory_space<vmem_shared>>
      tpu.enqueue_dma source(%arg6 : memref<48x128xf32, #tpu.memory_space<vmem>>) target(%dma_start3A_90 : memref<48x128xf32, #tpu.memory_space<vmem_shared>>) target_semaphore(%run_scoped3A : memref<!tpu.dma_semaphore, #tpu.memory_space<semaphore_mem>>)
      %dma_wait3A = arith.constant 0 : i32
      %dma_wait3A_91 = tpu.memref_slice %arg7[%add3A_48, %dma_wait3A] : memref<10016x128xf32, #tpu.memory_space<vmem_shared>> -> memref<48x128xf32, #tpu.memory_space<vmem_shared>>
      %dma_wait3A_92 = arith.constant 0 : i32
      %dma_wait3A_93 = tpu.memref_slice %arg7[%add3A_48, %dma_wait3A_92] : memref<10016x128xf32, #tpu.memory_space<vmem_shared>> -> memref<48x128xf32, #tpu.memory_space<vmem_shared>>
      tpu.wait_dma2 semaphore(%run_scoped3A : memref<!tpu.dma_semaphore, #tpu.memory_space<semaphore_mem>>) src(%arg6 : memref<48x128xf32, #tpu.memory_space<vmem>>) dst(%dma_wait3A_93 : memref<48x128xf32, #tpu.memory_space<vmem_shared>>)
      tpu.yield
    }) : () -> ()
    %mul3A_49 = arith.constant 624 : i32
    %mul3A_50 = arith.muli %arg1, %mul3A_49 : i32
    %add3A_51 = arith.constant 384 : i32
    %add3A_52 = arith.addi %mul3A_50, %add3A_51 : i32
    "tpu.region"() ({
      %run_scoped3A = tpu.sem_alloc : memref<!tpu.dma_semaphore, #tpu.memory_space<semaphore_mem>>
      %dma_start3A = arith.constant 0 : i32
      %dma_start3A_88 = tpu.memref_slice %arg7[%add3A_52, %dma_start3A] : memref<10016x128xf32, #tpu.memory_space<vmem_shared>> -> memref<48x128xf32, #tpu.memory_space<vmem_shared>>
      %dma_start3A_89 = arith.constant 0 : i32
      %dma_start3A_90 = tpu.memref_slice %arg7[%add3A_52, %dma_start3A_89] : memref<10016x128xf32, #tpu.memory_space<vmem_shared>> -> memref<48x128xf32, #tpu.memory_space<vmem_shared>>
      tpu.enqueue_dma source(%arg6 : memref<48x128xf32, #tpu.memory_space<vmem>>) target(%dma_start3A_90 : memref<48x128xf32, #tpu.memory_space<vmem_shared>>) target_semaphore(%run_scoped3A : memref<!tpu.dma_semaphore, #tpu.memory_space<semaphore_mem>>)
      %dma_wait3A = arith.constant 0 : i32
      %dma_wait3A_91 = tpu.memref_slice %arg7[%add3A_52, %dma_wait3A] : memref<10016x128xf32, #tpu.memory_space<vmem_shared>> -> memref<48x128xf32, #tpu.memory_space<vmem_shared>>
      %dma_wait3A_92 = arith.constant 0 : i32
      %dma_wait3A_93 = tpu.memref_slice %arg7[%add3A_52, %dma_wait3A_92] : memref<10016x128xf32, #tpu.memory_space<vmem_shared>> -> memref<48x128xf32, #tpu.memory_space<vmem_shared>>
      tpu.wait_dma2 semaphore(%run_scoped3A : memref<!tpu.dma_semaphore, #tpu.memory_space<semaphore_mem>>) src(%arg6 : memref<48x128xf32, #tpu.memory_space<vmem>>) dst(%dma_wait3A_93 : memref<48x128xf32, #tpu.memory_space<vmem_shared>>)
      tpu.yield
    }) : () -> ()
    %mul3A_53 = arith.constant 624 : i32
    %mul3A_54 = arith.muli %arg1, %mul3A_53 : i32
    %add3A_55 = arith.constant 432 : i32
    %add3A_56 = arith.addi %mul3A_54, %add3A_55 : i32
    "tpu.region"() ({
      %run_scoped3A = tpu.sem_alloc : memref<!tpu.dma_semaphore, #tpu.memory_space<semaphore_mem>>
      %dma_start3A = arith.constant 0 : i32
      %dma_start3A_88 = tpu.memref_slice %arg7[%add3A_56, %dma_start3A] : memref<10016x128xf32, #tpu.memory_space<vmem_shared>> -> memref<48x128xf32, #tpu.memory_space<vmem_shared>>
      %dma_start3A_89 = arith.constant 0 : i32
      %dma_start3A_90 = tpu.memref_slice %arg7[%add3A_56, %dma_start3A_89] : memref<10016x128xf32, #tpu.memory_space<vmem_shared>> -> memref<48x128xf32, #tpu.memory_space<vmem_shared>>
      tpu.enqueue_dma source(%arg6 : memref<48x128xf32, #tpu.memory_space<vmem>>) target(%dma_start3A_90 : memref<48x128xf32, #tpu.memory_space<vmem_shared>>) target_semaphore(%run_scoped3A : memref<!tpu.dma_semaphore, #tpu.memory_space<semaphore_mem>>)
      %dma_wait3A = arith.constant 0 : i32
      %dma_wait3A_91 = tpu.memref_slice %arg7[%add3A_56, %dma_wait3A] : memref<10016x128xf32, #tpu.memory_space<vmem_shared>> -> memref<48x128xf32, #tpu.memory_space<vmem_shared>>
      %dma_wait3A_92 = arith.constant 0 : i32
      %dma_wait3A_93 = tpu.memref_slice %arg7[%add3A_56, %dma_wait3A_92] : memref<10016x128xf32, #tpu.memory_space<vmem_shared>> -> memref<48x128xf32, #tpu.memory_space<vmem_shared>>
      tpu.wait_dma2 semaphore(%run_scoped3A : memref<!tpu.dma_semaphore, #tpu.memory_space<semaphore_mem>>) src(%arg6 : memref<48x128xf32, #tpu.memory_space<vmem>>) dst(%dma_wait3A_93 : memref<48x128xf32, #tpu.memory_space<vmem_shared>>)
      tpu.yield
    }) : () -> ()
    %mul3A_57 = arith.constant 624 : i32
    %mul3A_58 = arith.muli %arg1, %mul3A_57 : i32
    %add3A_59 = arith.constant 480 : i32
    %add3A_60 = arith.addi %mul3A_58, %add3A_59 : i32
    "tpu.region"() ({
      %run_scoped3A = tpu.sem_alloc : memref<!tpu.dma_semaphore, #tpu.memory_space<semaphore_mem>>
      %dma_start3A = arith.constant 0 : i32
      %dma_start3A_88 = tpu.memref_slice %arg7[%add3A_60, %dma_start3A] : memref<10016x128xf32, #tpu.memory_space<vmem_shared>> -> memref<48x128xf32, #tpu.memory_space<vmem_shared>>
      %dma_start3A_89 = arith.constant 0 : i32
      %dma_start3A_90 = tpu.memref_slice %arg7[%add3A_60, %dma_start3A_89] : memref<10016x128xf32, #tpu.memory_space<vmem_shared>> -> memref<48x128xf32, #tpu.memory_space<vmem_shared>>
      tpu.enqueue_dma source(%arg6 : memref<48x128xf32, #tpu.memory_space<vmem>>) target(%dma_start3A_90 : memref<48x128xf32, #tpu.memory_space<vmem_shared>>) target_semaphore(%run_scoped3A : memref<!tpu.dma_semaphore, #tpu.memory_space<semaphore_mem>>)
      %dma_wait3A = arith.constant 0 : i32
      %dma_wait3A_91 = tpu.memref_slice %arg7[%add3A_60, %dma_wait3A] : memref<10016x128xf32, #tpu.memory_space<vmem_shared>> -> memref<48x128xf32, #tpu.memory_space<vmem_shared>>
      %dma_wait3A_92 = arith.constant 0 : i32
      %dma_wait3A_93 = tpu.memref_slice %arg7[%add3A_60, %dma_wait3A_92] : memref<10016x128xf32, #tpu.memory_space<vmem_shared>> -> memref<48x128xf32, #tpu.memory_space<vmem_shared>>
      tpu.wait_dma2 semaphore(%run_scoped3A : memref<!tpu.dma_semaphore, #tpu.memory_space<semaphore_mem>>) src(%arg6 : memref<48x128xf32, #tpu.memory_space<vmem>>) dst(%dma_wait3A_93 : memref<48x128xf32, #tpu.memory_space<vmem_shared>>)
      tpu.yield
    }) : () -> ()
    %mul3A_61 = arith.constant 624 : i32
    %mul3A_62 = arith.muli %arg1, %mul3A_61 : i32
    %add3A_63 = arith.constant 528 : i32
    %add3A_64 = arith.addi %mul3A_62, %add3A_63 : i32
    "tpu.region"() ({
      %run_scoped3A = tpu.sem_alloc : memref<!tpu.dma_semaphore, #tpu.memory_space<semaphore_mem>>
      %dma_start3A = arith.constant 0 : i32
      %dma_start3A_88 = tpu.memref_slice %arg7[%add3A_64, %dma_start3A] : memref<10016x128xf32, #tpu.memory_space<vmem_shared>> -> memref<48x128xf32, #tpu.memory_space<vmem_shared>>
      %dma_start3A_89 = arith.constant 0 : i32
      %dma_start3A_90 = tpu.memref_slice %arg7[%add3A_64, %dma_start3A_89] : memref<10016x128xf32, #tpu.memory_space<vmem_shared>> -> memref<48x128xf32, #tpu.memory_space<vmem_shared>>
      tpu.enqueue_dma source(%arg6 : memref<48x128xf32, #tpu.memory_space<vmem>>) target(%dma_start3A_90 : memref<48x128xf32, #tpu.memory_space<vmem_shared>>) target_semaphore(%run_scoped3A : memref<!tpu.dma_semaphore, #tpu.memory_space<semaphore_mem>>)
      %dma_wait3A = arith.constant 0 : i32
      %dma_wait3A_91 = tpu.memref_slice %arg7[%add3A_64, %dma_wait3A] : memref<10016x128xf32, #tpu.memory_space<vmem_shared>> -> memref<48x128xf32, #tpu.memory_space<vmem_shared>>
      %dma_wait3A_92 = arith.constant 0 : i32
      %dma_wait3A_93 = tpu.memref_slice %arg7[%add3A_64, %dma_wait3A_92] : memref<10016x128xf32, #tpu.memory_space<vmem_shared>> -> memref<48x128xf32, #tpu.memory_space<vmem_shared>>
      tpu.wait_dma2 semaphore(%run_scoped3A : memref<!tpu.dma_semaphore, #tpu.memory_space<semaphore_mem>>) src(%arg6 : memref<48x128xf32, #tpu.memory_space<vmem>>) dst(%dma_wait3A_93 : memref<48x128xf32, #tpu.memory_space<vmem_shared>>)
      tpu.yield
    }) : () -> ()
    %mul3A_65 = arith.constant 624 : i32
    %mul3A_66 = arith.muli %arg1, %mul3A_65 : i32
    %add3A_67 = arith.constant 576 : i32
    %add3A_68 = arith.addi %mul3A_66, %add3A_67 : i32
    "tpu.region"() ({
      %run_scoped3A = tpu.sem_alloc : memref<!tpu.dma_semaphore, #tpu.memory_space<semaphore_mem>>
      %dma_start3A = arith.constant 0 : i32
      %dma_start3A_88 = tpu.memref_slice %arg7[%add3A_68, %dma_start3A] : memref<10016x128xf32, #tpu.memory_space<vmem_shared>> -> memref<48x128xf32, #tpu.memory_space<vmem_shared>>
      %dma_start3A_89 = arith.constant 0 : i32
      %dma_start3A_90 = tpu.memref_slice %arg7[%add3A_68, %dma_start3A_89] : memref<10016x128xf32, #tpu.memory_space<vmem_shared>> -> memref<48x128xf32, #tpu.memory_space<vmem_shared>>
      tpu.enqueue_dma source(%arg6 : memref<48x128xf32, #tpu.memory_space<vmem>>) target(%dma_start3A_90 : memref<48x128xf32, #tpu.memory_space<vmem_shared>>) target_semaphore(%run_scoped3A : memref<!tpu.dma_semaphore, #tpu.memory_space<semaphore_mem>>)
      %dma_wait3A = arith.constant 0 : i32
      %dma_wait3A_91 = tpu.memref_slice %arg7[%add3A_68, %dma_wait3A] : memref<10016x128xf32, #tpu.memory_space<vmem_shared>> -> memref<48x128xf32, #tpu.memory_space<vmem_shared>>
      %dma_wait3A_92 = arith.constant 0 : i32
      %dma_wait3A_93 = tpu.memref_slice %arg7[%add3A_68, %dma_wait3A_92] : memref<10016x128xf32, #tpu.memory_space<vmem_shared>> -> memref<48x128xf32, #tpu.memory_space<vmem_shared>>
      tpu.wait_dma2 semaphore(%run_scoped3A : memref<!tpu.dma_semaphore, #tpu.memory_space<semaphore_mem>>) src(%arg6 : memref<48x128xf32, #tpu.memory_space<vmem>>) dst(%dma_wait3A_93 : memref<48x128xf32, #tpu.memory_space<vmem_shared>>)
      tpu.yield
    }) : () -> ()
    %eq3A = arith.constant 0 : i32
    %eq3A_69 = arith.cmpi eq, %arg1, %eq3A : i32
    %convert_element_type3A = arith.extui %eq3A_69 : i1 to i32
    %cond3A = arith.constant 0 : i32
    %cond3A_70 = arith.cmpi ne, %convert_element_type3A, %cond3A : i32
    scf.if %cond3A_70 {
      "tpu.region"() ({
        %run_scoped3A = tpu.sem_alloc : memref<!tpu.dma_semaphore, #tpu.memory_space<semaphore_mem>>
        %dma_start3A = arith.constant 0 : i32
        %dma_start3A_88 = arith.constant 0 : i32
        %dma_start3A_89 = tpu.memref_slice %arg6[%dma_start3A, %dma_start3A_88] : memref<48x128xf32, #tpu.memory_space<vmem>> -> memref<32x128xf32, #tpu.memory_space<vmem>>
        %dma_start3A_90 = arith.constant 9984 : i32
        %dma_start3A_91 = arith.constant 0 : i32
        %dma_start3A_92 = tpu.memref_slice %arg7[%dma_start3A_90, %dma_start3A_91] : memref<10016x128xf32, #tpu.memory_space<vmem_shared>> -> memref<32x128xf32, #tpu.memory_space<vmem_shared>>
        %dma_start3A_93 = arith.constant 9984 : i32
        %dma_start3A_94 = arith.constant 0 : i32
        %dma_start3A_95 = tpu.memref_slice %arg7[%dma_start3A_93, %dma_start3A_94] : memref<10016x128xf32, #tpu.memory_space<vmem_shared>> -> memref<32x128xf32, #tpu.memory_space<vmem_shared>>
        %dma_start3A_96 = arith.constant 0 : i32
        %dma_start3A_97 = arith.constant 0 : i32
        %dma_start3A_98 = tpu.memref_slice %arg6[%dma_start3A_96, %dma_start3A_97] : memref<48x128xf32, #tpu.memory_space<vmem>> -> memref<32x128xf32, #tpu.memory_space<vmem>>
        tpu.enqueue_dma source(%dma_start3A_98 : memref<32x128xf32, #tpu.memory_space<vmem>>) target(%dma_start3A_95 : memref<32x128xf32, #tpu.memory_space<vmem_shared>>) target_semaphore(%run_scoped3A : memref<!tpu.dma_semaphore, #tpu.memory_space<semaphore_mem>>)
        %dma_wait3A = arith.constant 0 : i32
        %dma_wait3A_99 = arith.constant 0 : i32
        %dma_wait3A_100 = tpu.memref_slice %arg6[%dma_wait3A, %dma_wait3A_99] : memref<48x128xf32, #tpu.memory_space<vmem>> -> memref<32x128xf32, #tpu.memory_space<vmem>>
        %dma_wait3A_101 = arith.constant 9984 : i32
        %dma_wait3A_102 = arith.constant 0 : i32
        %dma_wait3A_103 = tpu.memref_slice %arg7[%dma_wait3A_101, %dma_wait3A_102] : memref<10016x128xf32, #tpu.memory_space<vmem_shared>> -> memref<32x128xf32, #tpu.memory_space<vmem_shared>>
        %dma_wait3A_104 = arith.constant 9984 : i32
        %dma_wait3A_105 = arith.constant 0 : i32
        %dma_wait3A_106 = tpu.memref_slice %arg7[%dma_wait3A_104, %dma_wait3A_105] : memref<10016x128xf32, #tpu.memory_space<vmem_shared>> -> memref<32x128xf32, #tpu.memory_space<vmem_shared>>
        %dma_wait3A_107 = arith.constant 0 : i32
        %dma_wait3A_108 = arith.constant 0 : i32
        %dma_wait3A_109 = tpu.memref_slice %arg6[%dma_wait3A_107, %dma_wait3A_108] : memref<48x128xf32, #tpu.memory_space<vmem>> -> memref<32x128xf32, #tpu.memory_space<vmem>>
        tpu.wait_dma2 semaphore(%run_scoped3A : memref<!tpu.dma_semaphore, #tpu.memory_space<semaphore_mem>>) src(%dma_wait3A_109 : memref<32x128xf32, #tpu.memory_space<vmem>>) dst(%dma_wait3A_106 : memref<32x128xf32, #tpu.memory_space<vmem_shared>>)
        tpu.yield
      }) : () -> ()
    } else {
    }
    "tpu.region"() ({
      %run_scoped3A = tpu.sem_alloc : memref<!tpu.dma_semaphore, #tpu.memory_space<semaphore_mem>>
      %dma_start3A = arith.constant 0 : i32
      %dma_start3A_88 = arith.constant 0 : i32
      %dma_start3A_89 = tpu.memref_slice %arg2[%add3A, %dma_start3A, %dma_start3A_88] : memref<32x79x128xi32, #tpu.memory_space<hbm>> -> memref<1x79x128xi32, #tpu.memory_space<hbm>>
      %dma_start3A_90 = tpu.memref_squeeze %dma_start3A_89 : memref<1x79x128xi32, #tpu.memory_space<hbm>> -> memref<79x128xi32, #tpu.memory_space<hbm>>
      %dma_start3A_91 = arith.constant 0 : i32
      %dma_start3A_92 = arith.constant 0 : i32
      %dma_start3A_93 = tpu.memref_slice %arg2[%add3A, %dma_start3A_91, %dma_start3A_92] : memref<32x79x128xi32, #tpu.memory_space<hbm>> -> memref<1x79x128xi32, #tpu.memory_space<hbm>>
      %dma_start3A_94 = tpu.memref_squeeze %dma_start3A_93 : memref<1x79x128xi32, #tpu.memory_space<hbm>> -> memref<79x128xi32, #tpu.memory_space<hbm>>
      tpu.enqueue_dma source(%dma_start3A_94 : memref<79x128xi32, #tpu.memory_space<hbm>>) target(%arg4 : memref<79x128xi32, #tpu.memory_space<vmem>>) target_semaphore(%run_scoped3A : memref<!tpu.dma_semaphore, #tpu.memory_space<semaphore_mem>>)
      %dma_wait3A = arith.constant 0 : i32
      %dma_wait3A_95 = arith.constant 0 : i32
      %dma_wait3A_96 = tpu.memref_slice %arg2[%add3A, %dma_wait3A, %dma_wait3A_95] : memref<32x79x128xi32, #tpu.memory_space<hbm>> -> memref<1x79x128xi32, #tpu.memory_space<hbm>>
      %dma_wait3A_97 = tpu.memref_squeeze %dma_wait3A_96 : memref<1x79x128xi32, #tpu.memory_space<hbm>> -> memref<79x128xi32, #tpu.memory_space<hbm>>
      %dma_wait3A_98 = arith.constant 0 : i32
      %dma_wait3A_99 = arith.constant 0 : i32
      %dma_wait3A_100 = tpu.memref_slice %arg2[%add3A, %dma_wait3A_98, %dma_wait3A_99] : memref<32x79x128xi32, #tpu.memory_space<hbm>> -> memref<1x79x128xi32, #tpu.memory_space<hbm>>
      %dma_wait3A_101 = tpu.memref_squeeze %dma_wait3A_100 : memref<1x79x128xi32, #tpu.memory_space<hbm>> -> memref<79x128xi32, #tpu.memory_space<hbm>>
      tpu.wait_dma2 semaphore(%run_scoped3A : memref<!tpu.dma_semaphore, #tpu.memory_space<semaphore_mem>>) src(%dma_wait3A_101 : memref<79x128xi32, #tpu.memory_space<hbm>>) dst(%arg4 : memref<79x128xi32, #tpu.memory_space<vmem>>)
      tpu.yield
    }) : () -> ()
    %barrier3A = arith.constant 0 : index
    tpu.barrier barrier_id(%barrier3A)
    %scan3A_71 = arith.constant 0 : i32
    %scan3A_72 = arith.constant 0 : i32
    %scan3A_73 = arith.constant 79 : i32
    %scan3A_74 = arith.addi %scan3A_72, %scan3A_73 : i32
    %scan3A_75 = arith.constant 1 : i32
    %scan3A_76 = scf.for %scan3A_88 = %scan3A_72 to %scan3A_74 step %scan3A_75 iter_args(%scan3A_89 = %scan3A_71) -> (i32)  : i32 {
      "tpu.region"() ({
        %run_scoped3A = tpu.sem_alloc : memref<!tpu.dma_semaphore, #tpu.memory_space<semaphore_mem>>
        %dma_start3A = arith.constant 0 : i32
        %dma_start3A_91 = tpu.memref_slice %arg4[%scan3A_88, %dma_start3A] : memref<79x128xi32, #tpu.memory_space<vmem>> -> memref<1x128xi32, #tpu.memory_space<vmem>>
        %dma_start3A_92 = tpu.memref_squeeze %dma_start3A_91 : memref<1x128xi32, #tpu.memory_space<vmem>> -> memref<128xi32, #tpu.memory_space<vmem>>
        %dma_start3A_93 = arith.constant 0 : i32
        %dma_start3A_94 = arith.constant 0 : i32
        %dma_start3A_95 = tpu.memref_slice %arg7[%dma_start3A_93, %dma_start3A_94] : memref<10016x128xf32, #tpu.memory_space<vmem_shared>> -> memref<10016x128xf32, #tpu.memory_space<vmem_shared>>
        tpu.enqueue_indirect_dma source(%arg5 : memref<128x128xf32, #tpu.memory_space<vmem>>) target(%dma_start3A_95 : memref<10016x128xf32, #tpu.memory_space<vmem_shared>>) offsets(%dma_start3A_92 : memref<128xi32, #tpu.memory_space<vmem>>) semaphore(%run_scoped3A : memref<!tpu.dma_semaphore, #tpu.memory_space<semaphore_mem>>) {add = true}
        %dma_wait3A = arith.constant 0 : i32
        %dma_wait3A_96 = tpu.memref_slice %arg4[%scan3A_88, %dma_wait3A] : memref<79x128xi32, #tpu.memory_space<vmem>> -> memref<1x128xi32, #tpu.memory_space<vmem>>
        %dma_wait3A_97 = tpu.memref_squeeze %dma_wait3A_96 : memref<1x128xi32, #tpu.memory_space<vmem>> -> memref<128xi32, #tpu.memory_space<vmem>>
        %dma_wait3A_98 = arith.constant 0 : i32
        %dma_wait3A_99 = arith.constant 0 : i32
        %dma_wait3A_100 = tpu.memref_slice %arg7[%dma_wait3A_98, %dma_wait3A_99] : memref<10016x128xf32, #tpu.memory_space<vmem_shared>> -> memref<10016x128xf32, #tpu.memory_space<vmem_shared>>
        tpu.wait_indirect_dma semaphore(%run_scoped3A : memref<!tpu.dma_semaphore, #tpu.memory_space<semaphore_mem>>) src(%arg5 : memref<128x128xf32, #tpu.memory_space<vmem>>) dst(%dma_wait3A_100 : memref<10016x128xf32, #tpu.memory_space<vmem_shared>>)
        tpu.yield
      }) : () -> ()
      %scan3A_90 = arith.constant 0 : i32
      scf.yield %scan3A_90 : i32
    }
    %scan3A_77 = arith.constant 79 : i32
    %barrier3A_78 = arith.constant 0 : index
    tpu.barrier barrier_id(%barrier3A_78)
    %mul3A_79 = arith.constant 624 : i32
    %mul3A_80 = arith.muli %arg1, %mul3A_79 : i32
    %mul3A_81 = arith.constant 624 : i32
    %mul3A_82 = arith.muli %arg1, %mul3A_81 : i32
    "tpu.region"() ({
      %run_scoped3A = tpu.sem_alloc : memref<!tpu.dma_semaphore, #tpu.memory_space<semaphore_mem>>
      %dma_start3A = arith.constant 0 : i32
      %dma_start3A_88 = tpu.memref_slice %arg3[%arg0, %mul3A_82, %dma_start3A] : memref<2x10000x128xf32, #tpu.memory_space<hbm>> -> memref<1x624x128xf32, #tpu.memory_space<hbm>>
      %dma_start3A_89 = tpu.memref_squeeze %dma_start3A_88 : memref<1x624x128xf32, #tpu.memory_space<hbm>> -> memref<624x128xf32, #tpu.memory_space<hbm>>
      %dma_start3A_90 = arith.constant 0 : i32
      %dma_start3A_91 = tpu.memref_slice %arg7[%mul3A_80, %dma_start3A_90] : memref<10016x128xf32, #tpu.memory_space<vmem_shared>> -> memref<624x128xf32, #tpu.memory_space<vmem_shared>>
      tpu.enqueue_dma source(%dma_start3A_91 : memref<624x128xf32, #tpu.memory_space<vmem_shared>>) target(%dma_start3A_89 : memref<624x128xf32, #tpu.memory_space<hbm>>) target_semaphore(%run_scoped3A : memref<!tpu.dma_semaphore, #tpu.memory_space<semaphore_mem>>)
      %dma_wait3A = arith.constant 0 : i32
      %dma_wait3A_92 = tpu.memref_slice %arg3[%arg0, %mul3A_82, %dma_wait3A] : memref<2x10000x128xf32, #tpu.memory_space<hbm>> -> memref<1x624x128xf32, #tpu.memory_space<hbm>>
      %dma_wait3A_93 = tpu.memref_squeeze %dma_wait3A_92 : memref<1x624x128xf32, #tpu.memory_space<hbm>> -> memref<624x128xf32, #tpu.memory_space<hbm>>
      %dma_wait3A_94 = arith.constant 0 : i32
      %dma_wait3A_95 = tpu.memref_slice %arg7[%mul3A_80, %dma_wait3A_94] : memref<10016x128xf32, #tpu.memory_space<vmem_shared>> -> memref<624x128xf32, #tpu.memory_space<vmem_shared>>
      tpu.wait_dma2 semaphore(%run_scoped3A : memref<!tpu.dma_semaphore, #tpu.memory_space<semaphore_mem>>) src(%dma_wait3A_95 : memref<624x128xf32, #tpu.memory_space<vmem_shared>>) dst(%dma_wait3A_93 : memref<624x128xf32, #tpu.memory_space<hbm>>)
      tpu.yield
    }) : () -> ()
    %eq3A_83 = arith.constant 0 : i32
    %eq3A_84 = arith.cmpi eq, %arg1, %eq3A_83 : i32
    %convert_element_type3A_85 = arith.extui %eq3A_84 : i1 to i32
    %cond3A_86 = arith.constant 0 : i32
    %cond3A_87 = arith.cmpi ne, %convert_element_type3A_85, %cond3A_86 : i32
    scf.if %cond3A_87 {
      "tpu.region"() ({
        %run_scoped3A = tpu.sem_alloc : memref<!tpu.dma_semaphore, #tpu.memory_space<semaphore_mem>>
        %dma_start3A = arith.constant 9984 : i32
        %dma_start3A_88 = arith.constant 0 : i32
        %dma_start3A_89 = tpu.memref_slice %arg3[%arg0, %dma_start3A, %dma_start3A_88] : memref<2x10000x128xf32, #tpu.memory_space<hbm>> -> memref<1x16x128xf32, #tpu.memory_space<hbm>>
        %dma_start3A_90 = tpu.memref_squeeze %dma_start3A_89 : memref<1x16x128xf32, #tpu.memory_space<hbm>> -> memref<16x128xf32, #tpu.memory_space<hbm>>
        %dma_start3A_91 = arith.constant 9984 : i32
        %dma_start3A_92 = arith.constant 0 : i32
        %dma_start3A_93 = tpu.memref_slice %arg7[%dma_start3A_91, %dma_start3A_92] : memref<10016x128xf32, #tpu.memory_space<vmem_shared>> -> memref<16x128xf32, #tpu.memory_space<vmem_shared>>
        tpu.enqueue_dma source(%dma_start3A_93 : memref<16x128xf32, #tpu.memory_space<vmem_shared>>) target(%dma_start3A_90 : memref<16x128xf32, #tpu.memory_space<hbm>>) target_semaphore(%run_scoped3A : memref<!tpu.dma_semaphore, #tpu.memory_space<semaphore_mem>>)
        %dma_wait3A = arith.constant 9984 : i32
        %dma_wait3A_94 = arith.constant 0 : i32
        %dma_wait3A_95 = tpu.memref_slice %arg3[%arg0, %dma_wait3A, %dma_wait3A_94] : memref<2x10000x128xf32, #tpu.memory_space<hbm>> -> memref<1x16x128xf32, #tpu.memory_space<hbm>>
        %dma_wait3A_96 = tpu.memref_squeeze %dma_wait3A_95 : memref<1x16x128xf32, #tpu.memory_space<hbm>> -> memref<16x128xf32, #tpu.memory_space<hbm>>
        %dma_wait3A_97 = arith.constant 9984 : i32
        %dma_wait3A_98 = arith.constant 0 : i32
        %dma_wait3A_99 = tpu.memref_slice %arg7[%dma_wait3A_97, %dma_wait3A_98] : memref<10016x128xf32, #tpu.memory_space<vmem_shared>> -> memref<16x128xf32, #tpu.memory_space<vmem_shared>>
        tpu.wait_dma2 semaphore(%run_scoped3A : memref<!tpu.dma_semaphore, #tpu.memory_space<semaphore_mem>>) src(%dma_wait3A_99 : memref<16x128xf32, #tpu.memory_space<vmem_shared>>) dst(%dma_wait3A_96 : memref<16x128xf32, #tpu.memory_space<hbm>>)
        tpu.yield
      }) : () -> ()
    } else {
    }
    return
  }
}

#map = affine_map<(d0, d1) -> (0, 0)>
#map1 = affine_map<(d0, d1) -> (0, 0, 0)>
module attributes {stable_mosaic.version = 14 : i64} {
  func.func @_sc_agg(%arg0: i32, %arg1: i32, %arg2: memref<10008x128xf32, #tpu.memory_space<hbm>>, %arg3: memref<64x40x128xi32, #tpu.memory_space<hbm>>, %arg4: memref<64x40x128xi32, #tpu.memory_space<hbm>>, %arg5: memref<2x10000x128xf32, #tpu.memory_space<hbm>>, %arg6: memref<40x128xi32, #tpu.memory_space<vmem>>, %arg7: memref<40x128xi32, #tpu.memory_space<vmem>>, %arg8: memref<128x128xf32, #tpu.memory_space<vmem>>, %arg9: memref<128x128xf32, #tpu.memory_space<vmem>>, %arg10: memref<48x128xf32, #tpu.memory_space<vmem>>, %arg11: memref<10000x128xf32, #tpu.memory_space<vmem_shared>>, %arg12: memref<!tpu.dma_semaphore, #tpu.memory_space<semaphore_mem>>, %arg13: memref<!tpu.dma_semaphore, #tpu.memory_space<semaphore_mem>>) attributes {dimension_semantics = [#tpu.dimension_semantics<core_parallel>, #tpu.dimension_semantics<subcore_parallel>], iteration_bounds = array<i64: 2, 16>, scalar_prefetch = 0 : i64, scratch_operands = 8 : i64, tpu.core_type = #tpu.core_type<sc_vector_subcore>, window_params = [{transform_indices = #map}, {transform_indices = #map1}, {transform_indices = #map1}, {transform_indices = #map1}]} {
    %mul3A = arith.constant 2 : i32
    %mul3A_0 = arith.muli %arg1, %mul3A : i32
    %add3A = arith.addi %mul3A_0, %arg0 : i32
    %broadcast_in_dim3A = arith.constant 0.000000e+00 : f32
    %broadcast_in_dim3A_1 = vector.broadcast %broadcast_in_dim3A : f32 to vector<16xf32>
    %scan3A = arith.constant 0 : i32
    %scan3A_2 = arith.constant 0 : i32
    %scan3A_3 = arith.constant 384 : i32
    %scan3A_4 = arith.addi %scan3A_2, %scan3A_3 : i32
    %scan3A_5 = arith.constant 1 : i32
    %scan3A_6 = scf.for %scan3A_159 = %scan3A_2 to %scan3A_4 step %scan3A_5 iter_args(%scan3A_160 = %scan3A) -> (i32)  : i32 {
      %jit3A = arith.constant 8 : i32
      %div3A = arith.divsi %scan3A_159, %jit3A : i32
      %sign3A = arith.constant 0 : i32
      %sign3A_161 = arith.cmpi sgt, %scan3A_159, %sign3A : i32
      %sign3A_162 = arith.extui %sign3A_161 : i1 to i32
      %sign3A_163 = arith.constant 0 : i32
      %sign3A_164 = arith.cmpi slt, %scan3A_159, %sign3A_163 : i32
      %sign3A_165 = arith.extui %sign3A_164 : i1 to i32
      %sign3A_166 = arith.subi %sign3A_162, %sign3A_165 : i32
      %sign3A_167 = arith.constant 0 : i32
      %sign3A_168 = arith.cmpi sgt, %jit3A, %sign3A_167 : i32
      %sign3A_169 = arith.extui %sign3A_168 : i1 to i32
      %sign3A_170 = arith.constant 0 : i32
      %sign3A_171 = arith.cmpi slt, %jit3A, %sign3A_170 : i32
      %sign3A_172 = arith.extui %sign3A_171 : i1 to i32
      %sign3A_173 = arith.subi %sign3A_169, %sign3A_172 : i32
      %ne3A = arith.cmpi ne, %sign3A_166, %sign3A_173 : i32
      %rem3A = arith.remsi %scan3A_159, %jit3A : i32
      %ne3A_174 = arith.constant 0 : i32
      %ne3A_175 = arith.cmpi ne, %rem3A, %ne3A_174 : i32
      %and3A = arith.andi %ne3A, %ne3A_175 : i1
      %sub3A = arith.constant 1 : i32
      %sub3A_176 = arith.subi %div3A, %sub3A : i32
      %select_n3A = arith.select %and3A, %sub3A_176, %div3A : i32
      %jit3A_177 = arith.constant 8 : i32
      %eq3A_178 = arith.constant 0 : i32
      %eq3A_179 = arith.cmpi eq, %jit3A_177, %eq3A_178 : i32
      %jit3A_180 = arith.constant 1 : i32
      %select_n3A_181 = arith.select %eq3A_179, %jit3A_180, %jit3A_177 : i32
      %rem3A_182 = arith.remsi %scan3A_159, %select_n3A_181 : i32
      %ne3A_183 = arith.constant 0 : i32
      %ne3A_184 = arith.cmpi ne, %rem3A_182, %ne3A_183 : i32
      %lt3A = arith.constant 0 : i32
      %lt3A_185 = arith.cmpi slt, %rem3A_182, %lt3A : i32
      %lt3A_186 = arith.constant 0 : i32
      %lt3A_187 = arith.cmpi slt, %select_n3A_181, %lt3A_186 : i32
      %ne3A_188 = arith.xori %lt3A_185, %lt3A_187 : i1
      %and3A_189 = arith.andi %ne3A_188, %ne3A_184 : i1
      %add3A_190 = arith.addi %rem3A_182, %select_n3A_181 : i32
      %select_n3A_191 = arith.select %and3A_189, %add3A_190, %rem3A_182 : i32
      %mul3A_192 = arith.constant 16 : i32
      %mul3A_193 = arith.muli %select_n3A_191, %mul3A_192 : i32
      %swap3A = arith.index_cast %select_n3A : i32 to index
      %swap3A_194 = arith.index_cast %mul3A_193 : i32 to index
      %swap3A_195 = tpu.vector_load %arg10[%swap3A, %swap3A_194] {strides = array<i32>} : memref<48x128xf32, #tpu.memory_space<vmem>>, vector<1x16xf32>,
      %swap3A_196 = vector.shape_cast %swap3A_195 : vector<1x16xf32> to vector<16xf32>
      %swap3A_197 = vector.shape_cast %broadcast_in_dim3A_1 : vector<16xf32> to vector<1x16xf32>
      tpu.vector_store %arg10[%swap3A, %swap3A_194], %swap3A_197 {strides = array<i32>} : memref<48x128xf32, #tpu.memory_space<vmem>>, vector<1x16xf32>,
      %scan3A_198 = arith.constant 0 : i32
      scf.yield %scan3A_198 : i32
    }
    %scan3A_7 = arith.constant 384 : i32
    %mul3A_8 = arith.constant 624 : i32
    %mul3A_9 = arith.muli %arg1, %mul3A_8 : i32
    %add3A_10 = arith.constant 0 : i32
    %add3A_11 = arith.addi %mul3A_9, %add3A_10 : i32
    "tpu.region"() ({
      %run_scoped3A_159 = tpu.sem_alloc : memref<!tpu.dma_semaphore, #tpu.memory_space<semaphore_mem>>
      %dma_start3A_160 = arith.constant 0 : i32
      %dma_start3A_161 = tpu.memref_slice %arg11[%add3A_11, %dma_start3A_160] : memref<10000x128xf32, #tpu.memory_space<vmem_shared>> -> memref<48x128xf32, #tpu.memory_space<vmem_shared>>
      %dma_start3A_162 = arith.constant 0 : i32
      %dma_start3A_163 = tpu.memref_slice %arg11[%add3A_11, %dma_start3A_162] : memref<10000x128xf32, #tpu.memory_space<vmem_shared>> -> memref<48x128xf32, #tpu.memory_space<vmem_shared>>
      tpu.enqueue_dma source(%arg10 : memref<48x128xf32, #tpu.memory_space<vmem>>) target(%dma_start3A_163 : memref<48x128xf32, #tpu.memory_space<vmem_shared>>) target_semaphore(%run_scoped3A_159 : memref<!tpu.dma_semaphore, #tpu.memory_space<semaphore_mem>>)
      %dma_wait3A_164 = arith.constant 0 : i32
      %dma_wait3A_165 = tpu.memref_slice %arg11[%add3A_11, %dma_wait3A_164] : memref<10000x128xf32, #tpu.memory_space<vmem_shared>> -> memref<48x128xf32, #tpu.memory_space<vmem_shared>>
      %dma_wait3A_166 = arith.constant 0 : i32
      %dma_wait3A_167 = tpu.memref_slice %arg11[%add3A_11, %dma_wait3A_166] : memref<10000x128xf32, #tpu.memory_space<vmem_shared>> -> memref<48x128xf32, #tpu.memory_space<vmem_shared>>
      tpu.wait_dma2 semaphore(%run_scoped3A_159 : memref<!tpu.dma_semaphore, #tpu.memory_space<semaphore_mem>>) src(%arg10 : memref<48x128xf32, #tpu.memory_space<vmem>>) dst(%dma_wait3A_167 : memref<48x128xf32, #tpu.memory_space<vmem_shared>>)
      tpu.yield
    }) : () -> ()
    %mul3A_12 = arith.constant 624 : i32
    %mul3A_13 = arith.muli %arg1, %mul3A_12 : i32
    %add3A_14 = arith.constant 48 : i32
    %add3A_15 = arith.addi %mul3A_13, %add3A_14 : i32
    "tpu.region"() ({
      %run_scoped3A_159 = tpu.sem_alloc : memref<!tpu.dma_semaphore, #tpu.memory_space<semaphore_mem>>
      %dma_start3A_160 = arith.constant 0 : i32
      %dma_start3A_161 = tpu.memref_slice %arg11[%add3A_15, %dma_start3A_160] : memref<10000x128xf32, #tpu.memory_space<vmem_shared>> -> memref<48x128xf32, #tpu.memory_space<vmem_shared>>
      %dma_start3A_162 = arith.constant 0 : i32
      %dma_start3A_163 = tpu.memref_slice %arg11[%add3A_15, %dma_start3A_162] : memref<10000x128xf32, #tpu.memory_space<vmem_shared>> -> memref<48x128xf32, #tpu.memory_space<vmem_shared>>
      tpu.enqueue_dma source(%arg10 : memref<48x128xf32, #tpu.memory_space<vmem>>) target(%dma_start3A_163 : memref<48x128xf32, #tpu.memory_space<vmem_shared>>) target_semaphore(%run_scoped3A_159 : memref<!tpu.dma_semaphore, #tpu.memory_space<semaphore_mem>>)
      %dma_wait3A_164 = arith.constant 0 : i32
      %dma_wait3A_165 = tpu.memref_slice %arg11[%add3A_15, %dma_wait3A_164] : memref<10000x128xf32, #tpu.memory_space<vmem_shared>> -> memref<48x128xf32, #tpu.memory_space<vmem_shared>>
      %dma_wait3A_166 = arith.constant 0 : i32
      %dma_wait3A_167 = tpu.memref_slice %arg11[%add3A_15, %dma_wait3A_166] : memref<10000x128xf32, #tpu.memory_space<vmem_shared>> -> memref<48x128xf32, #tpu.memory_space<vmem_shared>>
      tpu.wait_dma2 semaphore(%run_scoped3A_159 : memref<!tpu.dma_semaphore, #tpu.memory_space<semaphore_mem>>) src(%arg10 : memref<48x128xf32, #tpu.memory_space<vmem>>) dst(%dma_wait3A_167 : memref<48x128xf32, #tpu.memory_space<vmem_shared>>)
      tpu.yield
    }) : () -> ()
    %mul3A_16 = arith.constant 624 : i32
    %mul3A_17 = arith.muli %arg1, %mul3A_16 : i32
    %add3A_18 = arith.constant 96 : i32
    %add3A_19 = arith.addi %mul3A_17, %add3A_18 : i32
    "tpu.region"() ({
      %run_scoped3A_159 = tpu.sem_alloc : memref<!tpu.dma_semaphore, #tpu.memory_space<semaphore_mem>>
      %dma_start3A_160 = arith.constant 0 : i32
      %dma_start3A_161 = tpu.memref_slice %arg11[%add3A_19, %dma_start3A_160] : memref<10000x128xf32, #tpu.memory_space<vmem_shared>> -> memref<48x128xf32, #tpu.memory_space<vmem_shared>>
      %dma_start3A_162 = arith.constant 0 : i32
      %dma_start3A_163 = tpu.memref_slice %arg11[%add3A_19, %dma_start3A_162] : memref<10000x128xf32, #tpu.memory_space<vmem_shared>> -> memref<48x128xf32, #tpu.memory_space<vmem_shared>>
      tpu.enqueue_dma source(%arg10 : memref<48x128xf32, #tpu.memory_space<vmem>>) target(%dma_start3A_163 : memref<48x128xf32, #tpu.memory_space<vmem_shared>>) target_semaphore(%run_scoped3A_159 : memref<!tpu.dma_semaphore, #tpu.memory_space<semaphore_mem>>)
      %dma_wait3A_164 = arith.constant 0 : i32
      %dma_wait3A_165 = tpu.memref_slice %arg11[%add3A_19, %dma_wait3A_164] : memref<10000x128xf32, #tpu.memory_space<vmem_shared>> -> memref<48x128xf32, #tpu.memory_space<vmem_shared>>
      %dma_wait3A_166 = arith.constant 0 : i32
      %dma_wait3A_167 = tpu.memref_slice %arg11[%add3A_19, %dma_wait3A_166] : memref<10000x128xf32, #tpu.memory_space<vmem_shared>> -> memref<48x128xf32, #tpu.memory_space<vmem_shared>>
      tpu.wait_dma2 semaphore(%run_scoped3A_159 : memref<!tpu.dma_semaphore, #tpu.memory_space<semaphore_mem>>) src(%arg10 : memref<48x128xf32, #tpu.memory_space<vmem>>) dst(%dma_wait3A_167 : memref<48x128xf32, #tpu.memory_space<vmem_shared>>)
      tpu.yield
    }) : () -> ()
    %mul3A_20 = arith.constant 624 : i32
    %mul3A_21 = arith.muli %arg1, %mul3A_20 : i32
    %add3A_22 = arith.constant 144 : i32
    %add3A_23 = arith.addi %mul3A_21, %add3A_22 : i32
    "tpu.region"() ({
      %run_scoped3A_159 = tpu.sem_alloc : memref<!tpu.dma_semaphore, #tpu.memory_space<semaphore_mem>>
      %dma_start3A_160 = arith.constant 0 : i32
      %dma_start3A_161 = tpu.memref_slice %arg11[%add3A_23, %dma_start3A_160] : memref<10000x128xf32, #tpu.memory_space<vmem_shared>> -> memref<48x128xf32, #tpu.memory_space<vmem_shared>>
      %dma_start3A_162 = arith.constant 0 : i32
      %dma_start3A_163 = tpu.memref_slice %arg11[%add3A_23, %dma_start3A_162] : memref<10000x128xf32, #tpu.memory_space<vmem_shared>> -> memref<48x128xf32, #tpu.memory_space<vmem_shared>>
      tpu.enqueue_dma source(%arg10 : memref<48x128xf32, #tpu.memory_space<vmem>>) target(%dma_start3A_163 : memref<48x128xf32, #tpu.memory_space<vmem_shared>>) target_semaphore(%run_scoped3A_159 : memref<!tpu.dma_semaphore, #tpu.memory_space<semaphore_mem>>)
      %dma_wait3A_164 = arith.constant 0 : i32
      %dma_wait3A_165 = tpu.memref_slice %arg11[%add3A_23, %dma_wait3A_164] : memref<10000x128xf32, #tpu.memory_space<vmem_shared>> -> memref<48x128xf32, #tpu.memory_space<vmem_shared>>
      %dma_wait3A_166 = arith.constant 0 : i32
      %dma_wait3A_167 = tpu.memref_slice %arg11[%add3A_23, %dma_wait3A_166] : memref<10000x128xf32, #tpu.memory_space<vmem_shared>> -> memref<48x128xf32, #tpu.memory_space<vmem_shared>>
      tpu.wait_dma2 semaphore(%run_scoped3A_159 : memref<!tpu.dma_semaphore, #tpu.memory_space<semaphore_mem>>) src(%arg10 : memref<48x128xf32, #tpu.memory_space<vmem>>) dst(%dma_wait3A_167 : memref<48x128xf32, #tpu.memory_space<vmem_shared>>)
      tpu.yield
    }) : () -> ()
    %mul3A_24 = arith.constant 624 : i32
    %mul3A_25 = arith.muli %arg1, %mul3A_24 : i32
    %add3A_26 = arith.constant 192 : i32
    %add3A_27 = arith.addi %mul3A_25, %add3A_26 : i32
    "tpu.region"() ({
      %run_scoped3A_159 = tpu.sem_alloc : memref<!tpu.dma_semaphore, #tpu.memory_space<semaphore_mem>>
      %dma_start3A_160 = arith.constant 0 : i32
      %dma_start3A_161 = tpu.memref_slice %arg11[%add3A_27, %dma_start3A_160] : memref<10000x128xf32, #tpu.memory_space<vmem_shared>> -> memref<48x128xf32, #tpu.memory_space<vmem_shared>>
      %dma_start3A_162 = arith.constant 0 : i32
      %dma_start3A_163 = tpu.memref_slice %arg11[%add3A_27, %dma_start3A_162] : memref<10000x128xf32, #tpu.memory_space<vmem_shared>> -> memref<48x128xf32, #tpu.memory_space<vmem_shared>>
      tpu.enqueue_dma source(%arg10 : memref<48x128xf32, #tpu.memory_space<vmem>>) target(%dma_start3A_163 : memref<48x128xf32, #tpu.memory_space<vmem_shared>>) target_semaphore(%run_scoped3A_159 : memref<!tpu.dma_semaphore, #tpu.memory_space<semaphore_mem>>)
      %dma_wait3A_164 = arith.constant 0 : i32
      %dma_wait3A_165 = tpu.memref_slice %arg11[%add3A_27, %dma_wait3A_164] : memref<10000x128xf32, #tpu.memory_space<vmem_shared>> -> memref<48x128xf32, #tpu.memory_space<vmem_shared>>
      %dma_wait3A_166 = arith.constant 0 : i32
      %dma_wait3A_167 = tpu.memref_slice %arg11[%add3A_27, %dma_wait3A_166] : memref<10000x128xf32, #tpu.memory_space<vmem_shared>> -> memref<48x128xf32, #tpu.memory_space<vmem_shared>>
      tpu.wait_dma2 semaphore(%run_scoped3A_159 : memref<!tpu.dma_semaphore, #tpu.memory_space<semaphore_mem>>) src(%arg10 : memref<48x128xf32, #tpu.memory_space<vmem>>) dst(%dma_wait3A_167 : memref<48x128xf32, #tpu.memory_space<vmem_shared>>)
      tpu.yield
    }) : () -> ()
    %mul3A_28 = arith.constant 624 : i32
    %mul3A_29 = arith.muli %arg1, %mul3A_28 : i32
    %add3A_30 = arith.constant 240 : i32
    %add3A_31 = arith.addi %mul3A_29, %add3A_30 : i32
    "tpu.region"() ({
      %run_scoped3A_159 = tpu.sem_alloc : memref<!tpu.dma_semaphore, #tpu.memory_space<semaphore_mem>>
      %dma_start3A_160 = arith.constant 0 : i32
      %dma_start3A_161 = tpu.memref_slice %arg11[%add3A_31, %dma_start3A_160] : memref<10000x128xf32, #tpu.memory_space<vmem_shared>> -> memref<48x128xf32, #tpu.memory_space<vmem_shared>>
      %dma_start3A_162 = arith.constant 0 : i32
      %dma_start3A_163 = tpu.memref_slice %arg11[%add3A_31, %dma_start3A_162] : memref<10000x128xf32, #tpu.memory_space<vmem_shared>> -> memref<48x128xf32, #tpu.memory_space<vmem_shared>>
      tpu.enqueue_dma source(%arg10 : memref<48x128xf32, #tpu.memory_space<vmem>>) target(%dma_start3A_163 : memref<48x128xf32, #tpu.memory_space<vmem_shared>>) target_semaphore(%run_scoped3A_159 : memref<!tpu.dma_semaphore, #tpu.memory_space<semaphore_mem>>)
      %dma_wait3A_164 = arith.constant 0 : i32
      %dma_wait3A_165 = tpu.memref_slice %arg11[%add3A_31, %dma_wait3A_164] : memref<10000x128xf32, #tpu.memory_space<vmem_shared>> -> memref<48x128xf32, #tpu.memory_space<vmem_shared>>
      %dma_wait3A_166 = arith.constant 0 : i32
      %dma_wait3A_167 = tpu.memref_slice %arg11[%add3A_31, %dma_wait3A_166] : memref<10000x128xf32, #tpu.memory_space<vmem_shared>> -> memref<48x128xf32, #tpu.memory_space<vmem_shared>>
      tpu.wait_dma2 semaphore(%run_scoped3A_159 : memref<!tpu.dma_semaphore, #tpu.memory_space<semaphore_mem>>) src(%arg10 : memref<48x128xf32, #tpu.memory_space<vmem>>) dst(%dma_wait3A_167 : memref<48x128xf32, #tpu.memory_space<vmem_shared>>)
      tpu.yield
    }) : () -> ()
    %mul3A_32 = arith.constant 624 : i32
    %mul3A_33 = arith.muli %arg1, %mul3A_32 : i32
    %add3A_34 = arith.constant 288 : i32
    %add3A_35 = arith.addi %mul3A_33, %add3A_34 : i32
    "tpu.region"() ({
      %run_scoped3A_159 = tpu.sem_alloc : memref<!tpu.dma_semaphore, #tpu.memory_space<semaphore_mem>>
      %dma_start3A_160 = arith.constant 0 : i32
      %dma_start3A_161 = tpu.memref_slice %arg11[%add3A_35, %dma_start3A_160] : memref<10000x128xf32, #tpu.memory_space<vmem_shared>> -> memref<48x128xf32, #tpu.memory_space<vmem_shared>>
      %dma_start3A_162 = arith.constant 0 : i32
      %dma_start3A_163 = tpu.memref_slice %arg11[%add3A_35, %dma_start3A_162] : memref<10000x128xf32, #tpu.memory_space<vmem_shared>> -> memref<48x128xf32, #tpu.memory_space<vmem_shared>>
      tpu.enqueue_dma source(%arg10 : memref<48x128xf32, #tpu.memory_space<vmem>>) target(%dma_start3A_163 : memref<48x128xf32, #tpu.memory_space<vmem_shared>>) target_semaphore(%run_scoped3A_159 : memref<!tpu.dma_semaphore, #tpu.memory_space<semaphore_mem>>)
      %dma_wait3A_164 = arith.constant 0 : i32
      %dma_wait3A_165 = tpu.memref_slice %arg11[%add3A_35, %dma_wait3A_164] : memref<10000x128xf32, #tpu.memory_space<vmem_shared>> -> memref<48x128xf32, #tpu.memory_space<vmem_shared>>
      %dma_wait3A_166 = arith.constant 0 : i32
      %dma_wait3A_167 = tpu.memref_slice %arg11[%add3A_35, %dma_wait3A_166] : memref<10000x128xf32, #tpu.memory_space<vmem_shared>> -> memref<48x128xf32, #tpu.memory_space<vmem_shared>>
      tpu.wait_dma2 semaphore(%run_scoped3A_159 : memref<!tpu.dma_semaphore, #tpu.memory_space<semaphore_mem>>) src(%arg10 : memref<48x128xf32, #tpu.memory_space<vmem>>) dst(%dma_wait3A_167 : memref<48x128xf32, #tpu.memory_space<vmem_shared>>)
      tpu.yield
    }) : () -> ()
    %mul3A_36 = arith.constant 624 : i32
    %mul3A_37 = arith.muli %arg1, %mul3A_36 : i32
    %add3A_38 = arith.constant 336 : i32
    %add3A_39 = arith.addi %mul3A_37, %add3A_38 : i32
    "tpu.region"() ({
      %run_scoped3A_159 = tpu.sem_alloc : memref<!tpu.dma_semaphore, #tpu.memory_space<semaphore_mem>>
      %dma_start3A_160 = arith.constant 0 : i32
      %dma_start3A_161 = tpu.memref_slice %arg11[%add3A_39, %dma_start3A_160] : memref<10000x128xf32, #tpu.memory_space<vmem_shared>> -> memref<48x128xf32, #tpu.memory_space<vmem_shared>>
      %dma_start3A_162 = arith.constant 0 : i32
      %dma_start3A_163 = tpu.memref_slice %arg11[%add3A_39, %dma_start3A_162] : memref<10000x128xf32, #tpu.memory_space<vmem_shared>> -> memref<48x128xf32, #tpu.memory_space<vmem_shared>>
      tpu.enqueue_dma source(%arg10 : memref<48x128xf32, #tpu.memory_space<vmem>>) target(%dma_start3A_163 : memref<48x128xf32, #tpu.memory_space<vmem_shared>>) target_semaphore(%run_scoped3A_159 : memref<!tpu.dma_semaphore, #tpu.memory_space<semaphore_mem>>)
      %dma_wait3A_164 = arith.constant 0 : i32
      %dma_wait3A_165 = tpu.memref_slice %arg11[%add3A_39, %dma_wait3A_164] : memref<10000x128xf32, #tpu.memory_space<vmem_shared>> -> memref<48x128xf32, #tpu.memory_space<vmem_shared>>
      %dma_wait3A_166 = arith.constant 0 : i32
      %dma_wait3A_167 = tpu.memref_slice %arg11[%add3A_39, %dma_wait3A_166] : memref<10000x128xf32, #tpu.memory_space<vmem_shared>> -> memref<48x128xf32, #tpu.memory_space<vmem_shared>>
      tpu.wait_dma2 semaphore(%run_scoped3A_159 : memref<!tpu.dma_semaphore, #tpu.memory_space<semaphore_mem>>) src(%arg10 : memref<48x128xf32, #tpu.memory_space<vmem>>) dst(%dma_wait3A_167 : memref<48x128xf32, #tpu.memory_space<vmem_shared>>)
      tpu.yield
    }) : () -> ()
    %mul3A_40 = arith.constant 624 : i32
    %mul3A_41 = arith.muli %arg1, %mul3A_40 : i32
    %add3A_42 = arith.constant 384 : i32
    %add3A_43 = arith.addi %mul3A_41, %add3A_42 : i32
    "tpu.region"() ({
      %run_scoped3A_159 = tpu.sem_alloc : memref<!tpu.dma_semaphore, #tpu.memory_space<semaphore_mem>>
      %dma_start3A_160 = arith.constant 0 : i32
      %dma_start3A_161 = tpu.memref_slice %arg11[%add3A_43, %dma_start3A_160] : memref<10000x128xf32, #tpu.memory_space<vmem_shared>> -> memref<48x128xf32, #tpu.memory_space<vmem_shared>>
      %dma_start3A_162 = arith.constant 0 : i32
      %dma_start3A_163 = tpu.memref_slice %arg11[%add3A_43, %dma_start3A_162] : memref<10000x128xf32, #tpu.memory_space<vmem_shared>> -> memref<48x128xf32, #tpu.memory_space<vmem_shared>>
      tpu.enqueue_dma source(%arg10 : memref<48x128xf32, #tpu.memory_space<vmem>>) target(%dma_start3A_163 : memref<48x128xf32, #tpu.memory_space<vmem_shared>>) target_semaphore(%run_scoped3A_159 : memref<!tpu.dma_semaphore, #tpu.memory_space<semaphore_mem>>)
      %dma_wait3A_164 = arith.constant 0 : i32
      %dma_wait3A_165 = tpu.memref_slice %arg11[%add3A_43, %dma_wait3A_164] : memref<10000x128xf32, #tpu.memory_space<vmem_shared>> -> memref<48x128xf32, #tpu.memory_space<vmem_shared>>
      %dma_wait3A_166 = arith.constant 0 : i32
      %dma_wait3A_167 = tpu.memref_slice %arg11[%add3A_43, %dma_wait3A_166] : memref<10000x128xf32, #tpu.memory_space<vmem_shared>> -> memref<48x128xf32, #tpu.memory_space<vmem_shared>>
      tpu.wait_dma2 semaphore(%run_scoped3A_159 : memref<!tpu.dma_semaphore, #tpu.memory_space<semaphore_mem>>) src(%arg10 : memref<48x128xf32, #tpu.memory_space<vmem>>) dst(%dma_wait3A_167 : memref<48x128xf32, #tpu.memory_space<vmem_shared>>)
      tpu.yield
    }) : () -> ()
    %mul3A_44 = arith.constant 624 : i32
    %mul3A_45 = arith.muli %arg1, %mul3A_44 : i32
    %add3A_46 = arith.constant 432 : i32
    %add3A_47 = arith.addi %mul3A_45, %add3A_46 : i32
    "tpu.region"() ({
      %run_scoped3A_159 = tpu.sem_alloc : memref<!tpu.dma_semaphore, #tpu.memory_space<semaphore_mem>>
      %dma_start3A_160 = arith.constant 0 : i32
      %dma_start3A_161 = tpu.memref_slice %arg11[%add3A_47, %dma_start3A_160] : memref<10000x128xf32, #tpu.memory_space<vmem_shared>> -> memref<48x128xf32, #tpu.memory_space<vmem_shared>>
      %dma_start3A_162 = arith.constant 0 : i32
      %dma_start3A_163 = tpu.memref_slice %arg11[%add3A_47, %dma_start3A_162] : memref<10000x128xf32, #tpu.memory_space<vmem_shared>> -> memref<48x128xf32, #tpu.memory_space<vmem_shared>>
      tpu.enqueue_dma source(%arg10 : memref<48x128xf32, #tpu.memory_space<vmem>>) target(%dma_start3A_163 : memref<48x128xf32, #tpu.memory_space<vmem_shared>>) target_semaphore(%run_scoped3A_159 : memref<!tpu.dma_semaphore, #tpu.memory_space<semaphore_mem>>)
      %dma_wait3A_164 = arith.constant 0 : i32
      %dma_wait3A_165 = tpu.memref_slice %arg11[%add3A_47, %dma_wait3A_164] : memref<10000x128xf32, #tpu.memory_space<vmem_shared>> -> memref<48x128xf32, #tpu.memory_space<vmem_shared>>
      %dma_wait3A_166 = arith.constant 0 : i32
      %dma_wait3A_167 = tpu.memref_slice %arg11[%add3A_47, %dma_wait3A_166] : memref<10000x128xf32, #tpu.memory_space<vmem_shared>> -> memref<48x128xf32, #tpu.memory_space<vmem_shared>>
      tpu.wait_dma2 semaphore(%run_scoped3A_159 : memref<!tpu.dma_semaphore, #tpu.memory_space<semaphore_mem>>) src(%arg10 : memref<48x128xf32, #tpu.memory_space<vmem>>) dst(%dma_wait3A_167 : memref<48x128xf32, #tpu.memory_space<vmem_shared>>)
      tpu.yield
    }) : () -> ()
    %mul3A_48 = arith.constant 624 : i32
    %mul3A_49 = arith.muli %arg1, %mul3A_48 : i32
    %add3A_50 = arith.constant 480 : i32
    %add3A_51 = arith.addi %mul3A_49, %add3A_50 : i32
    "tpu.region"() ({
      %run_scoped3A_159 = tpu.sem_alloc : memref<!tpu.dma_semaphore, #tpu.memory_space<semaphore_mem>>
      %dma_start3A_160 = arith.constant 0 : i32
      %dma_start3A_161 = tpu.memref_slice %arg11[%add3A_51, %dma_start3A_160] : memref<10000x128xf32, #tpu.memory_space<vmem_shared>> -> memref<48x128xf32, #tpu.memory_space<vmem_shared>>
      %dma_start3A_162 = arith.constant 0 : i32
      %dma_start3A_163 = tpu.memref_slice %arg11[%add3A_51, %dma_start3A_162] : memref<10000x128xf32, #tpu.memory_space<vmem_shared>> -> memref<48x128xf32, #tpu.memory_space<vmem_shared>>
      tpu.enqueue_dma source(%arg10 : memref<48x128xf32, #tpu.memory_space<vmem>>) target(%dma_start3A_163 : memref<48x128xf32, #tpu.memory_space<vmem_shared>>) target_semaphore(%run_scoped3A_159 : memref<!tpu.dma_semaphore, #tpu.memory_space<semaphore_mem>>)
      %dma_wait3A_164 = arith.constant 0 : i32
      %dma_wait3A_165 = tpu.memref_slice %arg11[%add3A_51, %dma_wait3A_164] : memref<10000x128xf32, #tpu.memory_space<vmem_shared>> -> memref<48x128xf32, #tpu.memory_space<vmem_shared>>
      %dma_wait3A_166 = arith.constant 0 : i32
      %dma_wait3A_167 = tpu.memref_slice %arg11[%add3A_51, %dma_wait3A_166] : memref<10000x128xf32, #tpu.memory_space<vmem_shared>> -> memref<48x128xf32, #tpu.memory_space<vmem_shared>>
      tpu.wait_dma2 semaphore(%run_scoped3A_159 : memref<!tpu.dma_semaphore, #tpu.memory_space<semaphore_mem>>) src(%arg10 : memref<48x128xf32, #tpu.memory_space<vmem>>) dst(%dma_wait3A_167 : memref<48x128xf32, #tpu.memory_space<vmem_shared>>)
      tpu.yield
    }) : () -> ()
    %mul3A_52 = arith.constant 624 : i32
    %mul3A_53 = arith.muli %arg1, %mul3A_52 : i32
    %add3A_54 = arith.constant 528 : i32
    %add3A_55 = arith.addi %mul3A_53, %add3A_54 : i32
    "tpu.region"() ({
      %run_scoped3A_159 = tpu.sem_alloc : memref<!tpu.dma_semaphore, #tpu.memory_space<semaphore_mem>>
      %dma_start3A_160 = arith.constant 0 : i32
      %dma_start3A_161 = tpu.memref_slice %arg11[%add3A_55, %dma_start3A_160] : memref<10000x128xf32, #tpu.memory_space<vmem_shared>> -> memref<48x128xf32, #tpu.memory_space<vmem_shared>>
      %dma_start3A_162 = arith.constant 0 : i32
      %dma_start3A_163 = tpu.memref_slice %arg11[%add3A_55, %dma_start3A_162] : memref<10000x128xf32, #tpu.memory_space<vmem_shared>> -> memref<48x128xf32, #tpu.memory_space<vmem_shared>>
      tpu.enqueue_dma source(%arg10 : memref<48x128xf32, #tpu.memory_space<vmem>>) target(%dma_start3A_163 : memref<48x128xf32, #tpu.memory_space<vmem_shared>>) target_semaphore(%run_scoped3A_159 : memref<!tpu.dma_semaphore, #tpu.memory_space<semaphore_mem>>)
      %dma_wait3A_164 = arith.constant 0 : i32
      %dma_wait3A_165 = tpu.memref_slice %arg11[%add3A_55, %dma_wait3A_164] : memref<10000x128xf32, #tpu.memory_space<vmem_shared>> -> memref<48x128xf32, #tpu.memory_space<vmem_shared>>
      %dma_wait3A_166 = arith.constant 0 : i32
      %dma_wait3A_167 = tpu.memref_slice %arg11[%add3A_55, %dma_wait3A_166] : memref<10000x128xf32, #tpu.memory_space<vmem_shared>> -> memref<48x128xf32, #tpu.memory_space<vmem_shared>>
      tpu.wait_dma2 semaphore(%run_scoped3A_159 : memref<!tpu.dma_semaphore, #tpu.memory_space<semaphore_mem>>) src(%arg10 : memref<48x128xf32, #tpu.memory_space<vmem>>) dst(%dma_wait3A_167 : memref<48x128xf32, #tpu.memory_space<vmem_shared>>)
      tpu.yield
    }) : () -> ()
    %mul3A_56 = arith.constant 624 : i32
    %mul3A_57 = arith.muli %arg1, %mul3A_56 : i32
    %add3A_58 = arith.constant 576 : i32
    %add3A_59 = arith.addi %mul3A_57, %add3A_58 : i32
    "tpu.region"() ({
      %run_scoped3A_159 = tpu.sem_alloc : memref<!tpu.dma_semaphore, #tpu.memory_space<semaphore_mem>>
      %dma_start3A_160 = arith.constant 0 : i32
      %dma_start3A_161 = tpu.memref_slice %arg11[%add3A_59, %dma_start3A_160] : memref<10000x128xf32, #tpu.memory_space<vmem_shared>> -> memref<48x128xf32, #tpu.memory_space<vmem_shared>>
      %dma_start3A_162 = arith.constant 0 : i32
      %dma_start3A_163 = tpu.memref_slice %arg11[%add3A_59, %dma_start3A_162] : memref<10000x128xf32, #tpu.memory_space<vmem_shared>> -> memref<48x128xf32, #tpu.memory_space<vmem_shared>>
      tpu.enqueue_dma source(%arg10 : memref<48x128xf32, #tpu.memory_space<vmem>>) target(%dma_start3A_163 : memref<48x128xf32, #tpu.memory_space<vmem_shared>>) target_semaphore(%run_scoped3A_159 : memref<!tpu.dma_semaphore, #tpu.memory_space<semaphore_mem>>)
      %dma_wait3A_164 = arith.constant 0 : i32
      %dma_wait3A_165 = tpu.memref_slice %arg11[%add3A_59, %dma_wait3A_164] : memref<10000x128xf32, #tpu.memory_space<vmem_shared>> -> memref<48x128xf32, #tpu.memory_space<vmem_shared>>
      %dma_wait3A_166 = arith.constant 0 : i32
      %dma_wait3A_167 = tpu.memref_slice %arg11[%add3A_59, %dma_wait3A_166] : memref<10000x128xf32, #tpu.memory_space<vmem_shared>> -> memref<48x128xf32, #tpu.memory_space<vmem_shared>>
      tpu.wait_dma2 semaphore(%run_scoped3A_159 : memref<!tpu.dma_semaphore, #tpu.memory_space<semaphore_mem>>) src(%arg10 : memref<48x128xf32, #tpu.memory_space<vmem>>) dst(%dma_wait3A_167 : memref<48x128xf32, #tpu.memory_space<vmem_shared>>)
      tpu.yield
    }) : () -> ()
    %eq3A = arith.constant 0 : i32
    %eq3A_60 = arith.cmpi eq, %arg1, %eq3A : i32
    %convert_element_type3A = arith.extui %eq3A_60 : i1 to i32
    %cond3A = arith.constant 0 : i32
    %cond3A_61 = arith.cmpi ne, %convert_element_type3A, %cond3A : i32
    scf.if %cond3A_61 {
      "tpu.region"() ({
        %run_scoped3A_159 = tpu.sem_alloc : memref<!tpu.dma_semaphore, #tpu.memory_space<semaphore_mem>>
        %dma_start3A_160 = arith.constant 0 : i32
        %dma_start3A_161 = arith.constant 0 : i32
        %dma_start3A_162 = tpu.memref_slice %arg10[%dma_start3A_160, %dma_start3A_161] : memref<48x128xf32, #tpu.memory_space<vmem>> -> memref<16x128xf32, #tpu.memory_space<vmem>>
        %dma_start3A_163 = arith.constant 9984 : i32
        %dma_start3A_164 = arith.constant 0 : i32
        %dma_start3A_165 = tpu.memref_slice %arg11[%dma_start3A_163, %dma_start3A_164] : memref<10000x128xf32, #tpu.memory_space<vmem_shared>> -> memref<16x128xf32, #tpu.memory_space<vmem_shared>>
        %dma_start3A_166 = arith.constant 9984 : i32
        %dma_start3A_167 = arith.constant 0 : i32
        %dma_start3A_168 = tpu.memref_slice %arg11[%dma_start3A_166, %dma_start3A_167] : memref<10000x128xf32, #tpu.memory_space<vmem_shared>> -> memref<16x128xf32, #tpu.memory_space<vmem_shared>>
        %dma_start3A_169 = arith.constant 0 : i32
        %dma_start3A_170 = arith.constant 0 : i32
        %dma_start3A_171 = tpu.memref_slice %arg10[%dma_start3A_169, %dma_start3A_170] : memref<48x128xf32, #tpu.memory_space<vmem>> -> memref<16x128xf32, #tpu.memory_space<vmem>>
        tpu.enqueue_dma source(%dma_start3A_171 : memref<16x128xf32, #tpu.memory_space<vmem>>) target(%dma_start3A_168 : memref<16x128xf32, #tpu.memory_space<vmem_shared>>) target_semaphore(%run_scoped3A_159 : memref<!tpu.dma_semaphore, #tpu.memory_space<semaphore_mem>>)
        %dma_wait3A_172 = arith.constant 0 : i32
        %dma_wait3A_173 = arith.constant 0 : i32
        %dma_wait3A_174 = tpu.memref_slice %arg10[%dma_wait3A_172, %dma_wait3A_173] : memref<48x128xf32, #tpu.memory_space<vmem>> -> memref<16x128xf32, #tpu.memory_space<vmem>>
        %dma_wait3A_175 = arith.constant 9984 : i32
        %dma_wait3A_176 = arith.constant 0 : i32
        %dma_wait3A_177 = tpu.memref_slice %arg11[%dma_wait3A_175, %dma_wait3A_176] : memref<10000x128xf32, #tpu.memory_space<vmem_shared>> -> memref<16x128xf32, #tpu.memory_space<vmem_shared>>
        %dma_wait3A_178 = arith.constant 9984 : i32
        %dma_wait3A_179 = arith.constant 0 : i32
        %dma_wait3A_180 = tpu.memref_slice %arg11[%dma_wait3A_178, %dma_wait3A_179] : memref<10000x128xf32, #tpu.memory_space<vmem_shared>> -> memref<16x128xf32, #tpu.memory_space<vmem_shared>>
        %dma_wait3A_181 = arith.constant 0 : i32
        %dma_wait3A_182 = arith.constant 0 : i32
        %dma_wait3A_183 = tpu.memref_slice %arg10[%dma_wait3A_181, %dma_wait3A_182] : memref<48x128xf32, #tpu.memory_space<vmem>> -> memref<16x128xf32, #tpu.memory_space<vmem>>
        tpu.wait_dma2 semaphore(%run_scoped3A_159 : memref<!tpu.dma_semaphore, #tpu.memory_space<semaphore_mem>>) src(%dma_wait3A_183 : memref<16x128xf32, #tpu.memory_space<vmem>>) dst(%dma_wait3A_180 : memref<16x128xf32, #tpu.memory_space<vmem_shared>>)
        tpu.yield
      }) : () -> ()
    } else {
    }
    "tpu.region"() ({
      %run_scoped3A_159 = tpu.sem_alloc : memref<!tpu.dma_semaphore, #tpu.memory_space<semaphore_mem>>
      %dma_start3A_160 = arith.constant 0 : i32
      %dma_start3A_161 = arith.constant 0 : i32
      %dma_start3A_162 = tpu.memref_slice %arg3[%add3A, %dma_start3A_160, %dma_start3A_161] : memref<64x40x128xi32, #tpu.memory_space<hbm>> -> memref<1x40x128xi32, #tpu.memory_space<hbm>>
      %dma_start3A_163 = tpu.memref_squeeze %dma_start3A_162 : memref<1x40x128xi32, #tpu.memory_space<hbm>> -> memref<40x128xi32, #tpu.memory_space<hbm>>
      %dma_start3A_164 = arith.constant 0 : i32
      %dma_start3A_165 = arith.constant 0 : i32
      %dma_start3A_166 = tpu.memref_slice %arg3[%add3A, %dma_start3A_164, %dma_start3A_165] : memref<64x40x128xi32, #tpu.memory_space<hbm>> -> memref<1x40x128xi32, #tpu.memory_space<hbm>>
      %dma_start3A_167 = tpu.memref_squeeze %dma_start3A_166 : memref<1x40x128xi32, #tpu.memory_space<hbm>> -> memref<40x128xi32, #tpu.memory_space<hbm>>
      tpu.enqueue_dma source(%dma_start3A_167 : memref<40x128xi32, #tpu.memory_space<hbm>>) target(%arg6 : memref<40x128xi32, #tpu.memory_space<vmem>>) target_semaphore(%run_scoped3A_159 : memref<!tpu.dma_semaphore, #tpu.memory_space<semaphore_mem>>)
      %dma_wait3A_168 = arith.constant 0 : i32
      %dma_wait3A_169 = arith.constant 0 : i32
      %dma_wait3A_170 = tpu.memref_slice %arg3[%add3A, %dma_wait3A_168, %dma_wait3A_169] : memref<64x40x128xi32, #tpu.memory_space<hbm>> -> memref<1x40x128xi32, #tpu.memory_space<hbm>>
      %dma_wait3A_171 = tpu.memref_squeeze %dma_wait3A_170 : memref<1x40x128xi32, #tpu.memory_space<hbm>> -> memref<40x128xi32, #tpu.memory_space<hbm>>
      %dma_wait3A_172 = arith.constant 0 : i32
      %dma_wait3A_173 = arith.constant 0 : i32
      %dma_wait3A_174 = tpu.memref_slice %arg3[%add3A, %dma_wait3A_172, %dma_wait3A_173] : memref<64x40x128xi32, #tpu.memory_space<hbm>> -> memref<1x40x128xi32, #tpu.memory_space<hbm>>
      %dma_wait3A_175 = tpu.memref_squeeze %dma_wait3A_174 : memref<1x40x128xi32, #tpu.memory_space<hbm>> -> memref<40x128xi32, #tpu.memory_space<hbm>>
      tpu.wait_dma2 semaphore(%run_scoped3A_159 : memref<!tpu.dma_semaphore, #tpu.memory_space<semaphore_mem>>) src(%dma_wait3A_175 : memref<40x128xi32, #tpu.memory_space<hbm>>) dst(%arg6 : memref<40x128xi32, #tpu.memory_space<vmem>>)
      tpu.yield
    }) : () -> ()
    "tpu.region"() ({
      %run_scoped3A_159 = tpu.sem_alloc : memref<!tpu.dma_semaphore, #tpu.memory_space<semaphore_mem>>
      %dma_start3A_160 = arith.constant 0 : i32
      %dma_start3A_161 = arith.constant 0 : i32
      %dma_start3A_162 = tpu.memref_slice %arg4[%add3A, %dma_start3A_160, %dma_start3A_161] : memref<64x40x128xi32, #tpu.memory_space<hbm>> -> memref<1x40x128xi32, #tpu.memory_space<hbm>>
      %dma_start3A_163 = tpu.memref_squeeze %dma_start3A_162 : memref<1x40x128xi32, #tpu.memory_space<hbm>> -> memref<40x128xi32, #tpu.memory_space<hbm>>
      %dma_start3A_164 = arith.constant 0 : i32
      %dma_start3A_165 = arith.constant 0 : i32
      %dma_start3A_166 = tpu.memref_slice %arg4[%add3A, %dma_start3A_164, %dma_start3A_165] : memref<64x40x128xi32, #tpu.memory_space<hbm>> -> memref<1x40x128xi32, #tpu.memory_space<hbm>>
      %dma_start3A_167 = tpu.memref_squeeze %dma_start3A_166 : memref<1x40x128xi32, #tpu.memory_space<hbm>> -> memref<40x128xi32, #tpu.memory_space<hbm>>
      tpu.enqueue_dma source(%dma_start3A_167 : memref<40x128xi32, #tpu.memory_space<hbm>>) target(%arg7 : memref<40x128xi32, #tpu.memory_space<vmem>>) target_semaphore(%run_scoped3A_159 : memref<!tpu.dma_semaphore, #tpu.memory_space<semaphore_mem>>)
      %dma_wait3A_168 = arith.constant 0 : i32
      %dma_wait3A_169 = arith.constant 0 : i32
      %dma_wait3A_170 = tpu.memref_slice %arg4[%add3A, %dma_wait3A_168, %dma_wait3A_169] : memref<64x40x128xi32, #tpu.memory_space<hbm>> -> memref<1x40x128xi32, #tpu.memory_space<hbm>>
      %dma_wait3A_171 = tpu.memref_squeeze %dma_wait3A_170 : memref<1x40x128xi32, #tpu.memory_space<hbm>> -> memref<40x128xi32, #tpu.memory_space<hbm>>
      %dma_wait3A_172 = arith.constant 0 : i32
      %dma_wait3A_173 = arith.constant 0 : i32
      %dma_wait3A_174 = tpu.memref_slice %arg4[%add3A, %dma_wait3A_172, %dma_wait3A_173] : memref<64x40x128xi32, #tpu.memory_space<hbm>> -> memref<1x40x128xi32, #tpu.memory_space<hbm>>
      %dma_wait3A_175 = tpu.memref_squeeze %dma_wait3A_174 : memref<1x40x128xi32, #tpu.memory_space<hbm>> -> memref<40x128xi32, #tpu.memory_space<hbm>>
      tpu.wait_dma2 semaphore(%run_scoped3A_159 : memref<!tpu.dma_semaphore, #tpu.memory_space<semaphore_mem>>) src(%dma_wait3A_175 : memref<40x128xi32, #tpu.memory_space<hbm>>) dst(%arg7 : memref<40x128xi32, #tpu.memory_space<vmem>>)
      tpu.yield
    }) : () -> ()
    %barrier3A = arith.constant 0 : index
    tpu.barrier barrier_id(%barrier3A)
    %mul3A_62 = arith.constant 2 : i32
    %mul3A_63 = arith.muli %add3A, %mul3A_62 : i32
    %add3A_64 = arith.constant 0 : i32
    %add3A_65 = arith.addi %mul3A_63, %add3A_64 : i32
    "tpu.region"() ({
      %run_scoped3A_159 = tpu.sem_alloc : memref<!tpu.dma_semaphore, #tpu.memory_space<semaphore_mem>>
      %dma_start3A_160 = arith.constant 0 : i32
      %dma_start3A_161 = arith.constant 0 : i32
      %dma_start3A_162 = tpu.memref_slice %arg3[%add3A_65, %dma_start3A_160, %dma_start3A_161] : memref<64x40x128xi32, #tpu.memory_space<hbm>> -> memref<1x40x128xi32, #tpu.memory_space<hbm>>
      %dma_start3A_163 = tpu.memref_squeeze %dma_start3A_162 : memref<1x40x128xi32, #tpu.memory_space<hbm>> -> memref<40x128xi32, #tpu.memory_space<hbm>>
      %dma_start3A_164 = arith.constant 0 : i32
      %dma_start3A_165 = arith.constant 0 : i32
      %dma_start3A_166 = tpu.memref_slice %arg3[%add3A_65, %dma_start3A_164, %dma_start3A_165] : memref<64x40x128xi32, #tpu.memory_space<hbm>> -> memref<1x40x128xi32, #tpu.memory_space<hbm>>
      %dma_start3A_167 = tpu.memref_squeeze %dma_start3A_166 : memref<1x40x128xi32, #tpu.memory_space<hbm>> -> memref<40x128xi32, #tpu.memory_space<hbm>>
      tpu.enqueue_dma source(%dma_start3A_167 : memref<40x128xi32, #tpu.memory_space<hbm>>) target(%arg6 : memref<40x128xi32, #tpu.memory_space<vmem>>) target_semaphore(%run_scoped3A_159 : memref<!tpu.dma_semaphore, #tpu.memory_space<semaphore_mem>>)
      %dma_wait3A_168 = arith.constant 0 : i32
      %dma_wait3A_169 = arith.constant 0 : i32
      %dma_wait3A_170 = tpu.memref_slice %arg3[%add3A_65, %dma_wait3A_168, %dma_wait3A_169] : memref<64x40x128xi32, #tpu.memory_space<hbm>> -> memref<1x40x128xi32, #tpu.memory_space<hbm>>
      %dma_wait3A_171 = tpu.memref_squeeze %dma_wait3A_170 : memref<1x40x128xi32, #tpu.memory_space<hbm>> -> memref<40x128xi32, #tpu.memory_space<hbm>>
      %dma_wait3A_172 = arith.constant 0 : i32
      %dma_wait3A_173 = arith.constant 0 : i32
      %dma_wait3A_174 = tpu.memref_slice %arg3[%add3A_65, %dma_wait3A_172, %dma_wait3A_173] : memref<64x40x128xi32, #tpu.memory_space<hbm>> -> memref<1x40x128xi32, #tpu.memory_space<hbm>>
      %dma_wait3A_175 = tpu.memref_squeeze %dma_wait3A_174 : memref<1x40x128xi32, #tpu.memory_space<hbm>> -> memref<40x128xi32, #tpu.memory_space<hbm>>
      tpu.wait_dma2 semaphore(%run_scoped3A_159 : memref<!tpu.dma_semaphore, #tpu.memory_space<semaphore_mem>>) src(%dma_wait3A_175 : memref<40x128xi32, #tpu.memory_space<hbm>>) dst(%arg6 : memref<40x128xi32, #tpu.memory_space<vmem>>)
      tpu.yield
    }) : () -> ()
    %mul3A_66 = arith.constant 2 : i32
    %mul3A_67 = arith.muli %add3A, %mul3A_66 : i32
    %add3A_68 = arith.constant 0 : i32
    %add3A_69 = arith.addi %mul3A_67, %add3A_68 : i32
    "tpu.region"() ({
      %run_scoped3A_159 = tpu.sem_alloc : memref<!tpu.dma_semaphore, #tpu.memory_space<semaphore_mem>>
      %dma_start3A_160 = arith.constant 0 : i32
      %dma_start3A_161 = arith.constant 0 : i32
      %dma_start3A_162 = tpu.memref_slice %arg4[%add3A_69, %dma_start3A_160, %dma_start3A_161] : memref<64x40x128xi32, #tpu.memory_space<hbm>> -> memref<1x40x128xi32, #tpu.memory_space<hbm>>
      %dma_start3A_163 = tpu.memref_squeeze %dma_start3A_162 : memref<1x40x128xi32, #tpu.memory_space<hbm>> -> memref<40x128xi32, #tpu.memory_space<hbm>>
      %dma_start3A_164 = arith.constant 0 : i32
      %dma_start3A_165 = arith.constant 0 : i32
      %dma_start3A_166 = tpu.memref_slice %arg4[%add3A_69, %dma_start3A_164, %dma_start3A_165] : memref<64x40x128xi32, #tpu.memory_space<hbm>> -> memref<1x40x128xi32, #tpu.memory_space<hbm>>
      %dma_start3A_167 = tpu.memref_squeeze %dma_start3A_166 : memref<1x40x128xi32, #tpu.memory_space<hbm>> -> memref<40x128xi32, #tpu.memory_space<hbm>>
      tpu.enqueue_dma source(%dma_start3A_167 : memref<40x128xi32, #tpu.memory_space<hbm>>) target(%arg7 : memref<40x128xi32, #tpu.memory_space<vmem>>) target_semaphore(%run_scoped3A_159 : memref<!tpu.dma_semaphore, #tpu.memory_space<semaphore_mem>>)
      %dma_wait3A_168 = arith.constant 0 : i32
      %dma_wait3A_169 = arith.constant 0 : i32
      %dma_wait3A_170 = tpu.memref_slice %arg4[%add3A_69, %dma_wait3A_168, %dma_wait3A_169] : memref<64x40x128xi32, #tpu.memory_space<hbm>> -> memref<1x40x128xi32, #tpu.memory_space<hbm>>
      %dma_wait3A_171 = tpu.memref_squeeze %dma_wait3A_170 : memref<1x40x128xi32, #tpu.memory_space<hbm>> -> memref<40x128xi32, #tpu.memory_space<hbm>>
      %dma_wait3A_172 = arith.constant 0 : i32
      %dma_wait3A_173 = arith.constant 0 : i32
      %dma_wait3A_174 = tpu.memref_slice %arg4[%add3A_69, %dma_wait3A_172, %dma_wait3A_173] : memref<64x40x128xi32, #tpu.memory_space<hbm>> -> memref<1x40x128xi32, #tpu.memory_space<hbm>>
      %dma_wait3A_175 = tpu.memref_squeeze %dma_wait3A_174 : memref<1x40x128xi32, #tpu.memory_space<hbm>> -> memref<40x128xi32, #tpu.memory_space<hbm>>
      tpu.wait_dma2 semaphore(%run_scoped3A_159 : memref<!tpu.dma_semaphore, #tpu.memory_space<semaphore_mem>>) src(%dma_wait3A_175 : memref<40x128xi32, #tpu.memory_space<hbm>>) dst(%arg7 : memref<40x128xi32, #tpu.memory_space<vmem>>)
      tpu.yield
    }) : () -> ()
    %dma_start3A = arith.constant 0 : i32
    %dma_start3A_70 = arith.constant 0 : i32
    %dma_start3A_71 = tpu.memref_slice %arg6[%dma_start3A, %dma_start3A_70] : memref<40x128xi32, #tpu.memory_space<vmem>> -> memref<1x128xi32, #tpu.memory_space<vmem>>
    %dma_start3A_72 = tpu.memref_squeeze %dma_start3A_71 : memref<1x128xi32, #tpu.memory_space<vmem>> -> memref<128xi32, #tpu.memory_space<vmem>>
    %dma_start3A_73 = arith.constant 0 : i32
    %dma_start3A_74 = arith.constant 0 : i32
    %dma_start3A_75 = tpu.memref_slice %arg2[%dma_start3A_73, %dma_start3A_74] : memref<10008x128xf32, #tpu.memory_space<hbm>> -> memref<10008x128xf32, #tpu.memory_space<hbm>>
    tpu.enqueue_indirect_dma source(%dma_start3A_75 : memref<10008x128xf32, #tpu.memory_space<hbm>>) target(%arg8 : memref<128x128xf32, #tpu.memory_space<vmem>>) offsets(%dma_start3A_72 : memref<128xi32, #tpu.memory_space<vmem>>) semaphore(%arg12 : memref<!tpu.dma_semaphore, #tpu.memory_space<semaphore_mem>>)
    %dma_start3A_76 = arith.constant 1 : i32
    %dma_start3A_77 = arith.constant 0 : i32
    %dma_start3A_78 = tpu.memref_slice %arg6[%dma_start3A_76, %dma_start3A_77] : memref<40x128xi32, #tpu.memory_space<vmem>> -> memref<1x128xi32, #tpu.memory_space<vmem>>
    %dma_start3A_79 = tpu.memref_squeeze %dma_start3A_78 : memref<1x128xi32, #tpu.memory_space<vmem>> -> memref<128xi32, #tpu.memory_space<vmem>>
    %dma_start3A_80 = arith.constant 0 : i32
    %dma_start3A_81 = arith.constant 0 : i32
    %dma_start3A_82 = tpu.memref_slice %arg2[%dma_start3A_80, %dma_start3A_81] : memref<10008x128xf32, #tpu.memory_space<hbm>> -> memref<10008x128xf32, #tpu.memory_space<hbm>>
    tpu.enqueue_indirect_dma source(%dma_start3A_82 : memref<10008x128xf32, #tpu.memory_space<hbm>>) target(%arg9 : memref<128x128xf32, #tpu.memory_space<vmem>>) offsets(%dma_start3A_79 : memref<128xi32, #tpu.memory_space<vmem>>) semaphore(%arg13 : memref<!tpu.dma_semaphore, #tpu.memory_space<semaphore_mem>>)
    %scan3A_83 = arith.constant 0 : i32
    %scan3A_84 = arith.constant 0 : i32
    %scan3A_85 = arith.constant 19 : i32
    %scan3A_86 = arith.addi %scan3A_84, %scan3A_85 : i32
    %scan3A_87 = arith.constant 1 : i32
    %scan3A_88 = scf.for %scan3A_159 = %scan3A_84 to %scan3A_86 step %scan3A_87 iter_args(%scan3A_160 = %scan3A_83) -> (i32)  : i32 {
      %mul3A_161 = arith.constant 2 : i32
      %mul3A_162 = arith.muli %mul3A_161, %scan3A_159 : i32
      %dma_wait3A_163 = arith.constant 0 : i32
      %dma_wait3A_164 = tpu.memref_slice %arg6[%mul3A_162, %dma_wait3A_163] : memref<40x128xi32, #tpu.memory_space<vmem>> -> memref<1x128xi32, #tpu.memory_space<vmem>>
      %dma_wait3A_165 = tpu.memref_squeeze %dma_wait3A_164 : memref<1x128xi32, #tpu.memory_space<vmem>> -> memref<128xi32, #tpu.memory_space<vmem>>
      %dma_wait3A_166 = arith.constant 0 : i32
      %dma_wait3A_167 = arith.constant 0 : i32
      %dma_wait3A_168 = tpu.memref_slice %arg2[%dma_wait3A_166, %dma_wait3A_167] : memref<10008x128xf32, #tpu.memory_space<hbm>> -> memref<10008x128xf32, #tpu.memory_space<hbm>>
      tpu.wait_indirect_dma semaphore(%arg12 : memref<!tpu.dma_semaphore, #tpu.memory_space<semaphore_mem>>) src(%dma_wait3A_168 : memref<10008x128xf32, #tpu.memory_space<hbm>>) dst(%arg8 : memref<128x128xf32, #tpu.memory_space<vmem>>)
      "tpu.region"() ({
        %run_scoped3A_196 = tpu.sem_alloc : memref<!tpu.dma_semaphore, #tpu.memory_space<semaphore_mem>>
        %dma_start3A_197 = arith.constant 0 : i32
        %dma_start3A_198 = tpu.memref_slice %arg7[%mul3A_162, %dma_start3A_197] : memref<40x128xi32, #tpu.memory_space<vmem>> -> memref<1x128xi32, #tpu.memory_space<vmem>>
        %dma_start3A_199 = tpu.memref_squeeze %dma_start3A_198 : memref<1x128xi32, #tpu.memory_space<vmem>> -> memref<128xi32, #tpu.memory_space<vmem>>
        %dma_start3A_200 = arith.constant 0 : i32
        %dma_start3A_201 = arith.constant 0 : i32
        %dma_start3A_202 = tpu.memref_slice %arg11[%dma_start3A_200, %dma_start3A_201] : memref<10000x128xf32, #tpu.memory_space<vmem_shared>> -> memref<10000x128xf32, #tpu.memory_space<vmem_shared>>
        tpu.enqueue_indirect_dma source(%arg8 : memref<128x128xf32, #tpu.memory_space<vmem>>) target(%dma_start3A_202 : memref<10000x128xf32, #tpu.memory_space<vmem_shared>>) offsets(%dma_start3A_199 : memref<128xi32, #tpu.memory_space<vmem>>) semaphore(%run_scoped3A_196 : memref<!tpu.dma_semaphore, #tpu.memory_space<semaphore_mem>>) {add = true}
        %dma_wait3A_203 = arith.constant 0 : i32
        %dma_wait3A_204 = tpu.memref_slice %arg7[%mul3A_162, %dma_wait3A_203] : memref<40x128xi32, #tpu.memory_space<vmem>> -> memref<1x128xi32, #tpu.memory_space<vmem>>
        %dma_wait3A_205 = tpu.memref_squeeze %dma_wait3A_204 : memref<1x128xi32, #tpu.memory_space<vmem>> -> memref<128xi32, #tpu.memory_space<vmem>>
        %dma_wait3A_206 = arith.constant 0 : i32
        %dma_wait3A_207 = arith.constant 0 : i32
        %dma_wait3A_208 = tpu.memref_slice %arg11[%dma_wait3A_206, %dma_wait3A_207] : memref<10000x128xf32, #tpu.memory_space<vmem_shared>> -> memref<10000x128xf32, #tpu.memory_space<vmem_shared>>
        tpu.wait_indirect_dma semaphore(%run_scoped3A_196 : memref<!tpu.dma_semaphore, #tpu.memory_space<semaphore_mem>>) src(%arg8 : memref<128x128xf32, #tpu.memory_space<vmem>>) dst(%dma_wait3A_208 : memref<10000x128xf32, #tpu.memory_space<vmem_shared>>)
        tpu.yield
      }) : () -> ()
      %add3A_169 = arith.constant 2 : i32
      %add3A_170 = arith.addi %mul3A_162, %add3A_169 : i32
      %dma_start3A_171 = arith.constant 0 : i32
      %dma_start3A_172 = tpu.memref_slice %arg6[%add3A_170, %dma_start3A_171] : memref<40x128xi32, #tpu.memory_space<vmem>> -> memref<1x128xi32, #tpu.memory_space<vmem>>
      %dma_start3A_173 = tpu.memref_squeeze %dma_start3A_172 : memref<1x128xi32, #tpu.memory_space<vmem>> -> memref<128xi32, #tpu.memory_space<vmem>>
      %dma_start3A_174 = arith.constant 0 : i32
      %dma_start3A_175 = arith.constant 0 : i32
      %dma_start3A_176 = tpu.memref_slice %arg2[%dma_start3A_174, %dma_start3A_175] : memref<10008x128xf32, #tpu.memory_space<hbm>> -> memref<10008x128xf32, #tpu.memory_space<hbm>>
      tpu.enqueue_indirect_dma source(%dma_start3A_176 : memref<10008x128xf32, #tpu.memory_space<hbm>>) target(%arg8 : memref<128x128xf32, #tpu.memory_space<vmem>>) offsets(%dma_start3A_173 : memref<128xi32, #tpu.memory_space<vmem>>) semaphore(%arg12 : memref<!tpu.dma_semaphore, #tpu.memory_space<semaphore_mem>>)
      %add3A_177 = arith.constant 1 : i32
      %add3A_178 = arith.addi %mul3A_162, %add3A_177 : i32
      %dma_wait3A_179 = arith.constant 0 : i32
      %dma_wait3A_180 = tpu.memref_slice %arg6[%add3A_178, %dma_wait3A_179] : memref<40x128xi32, #tpu.memory_space<vmem>> -> memref<1x128xi32, #tpu.memory_space<vmem>>
      %dma_wait3A_181 = tpu.memref_squeeze %dma_wait3A_180 : memref<1x128xi32, #tpu.memory_space<vmem>> -> memref<128xi32, #tpu.memory_space<vmem>>
      %dma_wait3A_182 = arith.constant 0 : i32
      %dma_wait3A_183 = arith.constant 0 : i32
      %dma_wait3A_184 = tpu.memref_slice %arg2[%dma_wait3A_182, %dma_wait3A_183] : memref<10008x128xf32, #tpu.memory_space<hbm>> -> memref<10008x128xf32, #tpu.memory_space<hbm>>
      tpu.wait_indirect_dma semaphore(%arg13 : memref<!tpu.dma_semaphore, #tpu.memory_space<semaphore_mem>>) src(%dma_wait3A_184 : memref<10008x128xf32, #tpu.memory_space<hbm>>) dst(%arg9 : memref<128x128xf32, #tpu.memory_space<vmem>>)
      %add3A_185 = arith.constant 1 : i32
      %add3A_186 = arith.addi %mul3A_162, %add3A_185 : i32
      "tpu.region"() ({
        %run_scoped3A_196 = tpu.sem_alloc : memref<!tpu.dma_semaphore, #tpu.memory_space<semaphore_mem>>
        %dma_start3A_197 = arith.constant 0 : i32
        %dma_start3A_198 = tpu.memref_slice %arg7[%add3A_186, %dma_start3A_197] : memref<40x128xi32, #tpu.memory_space<vmem>> -> memref<1x128xi32, #tpu.memory_space<vmem>>
        %dma_start3A_199 = tpu.memref_squeeze %dma_start3A_198 : memref<1x128xi32, #tpu.memory_space<vmem>> -> memref<128xi32, #tpu.memory_space<vmem>>
        %dma_start3A_200 = arith.constant 0 : i32
        %dma_start3A_201 = arith.constant 0 : i32
        %dma_start3A_202 = tpu.memref_slice %arg11[%dma_start3A_200, %dma_start3A_201] : memref<10000x128xf32, #tpu.memory_space<vmem_shared>> -> memref<10000x128xf32, #tpu.memory_space<vmem_shared>>
        tpu.enqueue_indirect_dma source(%arg9 : memref<128x128xf32, #tpu.memory_space<vmem>>) target(%dma_start3A_202 : memref<10000x128xf32, #tpu.memory_space<vmem_shared>>) offsets(%dma_start3A_199 : memref<128xi32, #tpu.memory_space<vmem>>) semaphore(%run_scoped3A_196 : memref<!tpu.dma_semaphore, #tpu.memory_space<semaphore_mem>>) {add = true}
        %dma_wait3A_203 = arith.constant 0 : i32
        %dma_wait3A_204 = tpu.memref_slice %arg7[%add3A_186, %dma_wait3A_203] : memref<40x128xi32, #tpu.memory_space<vmem>> -> memref<1x128xi32, #tpu.memory_space<vmem>>
        %dma_wait3A_205 = tpu.memref_squeeze %dma_wait3A_204 : memref<1x128xi32, #tpu.memory_space<vmem>> -> memref<128xi32, #tpu.memory_space<vmem>>
        %dma_wait3A_206 = arith.constant 0 : i32
        %dma_wait3A_207 = arith.constant 0 : i32
        %dma_wait3A_208 = tpu.memref_slice %arg11[%dma_wait3A_206, %dma_wait3A_207] : memref<10000x128xf32, #tpu.memory_space<vmem_shared>> -> memref<10000x128xf32, #tpu.memory_space<vmem_shared>>
        tpu.wait_indirect_dma semaphore(%run_scoped3A_196 : memref<!tpu.dma_semaphore, #tpu.memory_space<semaphore_mem>>) src(%arg9 : memref<128x128xf32, #tpu.memory_space<vmem>>) dst(%dma_wait3A_208 : memref<10000x128xf32, #tpu.memory_space<vmem_shared>>)
        tpu.yield
      }) : () -> ()
      %add3A_187 = arith.constant 3 : i32
      %add3A_188 = arith.addi %mul3A_162, %add3A_187 : i32
      %dma_start3A_189 = arith.constant 0 : i32
      %dma_start3A_190 = tpu.memref_slice %arg6[%add3A_188, %dma_start3A_189] : memref<40x128xi32, #tpu.memory_space<vmem>> -> memref<1x128xi32, #tpu.memory_space<vmem>>
      %dma_start3A_191 = tpu.memref_squeeze %dma_start3A_190 : memref<1x128xi32, #tpu.memory_space<vmem>> -> memref<128xi32, #tpu.memory_space<vmem>>
      %dma_start3A_192 = arith.constant 0 : i32
      %dma_start3A_193 = arith.constant 0 : i32
      %dma_start3A_194 = tpu.memref_slice %arg2[%dma_start3A_192, %dma_start3A_193] : memref<10008x128xf32, #tpu.memory_space<hbm>> -> memref<10008x128xf32, #tpu.memory_space<hbm>>
      tpu.enqueue_indirect_dma source(%dma_start3A_194 : memref<10008x128xf32, #tpu.memory_space<hbm>>) target(%arg9 : memref<128x128xf32, #tpu.memory_space<vmem>>) offsets(%dma_start3A_191 : memref<128xi32, #tpu.memory_space<vmem>>) semaphore(%arg13 : memref<!tpu.dma_semaphore, #tpu.memory_space<semaphore_mem>>)
      %scan3A_195 = arith.constant 0 : i32
      scf.yield %scan3A_195 : i32
    }
    %scan3A_89 = arith.constant 19 : i32
    %dma_wait3A = arith.constant 38 : i32
    %dma_wait3A_90 = arith.constant 0 : i32
    %dma_wait3A_91 = tpu.memref_slice %arg6[%dma_wait3A, %dma_wait3A_90] : memref<40x128xi32, #tpu.memory_space<vmem>> -> memref<1x128xi32, #tpu.memory_space<vmem>>
    %dma_wait3A_92 = tpu.memref_squeeze %dma_wait3A_91 : memref<1x128xi32, #tpu.memory_space<vmem>> -> memref<128xi32, #tpu.memory_space<vmem>>
    %dma_wait3A_93 = arith.constant 0 : i32
    %dma_wait3A_94 = arith.constant 0 : i32
    %dma_wait3A_95 = tpu.memref_slice %arg2[%dma_wait3A_93, %dma_wait3A_94] : memref<10008x128xf32, #tpu.memory_space<hbm>> -> memref<10008x128xf32, #tpu.memory_space<hbm>>
    tpu.wait_indirect_dma semaphore(%arg12 : memref<!tpu.dma_semaphore, #tpu.memory_space<semaphore_mem>>) src(%dma_wait3A_95 : memref<10008x128xf32, #tpu.memory_space<hbm>>) dst(%arg8 : memref<128x128xf32, #tpu.memory_space<vmem>>)
    %run_scoped3A = arith.constant 38 : i32
    "tpu.region"() ({
      %run_scoped3A_159 = tpu.sem_alloc : memref<!tpu.dma_semaphore, #tpu.memory_space<semaphore_mem>>
      %dma_start3A_160 = arith.constant 0 : i32
      %dma_start3A_161 = tpu.memref_slice %arg7[%run_scoped3A, %dma_start3A_160] : memref<40x128xi32, #tpu.memory_space<vmem>> -> memref<1x128xi32, #tpu.memory_space<vmem>>
      %dma_start3A_162 = tpu.memref_squeeze %dma_start3A_161 : memref<1x128xi32, #tpu.memory_space<vmem>> -> memref<128xi32, #tpu.memory_space<vmem>>
      %dma_start3A_163 = arith.constant 0 : i32
      %dma_start3A_164 = arith.constant 0 : i32
      %dma_start3A_165 = tpu.memref_slice %arg11[%dma_start3A_163, %dma_start3A_164] : memref<10000x128xf32, #tpu.memory_space<vmem_shared>> -> memref<10000x128xf32, #tpu.memory_space<vmem_shared>>
      tpu.enqueue_indirect_dma source(%arg8 : memref<128x128xf32, #tpu.memory_space<vmem>>) target(%dma_start3A_165 : memref<10000x128xf32, #tpu.memory_space<vmem_shared>>) offsets(%dma_start3A_162 : memref<128xi32, #tpu.memory_space<vmem>>) semaphore(%run_scoped3A_159 : memref<!tpu.dma_semaphore, #tpu.memory_space<semaphore_mem>>) {add = true}
      %dma_wait3A_166 = arith.constant 0 : i32
      %dma_wait3A_167 = tpu.memref_slice %arg7[%run_scoped3A, %dma_wait3A_166] : memref<40x128xi32, #tpu.memory_space<vmem>> -> memref<1x128xi32, #tpu.memory_space<vmem>>
      %dma_wait3A_168 = tpu.memref_squeeze %dma_wait3A_167 : memref<1x128xi32, #tpu.memory_space<vmem>> -> memref<128xi32, #tpu.memory_space<vmem>>
      %dma_wait3A_169 = arith.constant 0 : i32
      %dma_wait3A_170 = arith.constant 0 : i32
      %dma_wait3A_171 = tpu.memref_slice %arg11[%dma_wait3A_169, %dma_wait3A_170] : memref<10000x128xf32, #tpu.memory_space<vmem_shared>> -> memref<10000x128xf32, #tpu.memory_space<vmem_shared>>
      tpu.wait_indirect_dma semaphore(%run_scoped3A_159 : memref<!tpu.dma_semaphore, #tpu.memory_space<semaphore_mem>>) src(%arg8 : memref<128x128xf32, #tpu.memory_space<vmem>>) dst(%dma_wait3A_171 : memref<10000x128xf32, #tpu.memory_space<vmem_shared>>)
      tpu.yield
    }) : () -> ()
    %dma_wait3A_96 = arith.constant 39 : i32
    %dma_wait3A_97 = arith.constant 0 : i32
    %dma_wait3A_98 = tpu.memref_slice %arg6[%dma_wait3A_96, %dma_wait3A_97] : memref<40x128xi32, #tpu.memory_space<vmem>> -> memref<1x128xi32, #tpu.memory_space<vmem>>
    %dma_wait3A_99 = tpu.memref_squeeze %dma_wait3A_98 : memref<1x128xi32, #tpu.memory_space<vmem>> -> memref<128xi32, #tpu.memory_space<vmem>>
    %dma_wait3A_100 = arith.constant 0 : i32
    %dma_wait3A_101 = arith.constant 0 : i32
    %dma_wait3A_102 = tpu.memref_slice %arg2[%dma_wait3A_100, %dma_wait3A_101] : memref<10008x128xf32, #tpu.memory_space<hbm>> -> memref<10008x128xf32, #tpu.memory_space<hbm>>
    tpu.wait_indirect_dma semaphore(%arg13 : memref<!tpu.dma_semaphore, #tpu.memory_space<semaphore_mem>>) src(%dma_wait3A_102 : memref<10008x128xf32, #tpu.memory_space<hbm>>) dst(%arg9 : memref<128x128xf32, #tpu.memory_space<vmem>>)
    %run_scoped3A_103 = arith.constant 39 : i32
    "tpu.region"() ({
      %run_scoped3A_159 = tpu.sem_alloc : memref<!tpu.dma_semaphore, #tpu.memory_space<semaphore_mem>>
      %dma_start3A_160 = arith.constant 0 : i32
      %dma_start3A_161 = tpu.memref_slice %arg7[%run_scoped3A_103, %dma_start3A_160] : memref<40x128xi32, #tpu.memory_space<vmem>> -> memref<1x128xi32, #tpu.memory_space<vmem>>
      %dma_start3A_162 = tpu.memref_squeeze %dma_start3A_161 : memref<1x128xi32, #tpu.memory_space<vmem>> -> memref<128xi32, #tpu.memory_space<vmem>>
      %dma_start3A_163 = arith.constant 0 : i32
      %dma_start3A_164 = arith.constant 0 : i32
      %dma_start3A_165 = tpu.memref_slice %arg11[%dma_start3A_163, %dma_start3A_164] : memref<10000x128xf32, #tpu.memory_space<vmem_shared>> -> memref<10000x128xf32, #tpu.memory_space<vmem_shared>>
      tpu.enqueue_indirect_dma source(%arg9 : memref<128x128xf32, #tpu.memory_space<vmem>>) target(%dma_start3A_165 : memref<10000x128xf32, #tpu.memory_space<vmem_shared>>) offsets(%dma_start3A_162 : memref<128xi32, #tpu.memory_space<vmem>>) semaphore(%run_scoped3A_159 : memref<!tpu.dma_semaphore, #tpu.memory_space<semaphore_mem>>) {add = true}
      %dma_wait3A_166 = arith.constant 0 : i32
      %dma_wait3A_167 = tpu.memref_slice %arg7[%run_scoped3A_103, %dma_wait3A_166] : memref<40x128xi32, #tpu.memory_space<vmem>> -> memref<1x128xi32, #tpu.memory_space<vmem>>
      %dma_wait3A_168 = tpu.memref_squeeze %dma_wait3A_167 : memref<1x128xi32, #tpu.memory_space<vmem>> -> memref<128xi32, #tpu.memory_space<vmem>>
      %dma_wait3A_169 = arith.constant 0 : i32
      %dma_wait3A_170 = arith.constant 0 : i32
      %dma_wait3A_171 = tpu.memref_slice %arg11[%dma_wait3A_169, %dma_wait3A_170] : memref<10000x128xf32, #tpu.memory_space<vmem_shared>> -> memref<10000x128xf32, #tpu.memory_space<vmem_shared>>
      tpu.wait_indirect_dma semaphore(%run_scoped3A_159 : memref<!tpu.dma_semaphore, #tpu.memory_space<semaphore_mem>>) src(%arg9 : memref<128x128xf32, #tpu.memory_space<vmem>>) dst(%dma_wait3A_171 : memref<10000x128xf32, #tpu.memory_space<vmem_shared>>)
      tpu.yield
    }) : () -> ()
    %mul3A_104 = arith.constant 2 : i32
    %mul3A_105 = arith.muli %add3A, %mul3A_104 : i32
    %add3A_106 = arith.constant 1 : i32
    %add3A_107 = arith.addi %mul3A_105, %add3A_106 : i32
    "tpu.region"() ({
      %run_scoped3A_159 = tpu.sem_alloc : memref<!tpu.dma_semaphore, #tpu.memory_space<semaphore_mem>>
      %dma_start3A_160 = arith.constant 0 : i32
      %dma_start3A_161 = arith.constant 0 : i32
      %dma_start3A_162 = tpu.memref_slice %arg3[%add3A_107, %dma_start3A_160, %dma_start3A_161] : memref<64x40x128xi32, #tpu.memory_space<hbm>> -> memref<1x40x128xi32, #tpu.memory_space<hbm>>
      %dma_start3A_163 = tpu.memref_squeeze %dma_start3A_162 : memref<1x40x128xi32, #tpu.memory_space<hbm>> -> memref<40x128xi32, #tpu.memory_space<hbm>>
      %dma_start3A_164 = arith.constant 0 : i32
      %dma_start3A_165 = arith.constant 0 : i32
      %dma_start3A_166 = tpu.memref_slice %arg3[%add3A_107, %dma_start3A_164, %dma_start3A_165] : memref<64x40x128xi32, #tpu.memory_space<hbm>> -> memref<1x40x128xi32, #tpu.memory_space<hbm>>
      %dma_start3A_167 = tpu.memref_squeeze %dma_start3A_166 : memref<1x40x128xi32, #tpu.memory_space<hbm>> -> memref<40x128xi32, #tpu.memory_space<hbm>>
      tpu.enqueue_dma source(%dma_start3A_167 : memref<40x128xi32, #tpu.memory_space<hbm>>) target(%arg6 : memref<40x128xi32, #tpu.memory_space<vmem>>) target_semaphore(%run_scoped3A_159 : memref<!tpu.dma_semaphore, #tpu.memory_space<semaphore_mem>>)
      %dma_wait3A_168 = arith.constant 0 : i32
      %dma_wait3A_169 = arith.constant 0 : i32
      %dma_wait3A_170 = tpu.memref_slice %arg3[%add3A_107, %dma_wait3A_168, %dma_wait3A_169] : memref<64x40x128xi32, #tpu.memory_space<hbm>> -> memref<1x40x128xi32, #tpu.memory_space<hbm>>
      %dma_wait3A_171 = tpu.memref_squeeze %dma_wait3A_170 : memref<1x40x128xi32, #tpu.memory_space<hbm>> -> memref<40x128xi32, #tpu.memory_space<hbm>>
      %dma_wait3A_172 = arith.constant 0 : i32
      %dma_wait3A_173 = arith.constant 0 : i32
      %dma_wait3A_174 = tpu.memref_slice %arg3[%add3A_107, %dma_wait3A_172, %dma_wait3A_173] : memref<64x40x128xi32, #tpu.memory_space<hbm>> -> memref<1x40x128xi32, #tpu.memory_space<hbm>>
      %dma_wait3A_175 = tpu.memref_squeeze %dma_wait3A_174 : memref<1x40x128xi32, #tpu.memory_space<hbm>> -> memref<40x128xi32, #tpu.memory_space<hbm>>
      tpu.wait_dma2 semaphore(%run_scoped3A_159 : memref<!tpu.dma_semaphore, #tpu.memory_space<semaphore_mem>>) src(%dma_wait3A_175 : memref<40x128xi32, #tpu.memory_space<hbm>>) dst(%arg6 : memref<40x128xi32, #tpu.memory_space<vmem>>)
      tpu.yield
    }) : () -> ()
    %mul3A_108 = arith.constant 2 : i32
    %mul3A_109 = arith.muli %add3A, %mul3A_108 : i32
    %add3A_110 = arith.constant 1 : i32
    %add3A_111 = arith.addi %mul3A_109, %add3A_110 : i32
    "tpu.region"() ({
      %run_scoped3A_159 = tpu.sem_alloc : memref<!tpu.dma_semaphore, #tpu.memory_space<semaphore_mem>>
      %dma_start3A_160 = arith.constant 0 : i32
      %dma_start3A_161 = arith.constant 0 : i32
      %dma_start3A_162 = tpu.memref_slice %arg4[%add3A_111, %dma_start3A_160, %dma_start3A_161] : memref<64x40x128xi32, #tpu.memory_space<hbm>> -> memref<1x40x128xi32, #tpu.memory_space<hbm>>
      %dma_start3A_163 = tpu.memref_squeeze %dma_start3A_162 : memref<1x40x128xi32, #tpu.memory_space<hbm>> -> memref<40x128xi32, #tpu.memory_space<hbm>>
      %dma_start3A_164 = arith.constant 0 : i32
      %dma_start3A_165 = arith.constant 0 : i32
      %dma_start3A_166 = tpu.memref_slice %arg4[%add3A_111, %dma_start3A_164, %dma_start3A_165] : memref<64x40x128xi32, #tpu.memory_space<hbm>> -> memref<1x40x128xi32, #tpu.memory_space<hbm>>
      %dma_start3A_167 = tpu.memref_squeeze %dma_start3A_166 : memref<1x40x128xi32, #tpu.memory_space<hbm>> -> memref<40x128xi32, #tpu.memory_space<hbm>>
      tpu.enqueue_dma source(%dma_start3A_167 : memref<40x128xi32, #tpu.memory_space<hbm>>) target(%arg7 : memref<40x128xi32, #tpu.memory_space<vmem>>) target_semaphore(%run_scoped3A_159 : memref<!tpu.dma_semaphore, #tpu.memory_space<semaphore_mem>>)
      %dma_wait3A_168 = arith.constant 0 : i32
      %dma_wait3A_169 = arith.constant 0 : i32
      %dma_wait3A_170 = tpu.memref_slice %arg4[%add3A_111, %dma_wait3A_168, %dma_wait3A_169] : memref<64x40x128xi32, #tpu.memory_space<hbm>> -> memref<1x40x128xi32, #tpu.memory_space<hbm>>
      %dma_wait3A_171 = tpu.memref_squeeze %dma_wait3A_170 : memref<1x40x128xi32, #tpu.memory_space<hbm>> -> memref<40x128xi32, #tpu.memory_space<hbm>>
      %dma_wait3A_172 = arith.constant 0 : i32
      %dma_wait3A_173 = arith.constant 0 : i32
      %dma_wait3A_174 = tpu.memref_slice %arg4[%add3A_111, %dma_wait3A_172, %dma_wait3A_173] : memref<64x40x128xi32, #tpu.memory_space<hbm>> -> memref<1x40x128xi32, #tpu.memory_space<hbm>>
      %dma_wait3A_175 = tpu.memref_squeeze %dma_wait3A_174 : memref<1x40x128xi32, #tpu.memory_space<hbm>> -> memref<40x128xi32, #tpu.memory_space<hbm>>
      tpu.wait_dma2 semaphore(%run_scoped3A_159 : memref<!tpu.dma_semaphore, #tpu.memory_space<semaphore_mem>>) src(%dma_wait3A_175 : memref<40x128xi32, #tpu.memory_space<hbm>>) dst(%arg7 : memref<40x128xi32, #tpu.memory_space<vmem>>)
      tpu.yield
    }) : () -> ()
    %dma_start3A_112 = arith.constant 0 : i32
    %dma_start3A_113 = arith.constant 0 : i32
    %dma_start3A_114 = tpu.memref_slice %arg6[%dma_start3A_112, %dma_start3A_113] : memref<40x128xi32, #tpu.memory_space<vmem>> -> memref<1x128xi32, #tpu.memory_space<vmem>>
    %dma_start3A_115 = tpu.memref_squeeze %dma_start3A_114 : memref<1x128xi32, #tpu.memory_space<vmem>> -> memref<128xi32, #tpu.memory_space<vmem>>
    %dma_start3A_116 = arith.constant 0 : i32
    %dma_start3A_117 = arith.constant 0 : i32
    %dma_start3A_118 = tpu.memref_slice %arg2[%dma_start3A_116, %dma_start3A_117] : memref<10008x128xf32, #tpu.memory_space<hbm>> -> memref<10008x128xf32, #tpu.memory_space<hbm>>
    tpu.enqueue_indirect_dma source(%dma_start3A_118 : memref<10008x128xf32, #tpu.memory_space<hbm>>) target(%arg8 : memref<128x128xf32, #tpu.memory_space<vmem>>) offsets(%dma_start3A_115 : memref<128xi32, #tpu.memory_space<vmem>>) semaphore(%arg12 : memref<!tpu.dma_semaphore, #tpu.memory_space<semaphore_mem>>)
    %dma_start3A_119 = arith.constant 1 : i32
    %dma_start3A_120 = arith.constant 0 : i32
    %dma_start3A_121 = tpu.memref_slice %arg6[%dma_start3A_119, %dma_start3A_120] : memref<40x128xi32, #tpu.memory_space<vmem>> -> memref<1x128xi32, #tpu.memory_space<vmem>>
    %dma_start3A_122 = tpu.memref_squeeze %dma_start3A_121 : memref<1x128xi32, #tpu.memory_space<vmem>> -> memref<128xi32, #tpu.memory_space<vmem>>
    %dma_start3A_123 = arith.constant 0 : i32
    %dma_start3A_124 = arith.constant 0 : i32
    %dma_start3A_125 = tpu.memref_slice %arg2[%dma_start3A_123, %dma_start3A_124] : memref<10008x128xf32, #tpu.memory_space<hbm>> -> memref<10008x128xf32, #tpu.memory_space<hbm>>
    tpu.enqueue_indirect_dma source(%dma_start3A_125 : memref<10008x128xf32, #tpu.memory_space<hbm>>) target(%arg9 : memref<128x128xf32, #tpu.memory_space<vmem>>) offsets(%dma_start3A_122 : memref<128xi32, #tpu.memory_space<vmem>>) semaphore(%arg13 : memref<!tpu.dma_semaphore, #tpu.memory_space<semaphore_mem>>)
    %scan3A_126 = arith.constant 0 : i32
    %scan3A_127 = arith.constant 0 : i32
    %scan3A_128 = arith.constant 19 : i32
    %scan3A_129 = arith.addi %scan3A_127, %scan3A_128 : i32
    %scan3A_130 = arith.constant 1 : i32
    %scan3A_131 = scf.for %scan3A_159 = %scan3A_127 to %scan3A_129 step %scan3A_130 iter_args(%scan3A_160 = %scan3A_126) -> (i32)  : i32 {
      %mul3A_161 = arith.constant 2 : i32
      %mul3A_162 = arith.muli %mul3A_161, %scan3A_159 : i32
      %dma_wait3A_163 = arith.constant 0 : i32
      %dma_wait3A_164 = tpu.memref_slice %arg6[%mul3A_162, %dma_wait3A_163] : memref<40x128xi32, #tpu.memory_space<vmem>> -> memref<1x128xi32, #tpu.memory_space<vmem>>
      %dma_wait3A_165 = tpu.memref_squeeze %dma_wait3A_164 : memref<1x128xi32, #tpu.memory_space<vmem>> -> memref<128xi32, #tpu.memory_space<vmem>>
      %dma_wait3A_166 = arith.constant 0 : i32
      %dma_wait3A_167 = arith.constant 0 : i32
      %dma_wait3A_168 = tpu.memref_slice %arg2[%dma_wait3A_166, %dma_wait3A_167] : memref<10008x128xf32, #tpu.memory_space<hbm>> -> memref<10008x128xf32, #tpu.memory_space<hbm>>
      tpu.wait_indirect_dma semaphore(%arg12 : memref<!tpu.dma_semaphore, #tpu.memory_space<semaphore_mem>>) src(%dma_wait3A_168 : memref<10008x128xf32, #tpu.memory_space<hbm>>) dst(%arg8 : memref<128x128xf32, #tpu.memory_space<vmem>>)
      "tpu.region"() ({
        %run_scoped3A_196 = tpu.sem_alloc : memref<!tpu.dma_semaphore, #tpu.memory_space<semaphore_mem>>
        %dma_start3A_197 = arith.constant 0 : i32
        %dma_start3A_198 = tpu.memref_slice %arg7[%mul3A_162, %dma_start3A_197] : memref<40x128xi32, #tpu.memory_space<vmem>> -> memref<1x128xi32, #tpu.memory_space<vmem>>
        %dma_start3A_199 = tpu.memref_squeeze %dma_start3A_198 : memref<1x128xi32, #tpu.memory_space<vmem>> -> memref<128xi32, #tpu.memory_space<vmem>>
        %dma_start3A_200 = arith.constant 0 : i32
        %dma_start3A_201 = arith.constant 0 : i32
        %dma_start3A_202 = tpu.memref_slice %arg11[%dma_start3A_200, %dma_start3A_201] : memref<10000x128xf32, #tpu.memory_space<vmem_shared>> -> memref<10000x128xf32, #tpu.memory_space<vmem_shared>>
        tpu.enqueue_indirect_dma source(%arg8 : memref<128x128xf32, #tpu.memory_space<vmem>>) target(%dma_start3A_202 : memref<10000x128xf32, #tpu.memory_space<vmem_shared>>) offsets(%dma_start3A_199 : memref<128xi32, #tpu.memory_space<vmem>>) semaphore(%run_scoped3A_196 : memref<!tpu.dma_semaphore, #tpu.memory_space<semaphore_mem>>) {add = true}
        %dma_wait3A_203 = arith.constant 0 : i32
        %dma_wait3A_204 = tpu.memref_slice %arg7[%mul3A_162, %dma_wait3A_203] : memref<40x128xi32, #tpu.memory_space<vmem>> -> memref<1x128xi32, #tpu.memory_space<vmem>>
        %dma_wait3A_205 = tpu.memref_squeeze %dma_wait3A_204 : memref<1x128xi32, #tpu.memory_space<vmem>> -> memref<128xi32, #tpu.memory_space<vmem>>
        %dma_wait3A_206 = arith.constant 0 : i32
        %dma_wait3A_207 = arith.constant 0 : i32
        %dma_wait3A_208 = tpu.memref_slice %arg11[%dma_wait3A_206, %dma_wait3A_207] : memref<10000x128xf32, #tpu.memory_space<vmem_shared>> -> memref<10000x128xf32, #tpu.memory_space<vmem_shared>>
        tpu.wait_indirect_dma semaphore(%run_scoped3A_196 : memref<!tpu.dma_semaphore, #tpu.memory_space<semaphore_mem>>) src(%arg8 : memref<128x128xf32, #tpu.memory_space<vmem>>) dst(%dma_wait3A_208 : memref<10000x128xf32, #tpu.memory_space<vmem_shared>>)
        tpu.yield
      }) : () -> ()
      %add3A_169 = arith.constant 2 : i32
      %add3A_170 = arith.addi %mul3A_162, %add3A_169 : i32
      %dma_start3A_171 = arith.constant 0 : i32
      %dma_start3A_172 = tpu.memref_slice %arg6[%add3A_170, %dma_start3A_171] : memref<40x128xi32, #tpu.memory_space<vmem>> -> memref<1x128xi32, #tpu.memory_space<vmem>>
      %dma_start3A_173 = tpu.memref_squeeze %dma_start3A_172 : memref<1x128xi32, #tpu.memory_space<vmem>> -> memref<128xi32, #tpu.memory_space<vmem>>
      %dma_start3A_174 = arith.constant 0 : i32
      %dma_start3A_175 = arith.constant 0 : i32
      %dma_start3A_176 = tpu.memref_slice %arg2[%dma_start3A_174, %dma_start3A_175] : memref<10008x128xf32, #tpu.memory_space<hbm>> -> memref<10008x128xf32, #tpu.memory_space<hbm>>
      tpu.enqueue_indirect_dma source(%dma_start3A_176 : memref<10008x128xf32, #tpu.memory_space<hbm>>) target(%arg8 : memref<128x128xf32, #tpu.memory_space<vmem>>) offsets(%dma_start3A_173 : memref<128xi32, #tpu.memory_space<vmem>>) semaphore(%arg12 : memref<!tpu.dma_semaphore, #tpu.memory_space<semaphore_mem>>)
      %add3A_177 = arith.constant 1 : i32
      %add3A_178 = arith.addi %mul3A_162, %add3A_177 : i32
      %dma_wait3A_179 = arith.constant 0 : i32
      %dma_wait3A_180 = tpu.memref_slice %arg6[%add3A_178, %dma_wait3A_179] : memref<40x128xi32, #tpu.memory_space<vmem>> -> memref<1x128xi32, #tpu.memory_space<vmem>>
      %dma_wait3A_181 = tpu.memref_squeeze %dma_wait3A_180 : memref<1x128xi32, #tpu.memory_space<vmem>> -> memref<128xi32, #tpu.memory_space<vmem>>
      %dma_wait3A_182 = arith.constant 0 : i32
      %dma_wait3A_183 = arith.constant 0 : i32
      %dma_wait3A_184 = tpu.memref_slice %arg2[%dma_wait3A_182, %dma_wait3A_183] : memref<10008x128xf32, #tpu.memory_space<hbm>> -> memref<10008x128xf32, #tpu.memory_space<hbm>>
      tpu.wait_indirect_dma semaphore(%arg13 : memref<!tpu.dma_semaphore, #tpu.memory_space<semaphore_mem>>) src(%dma_wait3A_184 : memref<10008x128xf32, #tpu.memory_space<hbm>>) dst(%arg9 : memref<128x128xf32, #tpu.memory_space<vmem>>)
      %add3A_185 = arith.constant 1 : i32
      %add3A_186 = arith.addi %mul3A_162, %add3A_185 : i32
      "tpu.region"() ({
        %run_scoped3A_196 = tpu.sem_alloc : memref<!tpu.dma_semaphore, #tpu.memory_space<semaphore_mem>>
        %dma_start3A_197 = arith.constant 0 : i32
        %dma_start3A_198 = tpu.memref_slice %arg7[%add3A_186, %dma_start3A_197] : memref<40x128xi32, #tpu.memory_space<vmem>> -> memref<1x128xi32, #tpu.memory_space<vmem>>
        %dma_start3A_199 = tpu.memref_squeeze %dma_start3A_198 : memref<1x128xi32, #tpu.memory_space<vmem>> -> memref<128xi32, #tpu.memory_space<vmem>>
        %dma_start3A_200 = arith.constant 0 : i32
        %dma_start3A_201 = arith.constant 0 : i32
        %dma_start3A_202 = tpu.memref_slice %arg11[%dma_start3A_200, %dma_start3A_201] : memref<10000x128xf32, #tpu.memory_space<vmem_shared>> -> memref<10000x128xf32, #tpu.memory_space<vmem_shared>>
        tpu.enqueue_indirect_dma source(%arg9 : memref<128x128xf32, #tpu.memory_space<vmem>>) target(%dma_start3A_202 : memref<10000x128xf32, #tpu.memory_space<vmem_shared>>) offsets(%dma_start3A_199 : memref<128xi32, #tpu.memory_space<vmem>>) semaphore(%run_scoped3A_196 : memref<!tpu.dma_semaphore, #tpu.memory_space<semaphore_mem>>) {add = true}
        %dma_wait3A_203 = arith.constant 0 : i32
        %dma_wait3A_204 = tpu.memref_slice %arg7[%add3A_186, %dma_wait3A_203] : memref<40x128xi32, #tpu.memory_space<vmem>> -> memref<1x128xi32, #tpu.memory_space<vmem>>
        %dma_wait3A_205 = tpu.memref_squeeze %dma_wait3A_204 : memref<1x128xi32, #tpu.memory_space<vmem>> -> memref<128xi32, #tpu.memory_space<vmem>>
        %dma_wait3A_206 = arith.constant 0 : i32
        %dma_wait3A_207 = arith.constant 0 : i32
        %dma_wait3A_208 = tpu.memref_slice %arg11[%dma_wait3A_206, %dma_wait3A_207] : memref<10000x128xf32, #tpu.memory_space<vmem_shared>> -> memref<10000x128xf32, #tpu.memory_space<vmem_shared>>
        tpu.wait_indirect_dma semaphore(%run_scoped3A_196 : memref<!tpu.dma_semaphore, #tpu.memory_space<semaphore_mem>>) src(%arg9 : memref<128x128xf32, #tpu.memory_space<vmem>>) dst(%dma_wait3A_208 : memref<10000x128xf32, #tpu.memory_space<vmem_shared>>)
        tpu.yield
      }) : () -> ()
      %add3A_187 = arith.constant 3 : i32
      %add3A_188 = arith.addi %mul3A_162, %add3A_187 : i32
      %dma_start3A_189 = arith.constant 0 : i32
      %dma_start3A_190 = tpu.memref_slice %arg6[%add3A_188, %dma_start3A_189] : memref<40x128xi32, #tpu.memory_space<vmem>> -> memref<1x128xi32, #tpu.memory_space<vmem>>
      %dma_start3A_191 = tpu.memref_squeeze %dma_start3A_190 : memref<1x128xi32, #tpu.memory_space<vmem>> -> memref<128xi32, #tpu.memory_space<vmem>>
      %dma_start3A_192 = arith.constant 0 : i32
      %dma_start3A_193 = arith.constant 0 : i32
      %dma_start3A_194 = tpu.memref_slice %arg2[%dma_start3A_192, %dma_start3A_193] : memref<10008x128xf32, #tpu.memory_space<hbm>> -> memref<10008x128xf32, #tpu.memory_space<hbm>>
      tpu.enqueue_indirect_dma source(%dma_start3A_194 : memref<10008x128xf32, #tpu.memory_space<hbm>>) target(%arg9 : memref<128x128xf32, #tpu.memory_space<vmem>>) offsets(%dma_start3A_191 : memref<128xi32, #tpu.memory_space<vmem>>) semaphore(%arg13 : memref<!tpu.dma_semaphore, #tpu.memory_space<semaphore_mem>>)
      %scan3A_195 = arith.constant 0 : i32
      scf.yield %scan3A_195 : i32
    }
    %scan3A_132 = arith.constant 19 : i32
    %dma_wait3A_133 = arith.constant 38 : i32
    %dma_wait3A_134 = arith.constant 0 : i32
    %dma_wait3A_135 = tpu.memref_slice %arg6[%dma_wait3A_133, %dma_wait3A_134] : memref<40x128xi32, #tpu.memory_space<vmem>> -> memref<1x128xi32, #tpu.memory_space<vmem>>
    %dma_wait3A_136 = tpu.memref_squeeze %dma_wait3A_135 : memref<1x128xi32, #tpu.memory_space<vmem>> -> memref<128xi32, #tpu.memory_space<vmem>>
    %dma_wait3A_137 = arith.constant 0 : i32
    %dma_wait3A_138 = arith.constant 0 : i32
    %dma_wait3A_139 = tpu.memref_slice %arg2[%dma_wait3A_137, %dma_wait3A_138] : memref<10008x128xf32, #tpu.memory_space<hbm>> -> memref<10008x128xf32, #tpu.memory_space<hbm>>
    tpu.wait_indirect_dma semaphore(%arg12 : memref<!tpu.dma_semaphore, #tpu.memory_space<semaphore_mem>>) src(%dma_wait3A_139 : memref<10008x128xf32, #tpu.memory_space<hbm>>) dst(%arg8 : memref<128x128xf32, #tpu.memory_space<vmem>>)
    %run_scoped3A_140 = arith.constant 38 : i32
    "tpu.region"() ({
      %run_scoped3A_159 = tpu.sem_alloc : memref<!tpu.dma_semaphore, #tpu.memory_space<semaphore_mem>>
      %dma_start3A_160 = arith.constant 0 : i32
      %dma_start3A_161 = tpu.memref_slice %arg7[%run_scoped3A_140, %dma_start3A_160] : memref<40x128xi32, #tpu.memory_space<vmem>> -> memref<1x128xi32, #tpu.memory_space<vmem>>
      %dma_start3A_162 = tpu.memref_squeeze %dma_start3A_161 : memref<1x128xi32, #tpu.memory_space<vmem>> -> memref<128xi32, #tpu.memory_space<vmem>>
      %dma_start3A_163 = arith.constant 0 : i32
      %dma_start3A_164 = arith.constant 0 : i32
      %dma_start3A_165 = tpu.memref_slice %arg11[%dma_start3A_163, %dma_start3A_164] : memref<10000x128xf32, #tpu.memory_space<vmem_shared>> -> memref<10000x128xf32, #tpu.memory_space<vmem_shared>>
      tpu.enqueue_indirect_dma source(%arg8 : memref<128x128xf32, #tpu.memory_space<vmem>>) target(%dma_start3A_165 : memref<10000x128xf32, #tpu.memory_space<vmem_shared>>) offsets(%dma_start3A_162 : memref<128xi32, #tpu.memory_space<vmem>>) semaphore(%run_scoped3A_159 : memref<!tpu.dma_semaphore, #tpu.memory_space<semaphore_mem>>) {add = true}
      %dma_wait3A_166 = arith.constant 0 : i32
      %dma_wait3A_167 = tpu.memref_slice %arg7[%run_scoped3A_140, %dma_wait3A_166] : memref<40x128xi32, #tpu.memory_space<vmem>> -> memref<1x128xi32, #tpu.memory_space<vmem>>
      %dma_wait3A_168 = tpu.memref_squeeze %dma_wait3A_167 : memref<1x128xi32, #tpu.memory_space<vmem>> -> memref<128xi32, #tpu.memory_space<vmem>>
      %dma_wait3A_169 = arith.constant 0 : i32
      %dma_wait3A_170 = arith.constant 0 : i32
      %dma_wait3A_171 = tpu.memref_slice %arg11[%dma_wait3A_169, %dma_wait3A_170] : memref<10000x128xf32, #tpu.memory_space<vmem_shared>> -> memref<10000x128xf32, #tpu.memory_space<vmem_shared>>
      tpu.wait_indirect_dma semaphore(%run_scoped3A_159 : memref<!tpu.dma_semaphore, #tpu.memory_space<semaphore_mem>>) src(%arg8 : memref<128x128xf32, #tpu.memory_space<vmem>>) dst(%dma_wait3A_171 : memref<10000x128xf32, #tpu.memory_space<vmem_shared>>)
      tpu.yield
    }) : () -> ()
    %dma_wait3A_141 = arith.constant 39 : i32
    %dma_wait3A_142 = arith.constant 0 : i32
    %dma_wait3A_143 = tpu.memref_slice %arg6[%dma_wait3A_141, %dma_wait3A_142] : memref<40x128xi32, #tpu.memory_space<vmem>> -> memref<1x128xi32, #tpu.memory_space<vmem>>
    %dma_wait3A_144 = tpu.memref_squeeze %dma_wait3A_143 : memref<1x128xi32, #tpu.memory_space<vmem>> -> memref<128xi32, #tpu.memory_space<vmem>>
    %dma_wait3A_145 = arith.constant 0 : i32
    %dma_wait3A_146 = arith.constant 0 : i32
    %dma_wait3A_147 = tpu.memref_slice %arg2[%dma_wait3A_145, %dma_wait3A_146] : memref<10008x128xf32, #tpu.memory_space<hbm>> -> memref<10008x128xf32, #tpu.memory_space<hbm>>
    tpu.wait_indirect_dma semaphore(%arg13 : memref<!tpu.dma_semaphore, #tpu.memory_space<semaphore_mem>>) src(%dma_wait3A_147 : memref<10008x128xf32, #tpu.memory_space<hbm>>) dst(%arg9 : memref<128x128xf32, #tpu.memory_space<vmem>>)
    %run_scoped3A_148 = arith.constant 39 : i32
    "tpu.region"() ({
      %run_scoped3A_159 = tpu.sem_alloc : memref<!tpu.dma_semaphore, #tpu.memory_space<semaphore_mem>>
      %dma_start3A_160 = arith.constant 0 : i32
      %dma_start3A_161 = tpu.memref_slice %arg7[%run_scoped3A_148, %dma_start3A_160] : memref<40x128xi32, #tpu.memory_space<vmem>> -> memref<1x128xi32, #tpu.memory_space<vmem>>
      %dma_start3A_162 = tpu.memref_squeeze %dma_start3A_161 : memref<1x128xi32, #tpu.memory_space<vmem>> -> memref<128xi32, #tpu.memory_space<vmem>>
      %dma_start3A_163 = arith.constant 0 : i32
      %dma_start3A_164 = arith.constant 0 : i32
      %dma_start3A_165 = tpu.memref_slice %arg11[%dma_start3A_163, %dma_start3A_164] : memref<10000x128xf32, #tpu.memory_space<vmem_shared>> -> memref<10000x128xf32, #tpu.memory_space<vmem_shared>>
      tpu.enqueue_indirect_dma source(%arg9 : memref<128x128xf32, #tpu.memory_space<vmem>>) target(%dma_start3A_165 : memref<10000x128xf32, #tpu.memory_space<vmem_shared>>) offsets(%dma_start3A_162 : memref<128xi32, #tpu.memory_space<vmem>>) semaphore(%run_scoped3A_159 : memref<!tpu.dma_semaphore, #tpu.memory_space<semaphore_mem>>) {add = true}
      %dma_wait3A_166 = arith.constant 0 : i32
      %dma_wait3A_167 = tpu.memref_slice %arg7[%run_scoped3A_148, %dma_wait3A_166] : memref<40x128xi32, #tpu.memory_space<vmem>> -> memref<1x128xi32, #tpu.memory_space<vmem>>
      %dma_wait3A_168 = tpu.memref_squeeze %dma_wait3A_167 : memref<1x128xi32, #tpu.memory_space<vmem>> -> memref<128xi32, #tpu.memory_space<vmem>>
      %dma_wait3A_169 = arith.constant 0 : i32
      %dma_wait3A_170 = arith.constant 0 : i32
      %dma_wait3A_171 = tpu.memref_slice %arg11[%dma_wait3A_169, %dma_wait3A_170] : memref<10000x128xf32, #tpu.memory_space<vmem_shared>> -> memref<10000x128xf32, #tpu.memory_space<vmem_shared>>
      tpu.wait_indirect_dma semaphore(%run_scoped3A_159 : memref<!tpu.dma_semaphore, #tpu.memory_space<semaphore_mem>>) src(%arg9 : memref<128x128xf32, #tpu.memory_space<vmem>>) dst(%dma_wait3A_171 : memref<10000x128xf32, #tpu.memory_space<vmem_shared>>)
      tpu.yield
    }) : () -> ()
    %barrier3A_149 = arith.constant 0 : index
    tpu.barrier barrier_id(%barrier3A_149)
    %mul3A_150 = arith.constant 624 : i32
    %mul3A_151 = arith.muli %arg1, %mul3A_150 : i32
    %mul3A_152 = arith.constant 624 : i32
    %mul3A_153 = arith.muli %arg1, %mul3A_152 : i32
    "tpu.region"() ({
      %run_scoped3A_159 = tpu.sem_alloc : memref<!tpu.dma_semaphore, #tpu.memory_space<semaphore_mem>>
      %dma_start3A_160 = arith.constant 0 : i32
      %dma_start3A_161 = tpu.memref_slice %arg5[%arg0, %mul3A_153, %dma_start3A_160] : memref<2x10000x128xf32, #tpu.memory_space<hbm>> -> memref<1x624x128xf32, #tpu.memory_space<hbm>>
      %dma_start3A_162 = tpu.memref_squeeze %dma_start3A_161 : memref<1x624x128xf32, #tpu.memory_space<hbm>> -> memref<624x128xf32, #tpu.memory_space<hbm>>
      %dma_start3A_163 = arith.constant 0 : i32
      %dma_start3A_164 = tpu.memref_slice %arg11[%mul3A_151, %dma_start3A_163] : memref<10000x128xf32, #tpu.memory_space<vmem_shared>> -> memref<624x128xf32, #tpu.memory_space<vmem_shared>>
      tpu.enqueue_dma source(%dma_start3A_164 : memref<624x128xf32, #tpu.memory_space<vmem_shared>>) target(%dma_start3A_162 : memref<624x128xf32, #tpu.memory_space<hbm>>) target_semaphore(%run_scoped3A_159 : memref<!tpu.dma_semaphore, #tpu.memory_space<semaphore_mem>>)
      %dma_wait3A_165 = arith.constant 0 : i32
      %dma_wait3A_166 = tpu.memref_slice %arg5[%arg0, %mul3A_153, %dma_wait3A_165] : memref<2x10000x128xf32, #tpu.memory_space<hbm>> -> memref<1x624x128xf32, #tpu.memory_space<hbm>>
      %dma_wait3A_167 = tpu.memref_squeeze %dma_wait3A_166 : memref<1x624x128xf32, #tpu.memory_space<hbm>> -> memref<624x128xf32, #tpu.memory_space<hbm>>
      %dma_wait3A_168 = arith.constant 0 : i32
      %dma_wait3A_169 = tpu.memref_slice %arg11[%mul3A_151, %dma_wait3A_168] : memref<10000x128xf32, #tpu.memory_space<vmem_shared>> -> memref<624x128xf32, #tpu.memory_space<vmem_shared>>
      tpu.wait_dma2 semaphore(%run_scoped3A_159 : memref<!tpu.dma_semaphore, #tpu.memory_space<semaphore_mem>>) src(%dma_wait3A_169 : memref<624x128xf32, #tpu.memory_space<vmem_shared>>) dst(%dma_wait3A_167 : memref<624x128xf32, #tpu.memory_space<hbm>>)
      tpu.yield
    }) : () -> ()
    %eq3A_154 = arith.constant 0 : i32
    %eq3A_155 = arith.cmpi eq, %arg1, %eq3A_154 : i32
    %convert_element_type3A_156 = arith.extui %eq3A_155 : i1 to i32
    %cond3A_157 = arith.constant 0 : i32
    %cond3A_158 = arith.cmpi ne, %convert_element_type3A_156, %cond3A_157 : i32
    scf.if %cond3A_158 {
      "tpu.region"() ({
        %run_scoped3A_159 = tpu.sem_alloc : memref<!tpu.dma_semaphore, #tpu.memory_space<semaphore_mem>>
        %dma_start3A_160 = arith.constant 9984 : i32
        %dma_start3A_161 = arith.constant 0 : i32
        %dma_start3A_162 = tpu.memref_slice %arg5[%arg0, %dma_start3A_160, %dma_start3A_161] : memref<2x10000x128xf32, #tpu.memory_space<hbm>> -> memref<1x16x128xf32, #tpu.memory_space<hbm>>
        %dma_start3A_163 = tpu.memref_squeeze %dma_start3A_162 : memref<1x16x128xf32, #tpu.memory_space<hbm>> -> memref<16x128xf32, #tpu.memory_space<hbm>>
        %dma_start3A_164 = arith.constant 9984 : i32
        %dma_start3A_165 = arith.constant 0 : i32
        %dma_start3A_166 = tpu.memref_slice %arg11[%dma_start3A_164, %dma_start3A_165] : memref<10000x128xf32, #tpu.memory_space<vmem_shared>> -> memref<16x128xf32, #tpu.memory_space<vmem_shared>>
        tpu.enqueue_dma source(%dma_start3A_166 : memref<16x128xf32, #tpu.memory_space<vmem_shared>>) target(%dma_start3A_163 : memref<16x128xf32, #tpu.memory_space<hbm>>) target_semaphore(%run_scoped3A_159 : memref<!tpu.dma_semaphore, #tpu.memory_space<semaphore_mem>>)
        %dma_wait3A_167 = arith.constant 9984 : i32
        %dma_wait3A_168 = arith.constant 0 : i32
        %dma_wait3A_169 = tpu.memref_slice %arg5[%arg0, %dma_wait3A_167, %dma_wait3A_168] : memref<2x10000x128xf32, #tpu.memory_space<hbm>> -> memref<1x16x128xf32, #tpu.memory_space<hbm>>
        %dma_wait3A_170 = tpu.memref_squeeze %dma_wait3A_169 : memref<1x16x128xf32, #tpu.memory_space<hbm>> -> memref<16x128xf32, #tpu.memory_space<hbm>>
        %dma_wait3A_171 = arith.constant 9984 : i32
        %dma_wait3A_172 = arith.constant 0 : i32
        %dma_wait3A_173 = tpu.memref_slice %arg11[%dma_wait3A_171, %dma_wait3A_172] : memref<10000x128xf32, #tpu.memory_space<vmem_shared>> -> memref<16x128xf32, #tpu.memory_space<vmem_shared>>
        tpu.wait_dma2 semaphore(%run_scoped3A_159 : memref<!tpu.dma_semaphore, #tpu.memory_space<semaphore_mem>>) src(%dma_wait3A_173 : memref<16x128xf32, #tpu.memory_space<vmem_shared>>) dst(%dma_wait3A_170 : memref<16x128xf32, #tpu.memory_space<hbm>>)
        tpu.yield
      }) : () -> ()
    } else {
    }
    return
  }
}

module attributes {stable_mosaic.version = 14 : i64} {
  func.func @body(%arg0: i32, %arg1: memref<2000x128xf32, #tpu.memory_space<vmem>>, %arg2: memref<128x128xf32, #tpu.memory_space<vmem>>, %arg3: memref<1x128xf32, #tpu.memory_space<vmem>>, %arg4: memref<128x128xf32, #tpu.memory_space<vmem>>, %arg5: memref<1x128xf32, #tpu.memory_space<vmem>>, %arg6: memref<128x128xf32, #tpu.memory_space<vmem>>, %arg7: memref<128x128xf32, #tpu.memory_space<vmem>>, %arg8: memref<1x128xf32, #tpu.memory_space<vmem>>, %arg9: memref<2000x128xf32, #tpu.memory_space<vmem>>, %arg10: memref<2000x128xf32, #tpu.memory_space<vmem>>, %arg11: memref<2000x128xf32, #tpu.memory_space<vmem>>) attributes {dimension_semantics = [#tpu.dimension_semantics<arbitrary>], iteration_bounds = array<i64: 5>, scalar_prefetch = 0 : i64, scratch_operands = 0 : i64, tpu.core_type = #tpu.core_type<tc>, window_params = [{transform_indices = @transform_0, window_bounds = array<i64: 2000, 128>}, {pipeline_mode = #tpu.pipeline_mode<synchronous>, transform_indices = @transform_1, window_bounds = array<i64: 128, 128>}, {pipeline_mode = #tpu.pipeline_mode<synchronous>, transform_indices = @transform_2, window_bounds = array<i64: 1, 128>}, {pipeline_mode = #tpu.pipeline_mode<synchronous>, transform_indices = @transform_3, window_bounds = array<i64: 128, 128>}, {pipeline_mode = #tpu.pipeline_mode<synchronous>, transform_indices = @transform_4, window_bounds = array<i64: 1, 128>}, {pipeline_mode = #tpu.pipeline_mode<synchronous>, transform_indices = @transform_5, window_bounds = array<i64: 128, 128>}, {pipeline_mode = #tpu.pipeline_mode<synchronous>, transform_indices = @transform_6, window_bounds = array<i64: 128, 128>}, {pipeline_mode = #tpu.pipeline_mode<synchronous>, transform_indices = @transform_7, window_bounds = array<i64: 1, 128>}, {transform_indices = @transform_8, window_bounds = array<i64: 2000, 128>}, {transform_indices = @transform_9, window_bounds = array<i64: 2000, 128>}, {transform_indices = @transform_10, window_bounds = array<i64: 2000, 128>}]} {
    %lt3A = arith.constant 4 : i32
    %lt3A_0 = arith.cmpi slt, %arg0, %lt3A : i32
    %get3A = arith.constant 0 : index
    %get3A_1 = arith.constant 0 : index
    %get3A_2 = vector.load %arg2[%get3A, %get3A_1] : memref<128x128xf32, #tpu.memory_space<vmem>>, vector<128x128xf32>
    %get3A_3 = arith.constant 0 : index
    %get3A_4 = arith.constant 0 : index
    %get3A_5 = vector.load %arg4[%get3A_3, %get3A_4] : memref<128x128xf32, #tpu.memory_space<vmem>>, vector<128x128xf32>
    %select_n3A = arith.select %lt3A_0, %get3A_2, %get3A_5 : vector<128x128xf32>
    %lt3A_6 = arith.constant 4 : i32
    %lt3A_7 = arith.cmpi slt, %arg0, %lt3A_6 : i32
    %get3A_8 = arith.constant 0 : index
    %get3A_9 = arith.constant 0 : index
    %get3A_10 = vector.load %arg3[%get3A_8, %get3A_9] : memref<1x128xf32, #tpu.memory_space<vmem>>, vector<1x128xf32>
    %get3A_11 = arith.constant 0 : index
    %get3A_12 = arith.constant 0 : index
    %get3A_13 = vector.load %arg5[%get3A_11, %get3A_12] : memref<1x128xf32, #tpu.memory_space<vmem>>, vector<1x128xf32>
    %select_n3A_14 = arith.select %lt3A_7, %get3A_10, %get3A_13 : vector<1x128xf32>
    %get3A_15 = arith.constant 0 : index
    %get3A_16 = arith.constant 0 : index
    %get3A_17 = vector.load %arg1[%get3A_15, %get3A_16] : memref<2000x128xf32, #tpu.memory_space<vmem>>, vector<2000x128xf32>
    %dot_general3A = arith.constant dense<0.000000e+00> : vector<2000x128xf32>
    %dot_general3A_18 = tpu.matmul %get3A_17, %select_n3A, %dot_general3A {dimension_numbers = #tpu.dot_dimension_numbers<[1], [0], [0], [1], [0, 0, 1, 1], [], []>, transpose_lhs_hint = false} : vector<2000x128xf32>, vector<128x128xf32>, vector<2000x128xf32> -> vector<2000x128xf32>
    %add3A = vector.broadcast %select_n3A_14 : vector<1x128xf32> to vector<2000x128xf32>
    %add3A_19 = arith.addf %dot_general3A_18, %add3A : vector<2000x128xf32>
    %swap3A = arith.constant 0 : index
    %swap3A_20 = arith.constant 0 : index
    %swap3A_21 = vector.load %arg9[%swap3A, %swap3A_20] : memref<2000x128xf32, #tpu.memory_space<vmem>>, vector<2000x128xf32>
    tpu.vector_store %arg9[%swap3A, %swap3A_20], %add3A_19 {strides = array<i32>} : memref<2000x128xf32, #tpu.memory_space<vmem>>, vector<2000x128xf32>,
    %get3A_22 = arith.constant 0 : index
    %get3A_23 = arith.constant 0 : index
    %get3A_24 = vector.load %arg6[%get3A_22, %get3A_23] : memref<128x128xf32, #tpu.memory_space<vmem>>, vector<128x128xf32>
    %dot_general3A_25 = arith.constant dense<0.000000e+00> : vector<2000x128xf32>
    %dot_general3A_26 = tpu.matmul %add3A_19, %get3A_24, %dot_general3A_25 {dimension_numbers = #tpu.dot_dimension_numbers<[1], [0], [0], [1], [0, 0, 1, 1], [], []>, transpose_lhs_hint = false} : vector<2000x128xf32>, vector<128x128xf32>, vector<2000x128xf32> -> vector<2000x128xf32>
    %swap3A_27 = arith.constant 0 : index
    %swap3A_28 = arith.constant 0 : index
    %swap3A_29 = vector.load %arg10[%swap3A_27, %swap3A_28] : memref<2000x128xf32, #tpu.memory_space<vmem>>, vector<2000x128xf32>
    tpu.vector_store %arg10[%swap3A_27, %swap3A_28], %dot_general3A_26 {strides = array<i32>} : memref<2000x128xf32, #tpu.memory_space<vmem>>, vector<2000x128xf32>,
    %get3A_30 = arith.constant 0 : index
    %get3A_31 = arith.constant 0 : index
    %get3A_32 = vector.load %arg7[%get3A_30, %get3A_31] : memref<128x128xf32, #tpu.memory_space<vmem>>, vector<128x128xf32>
    %dot_general3A_33 = arith.constant dense<0.000000e+00> : vector<2000x128xf32>
    %dot_general3A_34 = tpu.matmul %add3A_19, %get3A_32, %dot_general3A_33 {dimension_numbers = #tpu.dot_dimension_numbers<[1], [0], [0], [1], [0, 0, 1, 1], [], []>, transpose_lhs_hint = false} : vector<2000x128xf32>, vector<128x128xf32>, vector<2000x128xf32> -> vector<2000x128xf32>
    %get3A_35 = arith.constant 0 : index
    %get3A_36 = arith.constant 0 : index
    %get3A_37 = vector.load %arg8[%get3A_35, %get3A_36] : memref<1x128xf32, #tpu.memory_space<vmem>>, vector<1x128xf32>
    %add3A_38 = vector.broadcast %get3A_37 : vector<1x128xf32> to vector<2000x128xf32>
    %add3A_39 = arith.addf %dot_general3A_34, %add3A_38 : vector<2000x128xf32>
    %swap3A_40 = arith.constant 0 : index
    %swap3A_41 = arith.constant 0 : index
    %swap3A_42 = vector.load %arg11[%swap3A_40, %swap3A_41] : memref<2000x128xf32, #tpu.memory_space<vmem>>, vector<2000x128xf32>
    tpu.vector_store %arg11[%swap3A_40, %swap3A_41], %add3A_39 {strides = array<i32>} : memref<2000x128xf32, #tpu.memory_space<vmem>>, vector<2000x128xf32>,
    return
  }
  func.func @transform_0(%arg0: i32) -> (i32, i32) {
    %c0_i32 = arith.constant 0 : i32
    %c0_i32_0 = arith.constant 0 : i32
    return %arg0, %c0_i32 : i32, i32
  }
  func.func @transform_1(%arg0: i32) -> (i32, i32) {
    %c0_i32 = arith.constant 0 : i32
    %c0_i32_0 = arith.constant 0 : i32
    %c0_i32_1 = arith.constant 0 : i32
    return %c0_i32, %c0_i32_0 : i32, i32
  }
  func.func @transform_2(%arg0: i32) -> (i32, i32) {
    %c0_i32 = arith.constant 0 : i32
    %c0_i32_0 = arith.constant 0 : i32
    %c0_i32_1 = arith.constant 0 : i32
    return %c0_i32, %c0_i32_0 : i32, i32
  }
  func.func @transform_3(%arg0: i32) -> (i32, i32) {
    %c0_i32 = arith.constant 0 : i32
    %c0_i32_0 = arith.constant 0 : i32
    %c0_i32_1 = arith.constant 0 : i32
    return %c0_i32, %c0_i32_0 : i32, i32
  }
  func.func @transform_4(%arg0: i32) -> (i32, i32) {
    %c0_i32 = arith.constant 0 : i32
    %c0_i32_0 = arith.constant 0 : i32
    %c0_i32_1 = arith.constant 0 : i32
    return %c0_i32, %c0_i32_0 : i32, i32
  }
  func.func @transform_5(%arg0: i32) -> (i32, i32) {
    %c0_i32 = arith.constant 0 : i32
    %c0_i32_0 = arith.constant 0 : i32
    %c0_i32_1 = arith.constant 0 : i32
    return %c0_i32, %c0_i32_0 : i32, i32
  }
  func.func @transform_6(%arg0: i32) -> (i32, i32) {
    %c0_i32 = arith.constant 0 : i32
    %c0_i32_0 = arith.constant 0 : i32
    %c0_i32_1 = arith.constant 0 : i32
    return %c0_i32, %c0_i32_0 : i32, i32
  }
  func.func @transform_7(%arg0: i32) -> (i32, i32) {
    %c0_i32 = arith.constant 0 : i32
    %c0_i32_0 = arith.constant 0 : i32
    %c0_i32_1 = arith.constant 0 : i32
    return %c0_i32, %c0_i32_0 : i32, i32
  }
  func.func @transform_8(%arg0: i32) -> (i32, i32) {
    %c0_i32 = arith.constant 0 : i32
    %c0_i32_0 = arith.constant 0 : i32
    return %arg0, %c0_i32 : i32, i32
  }
  func.func @transform_9(%arg0: i32) -> (i32, i32) {
    %c0_i32 = arith.constant 0 : i32
    %c0_i32_0 = arith.constant 0 : i32
    return %arg0, %c0_i32 : i32, i32
  }
  func.func @transform_10(%arg0: i32) -> (i32, i32) {
    %c0_i32 = arith.constant 0 : i32
    %c0_i32_0 = arith.constant 0 : i32
    return %arg0, %c0_i32 : i32, i32
  }
}

module attributes {stable_mosaic.version = 14 : i64} {
  func.func @body(%arg0: i32, %arg1: memref<2x2000x128xf32, #tpu.memory_space<vmem>>, %arg2: memref<2x2000x128xf32, #tpu.memory_space<vmem>>, %arg3: memref<2000x128xf32, #tpu.memory_space<vmem>>, %arg4: memref<128x128xf32, #tpu.memory_space<vmem>>, %arg5: memref<128x128xf32, #tpu.memory_space<vmem>>, %arg6: memref<1x128xf32, #tpu.memory_space<vmem>>, %arg7: memref<2000x128xf32, #tpu.memory_space<vmem>>, %arg8: memref<2000x128xf32, #tpu.memory_space<vmem>>, %arg9: memref<2000x128xf32, #tpu.memory_space<vmem>>) attributes {dimension_semantics = [#tpu.dimension_semantics<arbitrary>], iteration_bounds = array<i64: 5>, scalar_prefetch = 0 : i64, scratch_operands = 0 : i64, tpu.core_type = #tpu.core_type<tc>, window_params = [{transform_indices = @transform_0, window_bounds = array<i64: 2, 2000, 128>}, {transform_indices = @transform_1, window_bounds = array<i64: 2, 2000, 128>}, {transform_indices = @transform_2, window_bounds = array<i64: 2000, 128>}, {pipeline_mode = #tpu.pipeline_mode<synchronous>, transform_indices = @transform_3, window_bounds = array<i64: 128, 128>}, {pipeline_mode = #tpu.pipeline_mode<synchronous>, transform_indices = @transform_4, window_bounds = array<i64: 128, 128>}, {pipeline_mode = #tpu.pipeline_mode<synchronous>, transform_indices = @transform_5, window_bounds = array<i64: 1, 128>}, {transform_indices = @transform_6, window_bounds = array<i64: 2000, 128>}, {transform_indices = @transform_7, window_bounds = array<i64: 2000, 128>}, {transform_indices = @transform_8, window_bounds = array<i64: 2000, 128>}]} {
    %get3A = arith.constant 0 : index
    %get3A_0 = arith.constant 0 : index
    %get3A_1 = arith.constant 0 : index
    %get3A_2 = vector.load %arg1[%get3A, %get3A_0, %get3A_1] : memref<2x2000x128xf32, #tpu.memory_space<vmem>>, vector<2x2000x128xf32>
    %get3A_3 = arith.constant 0 : index
    %get3A_4 = arith.constant 0 : index
    %get3A_5 = arith.constant 0 : index
    %get3A_6 = vector.load %arg2[%get3A_3, %get3A_4, %get3A_5] : memref<2x2000x128xf32, #tpu.memory_space<vmem>>, vector<2x2000x128xf32>
    %slice3A = vector.extract_strided_slice %get3A_2 {offsets = [0, 0, 0], sizes = [1, 2000, 128], strides = [1, 1, 1]} : vector<2x2000x128xf32> to vector<1x2000x128xf32>
    %squeeze3A = vector.shape_cast %slice3A : vector<1x2000x128xf32> to vector<2000x128xf32>
    %slice3A_7 = vector.extract_strided_slice %get3A_2 {offsets = [1, 0, 0], sizes = [1, 2000, 128], strides = [1, 1, 1]} : vector<2x2000x128xf32> to vector<1x2000x128xf32>
    %squeeze3A_8 = vector.shape_cast %slice3A_7 : vector<1x2000x128xf32> to vector<2000x128xf32>
    %add3A = arith.addf %squeeze3A, %squeeze3A_8 : vector<2000x128xf32>
    %slice3A_9 = vector.extract_strided_slice %get3A_6 {offsets = [0, 0, 0], sizes = [1, 2000, 1], strides = [1, 1, 1]} : vector<2x2000x128xf32> to vector<1x2000x1xf32>
    %squeeze3A_10 = vector.shape_cast %slice3A_9 : vector<1x2000x1xf32> to vector<2000x1xf32>
    %slice3A_11 = vector.extract_strided_slice %get3A_6 {offsets = [1, 0, 0], sizes = [1, 2000, 1], strides = [1, 1, 1]} : vector<2x2000x128xf32> to vector<1x2000x1xf32>
    %squeeze3A_12 = vector.shape_cast %slice3A_11 : vector<1x2000x1xf32> to vector<2000x1xf32>
    %add3A_13 = arith.addf %squeeze3A_10, %squeeze3A_12 : vector<2000x1xf32>
    %max3A = arith.constant 1.000000e+00 : f32
    %max3A_14 = vector.broadcast %max3A : f32 to vector<2000x1xf32>
    %max3A_15 = arith.maximumf %add3A_13, %max3A_14 : vector<2000x1xf32>
    %div3A = arith.constant 1.000000e+00 : f32
    %div3A_16 = vector.broadcast %div3A : f32 to vector<2000x1xf32>
    %div3A_17 = arith.divf %div3A_16, %max3A_15 : vector<2000x1xf32>
    %mul3A = vector.broadcast %div3A_17 : vector<2000x1xf32> to vector<2000x128xf32>
    %mul3A_18 = arith.mulf %add3A, %mul3A : vector<2000x128xf32>
    %get3A_19 = arith.constant 0 : index
    %get3A_20 = arith.constant 0 : index
    %get3A_21 = vector.load %arg3[%get3A_19, %get3A_20] : memref<2000x128xf32, #tpu.memory_space<vmem>>, vector<2000x128xf32>
    %add3A_22 = arith.addf %mul3A_18, %get3A_21 : vector<2000x128xf32>
    %max3A_23 = arith.constant 0.000000e+00 : f32
    %max3A_24 = vector.broadcast %max3A_23 : f32 to vector<2000x128xf32>
    %max3A_25 = arith.maximumf %add3A_22, %max3A_24 : vector<2000x128xf32>
    %swap3A = arith.constant 0 : index
    %swap3A_26 = arith.constant 0 : index
    %swap3A_27 = vector.load %arg7[%swap3A, %swap3A_26] : memref<2000x128xf32, #tpu.memory_space<vmem>>, vector<2000x128xf32>
    tpu.vector_store %arg7[%swap3A, %swap3A_26], %max3A_25 {strides = array<i32>} : memref<2000x128xf32, #tpu.memory_space<vmem>>, vector<2000x128xf32>,
    %get3A_28 = arith.constant 0 : index
    %get3A_29 = arith.constant 0 : index
    %get3A_30 = vector.load %arg4[%get3A_28, %get3A_29] : memref<128x128xf32, #tpu.memory_space<vmem>>, vector<128x128xf32>
    %dot_general3A = arith.constant dense<0.000000e+00> : vector<2000x128xf32>
    %dot_general3A_31 = tpu.matmul %max3A_25, %get3A_30, %dot_general3A {dimension_numbers = #tpu.dot_dimension_numbers<[1], [0], [0], [1], [0, 0, 1, 1], [], []>, transpose_lhs_hint = false} : vector<2000x128xf32>, vector<128x128xf32>, vector<2000x128xf32> -> vector<2000x128xf32>
    %swap3A_32 = arith.constant 0 : index
    %swap3A_33 = arith.constant 0 : index
    %swap3A_34 = vector.load %arg8[%swap3A_32, %swap3A_33] : memref<2000x128xf32, #tpu.memory_space<vmem>>, vector<2000x128xf32>
    tpu.vector_store %arg8[%swap3A_32, %swap3A_33], %dot_general3A_31 {strides = array<i32>} : memref<2000x128xf32, #tpu.memory_space<vmem>>, vector<2000x128xf32>,
    %get3A_35 = arith.constant 0 : index
    %get3A_36 = arith.constant 0 : index
    %get3A_37 = vector.load %arg5[%get3A_35, %get3A_36] : memref<128x128xf32, #tpu.memory_space<vmem>>, vector<128x128xf32>
    %dot_general3A_38 = arith.constant dense<0.000000e+00> : vector<2000x128xf32>
    %dot_general3A_39 = tpu.matmul %max3A_25, %get3A_37, %dot_general3A_38 {dimension_numbers = #tpu.dot_dimension_numbers<[1], [0], [0], [1], [0, 0, 1, 1], [], []>, transpose_lhs_hint = false} : vector<2000x128xf32>, vector<128x128xf32>, vector<2000x128xf32> -> vector<2000x128xf32>
    %get3A_40 = arith.constant 0 : index
    %get3A_41 = arith.constant 0 : index
    %get3A_42 = vector.load %arg6[%get3A_40, %get3A_41] : memref<1x128xf32, #tpu.memory_space<vmem>>, vector<1x128xf32>
    %add3A_43 = vector.broadcast %get3A_42 : vector<1x128xf32> to vector<2000x128xf32>
    %add3A_44 = arith.addf %dot_general3A_39, %add3A_43 : vector<2000x128xf32>
    %swap3A_45 = arith.constant 0 : index
    %swap3A_46 = arith.constant 0 : index
    %swap3A_47 = vector.load %arg9[%swap3A_45, %swap3A_46] : memref<2000x128xf32, #tpu.memory_space<vmem>>, vector<2000x128xf32>
    tpu.vector_store %arg9[%swap3A_45, %swap3A_46], %add3A_44 {strides = array<i32>} : memref<2000x128xf32, #tpu.memory_space<vmem>>, vector<2000x128xf32>,
    return
  }
  func.func @transform_0(%arg0: i32) -> (i32, i32, i32) {
    %c0_i32 = arith.constant 0 : i32
    %c0_i32_0 = arith.constant 0 : i32
    %c0_i32_1 = arith.constant 0 : i32
    return %c0_i32, %arg0, %c0_i32_0 : i32, i32, i32
  }
  func.func @transform_1(%arg0: i32) -> (i32, i32, i32) {
    %c0_i32 = arith.constant 0 : i32
    %c0_i32_0 = arith.constant 0 : i32
    %c0_i32_1 = arith.constant 0 : i32
    return %c0_i32, %arg0, %c0_i32_0 : i32, i32, i32
  }
  func.func @transform_2(%arg0: i32) -> (i32, i32) {
    %c0_i32 = arith.constant 0 : i32
    %c0_i32_0 = arith.constant 0 : i32
    return %arg0, %c0_i32 : i32, i32
  }
  func.func @transform_3(%arg0: i32) -> (i32, i32) {
    %c0_i32 = arith.constant 0 : i32
    %c0_i32_0 = arith.constant 0 : i32
    %c0_i32_1 = arith.constant 0 : i32
    return %c0_i32, %c0_i32_0 : i32, i32
  }
  func.func @transform_4(%arg0: i32) -> (i32, i32) {
    %c0_i32 = arith.constant 0 : i32
    %c0_i32_0 = arith.constant 0 : i32
    %c0_i32_1 = arith.constant 0 : i32
    return %c0_i32, %c0_i32_0 : i32, i32
  }
  func.func @transform_5(%arg0: i32) -> (i32, i32) {
    %c0_i32 = arith.constant 0 : i32
    %c0_i32_0 = arith.constant 0 : i32
    %c0_i32_1 = arith.constant 0 : i32
    return %c0_i32, %c0_i32_0 : i32, i32
  }
  func.func @transform_6(%arg0: i32) -> (i32, i32) {
    %c0_i32 = arith.constant 0 : i32
    %c0_i32_0 = arith.constant 0 : i32
    return %arg0, %c0_i32 : i32, i32
  }
  func.func @transform_7(%arg0: i32) -> (i32, i32) {
    %c0_i32 = arith.constant 0 : i32
    %c0_i32_0 = arith.constant 0 : i32
    return %arg0, %c0_i32 : i32, i32
  }
  func.func @transform_8(%arg0: i32) -> (i32, i32) {
    %c0_i32 = arith.constant 0 : i32
    %c0_i32_0 = arith.constant 0 : i32
    return %arg0, %c0_i32 : i32, i32
  }
}

module attributes {stable_mosaic.version = 14 : i64} {
  func.func @body(%arg0: i32, %arg1: memref<2x2000x128xf32, #tpu.memory_space<vmem>>, %arg2: memref<2x2000x128xf32, #tpu.memory_space<vmem>>, %arg3: memref<2000x128xf32, #tpu.memory_space<vmem>>, %arg4: memref<2000x128xf32, #tpu.memory_space<vmem>>, %arg5: memref<2000x128xf32, #tpu.memory_space<vmem>>, %arg6: memref<128x128xf32, #tpu.memory_space<vmem>>, %arg7: memref<128x128xf32, #tpu.memory_space<vmem>>, %arg8: memref<128x128xf32, #tpu.memory_space<vmem>>, %arg9: memref<1x128xf32, #tpu.memory_space<vmem>>, %arg10: memref<128x128xf32, #tpu.memory_space<vmem>>, %arg11: memref<1x128xf32, #tpu.memory_space<vmem>>, %arg12: memref<128x64xf32, #tpu.memory_space<vmem>>, %arg13: memref<1x64xf32, #tpu.memory_space<vmem>>, %arg14: memref<128x64xf32, #tpu.memory_space<vmem>>, %arg15: memref<1x64xf32, #tpu.memory_space<vmem>>, %arg16: memref<64x1xf32, #tpu.memory_space<vmem>>, %arg17: memref<1x1xf32, #tpu.memory_space<vmem>>, %arg18: memref<64x1xf32, #tpu.memory_space<vmem>>, %arg19: memref<1x1xf32, #tpu.memory_space<vmem>>, %arg20: memref<2000x1xf32, #tpu.memory_space<vmem>>, %arg21: memref<2000x1xf32, #tpu.memory_space<vmem>>, %arg22: memref<2000x64xf32, #tpu.memory_space<vmem>>, %arg23: memref<2000x64xf32, #tpu.memory_space<vmem>>) attributes {dimension_semantics = [#tpu.dimension_semantics<arbitrary>], iteration_bounds = array<i64: 4>, scalar_prefetch = 0 : i64, scratch_operands = 0 : i64, tpu.core_type = #tpu.core_type<tc>, window_params = [{transform_indices = @transform_0, window_bounds = array<i64: 2, 2000, 128>}, {transform_indices = @transform_1, window_bounds = array<i64: 2, 2000, 128>}, {transform_indices = @transform_2, window_bounds = array<i64: 2000, 128>}, {transform_indices = @transform_3, window_bounds = array<i64: 2000, 128>}, {transform_indices = @transform_4, window_bounds = array<i64: 2000, 128>}, {pipeline_mode = #tpu.pipeline_mode<synchronous>, transform_indices = @transform_5, window_bounds = array<i64: 128, 128>}, {pipeline_mode = #tpu.pipeline_mode<synchronous>, transform_indices = @transform_6, window_bounds = array<i64: 128, 128>}, {pipeline_mode = #tpu.pipeline_mode<synchronous>, transform_indices = @transform_7, window_bounds = array<i64: 128, 128>}, {pipeline_mode = #tpu.pipeline_mode<synchronous>, transform_indices = @transform_8, window_bounds = array<i64: 1, 128>}, {pipeline_mode = #tpu.pipeline_mode<synchronous>, transform_indices = @transform_9, window_bounds = array<i64: 128, 128>}, {pipeline_mode = #tpu.pipeline_mode<synchronous>, transform_indices = @transform_10, window_bounds = array<i64: 1, 128>}, {pipeline_mode = #tpu.pipeline_mode<synchronous>, transform_indices = @transform_11, window_bounds = array<i64: 128, 64>}, {pipeline_mode = #tpu.pipeline_mode<synchronous>, transform_indices = @transform_12, window_bounds = array<i64: 1, 64>}, {pipeline_mode = #tpu.pipeline_mode<synchronous>, transform_indices = @transform_13, window_bounds = array<i64: 128, 64>}, {pipeline_mode = #tpu.pipeline_mode<synchronous>, transform_indices = @transform_14, window_bounds = array<i64: 1, 64>}, {pipeline_mode = #tpu.pipeline_mode<synchronous>, transform_indices = @transform_15, window_bounds = array<i64: 64, 1>}, {pipeline_mode = #tpu.pipeline_mode<synchronous>, transform_indices = @transform_16, window_bounds = array<i64: 1, 1>}, {pipeline_mode = #tpu.pipeline_mode<synchronous>, transform_indices = @transform_17, window_bounds = array<i64: 64, 1>}, {pipeline_mode = #tpu.pipeline_mode<synchronous>, transform_indices = @transform_18, window_bounds = array<i64: 1, 1>}, {transform_indices = @transform_19, window_bounds = array<i64: 2000, 1>}, {transform_indices = @transform_20, window_bounds = array<i64: 2000, 1>}, {transform_indices = @transform_21, window_bounds = array<i64: 2000, 64>}, {transform_indices = @transform_22, window_bounds = array<i64: 2000, 64>}]} {
    %get3A = arith.constant 0 : index
    %get3A_0 = arith.constant 0 : index
    %get3A_1 = arith.constant 0 : index
    %get3A_2 = vector.load %arg1[%get3A, %get3A_0, %get3A_1] : memref<2x2000x128xf32, #tpu.memory_space<vmem>>, vector<2x2000x128xf32>
    %get3A_3 = arith.constant 0 : index
    %get3A_4 = arith.constant 0 : index
    %get3A_5 = arith.constant 0 : index
    %get3A_6 = vector.load %arg2[%get3A_3, %get3A_4, %get3A_5] : memref<2x2000x128xf32, #tpu.memory_space<vmem>>, vector<2x2000x128xf32>
    %slice3A = vector.extract_strided_slice %get3A_2 {offsets = [0, 0, 0], sizes = [1, 2000, 128], strides = [1, 1, 1]} : vector<2x2000x128xf32> to vector<1x2000x128xf32>
    %squeeze3A = vector.shape_cast %slice3A : vector<1x2000x128xf32> to vector<2000x128xf32>
    %slice3A_7 = vector.extract_strided_slice %get3A_2 {offsets = [1, 0, 0], sizes = [1, 2000, 128], strides = [1, 1, 1]} : vector<2x2000x128xf32> to vector<1x2000x128xf32>
    %squeeze3A_8 = vector.shape_cast %slice3A_7 : vector<1x2000x128xf32> to vector<2000x128xf32>
    %add3A = arith.addf %squeeze3A, %squeeze3A_8 : vector<2000x128xf32>
    %slice3A_9 = vector.extract_strided_slice %get3A_6 {offsets = [0, 0, 0], sizes = [1, 2000, 1], strides = [1, 1, 1]} : vector<2x2000x128xf32> to vector<1x2000x1xf32>
    %squeeze3A_10 = vector.shape_cast %slice3A_9 : vector<1x2000x1xf32> to vector<2000x1xf32>
    %slice3A_11 = vector.extract_strided_slice %get3A_6 {offsets = [1, 0, 0], sizes = [1, 2000, 1], strides = [1, 1, 1]} : vector<2x2000x128xf32> to vector<1x2000x1xf32>
    %squeeze3A_12 = vector.shape_cast %slice3A_11 : vector<1x2000x1xf32> to vector<2000x1xf32>
    %add3A_13 = arith.addf %squeeze3A_10, %squeeze3A_12 : vector<2000x1xf32>
    %max3A = arith.constant 1.000000e+00 : f32
    %max3A_14 = vector.broadcast %max3A : f32 to vector<2000x1xf32>
    %max3A_15 = arith.maximumf %add3A_13, %max3A_14 : vector<2000x1xf32>
    %div3A = arith.constant 1.000000e+00 : f32
    %div3A_16 = vector.broadcast %div3A : f32 to vector<2000x1xf32>
    %div3A_17 = arith.divf %div3A_16, %max3A_15 : vector<2000x1xf32>
    %mul3A = vector.broadcast %div3A_17 : vector<2000x1xf32> to vector<2000x128xf32>
    %mul3A_18 = arith.mulf %add3A, %mul3A : vector<2000x128xf32>
    %get3A_19 = arith.constant 0 : index
    %get3A_20 = arith.constant 0 : index
    %get3A_21 = vector.load %arg3[%get3A_19, %get3A_20] : memref<2000x128xf32, #tpu.memory_space<vmem>>, vector<2000x128xf32>
    %add3A_22 = arith.addf %mul3A_18, %get3A_21 : vector<2000x128xf32>
    %max3A_23 = arith.constant 0.000000e+00 : f32
    %max3A_24 = vector.broadcast %max3A_23 : f32 to vector<2000x128xf32>
    %max3A_25 = arith.maximumf %add3A_22, %max3A_24 : vector<2000x128xf32>
    %get3A_26 = arith.constant 0 : index
    %get3A_27 = arith.constant 0 : index
    %get3A_28 = vector.load %arg4[%get3A_26, %get3A_27] : memref<2000x128xf32, #tpu.memory_space<vmem>>, vector<2000x128xf32>
    %get3A_29 = arith.constant 0 : index
    %get3A_30 = arith.constant 0 : index
    %get3A_31 = vector.load %arg6[%get3A_29, %get3A_30] : memref<128x128xf32, #tpu.memory_space<vmem>>, vector<128x128xf32>
    %dot_general3A = arith.constant dense<0.000000e+00> : vector<2000x128xf32>
    %dot_general3A_32 = tpu.matmul %get3A_28, %get3A_31, %dot_general3A {dimension_numbers = #tpu.dot_dimension_numbers<[1], [0], [0], [1], [0, 0, 1, 1], [], []>, transpose_lhs_hint = false} : vector<2000x128xf32>, vector<128x128xf32>, vector<2000x128xf32> -> vector<2000x128xf32>
    %get3A_33 = arith.constant 0 : index
    %get3A_34 = arith.constant 0 : index
    %get3A_35 = vector.load %arg5[%get3A_33, %get3A_34] : memref<2000x128xf32, #tpu.memory_space<vmem>>, vector<2000x128xf32>
    %get3A_36 = arith.constant 0 : index
    %get3A_37 = arith.constant 0 : index
    %get3A_38 = vector.load %arg7[%get3A_36, %get3A_37] : memref<128x128xf32, #tpu.memory_space<vmem>>, vector<128x128xf32>
    %dot_general3A_39 = arith.constant dense<0.000000e+00> : vector<2000x128xf32>
    %dot_general3A_40 = tpu.matmul %get3A_35, %get3A_38, %dot_general3A_39 {dimension_numbers = #tpu.dot_dimension_numbers<[1], [0], [0], [1], [0, 0, 1, 1], [], []>, transpose_lhs_hint = false} : vector<2000x128xf32>, vector<128x128xf32>, vector<2000x128xf32> -> vector<2000x128xf32>
    %add3A_41 = arith.addf %dot_general3A_32, %dot_general3A_40 : vector<2000x128xf32>
    %get3A_42 = arith.constant 0 : index
    %get3A_43 = arith.constant 0 : index
    %get3A_44 = vector.load %arg8[%get3A_42, %get3A_43] : memref<128x128xf32, #tpu.memory_space<vmem>>, vector<128x128xf32>
    %dot_general3A_45 = arith.constant dense<0.000000e+00> : vector<2000x128xf32>
    %dot_general3A_46 = tpu.matmul %max3A_25, %get3A_44, %dot_general3A_45 {dimension_numbers = #tpu.dot_dimension_numbers<[1], [0], [0], [1], [0, 0, 1, 1], [], []>, transpose_lhs_hint = false} : vector<2000x128xf32>, vector<128x128xf32>, vector<2000x128xf32> -> vector<2000x128xf32>
    %add3A_47 = arith.addf %add3A_41, %dot_general3A_46 : vector<2000x128xf32>
    %get3A_48 = arith.constant 0 : index
    %get3A_49 = arith.constant 0 : index
    %get3A_50 = vector.load %arg9[%get3A_48, %get3A_49] : memref<1x128xf32, #tpu.memory_space<vmem>>, vector<1x128xf32>
    %add3A_51 = vector.broadcast %get3A_50 : vector<1x128xf32> to vector<2000x128xf32>
    %add3A_52 = arith.addf %add3A_47, %add3A_51 : vector<2000x128xf32>
    %max3A_53 = arith.constant 0.000000e+00 : f32
    %max3A_54 = vector.broadcast %max3A_53 : f32 to vector<2000x128xf32>
    %max3A_55 = arith.maximumf %add3A_52, %max3A_54 : vector<2000x128xf32>
    %get3A_56 = arith.constant 0 : index
    %get3A_57 = arith.constant 0 : index
    %get3A_58 = vector.load %arg10[%get3A_56, %get3A_57] : memref<128x128xf32, #tpu.memory_space<vmem>>, vector<128x128xf32>
    %dot_general3A_59 = arith.constant dense<0.000000e+00> : vector<2000x128xf32>
    %dot_general3A_60 = tpu.matmul %max3A_55, %get3A_58, %dot_general3A_59 {dimension_numbers = #tpu.dot_dimension_numbers<[1], [0], [0], [1], [0, 0, 1, 1], [], []>, transpose_lhs_hint = false} : vector<2000x128xf32>, vector<128x128xf32>, vector<2000x128xf32> -> vector<2000x128xf32>
    %get3A_61 = arith.constant 0 : index
    %get3A_62 = arith.constant 0 : index
    %get3A_63 = vector.load %arg11[%get3A_61, %get3A_62] : memref<1x128xf32, #tpu.memory_space<vmem>>, vector<1x128xf32>
    %add3A_64 = vector.broadcast %get3A_63 : vector<1x128xf32> to vector<2000x128xf32>
    %add3A_65 = arith.addf %dot_general3A_60, %add3A_64 : vector<2000x128xf32>
    %max3A_66 = arith.constant 0.000000e+00 : f32
    %max3A_67 = vector.broadcast %max3A_66 : f32 to vector<2000x128xf32>
    %max3A_68 = arith.maximumf %add3A_65, %max3A_67 : vector<2000x128xf32>
    %get3A_69 = arith.constant 0 : index
    %get3A_70 = arith.constant 0 : index
    %get3A_71 = vector.load %arg12[%get3A_69, %get3A_70] : memref<128x64xf32, #tpu.memory_space<vmem>>, vector<128x64xf32>
    %dot_general3A_72 = arith.constant dense<0.000000e+00> : vector<2000x64xf32>
    %dot_general3A_73 = tpu.matmul %max3A_68, %get3A_71, %dot_general3A_72 {dimension_numbers = #tpu.dot_dimension_numbers<[1], [0], [0], [1], [0, 0, 1, 1], [], []>, transpose_lhs_hint = false} : vector<2000x128xf32>, vector<128x64xf32>, vector<2000x64xf32> -> vector<2000x64xf32>
    %get3A_74 = arith.constant 0 : index
    %get3A_75 = arith.constant 0 : index
    %get3A_76 = vector.load %arg13[%get3A_74, %get3A_75] : memref<1x64xf32, #tpu.memory_space<vmem>>, vector<1x64xf32>
    %add3A_77 = vector.broadcast %get3A_76 : vector<1x64xf32> to vector<2000x64xf32>
    %add3A_78 = arith.addf %dot_general3A_73, %add3A_77 : vector<2000x64xf32>
    %max3A_79 = arith.constant 0.000000e+00 : f32
    %max3A_80 = vector.broadcast %max3A_79 : f32 to vector<2000x64xf32>
    %max3A_81 = arith.maximumf %add3A_78, %max3A_80 : vector<2000x64xf32>
    %get3A_82 = arith.constant 0 : index
    %get3A_83 = arith.constant 0 : index
    %get3A_84 = vector.load %arg14[%get3A_82, %get3A_83] : memref<128x64xf32, #tpu.memory_space<vmem>>, vector<128x64xf32>
    %dot_general3A_85 = arith.constant dense<0.000000e+00> : vector<2000x64xf32>
    %dot_general3A_86 = tpu.matmul %max3A_68, %get3A_84, %dot_general3A_85 {dimension_numbers = #tpu.dot_dimension_numbers<[1], [0], [0], [1], [0, 0, 1, 1], [], []>, transpose_lhs_hint = false} : vector<2000x128xf32>, vector<128x64xf32>, vector<2000x64xf32> -> vector<2000x64xf32>
    %get3A_87 = arith.constant 0 : index
    %get3A_88 = arith.constant 0 : index
    %get3A_89 = vector.load %arg15[%get3A_87, %get3A_88] : memref<1x64xf32, #tpu.memory_space<vmem>>, vector<1x64xf32>
    %add3A_90 = vector.broadcast %get3A_89 : vector<1x64xf32> to vector<2000x64xf32>
    %add3A_91 = arith.addf %dot_general3A_86, %add3A_90 : vector<2000x64xf32>
    %max3A_92 = arith.constant 0.000000e+00 : f32
    %max3A_93 = vector.broadcast %max3A_92 : f32 to vector<2000x64xf32>
    %max3A_94 = arith.maximumf %add3A_91, %max3A_93 : vector<2000x64xf32>
    %swap3A = arith.constant 0 : index
    %swap3A_95 = arith.constant 0 : index
    %swap3A_96 = vector.load %arg23[%swap3A, %swap3A_95] : memref<2000x64xf32, #tpu.memory_space<vmem>>, vector<2000x64xf32>
    tpu.vector_store %arg23[%swap3A, %swap3A_95], %max3A_81 {strides = array<i32>} : memref<2000x64xf32, #tpu.memory_space<vmem>>, vector<2000x64xf32>,
    %swap3A_97 = arith.constant 0 : index
    %swap3A_98 = arith.constant 0 : index
    %swap3A_99 = vector.load %arg22[%swap3A_97, %swap3A_98] : memref<2000x64xf32, #tpu.memory_space<vmem>>, vector<2000x64xf32>
    tpu.vector_store %arg22[%swap3A_97, %swap3A_98], %max3A_94 {strides = array<i32>} : memref<2000x64xf32, #tpu.memory_space<vmem>>, vector<2000x64xf32>,
    %get3A_100 = arith.constant 0 : index
    %get3A_101 = arith.constant 0 : index
    %get3A_102 = vector.load %arg16[%get3A_100, %get3A_101] : memref<64x1xf32, #tpu.memory_space<vmem>>, vector<64x1xf32>
    %dot_general3A_103 = arith.constant dense<0.000000e+00> : vector<2000x1xf32>
    %dot_general3A_104 = tpu.matmul %max3A_81, %get3A_102, %dot_general3A_103 {dimension_numbers = #tpu.dot_dimension_numbers<[1], [0], [0], [1], [0, 0, 1, 1], [], []>, transpose_lhs_hint = false} : vector<2000x64xf32>, vector<64x1xf32>, vector<2000x1xf32> -> vector<2000x1xf32>
    %get3A_105 = arith.constant 0 : index
    %get3A_106 = arith.constant 0 : index
    %get3A_107 = vector.load %arg17[%get3A_105, %get3A_106] : memref<1x1xf32, #tpu.memory_space<vmem>>, vector<1x1xf32>
    %add3A_108 = vector.broadcast %get3A_107 : vector<1x1xf32> to vector<2000x1xf32>
    %add3A_109 = arith.addf %dot_general3A_104, %add3A_108 : vector<2000x1xf32>
    %max3A_110 = arith.constant 0.000000e+00 : f32
    %max3A_111 = vector.broadcast %max3A_110 : f32 to vector<2000x1xf32>
    %max3A_112 = arith.maximumf %add3A_109, %max3A_111 : vector<2000x1xf32>
    %swap3A_113 = arith.constant 0 : index
    %swap3A_114 = arith.constant 0 : index
    %swap3A_115 = vector.load %arg21[%swap3A_113, %swap3A_114] : memref<2000x1xf32, #tpu.memory_space<vmem>>, vector<2000x1xf32>
    tpu.vector_store %arg21[%swap3A_113, %swap3A_114], %max3A_112 {strides = array<i32>} : memref<2000x1xf32, #tpu.memory_space<vmem>>, vector<2000x1xf32>,
    %get3A_116 = arith.constant 0 : index
    %get3A_117 = arith.constant 0 : index
    %get3A_118 = vector.load %arg18[%get3A_116, %get3A_117] : memref<64x1xf32, #tpu.memory_space<vmem>>, vector<64x1xf32>
    %dot_general3A_119 = arith.constant dense<0.000000e+00> : vector<2000x1xf32>
    %dot_general3A_120 = tpu.matmul %max3A_94, %get3A_118, %dot_general3A_119 {dimension_numbers = #tpu.dot_dimension_numbers<[1], [0], [0], [1], [0, 0, 1, 1], [], []>, transpose_lhs_hint = false} : vector<2000x64xf32>, vector<64x1xf32>, vector<2000x1xf32> -> vector<2000x1xf32>
    %get3A_121 = arith.constant 0 : index
    %get3A_122 = arith.constant 0 : index
    %get3A_123 = vector.load %arg19[%get3A_121, %get3A_122] : memref<1x1xf32, #tpu.memory_space<vmem>>, vector<1x1xf32>
    %add3A_124 = vector.broadcast %get3A_123 : vector<1x1xf32> to vector<2000x1xf32>
    %add3A_125 = arith.addf %dot_general3A_120, %add3A_124 : vector<2000x1xf32>
    %max3A_126 = arith.constant 0.000000e+00 : f32
    %max3A_127 = vector.broadcast %max3A_126 : f32 to vector<2000x1xf32>
    %max3A_128 = arith.maximumf %add3A_125, %max3A_127 : vector<2000x1xf32>
    %swap3A_129 = arith.constant 0 : index
    %swap3A_130 = arith.constant 0 : index
    %swap3A_131 = vector.load %arg20[%swap3A_129, %swap3A_130] : memref<2000x1xf32, #tpu.memory_space<vmem>>, vector<2000x1xf32>
    tpu.vector_store %arg20[%swap3A_129, %swap3A_130], %max3A_128 {strides = array<i32>} : memref<2000x1xf32, #tpu.memory_space<vmem>>, vector<2000x1xf32>,
    return
  }
  func.func @transform_0(%arg0: i32) -> (i32, i32, i32) {
    %c0_i32 = arith.constant 0 : i32
    %c0_i32_0 = arith.constant 0 : i32
    %c0_i32_1 = arith.constant 0 : i32
    return %c0_i32, %arg0, %c0_i32_0 : i32, i32, i32
  }
  func.func @transform_1(%arg0: i32) -> (i32, i32, i32) {
    %c0_i32 = arith.constant 0 : i32
    %c0_i32_0 = arith.constant 0 : i32
    %c0_i32_1 = arith.constant 0 : i32
    return %c0_i32, %arg0, %c0_i32_0 : i32, i32, i32
  }
  func.func @transform_2(%arg0: i32) -> (i32, i32) {
    %c0_i32 = arith.constant 0 : i32
    %c0_i32_0 = arith.constant 0 : i32
    return %arg0, %c0_i32 : i32, i32
  }
  func.func @transform_3(%arg0: i32) -> (i32, i32) {
    %c0_i32 = arith.constant 0 : i32
    %c0_i32_0 = arith.constant 0 : i32
    return %arg0, %c0_i32 : i32, i32
  }
  func.func @transform_4(%arg0: i32) -> (i32, i32) {
    %c0_i32 = arith.constant 0 : i32
    %c0_i32_0 = arith.constant 0 : i32
    return %arg0, %c0_i32 : i32, i32
  }
  func.func @transform_5(%arg0: i32) -> (i32, i32) {
    %c0_i32 = arith.constant 0 : i32
    %c0_i32_0 = arith.constant 0 : i32
    %c0_i32_1 = arith.constant 0 : i32
    return %c0_i32, %c0_i32_0 : i32, i32
  }
  func.func @transform_6(%arg0: i32) -> (i32, i32) {
    %c0_i32 = arith.constant 0 : i32
    %c0_i32_0 = arith.constant 0 : i32
    %c0_i32_1 = arith.constant 0 : i32
    return %c0_i32, %c0_i32_0 : i32, i32
  }
  func.func @transform_7(%arg0: i32) -> (i32, i32) {
    %c0_i32 = arith.constant 0 : i32
    %c0_i32_0 = arith.constant 0 : i32
    %c0_i32_1 = arith.constant 0 : i32
    return %c0_i32, %c0_i32_0 : i32, i32
  }
  func.func @transform_8(%arg0: i32) -> (i32, i32) {
    %c0_i32 = arith.constant 0 : i32
    %c0_i32_0 = arith.constant 0 : i32
    %c0_i32_1 = arith.constant 0 : i32
    return %c0_i32, %c0_i32_0 : i32, i32
  }
  func.func @transform_9(%arg0: i32) -> (i32, i32) {
    %c0_i32 = arith.constant 0 : i32
    %c0_i32_0 = arith.constant 0 : i32
    %c0_i32_1 = arith.constant 0 : i32
    return %c0_i32, %c0_i32_0 : i32, i32
  }
  func.func @transform_10(%arg0: i32) -> (i32, i32) {
    %c0_i32 = arith.constant 0 : i32
    %c0_i32_0 = arith.constant 0 : i32
    %c0_i32_1 = arith.constant 0 : i32
    return %c0_i32, %c0_i32_0 : i32, i32
  }
  func.func @transform_11(%arg0: i32) -> (i32, i32) {
    %c0_i32 = arith.constant 0 : i32
    %c0_i32_0 = arith.constant 0 : i32
    %c0_i32_1 = arith.constant 0 : i32
    return %c0_i32, %c0_i32_0 : i32, i32
  }
  func.func @transform_12(%arg0: i32) -> (i32, i32) {
    %c0_i32 = arith.constant 0 : i32
    %c0_i32_0 = arith.constant 0 : i32
    %c0_i32_1 = arith.constant 0 : i32
    return %c0_i32, %c0_i32_0 : i32, i32
  }
  func.func @transform_13(%arg0: i32) -> (i32, i32) {
    %c0_i32 = arith.constant 0 : i32
    %c0_i32_0 = arith.constant 0 : i32
    %c0_i32_1 = arith.constant 0 : i32
    return %c0_i32, %c0_i32_0 : i32, i32
  }
  func.func @transform_14(%arg0: i32) -> (i32, i32) {
    %c0_i32 = arith.constant 0 : i32
    %c0_i32_0 = arith.constant 0 : i32
    %c0_i32_1 = arith.constant 0 : i32
    return %c0_i32, %c0_i32_0 : i32, i32
  }
  func.func @transform_15(%arg0: i32) -> (i32, i32) {
    %c0_i32 = arith.constant 0 : i32
    %c0_i32_0 = arith.constant 0 : i32
    %c0_i32_1 = arith.constant 0 : i32
    return %c0_i32, %c0_i32_0 : i32, i32
  }
  func.func @transform_16(%arg0: i32) -> (i32, i32) {
    %c0_i32 = arith.constant 0 : i32
    %c0_i32_0 = arith.constant 0 : i32
    %c0_i32_1 = arith.constant 0 : i32
    return %c0_i32, %c0_i32_0 : i32, i32
  }
  func.func @transform_17(%arg0: i32) -> (i32, i32) {
    %c0_i32 = arith.constant 0 : i32
    %c0_i32_0 = arith.constant 0 : i32
    %c0_i32_1 = arith.constant 0 : i32
    return %c0_i32, %c0_i32_0 : i32, i32
  }
  func.func @transform_18(%arg0: i32) -> (i32, i32) {
    %c0_i32 = arith.constant 0 : i32
    %c0_i32_0 = arith.constant 0 : i32
    %c0_i32_1 = arith.constant 0 : i32
    return %c0_i32, %c0_i32_0 : i32, i32
  }
  func.func @transform_19(%arg0: i32) -> (i32, i32) {
    %c0_i32 = arith.constant 0 : i32
    %c0_i32_0 = arith.constant 0 : i32
    return %arg0, %c0_i32 : i32, i32
  }
  func.func @transform_20(%arg0: i32) -> (i32, i32) {
    %c0_i32 = arith.constant 0 : i32
    %c0_i32_0 = arith.constant 0 : i32
    return %arg0, %c0_i32 : i32, i32
  }
  func.func @transform_21(%arg0: i32) -> (i32, i32) {
    %c0_i32 = arith.constant 0 : i32
    %c0_i32_0 = arith.constant 0 : i32
    return %arg0, %c0_i32 : i32, i32
  }
  func.func @transform_22(%arg0: i32) -> (i32, i32) {
    %c0_i32 = arith.constant 0 : i32
    %c0_i32_0 = arith.constant 0 : i32
    return %arg0, %c0_i32 : i32, i32
  }
}

</mosaic_0001>

<sc_bundles>
// kernel: kernel.11.cloned.1.call-start
scs
__scs_entry_jumppad:
0x0: {  	(pc) =	sbr.rel $0x88, $3  }
0x1: {  	(tag) =	ssettag $0x0;
	lr =	simm.s32 $0x1  }
0x2: {  	[smem:$0x3F88] =	sst lr;
	_ =	strace $0xD0000000  }
0x3: {  	_ = 	snop  }
0x4: {  	_ = 	snop  }
0x5: {  	_ = 	snop  }
0x6: {  	_ = 	snop  }
0x7: {  	_ = 	snop  }
__scs_overlays_trampoline_lowered:
0x8: {  	[smem:$0x3F97] =	sst s0  }
0x9: {  	[smem:$0x3F98] =	sst s1  }
0xa: {  	[smem:$0x3F99] =	sst s2  }
0xb: {  	[smem:$0x3F9A] =	sst s3  }
0xc: {  	[smem:$0x3F9B] =	sst s4  }
0xd: {  	[smem:$0x3F9C] =	sst s5  }
0xe: {  	[smem:$0x3F9D] =	sst s6  }
0xf: {  	[smem:$0x3F9E] =	sst s7  }
0x10: {  	[smem:$0x3F9F] =	sst s8  }
0x11: {  	[smem:$0x3FA0] =	sst s9;
	s0 =	simm.s32 @!p0 $0x0  }
0x12: {  	s1 =	sld [smem:$0x3F86];
	s0 =	simm.s32 @p0 $0x1  }
0x13: {  	[smem:$0x3FA1] =	sst s0;
	s0 =	simm.s32 @!p1 $0x0  }
0x14: {  	s2 =	sld [smem:$0x3F85];
	s0 =	simm.s32 @p1 $0x1  }
0x15: {  	[smem:$0x3FA2] =	sst s0;
	s0 =	simm.s32 @!p2 $0x0  }
0x16: {  	s3 =	sld [smem:$0x3FDB];
	s0 =	simm.s32 @p2 $0x1  }
0x17: {  	s4 =	simm.s32 $0x1BF5;
	[smem:$0x3FA4] =	sst s0  }
0x18: {  	s0 =	sld [smem:$0x3F87];
	_ =	swait.ge [sflag:s4], $0x0  }
0x19: {  	s7 =	sld [smem:$0x3F88]  }
0x1a: {  	s8 =	sadd.s32 $0xFFFFE003, lr  }
0x1b: {  	s9 =	sadd.s32 $0xFFFFFEF7, lr;
	s5 =	simm.s32 $0xFFFFFFFF;
	p2 =	slt.u32 s8, $0xFFFFF086  }
0x1c: {  	p1 =	slt.u32 s9, $0xF7A;
	s5 =	simm.s32 @!p2 $0x0  }
0x1d: {  	s5 =	simm.s32 @p1 $0x1;
	p0 =	seq.s32 s7, s2  }
0x1e: {  	s7 =	smul.u32 @!p0 $0xF7A, s2;
	p2 =	seq.s32 @!p0 s5, $0x0  }
0x1f: {  	s9 =	smul.u32 $0xF7A, s1;
	s8 =	simm.s32 @!p0 $0x1BF5;
	p2 =	por !p2, p0  }
0x20: {  	[sflag:s8] =	ssyncset.s32 @!p0 $0xFFFFF086;
	s6 =	sadd.s32 @!p0 s3, s7;
	s7 =	simm.s32 @!p0 $0x108  }
0x21: {  	s3 =	sadd.s32 s3, s9;
	s6 =	sadd.s32 @!p0 $0x88, s6;
	s7 =	simm.s32 @p2 $0x1082  }
0x22: {  	[simem:s7], [sflag:s8] =	dma.local @!p0 [hbm:s6], $0xF7A  }
0x23: {  	s9 =	sor.u32 $0xD0000000, s2;
	s6 =	simm.s32 $0x108;
	_ =	swait.ge @!p0 [sflag:s8], $0x0  }
0x24: {  	s3 =	sadd.s32 $0x88, s3;
	s6 =	simm.s32 @!p1 $0x1082;
	[sflag:s4] =	ssyncset.s32 $0xFFFFF086  }
0x25: {  	[simem:s6], [sflag:s4] =	dma.local [hbm:s3], $0xF7A  }
0x26: {  	[smem:$0x3F88] =	sst s1;
	(tag) =	ssettag s2;
	_ =	strace s9  }
0x27: {  	s1 =	sld [smem:$0x3F98]  }
0x28: {  	s2 =	sld [smem:$0x3F99]  }
0x29: {  	s4 =	sld [smem:$0x3F9B]  }
0x2a: {  	p0 =	seq.s32 s5, $0x0;
	s5 =	sld [smem:$0x3F9C]  }
0x2b: {  	s6 =	sld [smem:$0x3F9D]  }
0x2c: {  	s7 =	sld [smem:$0x3F9E]  }
0x2d: {  	s3 =	simm.s32 $0x108;
	s8 =	sld [smem:$0x3F9F]  }
0x2e: {  	s3 =	simm.s32 @!p0 $0x1082;
	s9 =	sld [smem:$0x3FA0]  }
0x2f: {  	lr =	sadd.s32 s0, s3;
	s0 =	sld [smem:$0x3F97]  }
0x30: {  	s3 =	sld [smem:$0x3F9A]  }
0x31: {  	[smem:$0x3FA3] =	sst s10  }
0x32: {  	s10 =	sld [smem:$0x3FA1];
	_ =	sdelay $0x3  }
0x33: {  	p0 =	seq.s32 s10, $0x1;
	s10 =	sld [smem:$0x3FA3];
	_ =	sdelay $0x3  }
0x34: {  	[smem:$0x3FA3] =	sst s10  }
0x35: {  	s10 =	sld [smem:$0x3FA2];
	_ =	sdelay $0x3  }
0x36: {  	p1 =	seq.s32 s10, $0x1;
	s10 =	sld [smem:$0x3FA3];
	_ =	sdelay $0x3  }
0x37: {  	[smem:$0x3FA3] =	sst s10  }
0x38: {  	s10 =	sld [smem:$0x3FA4]  }
0x39: {  	_ = 	snop;
	(pc) =	sbr.ind lr, $3  }
0x3a: {  	_ = 	snop  }
0x3b: {  	_ = 	snop  }
0x3c: {  	p2 =	seq.s32 s10, $0x1;
	s10 =	sld [smem:$0x3FA3]  }
0x3d: {  	_ =	shalt  }
0x3e: {  	_ =	shalt  }
0x3f: {  	_ =	shalt  }
0x40: {  	_ =	shalt  }
0x41: {  	_ =	shalt  }
0x42: {  	_ =	shalt  }
0x43: {  	_ =	shalt  }
0x44: {  	_ =	shalt  }
0x45: {  	_ =	shalt  }
0x46: {  	_ =	shalt  }
0x47: {  	_ =	shalt  }
0x48: {  	_ =	shalt  }
0x49: {  	_ =	shalt  }
0x4a: {  	_ =	shalt  }
0x4b: {  	_ =	shalt  }
0x4c: {  	_ =	shalt  }
0x4d: {  	_ =	shalt  }
0x4e: {  	_ =	shalt  }
0x4f: {  	_ =	shalt  }
0x50: {  	_ =	shalt  }
0x51: {  	_ =	shalt  }
0x52: {  	_ =	shalt  }
0x53: {  	_ =	shalt  }
0x54: {  	_ =	shalt  }
0x55: {  	_ =	shalt  }
0x56: {  	_ =	shalt  }
0x57: {  	_ =	shalt  }
0x58: {  	_ =	shalt  }
0x59: {  	_ =	shalt  }
0x5a: {  	_ =	shalt  }
0x5b: {  	_ =	shalt  }
0x5c: {  	_ =	shalt  }
0x5d: {  	_ =	shalt  }
0x5e: {  	_ =	shalt  }
0x5f: {  	_ =	shalt  }
0x60: {  	_ =	shalt  }
0x61: {  	_ =	shalt  }
0x62: {  	_ =	shalt  }
0x63: {  	_ =	shalt  }
0x64: {  	_ =	shalt  }
0x65: {  	_ =	shalt  }
0x66: {  	_ =	shalt  }
0x67: {  	_ =	shalt  }
0x68: {  	_ =	shalt  }
0x69: {  	_ =	shalt  }
0x6a: {  	_ =	shalt  }
0x6b: {  	_ =	shalt  }
0x6c: {  	_ =	shalt  }
0x6d: {  	_ =	shalt  }
0x6e: {  	_ =	shalt  }
0x6f: {  	_ =	shalt  }
0x70: {  	_ =	shalt  }
0x71: {  	_ =	shalt  }
0x72: {  	_ =	shalt  }
0x73: {  	_ =	shalt  }
0x74: {  	_ =	shalt  }
0x75: {  	_ =	shalt  }
0x76: {  	_ =	shalt  }
0x77: {  	_ =	shalt  }
0x78: {  	_ =	shalt  }
0x79: {  	_ =	shalt  }
0x7a: {  	_ =	shalt  }
0x7b: {  	_ =	shalt  }
0x7c: {  	_ =	shalt  }
0x7d: {  	_ =	shalt  }
0x7e: {  	_ =	shalt  }
0x7f: {  	_ =	shalt  }
0x80: {  	_ =	shalt  }
0x81: {  	_ =	shalt  }
0x82: {  	_ =	shalt  }
0x83: {  	_ =	shalt  }
0x84: {  	_ =	shalt  }
0x85: {  	_ =	shalt  }
0x86: {  	_ =	shalt  }
0x87: {  	_ =	shalt  }
.Lfunc_end0:
.L_simem_size_0:
called_computation.1_lowered:
.L_overlay_start_0:
0x88: {  	s2 =	sld [smem:$0x3FD9]  }
0x89: {  	s3 =	sld [smem:$0x3FFE];
	_ =	sdelay $0x1  }
0x8a: {  	s1 =	srdreg.scid  }
0x8b: {  	s0 =	sand.u32 $0x1, s1  }
0x8c: {  	s14 =	sshll.u32 s0, $0xA;
	s2 =	sadd.s32 s3, s2  }
0x8d: {  	s2 =	sadd.s32 s2, s14  }
0x8e: {  	[smem:$0x3FAF] =	sst s2  }
0x8f: {  	_ = 	snop  }
0x90: {  	s2 =	sld [smem:$0x3FD0];
	_ =	sdelay $0x2  }
0x91: {  	s15 =	simm.s32 $0xB;
	s4 =	simm.s32 $0x10  }
0x92: {  	[smem:s4], [sflag:s15] =	dma.local [hbm:s2], $0x1  }
0x93: {  	_ =	swait.eq [sflag:s15], $0x1  }
0x94: {  	[sflag:s15] =	ssyncset.done $0x0  }
0x95: {  	s16 =	sld [smem:$0x12];
	[sflag:s15] =	ssyncadd.s32 $0xFFFFFFFF  }
0x96: {  	s17 =	sld [smem:$0x13];
	(tm) =	ssettm $0x1  }
0x97: {  	s18 =	sld [smem:$0x3FFB];
	_ =	sdelay $0x3  }
0x98: {  	_ =	strace s18  }
0x99: {  	s4 =	sld [smem:$0x3FFC];
	_ =	sdelay $0x3  }
0x9a: {  	_ =	strace s4  }
0x9b: {  	s4 =	sld [smem:$0x3FFD];
	_ =	sdelay $0x3  }
0x9c: {  	_ =	strace s4  }
0x9d: {  	_ =	strace $0x8FFFFFFF  }
0x9e: {  	s19 =	sld [smem:$0x3FDB];
	_ =	sdelay $0x1  }
0x9f: {  	s5 =	simm.s32 $_scs_section_size  }
0xa0: {  	s6 =	simm.s32 $_size__tile_overlayer_lowered;
	s7 =	simm.s32 $_tile_overlayer_lowered  }
0xa1: {  	s22 =	simm.s32 $0x1BFF;
	s21 =	sshll.u32 s7, $0x1;
	s4 =	sadd.s32 s5, s19  }
0xa2: {  	s8 =	simm.s32 $0x0;
	s20 =	sshll.u32 s6, $0x1;
	s6 =	sadd.s32 s21, s4  }
0xa3: {  	[timem:s8], [sflag:s22] =	dma.local [hbm:s6], s20  }
0xa4: {  	_ =	swait.ge [sflag:s22], s20  }
0xa5: {  	s5 =	ssub.s32 $0x0, s20;
	[sflag:s22] =	ssyncset.done $0x0  }
0xa6: {  	[sflag:s22] =	ssyncadd.s32 s5;
	_ =	sdelay $0x1  }
0xa7: {  	s23 =	simm.s32 $0x1B8B  }
0xa8: {  	_ =	swait.ge [sflag:s23], $0x1  }
0xa9: {  	[sflag:s23] =	ssyncset.done $0x0  }
0xaa: {  	s25 =	simm.s32 $0x1B8E;
	s24 =	sld [smem:$0x3FFE];
	[sflag:s23] =	ssyncadd.s32 $0xFFFFFFFF  }
0xab: {  	s26 =	simm.s32 $execute0_lowered;
	[smem:$0x3FD2] =	sst s25  }
0xac: {  	s6 =	sshll.u32 s26, $0x1;
	_ =	strace $0x80000046;
	[dreg:$0x1] =	wrdreg $0xFFFFFFFF  }
0xad: {  	s28 =	simm.s32 $_size_execute0_lowered;
	s4 =	sadd.s32 s4, s6;
	[dreg:$0x0] =	wrdreg $0x0  }
0xae: {  	s6 =	sshll.u32 s28, $0x1;
	[dreg:$0x2] =	wrdreg s4  }
0xaf: {  	[dreg:$0x3] =	wrdreg s6  }
0xb0: {  	[dreg:$0x4] =	wrdreg $0xC0  }
0xb1: {  	_ =	task [dreg:s8], $0x5FFFF  }
0xb2: {  	[dreg:$0x1] =	wrdreg $0xFFFFFFFF  }
0xb3: {  	[dreg:$0x0] =	wrdreg $0x60  }
0xb4: {  	[dreg:$0x2] =	wrdreg s24  }
0xb5: {  	[dreg:$0x3] =	wrdreg s17  }
0xb6: {  	[dreg:$0x4] =	wrdreg s16  }
0xb7: {  	[dreg:$0x5] =	wrdreg $0xC0000  }
0xb8: {  	[dreg:$0x6] =	wrdreg $0xA  }
0xb9: {  	_ =	task.clear_ibuf [dreg:s8], $0x7FFFF;
	_ =	strace $0x90000046  }
0xba: {  	s29 =	simm.s32 $0xA;
	_ =	strace $0x80000048  }
0xbb: {  	_ =	swait.ge [sflag:s29], $0x1  }
0xbc: {  	[sflag:s29] =	ssyncadd.s32 $0xFFFFFFFF  }
0xbd: {  	_ =	strace $0x90000048  }
0xbe: {  	_ =	sfence  }
0xbf: {  	s30 =	sld [smem:$0x0];
	_ =	sdelay $0x2  }
0xc0: {  	s31 =	sshll.u32 s1, $0xD;
	s1 =	sshrl.u32 s1, $0x2  }
0xc1: {  	s3 =	sand.u32 $0x4000, s31;
	s1 =	sadd.s32 s1, s30  }
0xc2: {  	s0 =	sor.u32 s3, s0;
	s1 =	sshll.u32 s1, $0x11  }
0xc3: {  	s0 =	sor.u32 s1, s0  }
0xc4: {  	s0 =	sadd.s32 $0x8F2B, s0  }
0xc5: {  	[sflag:s0] =	ssyncadd.remote.s32 $0x1  }
0xc6: {  	_ =	sfence.sel $0xFFFF  }
0xc7: {  	[dreg:$0x0] =	wrdreg $0xFFFFFFFF;
	(pc) =	sbr.abs _section_cstart, $3  }
0xc8: {  	[dreg:$0x1] =	wrdreg $0xFFFFFFFF  }
0xc9: {  	_ =	task.clear_ibuf [dreg:s8], $0x2FFFF;
	_ =	strace $0x9FFFFFFF  }
0xca: {  	(tm) =	ssettm $0x7FFFFFFF  }
0xcb: {  	_ =	shalt  }
tec
execute0_lowered:
.L_overlay_start_1:
0x0: {  	(tag) =	ssettag $0x1  }
0x1: {  	s0 =	rddreg [dreg:$0x0]  }
0x2: {  	s2 =	rddreg [dreg:$0x1]  }
0x3: {  	s3 =	rddreg [dreg:$0x2]  }
0x4: {  	s1 =	rddreg [dreg:$0x3];
	s4 =	simm.s32 $0x0  }
0x5: {  	s12 =	srdreg.scid;
	s11 =	stileid.u32;
	s29 =	simm.s32 $0xA800  }
0x6: {  	s30 =	simm.s32 $0x3;
	s31 =	simm.s32 $0x1400;
	[smem:$0x7FF] =	sst s4  }
0x7: {  	s6 =	sand.u32 $0x1, s12;
	s5 =	smul.u32 $0x4E000, s11;
	s4 =	sadd.s32 $0x2AE00, s0  }
0x8: {  	s0 =	sadd.s32 $0x52000, s0;
	s9 =	sshll.u32 s11, $0x1;
	s24 =	smul.u32 $0x13800, s11  }
0x9: {  	p0 =	sne.s32 s11, $0x0;
	s28 =	sadd.s32 $0x138000, s1;
	s5 =	sshrl.u32 s5, $0x2  }
0xa: {  	_ =	strace $0x80000047;
	s7 =	ssub.s32 $0x2, s6;
	s5 =	sadd.s32 s5, s1  }
0xb: {  	s13 =	sor.u32 s6, s9;
	s6 =	smul.u32 $0x138800, s6;
	s14 =	sadd.s32 $0x1800, s5  }
0xc: {  	s9 =	simm.s32 $0x2780;
	s15 =	sadd.s32 $0x3000, s5;
	[dreg:$0x5] =	wrdreg s14  }
0xd: {  	s8 =	sshrl.u32 s7, $0x1;
	s16 =	sadd.s32 $0x4800, s5;
	[dreg:$0x6] =	wrdreg s15  }
0xe: {  	s19 =	smul.u32 $0x280, s13;
	s17 =	sadd.s32 $0x6000, s5;
	[dreg:$0x7] =	wrdreg s16  }
0xf: {  	s21 =	smul.u32 $0x2800, s13;
	s18 =	sadd.s32 $0x7800, s5;
	[dreg:$0x8] =	wrdreg s17  }
0x10: {  	s7 =	ssub.s32 s7, s8;
	s10 =	sadd.s32 $0x9000, s5;
	[dreg:$0x9] =	wrdreg s18  }
0x11: {  	s8 =	smul.u32 $0x500, s13;
	s20 =	sadd.s32 $0xA800, s5;
	[dreg:$0xa] =	wrdreg s10  }
0x12: {  	s25 =	sadd.s32 s24, s6;
	s12 =	sadd.s32 $0xC000, s5;
	[dreg:$0xb] =	wrdreg s20  }
0x13: {  	s26 =	sshrl.u32 s6, $0x3;
	s22 =	sadd.s32 $0xD800, s5;
	[dreg:$0xc] =	wrdreg s12  }
0x14: {  	s6 =	simm.s32 $0x1;
	[dreg:$0xd] =	wrdreg s22;
	s15 =	sadd.s32 s2, s19  }
0x15: {  	s10 =	sshrl.u32 s21, $0x3;
	s16 =	sadd.s32 s3, s19;
	s17 =	sadd.s32 s2, s8  }
0x16: {  	s18 =	sadd.s32 s3, s8;
	s21 =	sadd.s32 $0xF000, s5;
	s23 =	sadd.s32 $0x280, s10  }
0x17: {  	s8 =	simm.s32 $0x2700;
	s10 =	simm.s32 $0x0;
	s19 =	sadd.s32 s2, s23  }
0x18: {  	s20 =	sadd.s32 s3, s23;
	s2 =	sshrl.u32 s25, $0x3;
	s3 =	sadd.s32 s0, s26  }
0x19: {  	s23 =	sadd.s32 $0x10800, s5;
	s25 =	smax.u32 s7, $0x1;
	s26 =	sadd.s32 $0x12000, s5  }
0x1a: {  	s7 =	simm.s32 $0x2;
	s22 =	sadd.s32 s0, s2;
	s24 =	sadd.s32 $0x27000, s3  }
0x1b: {  	v0 =	vimm.f32 $0.0e+00;
	s0 =	simm.s32 $0x80;
	s3 =	simm.s32 $0x2800;
	s2 =	simm.s32 $0x6800  }
.LBB2_1:
0x1c: {  	s12 =	simm.s32 $0x0  }
0x1d: {  	s11 =	sand.u32 $0x7E00, s12  }
0x1e: {  	s12 =	sand.u32 $0x70, s12;
	s13 =	sshrl.u32 s11, $0x2  }
0x1f: {  	s11 =	simm.s32 $0x40;
	s13 =	sor.u32 s12, s13;
	s12 =	simm.s32 $0x0  }
.LBB2_2:
0x20: {  	p1 =	sne.s32 s11, $0x5FC0  }
0x21: {  	[tilespmem:s13+$0xA800] =	vst v0;
	s12 =	sadd.s32 $0x10, s12;
	s13 =	smov.u32 s11;
	s11 =	sadd.s32 $0x40, s11  }
.Ltmp0:
0x22: {  	(pc) =	sbr.rel @p1 .LBB2_2-.Ltmp0, $4  }
0x23: {  	_ = 	snop  }
0x24: {  	s13 =	sand.u32 $0x7E00, s13  }
0x25: {  	s14 =	sand.u32 $0x70, s12;
	s13 =	sshrl.u32 s13, $0x2  }
0x26: {  	s13 =	sor.u32 s14, s13  }
0x27: {  	[tilespmem:s13+$0xA800] =	vst v0  }
0x28: {  	[spmem:s5] =	stream.linear.scatter [tilespmem:s29], [sflag:$0x3], $0x1800, $0x38;
	[tilespmem:$0x1F880] =	vst v63  }
0x29: {  	_ =	swait.ge [sflag:s30], $0x1800  }
0x2a: {  	[sflag:s30] =	ssyncset.done $0x0  }
0x2b: {  	s11 =	rddreg [dreg:$0x5];
	[sflag:s30] =	ssyncadd.s32 $0xFFFFE800  }
0x2c: {  	[spmem:s11] =	stream.linear.scatter [tilespmem:s29], [sflag:$0x3], $0x1800, $0x38;
	[tilespmem:$0x1F880] =	vst v63  }
0x2d: {  	_ =	swait.ge [sflag:s30], $0x1800  }
0x2e: {  	[sflag:s30] =	ssyncset.done $0x0  }
0x2f: {  	s12 =	rddreg [dreg:$0x6];
	[sflag:s30] =	ssyncadd.s32 $0xFFFFE800  }
0x30: {  	[spmem:s12] =	stream.linear.scatter [tilespmem:s29], [sflag:$0x3], $0x1800, $0x38;
	[tilespmem:$0x1F880] =	vst v63  }
0x31: {  	_ =	swait.ge [sflag:s30], $0x1800  }
0x32: {  	[sflag:s30] =	ssyncset.done $0x0  }
0x33: {  	s13 =	rddreg [dreg:$0x7];
	[sflag:s30] =	ssyncadd.s32 $0xFFFFE800  }
0x34: {  	[spmem:s13] =	stream.linear.scatter [tilespmem:s29], [sflag:$0x3], $0x1800, $0x38;
	[tilespmem:$0x1F880] =	vst v63  }
0x35: {  	_ =	swait.ge [sflag:s30], $0x1800  }
0x36: {  	[sflag:s30] =	ssyncset.done $0x0  }
0x37: {  	s14 =	rddreg [dreg:$0x8];
	[sflag:s30] =	ssyncadd.s32 $0xFFFFE800  }
0x38: {  	[spmem:s14] =	stream.linear.scatter [tilespmem:s29], [sflag:$0x3], $0x1800, $0x38;
	[tilespmem:$0x1F880] =	vst v63  }
0x39: {  	_ =	swait.ge [sflag:s30], $0x1800  }
0x3a: {  	[sflag:s30] =	ssyncset.done $0x0  }
0x3b: {  	s12 =	rddreg [dreg:$0x9];
	[sflag:s30] =	ssyncadd.s32 $0xFFFFE800  }
0x3c: {  	[spmem:s12] =	stream.linear.scatter [tilespmem:s29], [sflag:$0x3], $0x1800, $0x38;
	[tilespmem:$0x1F880] =	vst v63  }
0x3d: {  	_ =	swait.ge [sflag:s30], $0x1800  }
0x3e: {  	[sflag:s30] =	ssyncset.done $0x0  }
0x3f: {  	s13 =	rddreg [dreg:$0xa];
	[sflag:s30] =	ssyncadd.s32 $0xFFFFE800  }
0x40: {  	[spmem:s13] =	stream.linear.scatter [tilespmem:s29], [sflag:$0x3], $0x1800, $0x38;
	[tilespmem:$0x1F880] =	vst v63  }
0x41: {  	_ =	swait.ge [sflag:s30], $0x1800  }
0x42: {  	[sflag:s30] =	ssyncset.done $0x0  }
0x43: {  	s14 =	rddreg [dreg:$0xb];
	[sflag:s30] =	ssyncadd.s32 $0xFFFFE800  }
0x44: {  	[spmem:s14] =	stream.linear.scatter [tilespmem:s29], [sflag:$0x3], $0x1800, $0x38;
	[tilespmem:$0x1F880] =	vst v63  }
0x45: {  	_ =	swait.ge [sflag:s30], $0x1800  }
0x46: {  	[sflag:s30] =	ssyncset.done $0x0  }
0x47: {  	s12 =	rddreg [dreg:$0xc];
	[sflag:s30] =	ssyncadd.s32 $0xFFFFE800  }
0x48: {  	[spmem:s12] =	stream.linear.scatter [tilespmem:s29], [sflag:$0x3], $0x1800, $0x38;
	[tilespmem:$0x1F880] =	vst v63  }
0x49: {  	_ =	swait.ge [sflag:s30], $0x1800  }
0x4a: {  	[sflag:s30] =	ssyncset.done $0x0  }
0x4b: {  	s13 =	rddreg [dreg:$0xd];
	[sflag:s30] =	ssyncadd.s32 $0xFFFFE800  }
0x4c: {  	[spmem:s13] =	stream.linear.scatter [tilespmem:s29], [sflag:$0x3], $0x1800, $0x38;
	[tilespmem:$0x1F880] =	vst v63  }
0x4d: {  	_ =	swait.ge [sflag:s30], $0x1800  }
0x4e: {  	[sflag:s30] =	ssyncset.done $0x0  }
0x4f: {  	[sflag:s30] =	ssyncadd.s32 $0xFFFFE800  }
0x50: {  	[spmem:s21] =	stream.linear.scatter [tilespmem:s29], [sflag:$0x3], $0x1800, $0x38;
	[tilespmem:$0x1F880] =	vst v63  }
0x51: {  	_ =	swait.ge [sflag:s30], $0x1800  }
0x52: {  	[sflag:s30] =	ssyncset.done $0x0  }
0x53: {  	[sflag:s30] =	ssyncadd.s32 $0xFFFFE800  }
0x54: {  	[spmem:s23] =	stream.linear.scatter [tilespmem:s29], [sflag:$0x3], $0x1800, $0x38;
	[tilespmem:$0x1F880] =	vst v63  }
0x55: {  	_ =	swait.ge [sflag:s30], $0x1800  }
0x56: {  	[sflag:s30] =	ssyncset.done $0x0  }
0x57: {  	[sflag:s30] =	ssyncadd.s32 $0xFFFFE800  }
0x58: {  	[spmem:s26] =	stream.linear.scatter [tilespmem:s29], [sflag:$0x3], $0x1800, $0x38;
	[tilespmem:$0x1F880] =	vst v63  }
0x59: {  	_ =	swait.ge [sflag:s30], $0x1800  }
0x5a: {  	[sflag:s30] =	ssyncset.done $0x0  }
0x5b: {  	s11 =	simm.s32 @!p0 $0xA800;
	[sflag:s30] =	ssyncadd.s32 $0xFFFFE800  }
0x5c: {  	[spmem:s28] =	stream.linear.scatter @!p0 [tilespmem:s11], [sflag:$0x3], $0x800, $0x38;
	[tilespmem:$0x1F880] =	vst v63  }
0x5d: {  	s11 =	simm.s32 @!p0 $0x3  }
0x5e: {  	_ =	swait.ge @!p0 [sflag:s11], $0x800  }
0x5f: {  	[sflag:s11] =	ssyncset.done @!p0 $0x0  }
0x60: {  	s14 =	simm.s32 $0x0;
	[sflag:s11] =	ssyncadd.s32 @!p0 $0xFFFFF800  }
0x61: {  	[tilespmem:s14], [sflag:$0x3] =	stream.linear.gather [hbm4b:s15+s14], $0x1400, $0x38;
	[tilespmem:$0x1F880] =	vst v63  }
0x62: {  	_ =	swait.ge [sflag:s30], $0x1400  }
0x63: {  	[sflag:s30] =	ssyncset.done $0x0  }
0x64: {  	[sflag:s30] =	ssyncadd.s32 $0xFFFFEC00  }
0x65: {  	[tilespmem:s31], [sflag:$0x3] =	stream.linear.gather [hbm4b:s16+s14], $0x1400, $0x38;
	[tilespmem:$0x1F880] =	vst v63  }
0x66: {  	_ =	swait.ge [sflag:s30], $0x1400  }
0x67: {  	[sflag:s30] =	ssyncset.done $0x0  }
0x68: {  	[sflag:s30] =	ssyncadd.s32 $0xFFFFEC00  }
0x69: {  	[bflag:$0x0] =	sbarrier.arrive $0xFFFF  }
0x6a: {  	[tilespmem:s14], [sflag:$0x3] =	stream.linear.gather [hbm4b:s17+s14], $0x1400, $0x38;
	[tilespmem:$0x1F880] =	vst v63  }
0x6b: {  	_ =	swait.ge [sflag:s30], $0x1400  }
0x6c: {  	[sflag:s30] =	ssyncset.done $0x0  }
0x6d: {  	[sflag:s30] =	ssyncadd.s32 $0xFFFFEC00  }
0x6e: {  	[tilespmem:s31], [sflag:$0x3] =	stream.linear.gather [hbm4b:s18+s14], $0x1400, $0x38;
	[tilespmem:$0x1F880] =	vst v63  }
0x6f: {  	_ =	swait.ge [sflag:s30], $0x1400  }
0x70: {  	[sflag:s30] =	ssyncset.done $0x0  }
0x71: {  	[sflag:s30] =	ssyncadd.s32 $0xFFFFEC00  }
0x72: {  	[tilespmem:s3], [sflag:$0x1] =	stream.indirect.gather [hbm4b:s4+s0], $0x80, s14, s0, $0xb8;
	[tilespmem:$0x1F880] =	vst v63  }
0x73: {  	_ = 	snop  }
0x74: {  	[tilespmem:s2], [sflag:$0x2] =	stream.indirect.gather [hbm4b:s4+s0], $0x80, s0, s0, $0xb8;
	[tilespmem:$0x1F880] =	vst v63  }
0x75: {  	_ =	swait.ge [sflag:s6], $0x4000  }
0x76: {  	[sflag:s6] =	ssyncset.done $0x0  }
0x77: {  	s12 =	simm.s32 $0x1400;
	[sflag:s6] =	ssyncadd.s32 $0xFFFFC000  }
0x78: {  	[spmem:s1] =	stream.indirect.scatter.add.f32 [tilespmem:s3], [sflag:$0x3], $0x80, s12, s0, $0xb8;
	[tilespmem:$0x1F880] =	vst v63  }
0x79: {  	_ =	swait.ge [sflag:s30], $0x4000  }
0x7a: {  	[sflag:s30] =	ssyncset.done $0x0  }
0x7b: {  	s13 =	simm.s32 $0x100;
	[sflag:s30] =	ssyncadd.s32 $0xFFFFC000  }
0x7c: {  	[tilespmem:s3], [sflag:$0x1] =	stream.indirect.gather [hbm4b:s4+s0], $0x80, s13, s0, $0xb8;
	[tilespmem:$0x1F880] =	vst v63  }
0x7d: {  	_ =	swait.ge [sflag:s7], $0x4000  }
0x7e: {  	[sflag:s7] =	ssyncset.done $0x0  }
0x7f: {  	s14 =	simm.s32 $0x1480;
	[sflag:s7] =	ssyncadd.s32 $0xFFFFC000  }
0x80: {  	[spmem:s1] =	stream.indirect.scatter.add.f32 [tilespmem:s2], [sflag:$0x3], $0x80, s14, s0, $0xb8;
	[tilespmem:$0x1F880] =	vst v63  }
0x81: {  	_ =	swait.ge [sflag:s30], $0x4000  }
0x82: {  	[sflag:s30] =	ssyncset.done $0x0  }
0x83: {  	s11 =	simm.s32 $0x400;
	s12 =	simm.s32 $0x180;
	[sflag:s30] =	ssyncadd.s32 $0xFFFFC000  }
.LBB2_4:
0x84: {  	[tilespmem:s2], [sflag:$0x2] =	stream.indirect.gather [hbm4b:s4+s0], $0x80, s12, s0, $0xb8;
	[tilespmem:$0x1F880] =	vst v63  }
0x85: {  	s12 =	smov.u32 s11  }
0x86: {  	p1 =	sne.s32 s11, $0x4800;
	s11 =	sadd.s32 $0x400, s11;
	_ =	swait.ge [sflag:s6], $0x4000  }
0x87: {  	s12 =	sshra.s32 s12, $0x2;
	[sflag:s6] =	ssyncset.done $0x0  }
0x88: {  	s13 =	sadd.s32 $0x1400, s12;
	[sflag:s6] =	ssyncadd.s32 $0xFFFFC000  }
0x89: {  	[spmem:s1] =	stream.indirect.scatter.add.f32 [tilespmem:s3], [sflag:$0x3], $0x80, s13, s0, $0xb8;
	[tilespmem:$0x1F880] =	vst v63  }
0x8a: {  	_ =	swait.ge [sflag:s30], $0x4000  }
0x8b: {  	[sflag:s30] =	ssyncset.done $0x0  }
0x8c: {  	s13 =	sadd.s32 $0x100, s12;
	[sflag:s30] =	ssyncadd.s32 $0xFFFFC000  }
0x8d: {  	[tilespmem:s3], [sflag:$0x1] =	stream.indirect.gather [hbm4b:s4+s0], $0x80, s13, s0, $0xb8;
	[tilespmem:$0x1F880] =	vst v63  }
0x8e: {  	_ =	swait.ge [sflag:s7], $0x4000  }
0x8f: {  	[sflag:s7] =	ssyncset.done $0x0  }
.Ltmp1:
0x90: {  	s13 =	sadd.s32 $0x1480, s12;
	[sflag:s7] =	ssyncadd.s32 $0xFFFFC000;
	(pc) =	sbr.rel @p1 .LBB2_4-.Ltmp1, $4  }
0x91: {  	[spmem:s1] =	stream.indirect.scatter.add.f32 [tilespmem:s2], [sflag:$0x3], $0x80, s13, s0, $0xb8;
	[tilespmem:$0x1F880] =	vst v63  }
0x92: {  	_ =	swait.ge [sflag:s30], $0x4000  }
0x93: {  	[sflag:s30] =	ssyncset.done $0x0  }
0x94: {  	s12 =	sadd.s32 $0x180, s12;
	[sflag:s30] =	ssyncadd.s32 $0xFFFFC000  }
0x95: {  	[tilespmem:s2], [sflag:$0x2] =	stream.indirect.gather [hbm4b:s4+s0], $0x80, s12, s0, $0xb8;
	[tilespmem:$0x1F880] =	vst v63  }
0x96: {  	_ =	swait.ge [sflag:s6], $0x4000  }
0x97: {  	[sflag:s6] =	ssyncset.done $0x0  }
0x98: {  	[sflag:s6] =	ssyncadd.s32 $0xFFFFC000  }
0x99: {  	[spmem:s1] =	stream.indirect.scatter.add.f32 [tilespmem:s3], [sflag:$0x3], $0x80, s8, s0, $0xb8;
	[tilespmem:$0x1F880] =	vst v63  }
0x9a: {  	_ =	swait.ge [sflag:s30], $0x4000  }
0x9b: {  	[sflag:s30] =	ssyncset.done $0x0  }
0x9c: {  	[sflag:s30] =	ssyncadd.s32 $0xFFFFC000  }
0x9d: {  	_ =	swait.ge [sflag:s7], $0x4000  }
0x9e: {  	[sflag:s7] =	ssyncset.done $0x0  }
0x9f: {  	[sflag:s7] =	ssyncadd.s32 $0xFFFFC000  }
0xa0: {  	[spmem:s1] =	stream.indirect.scatter.add.f32 [tilespmem:s2], [sflag:$0x3], $0x80, s9, s0, $0xb8;
	[tilespmem:$0x1F880] =	vst v63  }
0xa1: {  	_ =	swait.ge [sflag:s30], $0x4000  }
0xa2: {  	[sflag:s30] =	ssyncset.done $0x0  }
0xa3: {  	s11 =	simm.s32 $0x0;
	[sflag:s30] =	ssyncadd.s32 $0xFFFFC000  }
0xa4: {  	[tilespmem:s11], [sflag:$0x3] =	stream.linear.gather [hbm4b:s19+s11], $0x1400, $0x38;
	[tilespmem:$0x1F880] =	vst v63  }
0xa5: {  	_ =	swait.ge [sflag:s30], $0x1400  }
0xa6: {  	[sflag:s30] =	ssyncset.done $0x0  }
0xa7: {  	[sflag:s30] =	ssyncadd.s32 $0xFFFFEC00  }
0xa8: {  	[tilespmem:s31], [sflag:$0x3] =	stream.linear.gather [hbm4b:s20+s11], $0x1400, $0x38;
	[tilespmem:$0x1F880] =	vst v63  }
0xa9: {  	_ =	swait.ge [sflag:s30], $0x1400  }
0xaa: {  	[sflag:s30] =	ssyncset.done $0x0  }
0xab: {  	[sflag:s30] =	ssyncadd.s32 $0xFFFFEC00  }
0xac: {  	[tilespmem:s3], [sflag:$0x1] =	stream.indirect.gather [hbm4b:s4+s0], $0x80, s11, s0, $0xb8;
	[tilespmem:$0x1F880] =	vst v63  }
0xad: {  	_ = 	snop  }
0xae: {  	[tilespmem:s2], [sflag:$0x2] =	stream.indirect.gather [hbm4b:s4+s0], $0x80, s0, s0, $0xb8;
	[tilespmem:$0x1F880] =	vst v63  }
0xaf: {  	_ =	swait.ge [sflag:s6], $0x4000  }
0xb0: {  	[sflag:s6] =	ssyncset.done $0x0  }
0xb1: {  	s12 =	simm.s32 $0x1400;
	[sflag:s6] =	ssyncadd.s32 $0xFFFFC000  }
0xb2: {  	[spmem:s1] =	stream.indirect.scatter.add.f32 [tilespmem:s3], [sflag:$0x3], $0x80, s12, s0, $0xb8;
	[tilespmem:$0x1F880] =	vst v63  }
0xb3: {  	_ =	swait.ge [sflag:s30], $0x4000  }
0xb4: {  	[sflag:s30] =	ssyncset.done $0x0  }
0xb5: {  	s13 =	simm.s32 $0x100;
	[sflag:s30] =	ssyncadd.s32 $0xFFFFC000  }
0xb6: {  	[tilespmem:s3], [sflag:$0x1] =	stream.indirect.gather [hbm4b:s4+s0], $0x80, s13, s0, $0xb8;
	[tilespmem:$0x1F880] =	vst v63  }
0xb7: {  	_ =	swait.ge [sflag:s7], $0x4000  }
0xb8: {  	[sflag:s7] =	ssyncset.done $0x0  }
0xb9: {  	s14 =	simm.s32 $0x1480;
	[sflag:s7] =	ssyncadd.s32 $0xFFFFC000  }
0xba: {  	[spmem:s1] =	stream.indirect.scatter.add.f32 [tilespmem:s2], [sflag:$0x3], $0x80, s14, s0, $0xb8;
	[tilespmem:$0x1F880] =	vst v63  }
0xbb: {  	_ =	swait.ge [sflag:s30], $0x4000  }
0xbc: {  	[sflag:s30] =	ssyncset.done $0x0  }
0xbd: {  	s11 =	simm.s32 $0x400;
	s12 =	simm.s32 $0x180;
	[sflag:s30] =	ssyncadd.s32 $0xFFFFC000  }
.LBB2_6:
0xbe: {  	[tilespmem:s2], [sflag:$0x2] =	stream.indirect.gather [hbm4b:s4+s0], $0x80, s12, s0, $0xb8;
	[tilespmem:$0x1F880] =	vst v63  }
0xbf: {  	s12 =	smov.u32 s11  }
0xc0: {  	p1 =	sne.s32 s11, $0x4800;
	s11 =	sadd.s32 $0x400, s11;
	_ =	swait.ge [sflag:s6], $0x4000  }
0xc1: {  	s12 =	sshra.s32 s12, $0x2;
	[sflag:s6] =	ssyncset.done $0x0  }
0xc2: {  	s13 =	sadd.s32 $0x1400, s12;
	[sflag:s6] =	ssyncadd.s32 $0xFFFFC000  }
0xc3: {  	[spmem:s1] =	stream.indirect.scatter.add.f32 [tilespmem:s3], [sflag:$0x3], $0x80, s13, s0, $0xb8;
	[tilespmem:$0x1F880] =	vst v63  }
0xc4: {  	_ =	swait.ge [sflag:s30], $0x4000  }
0xc5: {  	[sflag:s30] =	ssyncset.done $0x0  }
0xc6: {  	s13 =	sadd.s32 $0x100, s12;
	[sflag:s30] =	ssyncadd.s32 $0xFFFFC000  }
0xc7: {  	[tilespmem:s3], [sflag:$0x1] =	stream.indirect.gather [hbm4b:s4+s0], $0x80, s13, s0, $0xb8;
	[tilespmem:$0x1F880] =	vst v63  }
0xc8: {  	_ =	swait.ge [sflag:s7], $0x4000  }
0xc9: {  	[sflag:s7] =	ssyncset.done $0x0  }
.Ltmp2:
0xca: {  	s13 =	sadd.s32 $0x1480, s12;
	[sflag:s7] =	ssyncadd.s32 $0xFFFFC000;
	(pc) =	sbr.rel @p1 .LBB2_6-.Ltmp2, $4  }
0xcb: {  	[spmem:s1] =	stream.indirect.scatter.add.f32 [tilespmem:s2], [sflag:$0x3], $0x80, s13, s0, $0xb8;
	[tilespmem:$0x1F880] =	vst v63  }
0xcc: {  	_ =	swait.ge [sflag:s30], $0x4000  }
0xcd: {  	[sflag:s30] =	ssyncset.done $0x0  }
0xce: {  	s12 =	sadd.s32 $0x180, s12;
	[sflag:s30] =	ssyncadd.s32 $0xFFFFC000  }
0xcf: {  	[tilespmem:s2], [sflag:$0x2] =	stream.indirect.gather [hbm4b:s4+s0], $0x80, s12, s0, $0xb8;
	[tilespmem:$0x1F880] =	vst v63  }
0xd0: {  	_ =	swait.ge [sflag:s6], $0x4000  }
0xd1: {  	[sflag:s6] =	ssyncset.done $0x0  }
0xd2: {  	[sflag:s6] =	ssyncadd.s32 $0xFFFFC000  }
0xd3: {  	[spmem:s1] =	stream.indirect.scatter.add.f32 [tilespmem:s3], [sflag:$0x3], $0x80, s8, s0, $0xb8;
	[tilespmem:$0x1F880] =	vst v63  }
0xd4: {  	_ =	swait.ge [sflag:s30], $0x4000  }
0xd5: {  	[sflag:s30] =	ssyncset.done $0x0  }
0xd6: {  	[sflag:s30] =	ssyncadd.s32 $0xFFFFC000  }
0xd7: {  	_ =	swait.ge [sflag:s7], $0x4000  }
0xd8: {  	[sflag:s7] =	ssyncset.done $0x0  }
0xd9: {  	[sflag:s7] =	ssyncadd.s32 $0xFFFFC000  }
0xda: {  	[spmem:s1] =	stream.indirect.scatter.add.f32 [tilespmem:s2], [sflag:$0x3], $0x80, s9, s0, $0xb8;
	[tilespmem:$0x1F880] =	vst v63  }
0xdb: {  	_ =	swait.ge [sflag:s30], $0x4000  }
0xdc: {  	s11 =	stileid.u32;
	[sflag:s30] =	ssyncset.done $0x0  }
0xdd: {  	s11 =	sshll.u32 s11, $0x6;
	[sflag:s30] =	ssyncadd.s32 $0xFFFFC000  }
0xde: {  	s14 =	sshrl.u32 s5, $0x3;
	s11 =	sor.u32 $0x1C03, s11;
	[bflag:$0x0] =	sbarrier.arrive $0xFFFF  }
0xdf: {  	[hbm:s22], [sflag:s11] =	dma.local [spmem:s14], $0x2700  }
0xe0: {  	_ =	swait.ge [sflag:s30], $0x2700  }
0xe1: {  	s10 =	sadd.s32 $0x1, s10;
	[sflag:s30] =	ssyncset.done $0x0  }
0xe2: {  	s12 =	sshrl.u32 @!p0 s28, $0x3;
	p1 =	sne.s32 s10, s25;
	[sflag:s30] =	ssyncadd.s32 $0xFFFFD900  }
0xe3: {  	[hbm:s24], [sflag:s11] =	dma.local @!p0 [spmem:s12], $0x100  }
.Ltmp3:
0xe4: {  	_ = 	snop;
	(pc) =	sbr.rel @p1 .LBB2_1-.Ltmp3, $4  }
0xe5: {  	s11 =	simm.s32 @!p0 $0x3  }
0xe6: {  	_ =	swait.ge @!p0 [sflag:s11], $0x100  }
0xe7: {  	[sflag:s11] =	ssyncset.done @!p0 $0x0  }
0xe8: {  	[sflag:s11] =	ssyncadd.s32 @!p0 $0xFFFFFF00  }
0xe9: {  	_ =	sfence.sel $0x180000  }
0xea: {  	[bflag:$0x0] =	sbarrier.arrive $0xFFFF  }
0xeb: {  	_ =	strace $0x90000047  }
0xec: {  	[bflag:$0x2] =	sbarrier.arrive $0xFFFF  }
0xed: {  	s0 =	rddreg [dreg:$0x4]  }
0xee: {  	s0 =	sadd.s32 @!p0 $0x100000, s0  }
0xef: {  	[sflag:s0] =	ssyncadd.tile.s32 @!p0 $0x1;
	_ =	shalt  }
.Lfunc_end2:
_tile_overlayer_lowered:
.L_overlay_start_2:
0xf0: {  	(tag) =	ssettag $0x2  }
0xf1: {  	s0 =	rddreg [dreg:$0x0];
	s2 =	stileid.u32  }
0xf2: {  	s1 =	rddreg [dreg:$0x1];
	p0 =	sne.s32 s2, $0x0  }
0xf3: {  	s3 =	rddreg [dreg:$0x2];
	[bflag:$0x3] =	sbarrier.arrive $0xFFFF;
	s2 =	simm.s32 @!p0 $0x1C03  }
0xf4: {  	[timem:s3], [sflag:s2] =	dma.local @!p0 [hbm:s0], s1  }
0xf5: {  	s0 =	simm.s32 @!p0 $0x3  }
0xf6: {  	_ =	swait.ge @!p0 [sflag:s0], s1  }
0xf7: {  	s1 =	ssub.s32 @!p0 $0x0, s1;
	[sflag:s0] =	ssyncset.done @!p0 $0x0  }
0xf8: {  	[sflag:s0] =	ssyncadd.s32 @!p0 s1  }
0xf9: {  	[bflag:$0x3] =	sbarrier.arrive $0xFFFF  }
0xfa: {  	_ =	shalt  }

// kernel: kernel.14.cloned.1.call-start
scs
__scs_entry_jumppad:
0x0: {  	(pc) =	sbr.rel $0x88, $3  }
0x1: {  	(tag) =	ssettag $0x0;
	lr =	simm.s32 $0x1  }
0x2: {  	[smem:$0x3F88] =	sst lr;
	_ =	strace $0xD0000000  }
0x3: {  	_ = 	snop  }
0x4: {  	_ = 	snop  }
0x5: {  	_ = 	snop  }
0x6: {  	_ = 	snop  }
0x7: {  	_ = 	snop  }
__scs_overlays_trampoline_lowered:
0x8: {  	[smem:$0x3F97] =	sst s0  }
0x9: {  	[smem:$0x3F98] =	sst s1  }
0xa: {  	[smem:$0x3F99] =	sst s2  }
0xb: {  	[smem:$0x3F9A] =	sst s3  }
0xc: {  	[smem:$0x3F9B] =	sst s4  }
0xd: {  	[smem:$0x3F9C] =	sst s5  }
0xe: {  	[smem:$0x3F9D] =	sst s6  }
0xf: {  	[smem:$0x3F9E] =	sst s7  }
0x10: {  	[smem:$0x3F9F] =	sst s8  }
0x11: {  	[smem:$0x3FA0] =	sst s9;
	s0 =	simm.s32 @!p0 $0x0  }
0x12: {  	s1 =	sld [smem:$0x3F86];
	s0 =	simm.s32 @p0 $0x1  }
0x13: {  	[smem:$0x3FA1] =	sst s0;
	s0 =	simm.s32 @!p1 $0x0  }
0x14: {  	s2 =	sld [smem:$0x3F85];
	s0 =	simm.s32 @p1 $0x1  }
0x15: {  	[smem:$0x3FA2] =	sst s0;
	s0 =	simm.s32 @!p2 $0x0  }
0x16: {  	s3 =	sld [smem:$0x3FDB];
	s0 =	simm.s32 @p2 $0x1  }
0x17: {  	s4 =	simm.s32 $0x1BF5;
	[smem:$0x3FA4] =	sst s0  }
0x18: {  	s0 =	sld [smem:$0x3F87];
	_ =	swait.ge [sflag:s4], $0x0  }
0x19: {  	s7 =	sld [smem:$0x3F88]  }
0x1a: {  	s8 =	sadd.s32 $0xFFFFE003, lr  }
0x1b: {  	s9 =	sadd.s32 $0xFFFFFEF7, lr;
	s5 =	simm.s32 $0xFFFFFFFF;
	p2 =	slt.u32 s8, $0xFFFFF086  }
0x1c: {  	p1 =	slt.u32 s9, $0xF7A;
	s5 =	simm.s32 @!p2 $0x0  }
0x1d: {  	s5 =	simm.s32 @p1 $0x1;
	p0 =	seq.s32 s7, s2  }
0x1e: {  	s7 =	smul.u32 @!p0 $0xF7A, s2;
	p2 =	seq.s32 @!p0 s5, $0x0  }
0x1f: {  	s9 =	smul.u32 $0xF7A, s1;
	s8 =	simm.s32 @!p0 $0x1BF5;
	p2 =	por !p2, p0  }
0x20: {  	[sflag:s8] =	ssyncset.s32 @!p0 $0xFFFFF086;
	s6 =	sadd.s32 @!p0 s3, s7;
	s7 =	simm.s32 @!p0 $0x108  }
0x21: {  	s3 =	sadd.s32 s3, s9;
	s6 =	sadd.s32 @!p0 $0x88, s6;
	s7 =	simm.s32 @p2 $0x1082  }
0x22: {  	[simem:s7], [sflag:s8] =	dma.local @!p0 [hbm:s6], $0xF7A  }
0x23: {  	s9 =	sor.u32 $0xD0000000, s2;
	s6 =	simm.s32 $0x108;
	_ =	swait.ge @!p0 [sflag:s8], $0x0  }
0x24: {  	s3 =	sadd.s32 $0x88, s3;
	s6 =	simm.s32 @!p1 $0x1082;
	[sflag:s4] =	ssyncset.s32 $0xFFFFF086  }
0x25: {  	[simem:s6], [sflag:s4] =	dma.local [hbm:s3], $0xF7A  }
0x26: {  	[smem:$0x3F88] =	sst s1;
	(tag) =	ssettag s2;
	_ =	strace s9  }
0x27: {  	s1 =	sld [smem:$0x3F98]  }
0x28: {  	s2 =	sld [smem:$0x3F99]  }
0x29: {  	s4 =	sld [smem:$0x3F9B]  }
0x2a: {  	p0 =	seq.s32 s5, $0x0;
	s5 =	sld [smem:$0x3F9C]  }
0x2b: {  	s6 =	sld [smem:$0x3F9D]  }
0x2c: {  	s7 =	sld [smem:$0x3F9E]  }
0x2d: {  	s3 =	simm.s32 $0x108;
	s8 =	sld [smem:$0x3F9F]  }
0x2e: {  	s3 =	simm.s32 @!p0 $0x1082;
	s9 =	sld [smem:$0x3FA0]  }
0x2f: {  	lr =	sadd.s32 s0, s3;
	s0 =	sld [smem:$0x3F97]  }
0x30: {  	s3 =	sld [smem:$0x3F9A]  }
0x31: {  	[smem:$0x3FA3] =	sst s10  }
0x32: {  	s10 =	sld [smem:$0x3FA1];
	_ =	sdelay $0x3  }
0x33: {  	p0 =	seq.s32 s10, $0x1;
	s10 =	sld [smem:$0x3FA3];
	_ =	sdelay $0x3  }
0x34: {  	[smem:$0x3FA3] =	sst s10  }
0x35: {  	s10 =	sld [smem:$0x3FA2];
	_ =	sdelay $0x3  }
0x36: {  	p1 =	seq.s32 s10, $0x1;
	s10 =	sld [smem:$0x3FA3];
	_ =	sdelay $0x3  }
0x37: {  	[smem:$0x3FA3] =	sst s10  }
0x38: {  	s10 =	sld [smem:$0x3FA4]  }
0x39: {  	_ = 	snop;
	(pc) =	sbr.ind lr, $3  }
0x3a: {  	_ = 	snop  }
0x3b: {  	_ = 	snop  }
0x3c: {  	p2 =	seq.s32 s10, $0x1;
	s10 =	sld [smem:$0x3FA3]  }
0x3d: {  	_ =	shalt  }
0x3e: {  	_ =	shalt  }
0x3f: {  	_ =	shalt  }
0x40: {  	_ =	shalt  }
0x41: {  	_ =	shalt  }
0x42: {  	_ =	shalt  }
0x43: {  	_ =	shalt  }
0x44: {  	_ =	shalt  }
0x45: {  	_ =	shalt  }
0x46: {  	_ =	shalt  }
0x47: {  	_ =	shalt  }
0x48: {  	_ =	shalt  }
0x49: {  	_ =	shalt  }
0x4a: {  	_ =	shalt  }
0x4b: {  	_ =	shalt  }
0x4c: {  	_ =	shalt  }
0x4d: {  	_ =	shalt  }
0x4e: {  	_ =	shalt  }
0x4f: {  	_ =	shalt  }
0x50: {  	_ =	shalt  }
0x51: {  	_ =	shalt  }
0x52: {  	_ =	shalt  }
0x53: {  	_ =	shalt  }
0x54: {  	_ =	shalt  }
0x55: {  	_ =	shalt  }
0x56: {  	_ =	shalt  }
0x57: {  	_ =	shalt  }
0x58: {  	_ =	shalt  }
0x59: {  	_ =	shalt  }
0x5a: {  	_ =	shalt  }
0x5b: {  	_ =	shalt  }
0x5c: {  	_ =	shalt  }
0x5d: {  	_ =	shalt  }
0x5e: {  	_ =	shalt  }
0x5f: {  	_ =	shalt  }
0x60: {  	_ =	shalt  }
0x61: {  	_ =	shalt  }
0x62: {  	_ =	shalt  }
0x63: {  	_ =	shalt  }
0x64: {  	_ =	shalt  }
0x65: {  	_ =	shalt  }
0x66: {  	_ =	shalt  }
0x67: {  	_ =	shalt  }
0x68: {  	_ =	shalt  }
0x69: {  	_ =	shalt  }
0x6a: {  	_ =	shalt  }
0x6b: {  	_ =	shalt  }
0x6c: {  	_ =	shalt  }
0x6d: {  	_ =	shalt  }
0x6e: {  	_ =	shalt  }
0x6f: {  	_ =	shalt  }
0x70: {  	_ =	shalt  }
0x71: {  	_ =	shalt  }
0x72: {  	_ =	shalt  }
0x73: {  	_ =	shalt  }
0x74: {  	_ =	shalt  }
0x75: {  	_ =	shalt  }
0x76: {  	_ =	shalt  }
0x77: {  	_ =	shalt  }
0x78: {  	_ =	shalt  }
0x79: {  	_ =	shalt  }
0x7a: {  	_ =	shalt  }
0x7b: {  	_ =	shalt  }
0x7c: {  	_ =	shalt  }
0x7d: {  	_ =	shalt  }
0x7e: {  	_ =	shalt  }
0x7f: {  	_ =	shalt  }
0x80: {  	_ =	shalt  }
0x81: {  	_ =	shalt  }
0x82: {  	_ =	shalt  }
0x83: {  	_ =	shalt  }
0x84: {  	_ =	shalt  }
0x85: {  	_ =	shalt  }
0x86: {  	_ =	shalt  }
0x87: {  	_ =	shalt  }
.Lfunc_end0:
.L_simem_size_0:
called_computation.2_lowered:
.L_overlay_start_0:
0x88: {  	s2 =	sld [smem:$0x3FD9]  }
0x89: {  	s3 =	sld [smem:$0x3FFE];
	_ =	sdelay $0x1  }
0x8a: {  	s1 =	srdreg.scid  }
0x8b: {  	s0 =	sand.u32 $0x1, s1  }
0x8c: {  	s14 =	sshll.u32 s0, $0xA;
	s2 =	sadd.s32 s3, s2  }
0x8d: {  	s2 =	sadd.s32 s2, s14  }
0x8e: {  	[smem:$0x3FAF] =	sst s2  }
0x8f: {  	_ = 	snop  }
0x90: {  	s2 =	sld [smem:$0x3FD0];
	_ =	sdelay $0x2  }
0x91: {  	s15 =	simm.s32 $0xB;
	s4 =	simm.s32 $0x10  }
0x92: {  	[smem:s4], [sflag:s15] =	dma.local [hbm:s2], $0x1  }
0x93: {  	_ =	swait.eq [sflag:s15], $0x1  }
0x94: {  	[sflag:s15] =	ssyncset.done $0x0  }
0x95: {  	s16 =	sld [smem:$0x12];
	[sflag:s15] =	ssyncadd.s32 $0xFFFFFFFF  }
0x96: {  	s17 =	sld [smem:$0x13];
	(tm) =	ssettm $0x1  }
0x97: {  	s18 =	sld [smem:$0x3FFB];
	_ =	sdelay $0x3  }
0x98: {  	_ =	strace s18  }
0x99: {  	s4 =	sld [smem:$0x3FFC];
	_ =	sdelay $0x3  }
0x9a: {  	_ =	strace s4  }
0x9b: {  	s4 =	sld [smem:$0x3FFD];
	_ =	sdelay $0x3  }
0x9c: {  	_ =	strace s4  }
0x9d: {  	_ =	strace $0x8FFFFFFF  }
0x9e: {  	s19 =	sld [smem:$0x3FDB];
	_ =	sdelay $0x1  }
0x9f: {  	s5 =	simm.s32 $_scs_section_size  }
0xa0: {  	s6 =	simm.s32 $_size__tile_overlayer_lowered;
	s7 =	simm.s32 $_tile_overlayer_lowered  }
0xa1: {  	s22 =	simm.s32 $0x1BFF;
	s21 =	sshll.u32 s7, $0x1;
	s4 =	sadd.s32 s5, s19  }
0xa2: {  	s8 =	simm.s32 $0x0;
	s20 =	sshll.u32 s6, $0x1;
	s6 =	sadd.s32 s21, s4  }
0xa3: {  	[timem:s8], [sflag:s22] =	dma.local [hbm:s6], s20  }
0xa4: {  	_ =	swait.ge [sflag:s22], s20  }
0xa5: {  	s5 =	ssub.s32 $0x0, s20;
	[sflag:s22] =	ssyncset.done $0x0  }
0xa6: {  	[sflag:s22] =	ssyncadd.s32 s5;
	_ =	sdelay $0x1  }
0xa7: {  	s23 =	simm.s32 $0x1B8B  }
0xa8: {  	_ =	swait.ge [sflag:s23], $0x1  }
0xa9: {  	[sflag:s23] =	ssyncset.done $0x0  }
0xaa: {  	s25 =	simm.s32 $0x1B8E;
	s24 =	sld [smem:$0x3FFE];
	[sflag:s23] =	ssyncadd.s32 $0xFFFFFFFF  }
0xab: {  	s26 =	simm.s32 $execute0_lowered;
	[smem:$0x3FD2] =	sst s25  }
0xac: {  	s6 =	sshll.u32 s26, $0x1;
	_ =	strace $0x8000004C;
	[dreg:$0x1] =	wrdreg $0xFFFFFFFF  }
0xad: {  	s28 =	simm.s32 $_size_execute0_lowered;
	s4 =	sadd.s32 s4, s6;
	[dreg:$0x0] =	wrdreg $0x0  }
0xae: {  	s6 =	sshll.u32 s28, $0x1;
	[dreg:$0x2] =	wrdreg s4  }
0xaf: {  	[dreg:$0x3] =	wrdreg s6  }
0xb0: {  	[dreg:$0x4] =	wrdreg $0xC0  }
0xb1: {  	_ =	task [dreg:s8], $0x5FFFF  }
0xb2: {  	[dreg:$0x1] =	wrdreg $0xFFFFFFFF  }
0xb3: {  	[dreg:$0x0] =	wrdreg $0x60  }
0xb4: {  	[dreg:$0x2] =	wrdreg s24  }
0xb5: {  	[dreg:$0x3] =	wrdreg s17  }
0xb6: {  	[dreg:$0x4] =	wrdreg s16  }
0xb7: {  	[dreg:$0x5] =	wrdreg $0xC0000  }
0xb8: {  	[dreg:$0x6] =	wrdreg $0x9  }
0xb9: {  	_ =	task.clear_ibuf [dreg:s8], $0x7FFFF;
	_ =	strace $0x9000004C  }
0xba: {  	s29 =	simm.s32 $0x9;
	_ =	strace $0x8000004E  }
0xbb: {  	_ =	swait.ge [sflag:s29], $0x1  }
0xbc: {  	[sflag:s29] =	ssyncadd.s32 $0xFFFFFFFF  }
0xbd: {  	_ =	strace $0x9000004E  }
0xbe: {  	_ =	sfence  }
0xbf: {  	s30 =	sld [smem:$0x0];
	_ =	sdelay $0x2  }
0xc0: {  	s31 =	sshll.u32 s1, $0xD;
	s1 =	sshrl.u32 s1, $0x2  }
0xc1: {  	s3 =	sand.u32 $0x4000, s31;
	s1 =	sadd.s32 s1, s30  }
0xc2: {  	s0 =	sor.u32 s3, s0;
	s1 =	sshll.u32 s1, $0x11  }
0xc3: {  	s0 =	sor.u32 s1, s0  }
0xc4: {  	s0 =	sadd.s32 $0x8F2B, s0  }
0xc5: {  	[sflag:s0] =	ssyncadd.remote.s32 $0x1  }
0xc6: {  	_ =	sfence.sel $0xFFFF  }
0xc7: {  	[dreg:$0x0] =	wrdreg $0xFFFFFFFF;
	(pc) =	sbr.abs _section_cstart, $3  }
0xc8: {  	[dreg:$0x1] =	wrdreg $0xFFFFFFFF  }
0xc9: {  	_ =	task.clear_ibuf [dreg:s8], $0x2FFFF;
	_ =	strace $0x9FFFFFFF  }
0xca: {  	(tm) =	ssettm $0x7FFFFFFF  }
0xcb: {  	_ =	shalt  }
tec
execute0_lowered:
.L_overlay_start_1:
0x0: {  	(tag) =	ssettag $0x1  }
0x1: {  	s0 =	rddreg [dreg:$0x0]  }
0x2: {  	s2 =	rddreg [dreg:$0x1]  }
0x3: {  	s3 =	rddreg [dreg:$0x2]  }
0x4: {  	s1 =	rddreg [dreg:$0x3];
	s4 =	simm.s32 $0x0  }
0x5: {  	s12 =	srdreg.scid;
	s11 =	stileid.u32;
	s29 =	simm.s32 $0xA800  }
0x6: {  	s30 =	simm.s32 $0x3;
	s31 =	simm.s32 $0x1400;
	[smem:$0x7FF] =	sst s4  }
0x7: {  	s6 =	sand.u32 $0x1, s12;
	s5 =	smul.u32 $0x4E000, s11;
	s4 =	sadd.s32 $0x52000, s0  }
0x8: {  	s0 =	sadd.s32 $0xF8400, s0;
	s9 =	sshll.u32 s11, $0x1;
	s24 =	smul.u32 $0x13800, s11  }
0x9: {  	p0 =	sne.s32 s11, $0x0;
	s28 =	sadd.s32 $0x138000, s1;
	s5 =	sshrl.u32 s5, $0x2  }
0xa: {  	_ =	strace $0x8000004D;
	s7 =	ssub.s32 $0x2, s6;
	s5 =	sadd.s32 s5, s1  }
0xb: {  	s13 =	sor.u32 s6, s9;
	s6 =	smul.u32 $0x138800, s6;
	s14 =	sadd.s32 $0x1800, s5  }
0xc: {  	s9 =	simm.s32 $0x2780;
	s15 =	sadd.s32 $0x3000, s5;
	[dreg:$0x5] =	wrdreg s14  }
0xd: {  	s8 =	sshrl.u32 s7, $0x1;
	s16 =	sadd.s32 $0x4800, s5;
	[dreg:$0x6] =	wrdreg s15  }
0xe: {  	s19 =	smul.u32 $0x280, s13;
	s17 =	sadd.s32 $0x6000, s5;
	[dreg:$0x7] =	wrdreg s16  }
0xf: {  	s21 =	smul.u32 $0x2800, s13;
	s18 =	sadd.s32 $0x7800, s5;
	[dreg:$0x8] =	wrdreg s17  }
0x10: {  	s7 =	ssub.s32 s7, s8;
	s10 =	sadd.s32 $0x9000, s5;
	[dreg:$0x9] =	wrdreg s18  }
0x11: {  	s8 =	smul.u32 $0x500, s13;
	s20 =	sadd.s32 $0xA800, s5;
	[dreg:$0xa] =	wrdreg s10  }
0x12: {  	s25 =	sadd.s32 s24, s6;
	s12 =	sadd.s32 $0xC000, s5;
	[dreg:$0xb] =	wrdreg s20  }
0x13: {  	s26 =	sshrl.u32 s6, $0x3;
	s22 =	sadd.s32 $0xD800, s5;
	[dreg:$0xc] =	wrdreg s12  }
0x14: {  	s6 =	simm.s32 $0x1;
	[dreg:$0xd] =	wrdreg s22;
	s15 =	sadd.s32 s2, s19  }
0x15: {  	s10 =	sshrl.u32 s21, $0x3;
	s16 =	sadd.s32 s3, s19;
	s17 =	sadd.s32 s2, s8  }
0x16: {  	s18 =	sadd.s32 s3, s8;
	s21 =	sadd.s32 $0xF000, s5;
	s23 =	sadd.s32 $0x280, s10  }
0x17: {  	s8 =	simm.s32 $0x2700;
	s10 =	simm.s32 $0x0;
	s19 =	sadd.s32 s2, s23  }
0x18: {  	s20 =	sadd.s32 s3, s23;
	s2 =	sshrl.u32 s25, $0x3;
	s3 =	sadd.s32 s0, s26  }
0x19: {  	s23 =	sadd.s32 $0x10800, s5;
	s25 =	smax.u32 s7, $0x1;
	s26 =	sadd.s32 $0x12000, s5  }
0x1a: {  	s7 =	simm.s32 $0x2;
	s22 =	sadd.s32 s0, s2;
	s24 =	sadd.s32 $0x27000, s3  }
0x1b: {  	v0 =	vimm.f32 $0.0e+00;
	s0 =	simm.s32 $0x80;
	s3 =	simm.s32 $0x2800;
	s2 =	simm.s32 $0x6800  }
.LBB2_1:
0x1c: {  	s12 =	simm.s32 $0x0  }
0x1d: {  	s11 =	sand.u32 $0x7E00, s12  }
0x1e: {  	s12 =	sand.u32 $0x70, s12;
	s13 =	sshrl.u32 s11, $0x2  }
0x1f: {  	s11 =	simm.s32 $0x40;
	s13 =	sor.u32 s12, s13;
	s12 =	simm.s32 $0x0  }
.LBB2_2:
0x20: {  	p1 =	sne.s32 s11, $0x5FC0  }
0x21: {  	[tilespmem:s13+$0xA800] =	vst v0;
	s12 =	sadd.s32 $0x10, s12;
	s13 =	smov.u32 s11;
	s11 =	sadd.s32 $0x40, s11  }
.Ltmp0:
0x22: {  	(pc) =	sbr.rel @p1 .LBB2_2-.Ltmp0, $4  }
0x23: {  	_ = 	snop  }
0x24: {  	s13 =	sand.u32 $0x7E00, s13  }
0x25: {  	s14 =	sand.u32 $0x70, s12;
	s13 =	sshrl.u32 s13, $0x2  }
0x26: {  	s13 =	sor.u32 s14, s13  }
0x27: {  	[tilespmem:s13+$0xA800] =	vst v0  }
0x28: {  	[spmem:s5] =	stream.linear.scatter [tilespmem:s29], [sflag:$0x3], $0x1800, $0x38;
	[tilespmem:$0x1F880] =	vst v63  }
0x29: {  	_ =	swait.ge [sflag:s30], $0x1800  }
0x2a: {  	[sflag:s30] =	ssyncset.done $0x0  }
0x2b: {  	s11 =	rddreg [dreg:$0x5];
	[sflag:s30] =	ssyncadd.s32 $0xFFFFE800  }
0x2c: {  	[spmem:s11] =	stream.linear.scatter [tilespmem:s29], [sflag:$0x3], $0x1800, $0x38;
	[tilespmem:$0x1F880] =	vst v63  }
0x2d: {  	_ =	swait.ge [sflag:s30], $0x1800  }
0x2e: {  	[sflag:s30] =	ssyncset.done $0x0  }
0x2f: {  	s12 =	rddreg [dreg:$0x6];
	[sflag:s30] =	ssyncadd.s32 $0xFFFFE800  }
0x30: {  	[spmem:s12] =	stream.linear.scatter [tilespmem:s29], [sflag:$0x3], $0x1800, $0x38;
	[tilespmem:$0x1F880] =	vst v63  }
0x31: {  	_ =	swait.ge [sflag:s30], $0x1800  }
0x32: {  	[sflag:s30] =	ssyncset.done $0x0  }
0x33: {  	s13 =	rddreg [dreg:$0x7];
	[sflag:s30] =	ssyncadd.s32 $0xFFFFE800  }
0x34: {  	[spmem:s13] =	stream.linear.scatter [tilespmem:s29], [sflag:$0x3], $0x1800, $0x38;
	[tilespmem:$0x1F880] =	vst v63  }
0x35: {  	_ =	swait.ge [sflag:s30], $0x1800  }
0x36: {  	[sflag:s30] =	ssyncset.done $0x0  }
0x37: {  	s14 =	rddreg [dreg:$0x8];
	[sflag:s30] =	ssyncadd.s32 $0xFFFFE800  }
0x38: {  	[spmem:s14] =	stream.linear.scatter [tilespmem:s29], [sflag:$0x3], $0x1800, $0x38;
	[tilespmem:$0x1F880] =	vst v63  }
0x39: {  	_ =	swait.ge [sflag:s30], $0x1800  }
0x3a: {  	[sflag:s30] =	ssyncset.done $0x0  }
0x3b: {  	s12 =	rddreg [dreg:$0x9];
	[sflag:s30] =	ssyncadd.s32 $0xFFFFE800  }
0x3c: {  	[spmem:s12] =	stream.linear.scatter [tilespmem:s29], [sflag:$0x3], $0x1800, $0x38;
	[tilespmem:$0x1F880] =	vst v63  }
0x3d: {  	_ =	swait.ge [sflag:s30], $0x1800  }
0x3e: {  	[sflag:s30] =	ssyncset.done $0x0  }
0x3f: {  	s13 =	rddreg [dreg:$0xa];
	[sflag:s30] =	ssyncadd.s32 $0xFFFFE800  }
0x40: {  	[spmem:s13] =	stream.linear.scatter [tilespmem:s29], [sflag:$0x3], $0x1800, $0x38;
	[tilespmem:$0x1F880] =	vst v63  }
0x41: {  	_ =	swait.ge [sflag:s30], $0x1800  }
0x42: {  	[sflag:s30] =	ssyncset.done $0x0  }
0x43: {  	s14 =	rddreg [dreg:$0xb];
	[sflag:s30] =	ssyncadd.s32 $0xFFFFE800  }
0x44: {  	[spmem:s14] =	stream.linear.scatter [tilespmem:s29], [sflag:$0x3], $0x1800, $0x38;
	[tilespmem:$0x1F880] =	vst v63  }
0x45: {  	_ =	swait.ge [sflag:s30], $0x1800  }
0x46: {  	[sflag:s30] =	ssyncset.done $0x0  }
0x47: {  	s12 =	rddreg [dreg:$0xc];
	[sflag:s30] =	ssyncadd.s32 $0xFFFFE800  }
0x48: {  	[spmem:s12] =	stream.linear.scatter [tilespmem:s29], [sflag:$0x3], $0x1800, $0x38;
	[tilespmem:$0x1F880] =	vst v63  }
0x49: {  	_ =	swait.ge [sflag:s30], $0x1800  }
0x4a: {  	[sflag:s30] =	ssyncset.done $0x0  }
0x4b: {  	s13 =	rddreg [dreg:$0xd];
	[sflag:s30] =	ssyncadd.s32 $0xFFFFE800  }
0x4c: {  	[spmem:s13] =	stream.linear.scatter [tilespmem:s29], [sflag:$0x3], $0x1800, $0x38;
	[tilespmem:$0x1F880] =	vst v63  }
0x4d: {  	_ =	swait.ge [sflag:s30], $0x1800  }
0x4e: {  	[sflag:s30] =	ssyncset.done $0x0  }
0x4f: {  	[sflag:s30] =	ssyncadd.s32 $0xFFFFE800  }
0x50: {  	[spmem:s21] =	stream.linear.scatter [tilespmem:s29], [sflag:$0x3], $0x1800, $0x38;
	[tilespmem:$0x1F880] =	vst v63  }
0x51: {  	_ =	swait.ge [sflag:s30], $0x1800  }
0x52: {  	[sflag:s30] =	ssyncset.done $0x0  }
0x53: {  	[sflag:s30] =	ssyncadd.s32 $0xFFFFE800  }
0x54: {  	[spmem:s23] =	stream.linear.scatter [tilespmem:s29], [sflag:$0x3], $0x1800, $0x38;
	[tilespmem:$0x1F880] =	vst v63  }
0x55: {  	_ =	swait.ge [sflag:s30], $0x1800  }
0x56: {  	[sflag:s30] =	ssyncset.done $0x0  }
0x57: {  	[sflag:s30] =	ssyncadd.s32 $0xFFFFE800  }
0x58: {  	[spmem:s26] =	stream.linear.scatter [tilespmem:s29], [sflag:$0x3], $0x1800, $0x38;
	[tilespmem:$0x1F880] =	vst v63  }
0x59: {  	_ =	swait.ge [sflag:s30], $0x1800  }
0x5a: {  	[sflag:s30] =	ssyncset.done $0x0  }
0x5b: {  	s11 =	simm.s32 @!p0 $0xA800;
	[sflag:s30] =	ssyncadd.s32 $0xFFFFE800  }
0x5c: {  	[spmem:s28] =	stream.linear.scatter @!p0 [tilespmem:s11], [sflag:$0x3], $0x800, $0x38;
	[tilespmem:$0x1F880] =	vst v63  }
0x5d: {  	s11 =	simm.s32 @!p0 $0x3  }
0x5e: {  	_ =	swait.ge @!p0 [sflag:s11], $0x800  }
0x5f: {  	[sflag:s11] =	ssyncset.done @!p0 $0x0  }
0x60: {  	s14 =	simm.s32 $0x0;
	[sflag:s11] =	ssyncadd.s32 @!p0 $0xFFFFF800  }
0x61: {  	[tilespmem:s14], [sflag:$0x3] =	stream.linear.gather [hbm4b:s15+s14], $0x1400, $0x38;
	[tilespmem:$0x1F880] =	vst v63  }
0x62: {  	_ =	swait.ge [sflag:s30], $0x1400  }
0x63: {  	[sflag:s30] =	ssyncset.done $0x0  }
0x64: {  	[sflag:s30] =	ssyncadd.s32 $0xFFFFEC00  }
0x65: {  	[tilespmem:s31], [sflag:$0x3] =	stream.linear.gather [hbm4b:s16+s14], $0x1400, $0x38;
	[tilespmem:$0x1F880] =	vst v63  }
0x66: {  	_ =	swait.ge [sflag:s30], $0x1400  }
0x67: {  	[sflag:s30] =	ssyncset.done $0x0  }
0x68: {  	[sflag:s30] =	ssyncadd.s32 $0xFFFFEC00  }
0x69: {  	[bflag:$0x0] =	sbarrier.arrive $0xFFFF  }
0x6a: {  	[tilespmem:s14], [sflag:$0x3] =	stream.linear.gather [hbm4b:s17+s14], $0x1400, $0x38;
	[tilespmem:$0x1F880] =	vst v63  }
0x6b: {  	_ =	swait.ge [sflag:s30], $0x1400  }
0x6c: {  	[sflag:s30] =	ssyncset.done $0x0  }
0x6d: {  	[sflag:s30] =	ssyncadd.s32 $0xFFFFEC00  }
0x6e: {  	[tilespmem:s31], [sflag:$0x3] =	stream.linear.gather [hbm4b:s18+s14], $0x1400, $0x38;
	[tilespmem:$0x1F880] =	vst v63  }
0x6f: {  	_ =	swait.ge [sflag:s30], $0x1400  }
0x70: {  	[sflag:s30] =	ssyncset.done $0x0  }
0x71: {  	[sflag:s30] =	ssyncadd.s32 $0xFFFFEC00  }
0x72: {  	[tilespmem:s3], [sflag:$0x1] =	stream.indirect.gather [hbm4b:s4+s0], $0x80, s14, s0, $0xb8;
	[tilespmem:$0x1F880] =	vst v63  }
0x73: {  	_ = 	snop  }
0x74: {  	[tilespmem:s2], [sflag:$0x2] =	stream.indirect.gather [hbm4b:s4+s0], $0x80, s0, s0, $0xb8;
	[tilespmem:$0x1F880] =	vst v63  }
0x75: {  	_ =	swait.ge [sflag:s6], $0x4000  }
0x76: {  	[sflag:s6] =	ssyncset.done $0x0  }
0x77: {  	s12 =	simm.s32 $0x1400;
	[sflag:s6] =	ssyncadd.s32 $0xFFFFC000  }
0x78: {  	[spmem:s1] =	stream.indirect.scatter.add.f32 [tilespmem:s3], [sflag:$0x3], $0x80, s12, s0, $0xb8;
	[tilespmem:$0x1F880] =	vst v63  }
0x79: {  	_ =	swait.ge [sflag:s30], $0x4000  }
0x7a: {  	[sflag:s30] =	ssyncset.done $0x0  }
0x7b: {  	s13 =	simm.s32 $0x100;
	[sflag:s30] =	ssyncadd.s32 $0xFFFFC000  }
0x7c: {  	[tilespmem:s3], [sflag:$0x1] =	stream.indirect.gather [hbm4b:s4+s0], $0x80, s13, s0, $0xb8;
	[tilespmem:$0x1F880] =	vst v63  }
0x7d: {  	_ =	swait.ge [sflag:s7], $0x4000  }
0x7e: {  	[sflag:s7] =	ssyncset.done $0x0  }
0x7f: {  	s14 =	simm.s32 $0x1480;
	[sflag:s7] =	ssyncadd.s32 $0xFFFFC000  }
0x80: {  	[spmem:s1] =	stream.indirect.scatter.add.f32 [tilespmem:s2], [sflag:$0x3], $0x80, s14, s0, $0xb8;
	[tilespmem:$0x1F880] =	vst v63  }
0x81: {  	_ =	swait.ge [sflag:s30], $0x4000  }
0x82: {  	[sflag:s30] =	ssyncset.done $0x0  }
0x83: {  	s11 =	simm.s32 $0x400;
	s12 =	simm.s32 $0x180;
	[sflag:s30] =	ssyncadd.s32 $0xFFFFC000  }
.LBB2_4:
0x84: {  	[tilespmem:s2], [sflag:$0x2] =	stream.indirect.gather [hbm4b:s4+s0], $0x80, s12, s0, $0xb8;
	[tilespmem:$0x1F880] =	vst v63  }
0x85: {  	s12 =	smov.u32 s11  }
0x86: {  	p1 =	sne.s32 s11, $0x4800;
	s11 =	sadd.s32 $0x400, s11;
	_ =	swait.ge [sflag:s6], $0x4000  }
0x87: {  	s12 =	sshra.s32 s12, $0x2;
	[sflag:s6] =	ssyncset.done $0x0  }
0x88: {  	s13 =	sadd.s32 $0x1400, s12;
	[sflag:s6] =	ssyncadd.s32 $0xFFFFC000  }
0x89: {  	[spmem:s1] =	stream.indirect.scatter.add.f32 [tilespmem:s3], [sflag:$0x3], $0x80, s13, s0, $0xb8;
	[tilespmem:$0x1F880] =	vst v63  }
0x8a: {  	_ =	swait.ge [sflag:s30], $0x4000  }
0x8b: {  	[sflag:s30] =	ssyncset.done $0x0  }
0x8c: {  	s13 =	sadd.s32 $0x100, s12;
	[sflag:s30] =	ssyncadd.s32 $0xFFFFC000  }
0x8d: {  	[tilespmem:s3], [sflag:$0x1] =	stream.indirect.gather [hbm4b:s4+s0], $0x80, s13, s0, $0xb8;
	[tilespmem:$0x1F880] =	vst v63  }
0x8e: {  	_ =	swait.ge [sflag:s7], $0x4000  }
0x8f: {  	[sflag:s7] =	ssyncset.done $0x0  }
.Ltmp1:
0x90: {  	s13 =	sadd.s32 $0x1480, s12;
	[sflag:s7] =	ssyncadd.s32 $0xFFFFC000;
	(pc) =	sbr.rel @p1 .LBB2_4-.Ltmp1, $4  }
0x91: {  	[spmem:s1] =	stream.indirect.scatter.add.f32 [tilespmem:s2], [sflag:$0x3], $0x80, s13, s0, $0xb8;
	[tilespmem:$0x1F880] =	vst v63  }
0x92: {  	_ =	swait.ge [sflag:s30], $0x4000  }
0x93: {  	[sflag:s30] =	ssyncset.done $0x0  }
0x94: {  	s12 =	sadd.s32 $0x180, s12;
	[sflag:s30] =	ssyncadd.s32 $0xFFFFC000  }
0x95: {  	[tilespmem:s2], [sflag:$0x2] =	stream.indirect.gather [hbm4b:s4+s0], $0x80, s12, s0, $0xb8;
	[tilespmem:$0x1F880] =	vst v63  }
0x96: {  	_ =	swait.ge [sflag:s6], $0x4000  }
0x97: {  	[sflag:s6] =	ssyncset.done $0x0  }
0x98: {  	[sflag:s6] =	ssyncadd.s32 $0xFFFFC000  }
0x99: {  	[spmem:s1] =	stream.indirect.scatter.add.f32 [tilespmem:s3], [sflag:$0x3], $0x80, s8, s0, $0xb8;
	[tilespmem:$0x1F880] =	vst v63  }
0x9a: {  	_ =	swait.ge [sflag:s30], $0x4000  }
0x9b: {  	[sflag:s30] =	ssyncset.done $0x0  }
0x9c: {  	[sflag:s30] =	ssyncadd.s32 $0xFFFFC000  }
0x9d: {  	_ =	swait.ge [sflag:s7], $0x4000  }
0x9e: {  	[sflag:s7] =	ssyncset.done $0x0  }
0x9f: {  	[sflag:s7] =	ssyncadd.s32 $0xFFFFC000  }
0xa0: {  	[spmem:s1] =	stream.indirect.scatter.add.f32 [tilespmem:s2], [sflag:$0x3], $0x80, s9, s0, $0xb8;
	[tilespmem:$0x1F880] =	vst v63  }
0xa1: {  	_ =	swait.ge [sflag:s30], $0x4000  }
0xa2: {  	[sflag:s30] =	ssyncset.done $0x0  }
0xa3: {  	s11 =	simm.s32 $0x0;
	[sflag:s30] =	ssyncadd.s32 $0xFFFFC000  }
0xa4: {  	[tilespmem:s11], [sflag:$0x3] =	stream.linear.gather [hbm4b:s19+s11], $0x1400, $0x38;
	[tilespmem:$0x1F880] =	vst v63  }
0xa5: {  	_ =	swait.ge [sflag:s30], $0x1400  }
0xa6: {  	[sflag:s30] =	ssyncset.done $0x0  }
0xa7: {  	[sflag:s30] =	ssyncadd.s32 $0xFFFFEC00  }
0xa8: {  	[tilespmem:s31], [sflag:$0x3] =	stream.linear.gather [hbm4b:s20+s11], $0x1400, $0x38;
	[tilespmem:$0x1F880] =	vst v63  }
0xa9: {  	_ =	swait.ge [sflag:s30], $0x1400  }
0xaa: {  	[sflag:s30] =	ssyncset.done $0x0  }
0xab: {  	[sflag:s30] =	ssyncadd.s32 $0xFFFFEC00  }
0xac: {  	[tilespmem:s3], [sflag:$0x1] =	stream.indirect.gather [hbm4b:s4+s0], $0x80, s11, s0, $0xb8;
	[tilespmem:$0x1F880] =	vst v63  }
0xad: {  	_ = 	snop  }
0xae: {  	[tilespmem:s2], [sflag:$0x2] =	stream.indirect.gather [hbm4b:s4+s0], $0x80, s0, s0, $0xb8;
	[tilespmem:$0x1F880] =	vst v63  }
0xaf: {  	_ =	swait.ge [sflag:s6], $0x4000  }
0xb0: {  	[sflag:s6] =	ssyncset.done $0x0  }
0xb1: {  	s12 =	simm.s32 $0x1400;
	[sflag:s6] =	ssyncadd.s32 $0xFFFFC000  }
0xb2: {  	[spmem:s1] =	stream.indirect.scatter.add.f32 [tilespmem:s3], [sflag:$0x3], $0x80, s12, s0, $0xb8;
	[tilespmem:$0x1F880] =	vst v63  }
0xb3: {  	_ =	swait.ge [sflag:s30], $0x4000  }
0xb4: {  	[sflag:s30] =	ssyncset.done $0x0  }
0xb5: {  	s13 =	simm.s32 $0x100;
	[sflag:s30] =	ssyncadd.s32 $0xFFFFC000  }
0xb6: {  	[tilespmem:s3], [sflag:$0x1] =	stream.indirect.gather [hbm4b:s4+s0], $0x80, s13, s0, $0xb8;
	[tilespmem:$0x1F880] =	vst v63  }
0xb7: {  	_ =	swait.ge [sflag:s7], $0x4000  }
0xb8: {  	[sflag:s7] =	ssyncset.done $0x0  }
0xb9: {  	s14 =	simm.s32 $0x1480;
	[sflag:s7] =	ssyncadd.s32 $0xFFFFC000  }
0xba: {  	[spmem:s1] =	stream.indirect.scatter.add.f32 [tilespmem:s2], [sflag:$0x3], $0x80, s14, s0, $0xb8;
	[tilespmem:$0x1F880] =	vst v63  }
0xbb: {  	_ =	swait.ge [sflag:s30], $0x4000  }
0xbc: {  	[sflag:s30] =	ssyncset.done $0x0  }
0xbd: {  	s11 =	simm.s32 $0x400;
	s12 =	simm.s32 $0x180;
	[sflag:s30] =	ssyncadd.s32 $0xFFFFC000  }
.LBB2_6:
0xbe: {  	[tilespmem:s2], [sflag:$0x2] =	stream.indirect.gather [hbm4b:s4+s0], $0x80, s12, s0, $0xb8;
	[tilespmem:$0x1F880] =	vst v63  }
0xbf: {  	s12 =	smov.u32 s11  }
0xc0: {  	p1 =	sne.s32 s11, $0x4800;
	s11 =	sadd.s32 $0x400, s11;
	_ =	swait.ge [sflag:s6], $0x4000  }
0xc1: {  	s12 =	sshra.s32 s12, $0x2;
	[sflag:s6] =	ssyncset.done $0x0  }
0xc2: {  	s13 =	sadd.s32 $0x1400, s12;
	[sflag:s6] =	ssyncadd.s32 $0xFFFFC000  }
0xc3: {  	[spmem:s1] =	stream.indirect.scatter.add.f32 [tilespmem:s3], [sflag:$0x3], $0x80, s13, s0, $0xb8;
	[tilespmem:$0x1F880] =	vst v63  }
0xc4: {  	_ =	swait.ge [sflag:s30], $0x4000  }
0xc5: {  	[sflag:s30] =	ssyncset.done $0x0  }
0xc6: {  	s13 =	sadd.s32 $0x100, s12;
	[sflag:s30] =	ssyncadd.s32 $0xFFFFC000  }
0xc7: {  	[tilespmem:s3], [sflag:$0x1] =	stream.indirect.gather [hbm4b:s4+s0], $0x80, s13, s0, $0xb8;
	[tilespmem:$0x1F880] =	vst v63  }
0xc8: {  	_ =	swait.ge [sflag:s7], $0x4000  }
0xc9: {  	[sflag:s7] =	ssyncset.done $0x0  }
.Ltmp2:
0xca: {  	s13 =	sadd.s32 $0x1480, s12;
	[sflag:s7] =	ssyncadd.s32 $0xFFFFC000;
	(pc) =	sbr.rel @p1 .LBB2_6-.Ltmp2, $4  }
0xcb: {  	[spmem:s1] =	stream.indirect.scatter.add.f32 [tilespmem:s2], [sflag:$0x3], $0x80, s13, s0, $0xb8;
	[tilespmem:$0x1F880] =	vst v63  }
0xcc: {  	_ =	swait.ge [sflag:s30], $0x4000  }
0xcd: {  	[sflag:s30] =	ssyncset.done $0x0  }
0xce: {  	s12 =	sadd.s32 $0x180, s12;
	[sflag:s30] =	ssyncadd.s32 $0xFFFFC000  }
0xcf: {  	[tilespmem:s2], [sflag:$0x2] =	stream.indirect.gather [hbm4b:s4+s0], $0x80, s12, s0, $0xb8;
	[tilespmem:$0x1F880] =	vst v63  }
0xd0: {  	_ =	swait.ge [sflag:s6], $0x4000  }
0xd1: {  	[sflag:s6] =	ssyncset.done $0x0  }
0xd2: {  	[sflag:s6] =	ssyncadd.s32 $0xFFFFC000  }
0xd3: {  	[spmem:s1] =	stream.indirect.scatter.add.f32 [tilespmem:s3], [sflag:$0x3], $0x80, s8, s0, $0xb8;
	[tilespmem:$0x1F880] =	vst v63  }
0xd4: {  	_ =	swait.ge [sflag:s30], $0x4000  }
0xd5: {  	[sflag:s30] =	ssyncset.done $0x0  }
0xd6: {  	[sflag:s30] =	ssyncadd.s32 $0xFFFFC000  }
0xd7: {  	_ =	swait.ge [sflag:s7], $0x4000  }
0xd8: {  	[sflag:s7] =	ssyncset.done $0x0  }
0xd9: {  	[sflag:s7] =	ssyncadd.s32 $0xFFFFC000  }
0xda: {  	[spmem:s1] =	stream.indirect.scatter.add.f32 [tilespmem:s2], [sflag:$0x3], $0x80, s9, s0, $0xb8;
	[tilespmem:$0x1F880] =	vst v63  }
0xdb: {  	_ =	swait.ge [sflag:s30], $0x4000  }
0xdc: {  	s11 =	stileid.u32;
	[sflag:s30] =	ssyncset.done $0x0  }
0xdd: {  	s11 =	sshll.u32 s11, $0x6;
	[sflag:s30] =	ssyncadd.s32 $0xFFFFC000  }
0xde: {  	s14 =	sshrl.u32 s5, $0x3;
	s11 =	sor.u32 $0x1C03, s11;
	[bflag:$0x0] =	sbarrier.arrive $0xFFFF  }
0xdf: {  	[hbm:s22], [sflag:s11] =	dma.local [spmem:s14], $0x2700  }
0xe0: {  	_ =	swait.ge [sflag:s30], $0x2700  }
0xe1: {  	s10 =	sadd.s32 $0x1, s10;
	[sflag:s30] =	ssyncset.done $0x0  }
0xe2: {  	s12 =	sshrl.u32 @!p0 s28, $0x3;
	p1 =	sne.s32 s10, s25;
	[sflag:s30] =	ssyncadd.s32 $0xFFFFD900  }
0xe3: {  	[hbm:s24], [sflag:s11] =	dma.local @!p0 [spmem:s12], $0x100  }
.Ltmp3:
0xe4: {  	_ = 	snop;
	(pc) =	sbr.rel @p1 .LBB2_1-.Ltmp3, $4  }
0xe5: {  	s11 =	simm.s32 @!p0 $0x3  }
0xe6: {  	_ =	swait.ge @!p0 [sflag:s11], $0x100  }
0xe7: {  	[sflag:s11] =	ssyncset.done @!p0 $0x0  }
0xe8: {  	[sflag:s11] =	ssyncadd.s32 @!p0 $0xFFFFFF00  }
0xe9: {  	_ =	sfence.sel $0x180000  }
0xea: {  	[bflag:$0x0] =	sbarrier.arrive $0xFFFF  }
0xeb: {  	_ =	strace $0x9000004D  }
0xec: {  	[bflag:$0x2] =	sbarrier.arrive $0xFFFF  }
0xed: {  	s0 =	rddreg [dreg:$0x4]  }
0xee: {  	s0 =	sadd.s32 @!p0 $0x100000, s0  }
0xef: {  	[sflag:s0] =	ssyncadd.tile.s32 @!p0 $0x1;
	_ =	shalt  }
.Lfunc_end2:
_tile_overlayer_lowered:
.L_overlay_start_2:
0xf0: {  	(tag) =	ssettag $0x2  }
0xf1: {  	s0 =	rddreg [dreg:$0x0];
	s2 =	stileid.u32  }
0xf2: {  	s1 =	rddreg [dreg:$0x1];
	p0 =	sne.s32 s2, $0x0  }
0xf3: {  	s3 =	rddreg [dreg:$0x2];
	[bflag:$0x3] =	sbarrier.arrive $0xFFFF;
	s2 =	simm.s32 @!p0 $0x1C03  }
0xf4: {  	[timem:s3], [sflag:s2] =	dma.local @!p0 [hbm:s0], s1  }
0xf5: {  	s0 =	simm.s32 @!p0 $0x3  }
0xf6: {  	_ =	swait.ge @!p0 [sflag:s0], s1  }
0xf7: {  	s1 =	ssub.s32 @!p0 $0x0, s1;
	[sflag:s0] =	ssyncset.done @!p0 $0x0  }
0xf8: {  	[sflag:s0] =	ssyncadd.s32 @!p0 s1  }
0xf9: {  	[bflag:$0x3] =	sbarrier.arrive $0xFFFF  }
0xfa: {  	_ =	shalt  }

// kernel: kernel.8.cloned.1.call-start
scs
__scs_entry_jumppad:
0x0: {  	(pc) =	sbr.rel $0x88, $3  }
0x1: {  	(tag) =	ssettag $0x0;
	lr =	simm.s32 $0x1  }
0x2: {  	[smem:$0x3F88] =	sst lr;
	_ =	strace $0xD0000000  }
0x3: {  	_ = 	snop  }
0x4: {  	_ = 	snop  }
0x5: {  	_ = 	snop  }
0x6: {  	_ = 	snop  }
0x7: {  	_ = 	snop  }
__scs_overlays_trampoline_lowered:
0x8: {  	[smem:$0x3F97] =	sst s0  }
0x9: {  	[smem:$0x3F98] =	sst s1  }
0xa: {  	[smem:$0x3F99] =	sst s2  }
0xb: {  	[smem:$0x3F9A] =	sst s3  }
0xc: {  	[smem:$0x3F9B] =	sst s4  }
0xd: {  	[smem:$0x3F9C] =	sst s5  }
0xe: {  	[smem:$0x3F9D] =	sst s6  }
0xf: {  	[smem:$0x3F9E] =	sst s7  }
0x10: {  	[smem:$0x3F9F] =	sst s8  }
0x11: {  	[smem:$0x3FA0] =	sst s9;
	s0 =	simm.s32 @!p0 $0x0  }
0x12: {  	s1 =	sld [smem:$0x3F86];
	s0 =	simm.s32 @p0 $0x1  }
0x13: {  	[smem:$0x3FA1] =	sst s0;
	s0 =	simm.s32 @!p1 $0x0  }
0x14: {  	s2 =	sld [smem:$0x3F85];
	s0 =	simm.s32 @p1 $0x1  }
0x15: {  	[smem:$0x3FA2] =	sst s0;
	s0 =	simm.s32 @!p2 $0x0  }
0x16: {  	s3 =	sld [smem:$0x3FDB];
	s0 =	simm.s32 @p2 $0x1  }
0x17: {  	s4 =	simm.s32 $0x1BF5;
	[smem:$0x3FA4] =	sst s0  }
0x18: {  	s0 =	sld [smem:$0x3F87];
	_ =	swait.ge [sflag:s4], $0x0  }
0x19: {  	s7 =	sld [smem:$0x3F88]  }
0x1a: {  	s8 =	sadd.s32 $0xFFFFE003, lr  }
0x1b: {  	s9 =	sadd.s32 $0xFFFFFEF7, lr;
	s5 =	simm.s32 $0xFFFFFFFF;
	p2 =	slt.u32 s8, $0xFFFFF086  }
0x1c: {  	p1 =	slt.u32 s9, $0xF7A;
	s5 =	simm.s32 @!p2 $0x0  }
0x1d: {  	s5 =	simm.s32 @p1 $0x1;
	p0 =	seq.s32 s7, s2  }
0x1e: {  	s7 =	smul.u32 @!p0 $0xF7A, s2;
	p2 =	seq.s32 @!p0 s5, $0x0  }
0x1f: {  	s9 =	smul.u32 $0xF7A, s1;
	s8 =	simm.s32 @!p0 $0x1BF5;
	p2 =	por !p2, p0  }
0x20: {  	[sflag:s8] =	ssyncset.s32 @!p0 $0xFFFFF086;
	s6 =	sadd.s32 @!p0 s3, s7;
	s7 =	simm.s32 @!p0 $0x108  }
0x21: {  	s3 =	sadd.s32 s3, s9;
	s6 =	sadd.s32 @!p0 $0x88, s6;
	s7 =	simm.s32 @p2 $0x1082  }
0x22: {  	[simem:s7], [sflag:s8] =	dma.local @!p0 [hbm:s6], $0xF7A  }
0x23: {  	s9 =	sor.u32 $0xD0000000, s2;
	s6 =	simm.s32 $0x108;
	_ =	swait.ge @!p0 [sflag:s8], $0x0  }
0x24: {  	s3 =	sadd.s32 $0x88, s3;
	s6 =	simm.s32 @!p1 $0x1082;
	[sflag:s4] =	ssyncset.s32 $0xFFFFF086  }
0x25: {  	[simem:s6], [sflag:s4] =	dma.local [hbm:s3], $0xF7A  }
0x26: {  	[smem:$0x3F88] =	sst s1;
	(tag) =	ssettag s2;
	_ =	strace s9  }
0x27: {  	s1 =	sld [smem:$0x3F98]  }
0x28: {  	s2 =	sld [smem:$0x3F99]  }
0x29: {  	s4 =	sld [smem:$0x3F9B]  }
0x2a: {  	p0 =	seq.s32 s5, $0x0;
	s5 =	sld [smem:$0x3F9C]  }
0x2b: {  	s6 =	sld [smem:$0x3F9D]  }
0x2c: {  	s7 =	sld [smem:$0x3F9E]  }
0x2d: {  	s3 =	simm.s32 $0x108;
	s8 =	sld [smem:$0x3F9F]  }
0x2e: {  	s3 =	simm.s32 @!p0 $0x1082;
	s9 =	sld [smem:$0x3FA0]  }
0x2f: {  	lr =	sadd.s32 s0, s3;
	s0 =	sld [smem:$0x3F97]  }
0x30: {  	s3 =	sld [smem:$0x3F9A]  }
0x31: {  	[smem:$0x3FA3] =	sst s10  }
0x32: {  	s10 =	sld [smem:$0x3FA1];
	_ =	sdelay $0x3  }
0x33: {  	p0 =	seq.s32 s10, $0x1;
	s10 =	sld [smem:$0x3FA3];
	_ =	sdelay $0x3  }
0x34: {  	[smem:$0x3FA3] =	sst s10  }
0x35: {  	s10 =	sld [smem:$0x3FA2];
	_ =	sdelay $0x3  }
0x36: {  	p1 =	seq.s32 s10, $0x1;
	s10 =	sld [smem:$0x3FA3];
	_ =	sdelay $0x3  }
0x37: {  	[smem:$0x3FA3] =	sst s10  }
0x38: {  	s10 =	sld [smem:$0x3FA4]  }
0x39: {  	_ = 	snop;
	(pc) =	sbr.ind lr, $3  }
0x3a: {  	_ = 	snop  }
0x3b: {  	_ = 	snop  }
0x3c: {  	p2 =	seq.s32 s10, $0x1;
	s10 =	sld [smem:$0x3FA3]  }
0x3d: {  	_ =	shalt  }
0x3e: {  	_ =	shalt  }
0x3f: {  	_ =	shalt  }
0x40: {  	_ =	shalt  }
0x41: {  	_ =	shalt  }
0x42: {  	_ =	shalt  }
0x43: {  	_ =	shalt  }
0x44: {  	_ =	shalt  }
0x45: {  	_ =	shalt  }
0x46: {  	_ =	shalt  }
0x47: {  	_ =	shalt  }
0x48: {  	_ =	shalt  }
0x49: {  	_ =	shalt  }
0x4a: {  	_ =	shalt  }
0x4b: {  	_ =	shalt  }
0x4c: {  	_ =	shalt  }
0x4d: {  	_ =	shalt  }
0x4e: {  	_ =	shalt  }
0x4f: {  	_ =	shalt  }
0x50: {  	_ =	shalt  }
0x51: {  	_ =	shalt  }
0x52: {  	_ =	shalt  }
0x53: {  	_ =	shalt  }
0x54: {  	_ =	shalt  }
0x55: {  	_ =	shalt  }
0x56: {  	_ =	shalt  }
0x57: {  	_ =	shalt  }
0x58: {  	_ =	shalt  }
0x59: {  	_ =	shalt  }
0x5a: {  	_ =	shalt  }
0x5b: {  	_ =	shalt  }
0x5c: {  	_ =	shalt  }
0x5d: {  	_ =	shalt  }
0x5e: {  	_ =	shalt  }
0x5f: {  	_ =	shalt  }
0x60: {  	_ =	shalt  }
0x61: {  	_ =	shalt  }
0x62: {  	_ =	shalt  }
0x63: {  	_ =	shalt  }
0x64: {  	_ =	shalt  }
0x65: {  	_ =	shalt  }
0x66: {  	_ =	shalt  }
0x67: {  	_ =	shalt  }
0x68: {  	_ =	shalt  }
0x69: {  	_ =	shalt  }
0x6a: {  	_ =	shalt  }
0x6b: {  	_ =	shalt  }
0x6c: {  	_ =	shalt  }
0x6d: {  	_ =	shalt  }
0x6e: {  	_ =	shalt  }
0x6f: {  	_ =	shalt  }
0x70: {  	_ =	shalt  }
0x71: {  	_ =	shalt  }
0x72: {  	_ =	shalt  }
0x73: {  	_ =	shalt  }
0x74: {  	_ =	shalt  }
0x75: {  	_ =	shalt  }
0x76: {  	_ =	shalt  }
0x77: {  	_ =	shalt  }
0x78: {  	_ =	shalt  }
0x79: {  	_ =	shalt  }
0x7a: {  	_ =	shalt  }
0x7b: {  	_ =	shalt  }
0x7c: {  	_ =	shalt  }
0x7d: {  	_ =	shalt  }
0x7e: {  	_ =	shalt  }
0x7f: {  	_ =	shalt  }
0x80: {  	_ =	shalt  }
0x81: {  	_ =	shalt  }
0x82: {  	_ =	shalt  }
0x83: {  	_ =	shalt  }
0x84: {  	_ =	shalt  }
0x85: {  	_ =	shalt  }
0x86: {  	_ =	shalt  }
0x87: {  	_ =	shalt  }
.Lfunc_end0:
.L_simem_size_0:
called_computation_lowered:
.L_overlay_start_0:
0x88: {  	s2 =	sld [smem:$0x3FD9]  }
0x89: {  	s3 =	sld [smem:$0x3FFE];
	_ =	sdelay $0x1  }
0x8a: {  	s1 =	srdreg.scid  }
0x8b: {  	s0 =	sand.u32 $0x1, s1  }
0x8c: {  	s17 =	sshll.u32 s0, $0xA;
	s2 =	sadd.s32 s3, s2  }
0x8d: {  	s2 =	sadd.s32 s2, s17  }
0x8e: {  	[smem:$0x3FAF] =	sst s2  }
0x8f: {  	_ = 	snop  }
0x90: {  	(tm) =	ssettm $0x1  }
0x91: {  	s18 =	sld [smem:$0x3FFB];
	_ =	sdelay $0x3  }
0x92: {  	_ =	strace s18  }
0x93: {  	s2 =	sld [smem:$0x3FFC];
	_ =	sdelay $0x3  }
0x94: {  	_ =	strace s2  }
0x95: {  	s2 =	sld [smem:$0x3FFD];
	_ =	sdelay $0x3  }
0x96: {  	_ =	strace s2  }
0x97: {  	_ =	strace $0x8FFFFFFF  }
0x98: {  	s19 =	sld [smem:$0x3FDB];
	_ =	sdelay $0x1  }
0x99: {  	s20 =	simm.s32 $_scs_section_size  }
0x9a: {  	s4 =	simm.s32 $_size__tile_overlayer_lowered;
	s5 =	simm.s32 $_tile_overlayer_lowered  }
0x9b: {  	s6 =	simm.s32 $0x1BFF;
	s21 =	sshll.u32 s5, $0x1;
	s3 =	sadd.s32 s20, s19  }
0x9c: {  	s22 =	simm.s32 $0x0;
	s4 =	sshll.u32 s4, $0x1;
	s5 =	sadd.s32 s21, s3  }
0x9d: {  	[timem:s22], [sflag:s6] =	dma.local [hbm:s5], s4  }
0x9e: {  	_ =	swait.ge [sflag:s6], s4  }
0x9f: {  	s4 =	ssub.s32 $0x0, s4;
	[sflag:s6] =	ssyncset.done $0x0  }
0xa0: {  	[sflag:s6] =	ssyncadd.s32 s4;
	_ =	sdelay $0x1  }
0xa1: {  	s23 =	simm.s32 $0x1B8B  }
0xa2: {  	_ =	swait.ge [sflag:s23], $0x1  }
0xa3: {  	[sflag:s23] =	ssyncset.done $0x0  }
0xa4: {  	[sflag:s23] =	ssyncadd.s32 $0xFFFFFFFF  }
0xa5: {  	s4 =	sld [smem:$0x0]  }
0xa6: {  	s5 =	sand.u32 $0xFFFFFFFE, s1  }
0xa7: {  	p0 =	sne.s32 s1, s5  }
0xa8: {  	s5 =	sshll.u32 @p0 s5, $0xE  }
0xa9: {  	s5 =	sadd.s32 @p0 $0x11B8D, s5;
	s6 =	sshll.u32 @p0 s4, $0x11  }
0xaa: {  	s5 =	sor.u32 @p0 s6, s5  }
0xab: {  	[sflag:s5] =	ssyncadd.remote.s32 @p0 $0x1;
	_ =	sdelay $0x1  }
0xac: {  	s5 =	simm.s32 @p0 $0x1B8D  }
0xad: {  	_ =	swait.eq @p0 [sflag:s5], $0x1  }
0xae: {  	[sflag:s5] =	ssyncadd.s32 @p0 $0xFFFFFFFF  }
0xaf: {  	s6 =	sshll.u32 @!p0 s1, $0xE  }
0xb0: {  	s6 =	sor.u32 @!p0 $0x4000, s6;
	s5 =	simm.s32 @!p0 $0x1B8D  }
0xb1: {  	s4 =	sshll.u32 @!p0 s4, $0x11;
	s6 =	sadd.s32 @!p0 $0x11B8D, s6;
	_ =	swait.eq @!p0 [sflag:s5], $0x1  }
0xb2: {  	s4 =	sor.u32 @!p0 s4, s6;
	[sflag:s5] =	ssyncadd.s32 @!p0 $0xFFFFFFFF  }
0xb3: {  	s25 =	simm.s32 $0x1B8E;
	s24 =	sld [smem:$0x3FFE];
	[sflag:s4] =	ssyncadd.remote.s32 @!p0 $0x1  }
0xb4: {  	s26 =	simm.s32 $execute0_lowered;
	[smem:$0x3FD2] =	sst s25  }
0xb5: {  	s5 =	sshll.u32 s26, $0x1;
	_ =	strace $0x80000049;
	[dreg:$0x1] =	wrdreg $0xFFFFFFFF  }
0xb6: {  	s28 =	simm.s32 $_size_execute0_lowered;
	s3 =	sadd.s32 s3, s5;
	[dreg:$0x0] =	wrdreg $0x0  }
0xb7: {  	s5 =	sshll.u32 s28, $0x1;
	[dreg:$0x2] =	wrdreg s3  }
0xb8: {  	[dreg:$0x3] =	wrdreg s5  }
0xb9: {  	[dreg:$0x4] =	wrdreg $0xC0  }
0xba: {  	_ =	task [dreg:s22], $0x5FFFF  }
0xbb: {  	[dreg:$0x1] =	wrdreg $0xFFFFFFFF  }
0xbc: {  	[dreg:$0x0] =	wrdreg $0x60  }
0xbd: {  	[dreg:$0x2] =	wrdreg s24  }
0xbe: {  	[dreg:$0x3] =	wrdreg $0x80000  }
0xbf: {  	[dreg:$0x4] =	wrdreg $0x9  }
0xc0: {  	_ =	task.clear_ibuf [dreg:s22], $0x5FFFF;
	_ =	strace $0x90000049  }
0xc1: {  	s29 =	simm.s32 $0x9;
	_ =	strace $0x8000004B  }
0xc2: {  	_ =	swait.ge [sflag:s29], $0x1  }
0xc3: {  	[sflag:s29] =	ssyncadd.s32 $0xFFFFFFFF  }
0xc4: {  	_ =	strace $0x9000004B  }
0xc5: {  	_ =	sfence  }
0xc6: {  	s30 =	sld [smem:$0x0];
	_ =	sdelay $0x2  }
0xc7: {  	s31 =	sshll.u32 s1, $0xD;
	s1 =	sshrl.u32 s1, $0x2  }
0xc8: {  	s4 =	sand.u32 $0x4000, s31;
	s1 =	sadd.s32 s1, s30  }
0xc9: {  	s0 =	sor.u32 s4, s0;
	s1 =	sshll.u32 s1, $0x11  }
0xca: {  	s0 =	sor.u32 s1, s0  }
0xcb: {  	s0 =	sadd.s32 $0x8F2B, s0  }
0xcc: {  	[sflag:s0] =	ssyncadd.remote.s32 $0x1  }
0xcd: {  	_ =	sfence.sel $0xFFFF  }
0xce: {  	[dreg:$0x0] =	wrdreg $0xFFFFFFFF;
	(pc) =	sbr.abs _section_cstart, $3  }
0xcf: {  	[dreg:$0x1] =	wrdreg $0xFFFFFFFF  }
0xd0: {  	_ =	task.clear_ibuf [dreg:s22], $0x2FFFF;
	_ =	strace $0x9FFFFFFF  }
0xd1: {  	(tm) =	ssettm $0x7FFFFFFF  }
tec
execute0_lowered:
.L_overlay_start_1:
0x0: {  	(tag) =	ssettag $0x1  }
0x1: {  	s5 =	rddreg [dreg:$0x0]  }
0x2: {  	s1 =	rddreg [dreg:$0x1];
	s3 =	srdreg.scid  }
0x3: {  	s2 =	stileid.u32;
	s0 =	rddreg [dreg:$0x2];
	s23 =	simm.s32 $0x1  }
0x4: {  	s24 =	simm.s32 $0x80;
	s25 =	simm.s32 $0x2800;
	s11 =	sand.u32 $0x1, s3  }
0x5: {  	s4 =	sshll.u32 s2, $0x1;
	s3 =	simm.s32 $0x0;
	s6 =	smul.u32 $0x4E000, s2  }
0x6: {  	s19 =	sadd.s32 $0xAA200, s5;
	s20 =	smul.u32 $0x13800, s2;
	p0 =	sne.s32 s2, $0x0  }
0x7: {  	s4 =	sor.u32 s11, s4;
	s7 =	ssub.s32 $0x2, s11;
	s17 =	smul.u32 $0x138800, s11  }
0x8: {  	[smem:$0x7FF] =	sst s3;
	s4 =	smul.u32 $0x500, s4;
	s8 =	sshrl.u32 s7, $0x1  }
0x9: {  	_ =	strace $0x8000004A;
	s6 =	sshrl.u32 s6, $0x2;
	s21 =	ssub.s32 s7, s8  }
0xa: {  	s20 =	sadd.s32 s20, s17;
	s22 =	sshrl.u32 s17, $0x3;
	s17 =	sadd.s32 $0x138000, s1  }
0xb: {  	s18 =	sadd.s32 s4, s5;
	s4 =	sadd.s32 s6, s1;
	s20 =	sshrl.u32 s20, $0x3  }
0xc: {  	s22 =	sadd.s32 s19, s22;
	s21 =	smax.u32 s21, $0x1;
	s5 =	sadd.s32 $0x1800, s4  }
0xd: {  	s6 =	sadd.s32 $0x3000, s4;
	s7 =	sadd.s32 $0x4800, s4;
	s8 =	sadd.s32 $0x6000, s4  }
0xe: {  	s9 =	sadd.s32 $0x7800, s4;
	s10 =	sadd.s32 $0x9000, s4;
	s11 =	sadd.s32 $0xA800, s4  }
0xf: {  	s12 =	sadd.s32 $0xC000, s4;
	s13 =	sadd.s32 $0xD800, s4;
	s14 =	sadd.s32 $0xF000, s4  }
0x10: {  	s15 =	sadd.s32 $0x10800, s4;
	s16 =	sadd.s32 $0x12000, s4;
	s18 =	sadd.s32 $0xA0200, s18  }
0x11: {  	v0 =	vimm.f32 $0.0e+00;
	v1 =	vimm.f32 $1.000000000e+00;
	s19 =	sadd.s32 s19, s20;
	s20 =	sadd.s32 $0x27000, s22;
	s22 =	simm.s32 $0x6800  }
.LBB2_1:
0x12: {  	s26 =	simm.s32 $0x0;
	s28 =	simm.s32 $0x0  }
.LBB2_2:
0x13: {  	p1 =	sne.s32 s28, $0x5FC0  }
.Ltmp0:
0x14: {  	_ = 	snop;
	(pc) =	sbr.rel @p1 .LBB2_2-.Ltmp0, $4  }
0x15: {  	s29 =	sand.u32 $0x7E00, s28  }
0x16: {  	s30 =	sand.u32 $0x70, s26;
	s29 =	sshrl.u32 s29, $0x2  }
0x17: {  	s29 =	sor.u32 s30, s29  }
0x18: {  	s26 =	sadd.s32 $0x10, s26;
	s28 =	sadd.s32 $0x40, s28;
	[tilespmem:s29+$0x6800] =	vst v0  }
0x19: {  	s26 =	simm.s32 $0x0  }
0x1a: {  	s28 =	sand.u32 $0xFE00, s26  }
0x1b: {  	s29 =	sand.u32 $0x70, s26;
	s30 =	sshrl.u32 s28, $0x2  }
0x1c: {  	s28 =	simm.s32 $0x40;
	s29 =	sor.u32 s29, s30  }
.LBB2_4:
0x1d: {  	p1 =	sne.s32 s28, $0xFFC0  }
0x1e: {  	[tilespmem:s29+$0x2800] =	vst v1;
	s26 =	sadd.s32 $0x10, s26;
	s29 =	smov.u32 s28;
	s28 =	sadd.s32 $0x40, s28  }
.Ltmp1:
0x1f: {  	(pc) =	sbr.rel @p1 .LBB2_4-.Ltmp1, $4  }
0x20: {  	_ = 	snop  }
0x21: {  	s29 =	sand.u32 $0xFE00, s29  }
0x22: {  	s30 =	sand.u32 $0x70, s26;
	s29 =	sshrl.u32 s29, $0x2  }
0x23: {  	s29 =	sor.u32 s30, s29  }
0x24: {  	[tilespmem:s29+$0x2800] =	vst v1  }
0x25: {  	[spmem:s4] =	stream.linear.scatter [tilespmem:s22], [sflag:$0x1], $0x1800, $0x38;
	[tilespmem:$0x1B900] =	vst v63  }
0x26: {  	_ =	swait.ge [sflag:s23], $0x1800  }
0x27: {  	[sflag:s23] =	ssyncset.done $0x0  }
0x28: {  	[sflag:s23] =	ssyncadd.s32 $0xFFFFE800  }
0x29: {  	[spmem:s5] =	stream.linear.scatter [tilespmem:s22], [sflag:$0x1], $0x1800, $0x38;
	[tilespmem:$0x1B900] =	vst v63  }
0x2a: {  	_ =	swait.ge [sflag:s23], $0x1800  }
0x2b: {  	[sflag:s23] =	ssyncset.done $0x0  }
0x2c: {  	[sflag:s23] =	ssyncadd.s32 $0xFFFFE800  }
0x2d: {  	[spmem:s6] =	stream.linear.scatter [tilespmem:s22], [sflag:$0x1], $0x1800, $0x38;
	[tilespmem:$0x1B900] =	vst v63  }
0x2e: {  	_ =	swait.ge [sflag:s23], $0x1800  }
0x2f: {  	[sflag:s23] =	ssyncset.done $0x0  }
0x30: {  	[sflag:s23] =	ssyncadd.s32 $0xFFFFE800  }
0x31: {  	[spmem:s7] =	stream.linear.scatter [tilespmem:s22], [sflag:$0x1], $0x1800, $0x38;
	[tilespmem:$0x1B900] =	vst v63  }
0x32: {  	_ =	swait.ge [sflag:s23], $0x1800  }
0x33: {  	[sflag:s23] =	ssyncset.done $0x0  }
0x34: {  	[sflag:s23] =	ssyncadd.s32 $0xFFFFE800  }
0x35: {  	[spmem:s8] =	stream.linear.scatter [tilespmem:s22], [sflag:$0x1], $0x1800, $0x38;
	[tilespmem:$0x1B900] =	vst v63  }
0x36: {  	_ =	swait.ge [sflag:s23], $0x1800  }
0x37: {  	[sflag:s23] =	ssyncset.done $0x0  }
0x38: {  	[sflag:s23] =	ssyncadd.s32 $0xFFFFE800  }
0x39: {  	[spmem:s9] =	stream.linear.scatter [tilespmem:s22], [sflag:$0x1], $0x1800, $0x38;
	[tilespmem:$0x1B900] =	vst v63  }
0x3a: {  	_ =	swait.ge [sflag:s23], $0x1800  }
0x3b: {  	[sflag:s23] =	ssyncset.done $0x0  }
0x3c: {  	[sflag:s23] =	ssyncadd.s32 $0xFFFFE800  }
0x3d: {  	[spmem:s10] =	stream.linear.scatter [tilespmem:s22], [sflag:$0x1], $0x1800, $0x38;
	[tilespmem:$0x1B900] =	vst v63  }
0x3e: {  	_ =	swait.ge [sflag:s23], $0x1800  }
0x3f: {  	[sflag:s23] =	ssyncset.done $0x0  }
0x40: {  	[sflag:s23] =	ssyncadd.s32 $0xFFFFE800  }
0x41: {  	[spmem:s11] =	stream.linear.scatter [tilespmem:s22], [sflag:$0x1], $0x1800, $0x38;
	[tilespmem:$0x1B900] =	vst v63  }
0x42: {  	_ =	swait.ge [sflag:s23], $0x1800  }
0x43: {  	[sflag:s23] =	ssyncset.done $0x0  }
0x44: {  	[sflag:s23] =	ssyncadd.s32 $0xFFFFE800  }
0x45: {  	[spmem:s12] =	stream.linear.scatter [tilespmem:s22], [sflag:$0x1], $0x1800, $0x38;
	[tilespmem:$0x1B900] =	vst v63  }
0x46: {  	_ =	swait.ge [sflag:s23], $0x1800  }
0x47: {  	[sflag:s23] =	ssyncset.done $0x0  }
0x48: {  	[sflag:s23] =	ssyncadd.s32 $0xFFFFE800  }
0x49: {  	[spmem:s13] =	stream.linear.scatter [tilespmem:s22], [sflag:$0x1], $0x1800, $0x38;
	[tilespmem:$0x1B900] =	vst v63  }
0x4a: {  	_ =	swait.ge [sflag:s23], $0x1800  }
0x4b: {  	[sflag:s23] =	ssyncset.done $0x0  }
0x4c: {  	[sflag:s23] =	ssyncadd.s32 $0xFFFFE800  }
0x4d: {  	[spmem:s14] =	stream.linear.scatter [tilespmem:s22], [sflag:$0x1], $0x1800, $0x38;
	[tilespmem:$0x1B900] =	vst v63  }
0x4e: {  	_ =	swait.ge [sflag:s23], $0x1800  }
0x4f: {  	[sflag:s23] =	ssyncset.done $0x0  }
0x50: {  	[sflag:s23] =	ssyncadd.s32 $0xFFFFE800  }
0x51: {  	[spmem:s15] =	stream.linear.scatter [tilespmem:s22], [sflag:$0x1], $0x1800, $0x38;
	[tilespmem:$0x1B900] =	vst v63  }
0x52: {  	_ =	swait.ge [sflag:s23], $0x1800  }
0x53: {  	[sflag:s23] =	ssyncset.done $0x0  }
0x54: {  	[sflag:s23] =	ssyncadd.s32 $0xFFFFE800  }
0x55: {  	[spmem:s16] =	stream.linear.scatter [tilespmem:s22], [sflag:$0x1], $0x1800, $0x38;
	[tilespmem:$0x1B900] =	vst v63  }
0x56: {  	_ =	swait.ge [sflag:s23], $0x1800  }
0x57: {  	[sflag:s23] =	ssyncset.done $0x0  }
0x58: {  	s26 =	simm.s32 @!p0 $0x6800;
	[sflag:s23] =	ssyncadd.s32 $0xFFFFE800  }
0x59: {  	[spmem:s17] =	stream.linear.scatter @!p0 [tilespmem:s26], [sflag:$0x1], $0x1000, $0x38;
	[tilespmem:$0x1B900] =	vst v63  }
0x5a: {  	s26 =	simm.s32 @!p0 $0x1  }
0x5b: {  	_ =	swait.ge @!p0 [sflag:s26], $0x1000  }
0x5c: {  	[sflag:s26] =	ssyncset.done @!p0 $0x0  }
0x5d: {  	s30 =	simm.s32 $0x0;
	[sflag:s26] =	ssyncadd.s32 @!p0 $0xFFFFF000  }
0x5e: {  	[tilespmem:s30], [sflag:$0x1] =	stream.linear.gather [hbm4b:s18+s30], $0x2780, $0x38;
	[tilespmem:$0x1B900] =	vst v63  }
0x5f: {  	_ =	swait.ge [sflag:s23], $0x2780  }
0x60: {  	[sflag:s23] =	ssyncset.done $0x0  }
0x61: {  	[sflag:s23] =	ssyncadd.s32 $0xFFFFD880  }
0x62: {  	s31 =	simm.s32 $0x0;
	[bflag:$0x0] =	sbarrier.arrive $0xFFFF  }
0x63: {  	[spmem:s1] =	stream.indirect.scatter.add.f32 [tilespmem:s25], [sflag:$0x1], $0x80, s31, s24, $0xb8;
	[tilespmem:$0x1B900] =	vst v63  }
0x64: {  	_ =	swait.ge [sflag:s23], $0x4000  }
0x65: {  	s26 =	simm.s32 $0x200;
	[sflag:s23] =	ssyncset.done $0x0  }
.LBB2_6:
0x66: {  	s28 =	sshra.s32 s26, $0x2;
	[sflag:s23] =	ssyncadd.s32 $0xFFFFC000;
	p1 =	sne.s32 s26, $0x9C00  }
0x67: {  	[spmem:s1] =	stream.indirect.scatter.add.f32 [tilespmem:s25], [sflag:$0x1], $0x80, s28, s24, $0xb8;
	[tilespmem:$0x1B900] =	vst v63  }
.Ltmp2:
0x68: {  	_ = 	snop;
	(pc) =	sbr.rel @p1 .LBB2_6-.Ltmp2, $4  }
0x69: {  	_ = 	snop  }
0x6a: {  	s26 =	sadd.s32 $0x200, s26  }
0x6b: {  	_ =	swait.ge [sflag:s23], $0x4000  }
0x6c: {  	[sflag:s23] =	ssyncset.done $0x0  }
0x6d: {  	[sflag:s23] =	ssyncadd.s32 $0xFFFFC000;
	s26 =	sshll.u32 s2, $0x6  }
0x6e: {  	s28 =	sshrl.u32 s4, $0x3;
	[bflag:$0x0] =	sbarrier.arrive $0xFFFF;
	s26 =	sor.u32 $0x1C01, s26  }
0x6f: {  	[hbm:s19], [sflag:s26] =	dma.local [spmem:s28], $0x2700  }
0x70: {  	_ =	swait.ge [sflag:s23], $0x2700  }
0x71: {  	s3 =	sadd.s32 $0x1, s3;
	[sflag:s23] =	ssyncset.done $0x0  }
0x72: {  	p1 =	sne.s32 s3, s21;
	s28 =	sshrl.u32 @!p0 s17, $0x3;
	[sflag:s23] =	ssyncadd.s32 $0xFFFFD900  }
0x73: {  	[hbm:s20], [sflag:s26] =	dma.local @!p0 [spmem:s28], $0x100  }
.Ltmp3:
0x74: {  	_ = 	snop;
	(pc) =	sbr.rel @p1 .LBB2_1-.Ltmp3, $4  }
0x75: {  	s26 =	simm.s32 @!p0 $0x1  }
0x76: {  	_ =	swait.ge @!p0 [sflag:s26], $0x100  }
0x77: {  	[sflag:s26] =	ssyncset.done @!p0 $0x0  }
0x78: {  	[sflag:s26] =	ssyncadd.s32 @!p0 $0xFFFFFF00  }
0x79: {  	_ =	sfence.sel $0x180000  }
0x7a: {  	[bflag:$0x0] =	sbarrier.arrive $0xFFFF  }
0x7b: {  	_ =	strace $0x9000004A  }
0x7c: {  	s0 =	sadd.s32 @!p0 $0x100000, s0;
	[bflag:$0x2] =	sbarrier.arrive $0xFFFF  }
0x7d: {  	[sflag:s0] =	ssyncadd.tile.s32 @!p0 $0x1;
	_ =	shalt  }
.Lfunc_end2:
_tile_overlayer_lowered:
.L_overlay_start_2:
0x7e: {  	(tag) =	ssettag $0x2  }
0x7f: {  	s0 =	rddreg [dreg:$0x0];
	s2 =	stileid.u32  }
0x80: {  	s1 =	rddreg [dreg:$0x1];
	p0 =	sne.s32 s2, $0x0  }
0x81: {  	s3 =	rddreg [dreg:$0x2];
	[bflag:$0x3] =	sbarrier.arrive $0xFFFF;
	s2 =	simm.s32 @!p0 $0x1C01  }
0x82: {  	[timem:s3], [sflag:s2] =	dma.local @!p0 [hbm:s0], s1  }
0x83: {  	s0 =	simm.s32 @!p0 $0x1  }
0x84: {  	_ =	swait.ge @!p0 [sflag:s0], s1  }
0x85: {  	s1 =	ssub.s32 @!p0 $0x0, s1;
	[sflag:s0] =	ssyncset.done @!p0 $0x0  }
0x86: {  	[sflag:s0] =	ssyncadd.s32 @!p0 s1  }
0x87: {  	[bflag:$0x3] =	sbarrier.arrive $0xFFFF  }
0x88: {  	_ =	shalt  }

</sc_bundles>
